<compile_context>
chip_gen: v7x
topology: tpu7x:2x2x1
jax: 0.10.2.dev20260603
libtpu: 0.0.44.dev20260713+nightly
codegen_flags: <defaults>
</compile_context>

<pallas_src>
import functools

import jax
import jax.numpy as jnp
from jax import lax
from jax.experimental import pallas as pl
from jax.experimental.pallas import tpu as pltpu
from jax.experimental.pallas import tpu_sc as plsc

_P = 256
_QB = 3840
_BIG = 1e9
_NSUB = 32
_SLICE = 4800
_TBL = 512


def _chamx_body(bc_ref, t_ref, out_ref):
    q = t_ref.shape[2]
    nk = q // 128
    total = jnp.float32(0.0)
    for h in range(2):
        bch = bc_ref[0][h * 128:(h + 1) * 128, :]
        rm = None
        for k in range(nk):
            tj = t_ref[0, :, k * 128:(k + 1) * 128]
            tx = jnp.where(tj >= 0.001, tj, _BIG)
            dk = (bch - tx) ** 2
            rm = dk if rm is None else jnp.minimum(rm, dk)
        total = total + jnp.sum(jnp.min(rm, axis=1))
    out_ref[0] = jnp.full((1, 128), total / _P, jnp.float32)


def _chamx_tc(bc3, t3, n, q):
    return pl.pallas_call(
        _chamx_body,
        grid=(n,),
        in_specs=[
            pl.BlockSpec((1, _P, 1), lambda i: (i, 0, 0)),
            pl.BlockSpec((1, 1, q), lambda i: (i, 0, 0)),
        ],
        out_specs=pl.BlockSpec((1, 1, 128), lambda i: (i, 0, 0)),
        out_shape=jax.ShapeDtypeStruct((n, 1, 128), jnp.float32),
    )(bc3, t3)


def _chamy_sc_body(t_hbm, cpad_hbm, out_hbm, t_v, c_v, av):
    w = lax.axis_index("s") * 2 + lax.axis_index("c")
    b = w // 4
    pltpu.sync_copy(t_hbm.at[pl.ds(w * _SLICE, _SLICE)], t_v)
    pltpu.sync_copy(cpad_hbm.at[pl.ds(b * _TBL, _TBL)], c_v)

    zero = jnp.zeros((16,), jnp.float32)
    unroll = 4

    def bcast(idx):
        return plsc.load_gather(c_v, [jnp.full((16,), idx, jnp.int32)])

    v256 = bcast(256)
    v128, v384 = bcast(128), bcast(384)
    v64, v192, v320, v448 = bcast(64), bcast(192), bcast(320), bcast(448)
    lvl4 = [bcast(32 + 64 * k) for k in range(8)]

    def body(i, carry):
        accs, cnts = carry
        new_accs, new_cnts = [], []
        for u in range(unroll):
            t = t_v[pl.ds((i * unroll + u) * 16, 16)]
            m1 = v256 <= t
            pv = jnp.where(m1, v256, jnp.float32(-_BIG))
            sv = jnp.where(m1, jnp.float32(_BIG), v256)
            g = jnp.where(m1, v384, v128)
            m2 = g <= t
            pv, sv = jnp.where(m2, g, pv), jnp.where(m2, sv, g)
            g = jnp.where(m1, jnp.where(m2, v448, v320),
                          jnp.where(m2, v192, v64))
            m3 = g <= t
            pv, sv = jnp.where(m3, g, pv), jnp.where(m3, sv, g)
            g = jnp.where(
                m1,
                jnp.where(m2, jnp.where(m3, lvl4[7], lvl4[6]),
                          jnp.where(m3, lvl4[5], lvl4[4])),
                jnp.where(m2, jnp.where(m3, lvl4[3], lvl4[2]),
                          jnp.where(m3, lvl4[1], lvl4[0])),
            )
            m4 = g <= t
            pv, sv = jnp.where(m4, g, pv), jnp.where(m4, sv, g)
            lo = (jnp.where(m1, 256, 0) + jnp.where(m2, 128, 0)
                  + jnp.where(m3, 64, 0) + jnp.where(m4, 32, 0))
            for step in (16, 8, 4, 2, 1):
                cand = lo + step
                g = plsc.load_gather(c_v, [cand])
                m = g <= t
                lo = jnp.where(m, cand, lo)
                pv, sv = jnp.where(m, g, pv), jnp.where(m, sv, g)
            dd = jnp.minimum(t - pv, sv - t)
            mask = t >= 0.001
            new_accs.append(accs[u] + jnp.where(mask, dd * dd, 0.0))
            new_cnts.append(cnts[u] + jnp.where(mask, 1.0, 0.0))
        return tuple(new_accs), tuple(new_cnts)

    n_iter = _SLICE // (16 * unroll)
    accs, cnts = lax.fori_loop(
        0, n_iter, body, ((zero,) * unroll, (zero,) * unroll)
    )
    acc, cnt = zero, zero
    for u in range(unroll):
        acc = acc + accs[u]
        cnt = cnt + cnts[u]
    av[pl.ds(0, 16)] = acc
    av[pl.ds(16, 16)] = cnt
    pltpu.sync_copy(av, out_hbm.at[pl.ds(w * 32, 32)])


def _chamy_sc(t_flat, cpad_flat):
    mesh = plsc.VectorSubcoreMesh(core_axis_name="c", subcore_axis_name="s")
    run = pl.kernel(
        _chamy_sc_body,
        out_type=jax.ShapeDtypeStruct((_NSUB * 32,), jnp.float32),
        mesh=mesh,
        scratch_types=[
            pltpu.VMEM((_SLICE,), jnp.float32),
            pltpu.VMEM((_TBL,), jnp.float32),
            pltpu.VMEM((32,), jnp.float32),
        ],
        compiler_params=pltpu.CompilerParams(needs_layout_passes=False),
    )
    return run(t_flat, cpad_flat)


def kernel(bins, target_depth_maps):
    n = bins.shape[0]
    q = target_depth_maps.shape[1] * target_depth_maps.shape[2]
    bc = 0.5 * (bins[:, 1:] + bins[:, :-1])
    t3 = target_depth_maps.reshape(n, 1, q)

    (cs,) = lax.sort((bc,), dimension=1, is_stable=False, num_keys=1)
    cpad = jnp.concatenate(
        [
            jnp.full((n, 1), -_BIG, jnp.float32),
            cs,
            jnp.full((n, _TBL - _P - 1), _BIG, jnp.float32),
        ],
        axis=1,
    )

    ypart = _chamy_sc(t3.reshape(-1), cpad.reshape(-1)).reshape(_NSUB, 2, 16)
    chamx = _chamx_tc(bc.reshape(n, _P, 1), t3, n, q)[:, 0, 0]
    per_sub = jnp.sum(ypart, axis=2)
    per_batch = jnp.sum(per_sub.reshape(n, 4, 2), axis=1)
    chamy = per_batch[:, 0] / jnp.maximum(per_batch[:, 1], 1.0)
    return jnp.sum(chamx + chamy) / n

# --- scband reference (transcript-rebuilt; emitter-appended) ---
"""Pipeline reference for scband-bins-chamfer-loss-51488067944625 (READ-ONLY COPY).

The authoritative reference and input builder live on the scoring server;
editing this copy changes nothing except your own understanding.
"""

import jax, jax.numpy as jnp
import numpy as np


def setup_inputs(seed: int = 0) -> dict:
    key = jax.random.key(seed)
    k1, k2 = jax.random.split(key)
    # bins: [n, p+1] adaptive bin edges (AdaBins uses 256 bins -> 257 edges)
    bins = jax.random.uniform(k1, (8, 257), dtype=jnp.float32)
    # target_depth_maps: [n, H, W] ground-truth depth; values < 0.001 are invalid
    target_depth_maps = jax.random.uniform(k2, (8, 120, 160), dtype=jnp.float32)
    return {"bins": bins, "target_depth_maps": target_depth_maps}


def reference(bins, target_depth_maps):
    # bin centers from edges
    bin_centers = 0.5 * (bins[:, 1:] + bins[:, :-1])  # [n, p]
    n, p = bin_centers.shape
    # flatten target maps and build ragged validity mask (depth >= 0.001)
    t = target_depth_maps.reshape(n, -1)  # [n, Q]
    mask = t >= 0.001  # [n, Q]
    lengths = jnp.sum(mask, axis=1).astype(jnp.float32)  # [n] ragged y_lengths
    # pairwise squared distances between 1-D bin-center points and depth points
    d = (bin_centers[:, :, None] - t[:, None, :]) ** 2  # [n, p, Q]
    # cham_x: for each bin center, min squared dist to a VALID target point;
    # point_reduction='mean' over the p bin centers (x_lengths = p)
    d_x = jnp.where(mask[:, None, :], d, jnp.inf)
    cham_x = jnp.min(d_x, axis=2)  # [n, p]
    cham_x = jnp.sum(cham_x, axis=1) / p  # [n]
    # cham_y: for each VALID target point, min squared dist to a bin center;
    # point_reduction='mean' over the ragged y_lengths
    cham_y_all = jnp.min(d, axis=1)  # [n, Q]
    cham_y = jnp.sum(jnp.where(mask, cham_y_all, 0.0), axis=1) / jnp.maximum(lengths, 1.0)  # [n]
    # batch_reduction='mean'
    loss = jnp.sum(cham_x + cham_y) / n
    return loss

if __name__ == "__main__":
    import jax
    _d = setup_inputs()
    print(jax.jit(kernel)(*tuple(_d.values())))

</pallas_src>

<mosaic_0001>
#map = affine_map<(d0, d1) -> (0)>
module attributes {stable_mosaic.version = 14 : i64} {
  func.func @_chamy_sc_body(%arg0: i32, %arg1: i32, %arg2: memref<153600xf32, #tpu.memory_space<hbm>>, %arg3: memref<4096xf32, #tpu.memory_space<hbm>>, %arg4: memref<1024xf32, #tpu.memory_space<hbm>>, %arg5: memref<4800xf32, #tpu.memory_space<vmem>>, %arg6: memref<512xf32, #tpu.memory_space<vmem>>, %arg7: memref<32xf32, #tpu.memory_space<vmem>>) attributes {dimension_semantics = [#tpu.dimension_semantics<core_parallel>, #tpu.dimension_semantics<subcore_parallel>], iteration_bounds = array<i64: 2, 16>, scalar_prefetch = 0 : i64, scratch_operands = 3 : i64, tpu.core_type = #tpu.core_type<sc_vector_subcore>, window_params = [{transform_indices = #map}, {transform_indices = #map}, {transform_indices = #map}]} {
    %mul3A = arith.constant 2 : i32
    %mul3A_0 = arith.muli %arg1, %mul3A : i32
    %add3A = arith.addi %mul3A_0, %arg0 : i32
    %jit3A = arith.constant 4 : i32
    %div3A = arith.divsi %add3A, %jit3A : i32
    %sign3A = arith.constant 0 : i32
    %sign3A_1 = arith.cmpi sgt, %add3A, %sign3A : i32
    %sign3A_2 = arith.extui %sign3A_1 : i1 to i32
    %sign3A_3 = arith.constant 0 : i32
    %sign3A_4 = arith.cmpi slt, %add3A, %sign3A_3 : i32
    %sign3A_5 = arith.extui %sign3A_4 : i1 to i32
    %sign3A_6 = arith.subi %sign3A_2, %sign3A_5 : i32
    %sign3A_7 = arith.constant 0 : i32
    %sign3A_8 = arith.cmpi sgt, %jit3A, %sign3A_7 : i32
    %sign3A_9 = arith.extui %sign3A_8 : i1 to i32
    %sign3A_10 = arith.constant 0 : i32
    %sign3A_11 = arith.cmpi slt, %jit3A, %sign3A_10 : i32
    %sign3A_12 = arith.extui %sign3A_11 : i1 to i32
    %sign3A_13 = arith.subi %sign3A_9, %sign3A_12 : i32
    %ne3A = arith.cmpi ne, %sign3A_6, %sign3A_13 : i32
    %rem3A = arith.remsi %add3A, %jit3A : i32
    %ne3A_14 = arith.constant 0 : i32
    %ne3A_15 = arith.cmpi ne, %rem3A, %ne3A_14 : i32
    %and3A = arith.andi %ne3A, %ne3A_15 : i1
    %sub3A = arith.constant 1 : i32
    %sub3A_16 = arith.subi %div3A, %sub3A : i32
    %select_n3A = arith.select %and3A, %sub3A_16, %div3A : i32
    %mul3A_17 = arith.constant 4800 : i32
    %mul3A_18 = arith.muli %add3A, %mul3A_17 : i32
    "tpu.region"() ({
      %run_scoped3A = tpu.sem_alloc : memref<!tpu.dma_semaphore, #tpu.memory_space<semaphore_mem>>
      %dma_start3A = tpu.memref_slice %arg2[%mul3A_18] : memref<153600xf32, #tpu.memory_space<hbm>> -> memref<4800xf32, #tpu.memory_space<hbm>>
      %dma_start3A_84 = tpu.memref_slice %arg2[%mul3A_18] : memref<153600xf32, #tpu.memory_space<hbm>> -> memref<4800xf32, #tpu.memory_space<hbm>>
      tpu.enqueue_dma source(%dma_start3A_84 : memref<4800xf32, #tpu.memory_space<hbm>>) target(%arg5 : memref<4800xf32, #tpu.memory_space<vmem>>) target_semaphore(%run_scoped3A : memref<!tpu.dma_semaphore, #tpu.memory_space<semaphore_mem>>)
      %dma_wait3A = tpu.memref_slice %arg2[%mul3A_18] : memref<153600xf32, #tpu.memory_space<hbm>> -> memref<4800xf32, #tpu.memory_space<hbm>>
      %dma_wait3A_85 = tpu.memref_slice %arg2[%mul3A_18] : memref<153600xf32, #tpu.memory_space<hbm>> -> memref<4800xf32, #tpu.memory_space<hbm>>
      tpu.wait_dma2 semaphore(%run_scoped3A : memref<!tpu.dma_semaphore, #tpu.memory_space<semaphore_mem>>) src(%dma_wait3A_85 : memref<4800xf32, #tpu.memory_space<hbm>>) dst(%arg5 : memref<4800xf32, #tpu.memory_space<vmem>>)
      tpu.yield
    }) : () -> ()
    %mul3A_19 = arith.constant 512 : i32
    %mul3A_20 = arith.muli %select_n3A, %mul3A_19 : i32
    "tpu.region"() ({
      %run_scoped3A = tpu.sem_alloc : memref<!tpu.dma_semaphore, #tpu.memory_space<semaphore_mem>>
      %dma_start3A = tpu.memref_slice %arg3[%mul3A_20] : memref<4096xf32, #tpu.memory_space<hbm>> -> memref<512xf32, #tpu.memory_space<hbm>>
      %dma_start3A_84 = tpu.memref_slice %arg3[%mul3A_20] : memref<4096xf32, #tpu.memory_space<hbm>> -> memref<512xf32, #tpu.memory_space<hbm>>
      tpu.enqueue_dma source(%dma_start3A_84 : memref<512xf32, #tpu.memory_space<hbm>>) target(%arg6 : memref<512xf32, #tpu.memory_space<vmem>>) target_semaphore(%run_scoped3A : memref<!tpu.dma_semaphore, #tpu.memory_space<semaphore_mem>>)
      %dma_wait3A = tpu.memref_slice %arg3[%mul3A_20] : memref<4096xf32, #tpu.memory_space<hbm>> -> memref<512xf32, #tpu.memory_space<hbm>>
      %dma_wait3A_85 = tpu.memref_slice %arg3[%mul3A_20] : memref<4096xf32, #tpu.memory_space<hbm>> -> memref<512xf32, #tpu.memory_space<hbm>>
      tpu.wait_dma2 semaphore(%run_scoped3A : memref<!tpu.dma_semaphore, #tpu.memory_space<semaphore_mem>>) src(%dma_wait3A_85 : memref<512xf32, #tpu.memory_space<hbm>>) dst(%arg6 : memref<512xf32, #tpu.memory_space<vmem>>)
      tpu.yield
    }) : () -> ()
    %broadcast_in_dim3A = arith.constant 0.000000e+00 : f32
    %broadcast_in_dim3A_21 = vector.broadcast %broadcast_in_dim3A : f32 to vector<16xf32>
    %broadcast_in_dim3A_22 = arith.constant 256 : i32
    %broadcast_in_dim3A_23 = vector.broadcast %broadcast_in_dim3A_22 : i32 to vector<16xi32>
    %gather3A = tpu.vector_load_idx %arg6[%broadcast_in_dim3A_23] : memref<512xf32, #tpu.memory_space<vmem>>[vector<16xi32>], vector<16xf32>,
    %broadcast_in_dim3A_24 = arith.constant 128 : i32
    %broadcast_in_dim3A_25 = vector.broadcast %broadcast_in_dim3A_24 : i32 to vector<16xi32>
    %gather3A_26 = tpu.vector_load_idx %arg6[%broadcast_in_dim3A_25] : memref<512xf32, #tpu.memory_space<vmem>>[vector<16xi32>], vector<16xf32>,
    %broadcast_in_dim3A_27 = arith.constant 384 : i32
    %broadcast_in_dim3A_28 = vector.broadcast %broadcast_in_dim3A_27 : i32 to vector<16xi32>
    %gather3A_29 = tpu.vector_load_idx %arg6[%broadcast_in_dim3A_28] : memref<512xf32, #tpu.memory_space<vmem>>[vector<16xi32>], vector<16xf32>,
    %broadcast_in_dim3A_30 = arith.constant 64 : i32
    %broadcast_in_dim3A_31 = vector.broadcast %broadcast_in_dim3A_30 : i32 to vector<16xi32>
    %gather3A_32 = tpu.vector_load_idx %arg6[%broadcast_in_dim3A_31] : memref<512xf32, #tpu.memory_space<vmem>>[vector<16xi32>], vector<16xf32>,
    %broadcast_in_dim3A_33 = arith.constant 192 : i32
    %broadcast_in_dim3A_34 = vector.broadcast %broadcast_in_dim3A_33 : i32 to vector<16xi32>
    %gather3A_35 = tpu.vector_load_idx %arg6[%broadcast_in_dim3A_34] : memref<512xf32, #tpu.memory_space<vmem>>[vector<16xi32>], vector<16xf32>,
    %broadcast_in_dim3A_36 = arith.constant 320 : i32
    %broadcast_in_dim3A_37 = vector.broadcast %broadcast_in_dim3A_36 : i32 to vector<16xi32>
    %gather3A_38 = tpu.vector_load_idx %arg6[%broadcast_in_dim3A_37] : memref<512xf32, #tpu.memory_space<vmem>>[vector<16xi32>], vector<16xf32>,
    %broadcast_in_dim3A_39 = arith.constant 448 : i32
    %broadcast_in_dim3A_40 = vector.broadcast %broadcast_in_dim3A_39 : i32 to vector<16xi32>
    %gather3A_41 = tpu.vector_load_idx %arg6[%broadcast_in_dim3A_40] : memref<512xf32, #tpu.memory_space<vmem>>[vector<16xi32>], vector<16xf32>,
    %broadcast_in_dim3A_42 = arith.constant 32 : i32
    %broadcast_in_dim3A_43 = vector.broadcast %broadcast_in_dim3A_42 : i32 to vector<16xi32>
    %gather3A_44 = tpu.vector_load_idx %arg6[%broadcast_in_dim3A_43] : memref<512xf32, #tpu.memory_space<vmem>>[vector<16xi32>], vector<16xf32>,
    %broadcast_in_dim3A_45 = arith.constant 96 : i32
    %broadcast_in_dim3A_46 = vector.broadcast %broadcast_in_dim3A_45 : i32 to vector<16xi32>
    %gather3A_47 = tpu.vector_load_idx %arg6[%broadcast_in_dim3A_46] : memref<512xf32, #tpu.memory_space<vmem>>[vector<16xi32>], vector<16xf32>,
    %broadcast_in_dim3A_48 = arith.constant 160 : i32
    %broadcast_in_dim3A_49 = vector.broadcast %broadcast_in_dim3A_48 : i32 to vector<16xi32>
    %gather3A_50 = tpu.vector_load_idx %arg6[%broadcast_in_dim3A_49] : memref<512xf32, #tpu.memory_space<vmem>>[vector<16xi32>], vector<16xf32>,
    %broadcast_in_dim3A_51 = arith.constant 224 : i32
    %broadcast_in_dim3A_52 = vector.broadcast %broadcast_in_dim3A_51 : i32 to vector<16xi32>
    %gather3A_53 = tpu.vector_load_idx %arg6[%broadcast_in_dim3A_52] : memref<512xf32, #tpu.memory_space<vmem>>[vector<16xi32>], vector<16xf32>,
    %broadcast_in_dim3A_54 = arith.constant 288 : i32
    %broadcast_in_dim3A_55 = vector.broadcast %broadcast_in_dim3A_54 : i32 to vector<16xi32>
    %gather3A_56 = tpu.vector_load_idx %arg6[%broadcast_in_dim3A_55] : memref<512xf32, #tpu.memory_space<vmem>>[vector<16xi32>], vector<16xf32>,
    %broadcast_in_dim3A_57 = arith.constant 352 : i32
    %broadcast_in_dim3A_58 = vector.broadcast %broadcast_in_dim3A_57 : i32 to vector<16xi32>
    %gather3A_59 = tpu.vector_load_idx %arg6[%broadcast_in_dim3A_58] : memref<512xf32, #tpu.memory_space<vmem>>[vector<16xi32>], vector<16xf32>,
    %broadcast_in_dim3A_60 = arith.constant 416 : i32
    %broadcast_in_dim3A_61 = vector.broadcast %broadcast_in_dim3A_60 : i32 to vector<16xi32>
    %gather3A_62 = tpu.vector_load_idx %arg6[%broadcast_in_dim3A_61] : memref<512xf32, #tpu.memory_space<vmem>>[vector<16xi32>], vector<16xf32>,
    %broadcast_in_dim3A_63 = arith.constant 480 : i32
    %broadcast_in_dim3A_64 = vector.broadcast %broadcast_in_dim3A_63 : i32 to vector<16xi32>
    %gather3A_65 = tpu.vector_load_idx %arg6[%broadcast_in_dim3A_64] : memref<512xf32, #tpu.memory_space<vmem>>[vector<16xi32>], vector<16xf32>,
    %scan3A = arith.constant 0 : i32
    %scan3A_66 = arith.constant 75 : i32
    %scan3A_67 = arith.addi %scan3A, %scan3A_66 : i32
    %scan3A_68 = arith.constant 1 : i32
    %scan3A_69:8 = scf.for %scan3A_84 = %scan3A to %scan3A_67 step %scan3A_68 iter_args(%scan3A_85 = %broadcast_in_dim3A_21, %scan3A_86 = %broadcast_in_dim3A_21, %scan3A_87 = %broadcast_in_dim3A_21, %scan3A_88 = %broadcast_in_dim3A_21, %scan3A_89 = %broadcast_in_dim3A_21, %scan3A_90 = %broadcast_in_dim3A_21, %scan3A_91 = %broadcast_in_dim3A_21, %scan3A_92 = %broadcast_in_dim3A_21) -> (vector<16xf32>, vector<16xf32>, vector<16xf32>, vector<16xf32>, vector<16xf32>, vector<16xf32>, vector<16xf32>, vector<16xf32>)  : i32 {
      %mul3A_93 = arith.constant 4 : i32
      %mul3A_94 = arith.muli %scan3A_84, %mul3A_93 : i32
      %add3A_95 = arith.constant 0 : i32
      %add3A_96 = arith.addi %mul3A_94, %add3A_95 : i32
      %mul3A_97 = arith.constant 16 : i32
      %mul3A_98 = arith.muli %add3A_96, %mul3A_97 : i32
      %get3A = arith.index_cast %mul3A_98 : i32 to index
      %get3A_99 = tpu.vector_load %arg5[%get3A] {strides = array<i32>} : memref<4800xf32, #tpu.memory_space<vmem>>, vector<16xf32>,
      %le3A = arith.cmpf ole, %gather3A, %get3A_99 : vector<16xf32>
      %jit3A_100 = arith.constant -1.000000e+09 : f32
      %broadcast_in_dim3A_101 = vector.broadcast %jit3A_100 : f32 to vector<16xf32>
      %select_n3A_102 = arith.select %le3A, %gather3A, %broadcast_in_dim3A_101 : vector<16xi1>, vector<16xf32>
      %jit3A_103 = arith.constant 1.000000e+09 : f32
      %broadcast_in_dim3A_104 = vector.broadcast %jit3A_103 : f32 to vector<16xf32>
      %select_n3A_105 = arith.select %le3A, %broadcast_in_dim3A_104, %gather3A : vector<16xi1>, vector<16xf32>
      %select_n3A_106 = arith.select %le3A, %gather3A_29, %gather3A_26 : vector<16xi1>, vector<16xf32>
      %le3A_107 = arith.cmpf ole, %select_n3A_106, %get3A_99 : vector<16xf32>
      %select_n3A_108 = arith.select %le3A_107, %select_n3A_106, %select_n3A_102 : vector<16xi1>, vector<16xf32>
      %select_n3A_109 = arith.select %le3A_107, %select_n3A_105, %select_n3A_106 : vector<16xi1>, vector<16xf32>
      %select_n3A_110 = arith.select %le3A_107, %gather3A_41, %gather3A_38 : vector<16xi1>, vector<16xf32>
      %select_n3A_111 = arith.select %le3A_107, %gather3A_35, %gather3A_32 : vector<16xi1>, vector<16xf32>
      %select_n3A_112 = arith.select %le3A, %select_n3A_110, %select_n3A_111 : vector<16xi1>, vector<16xf32>
      %le3A_113 = arith.cmpf ole, %select_n3A_112, %get3A_99 : vector<16xf32>
      %select_n3A_114 = arith.select %le3A_113, %select_n3A_112, %select_n3A_108 : vector<16xi1>, vector<16xf32>
      %select_n3A_115 = arith.select %le3A_113, %select_n3A_109, %select_n3A_112 : vector<16xi1>, vector<16xf32>
      %select_n3A_116 = arith.select %le3A_113, %gather3A_65, %gather3A_62 : vector<16xi1>, vector<16xf32>
      %select_n3A_117 = arith.select %le3A_113, %gather3A_59, %gather3A_56 : vector<16xi1>, vector<16xf32>
      %select_n3A_118 = arith.select %le3A_107, %select_n3A_116, %select_n3A_117 : vector<16xi1>, vector<16xf32>
      %select_n3A_119 = arith.select %le3A_113, %gather3A_53, %gather3A_50 : vector<16xi1>, vector<16xf32>
      %select_n3A_120 = arith.select %le3A_113, %gather3A_47, %gather3A_44 : vector<16xi1>, vector<16xf32>
      %select_n3A_121 = arith.select %le3A_107, %select_n3A_119, %select_n3A_120 : vector<16xi1>, vector<16xf32>
      %select_n3A_122 = arith.select %le3A, %select_n3A_118, %select_n3A_121 : vector<16xi1>, vector<16xf32>
      %le3A_123 = arith.cmpf ole, %select_n3A_122, %get3A_99 : vector<16xf32>
      %select_n3A_124 = arith.select %le3A_123, %select_n3A_122, %select_n3A_114 : vector<16xi1>, vector<16xf32>
      %select_n3A_125 = arith.select %le3A_123, %select_n3A_115, %select_n3A_122 : vector<16xi1>, vector<16xf32>
      %jit3A_126 = arith.constant 256 : i32
      %jit3A_127 = arith.constant 0 : i32
      %broadcast_in_dim3A_128 = vector.broadcast %jit3A_126 : i32 to vector<16xi32>
      %broadcast_in_dim3A_129 = vector.broadcast %jit3A_127 : i32 to vector<16xi32>
      %select_n3A_130 = arith.select %le3A, %broadcast_in_dim3A_128, %broadcast_in_dim3A_129 : vector<16xi1>, vector<16xi32>
      %jit3A_131 = arith.constant 128 : i32
      %jit3A_132 = arith.constant 0 : i32
      %broadcast_in_dim3A_133 = vector.broadcast %jit3A_131 : i32 to vector<16xi32>
      %broadcast_in_dim3A_134 = vector.broadcast %jit3A_132 : i32 to vector<16xi32>
      %select_n3A_135 = arith.select %le3A_107, %broadcast_in_dim3A_133, %broadcast_in_dim3A_134 : vector<16xi1>, vector<16xi32>
      %add3A_136 = arith.addi %select_n3A_130, %select_n3A_135 : vector<16xi32>
      %jit3A_137 = arith.constant 64 : i32
      %jit3A_138 = arith.constant 0 : i32
      %broadcast_in_dim3A_139 = vector.broadcast %jit3A_137 : i32 to vector<16xi32>
      %broadcast_in_dim3A_140 = vector.broadcast %jit3A_138 : i32 to vector<16xi32>
      %select_n3A_141 = arith.select %le3A_113, %broadcast_in_dim3A_139, %broadcast_in_dim3A_140 : vector<16xi1>, vector<16xi32>
      %add3A_142 = arith.addi %add3A_136, %select_n3A_141 : vector<16xi32>
      %jit3A_143 = arith.constant 32 : i32
      %jit3A_144 = arith.constant 0 : i32
      %broadcast_in_dim3A_145 = vector.broadcast %jit3A_143 : i32 to vector<16xi32>
      %broadcast_in_dim3A_146 = vector.broadcast %jit3A_144 : i32 to vector<16xi32>
      %select_n3A_147 = arith.select %le3A_123, %broadcast_in_dim3A_145, %broadcast_in_dim3A_146 : vector<16xi1>, vector<16xi32>
      %add3A_148 = arith.addi %add3A_142, %select_n3A_147 : vector<16xi32>
      %add3A_149 = arith.constant 16 : i32
      %add3A_150 = vector.broadcast %add3A_149 : i32 to vector<16xi32>
      %add3A_151 = arith.addi %add3A_148, %add3A_150 : vector<16xi32>
      %gather3A_152 = tpu.vector_load_idx %arg6[%add3A_151] : memref<512xf32, #tpu.memory_space<vmem>>[vector<16xi32>], vector<16xf32>,
      %le3A_153 = arith.cmpf ole, %gather3A_152, %get3A_99 : vector<16xf32>
      %select_n3A_154 = arith.select %le3A_153, %add3A_151, %add3A_148 : vector<16xi1>, vector<16xi32>
      %select_n3A_155 = arith.select %le3A_153, %gather3A_152, %select_n3A_124 : vector<16xi1>, vector<16xf32>
      %select_n3A_156 = arith.select %le3A_153, %select_n3A_125, %gather3A_152 : vector<16xi1>, vector<16xf32>
      %add3A_157 = arith.constant 8 : i32
      %add3A_158 = vector.broadcast %add3A_157 : i32 to vector<16xi32>
      %add3A_159 = arith.addi %select_n3A_154, %add3A_158 : vector<16xi32>
      %gather3A_160 = tpu.vector_load_idx %arg6[%add3A_159] : memref<512xf32, #tpu.memory_space<vmem>>[vector<16xi32>], vector<16xf32>,
      %le3A_161 = arith.cmpf ole, %gather3A_160, %get3A_99 : vector<16xf32>
      %select_n3A_162 = arith.select %le3A_161, %add3A_159, %select_n3A_154 : vector<16xi1>, vector<16xi32>
      %select_n3A_163 = arith.select %le3A_161, %gather3A_160, %select_n3A_155 : vector<16xi1>, vector<16xf32>
      %select_n3A_164 = arith.select %le3A_161, %select_n3A_156, %gather3A_160 : vector<16xi1>, vector<16xf32>
      %add3A_165 = arith.constant 4 : i32
      %add3A_166 = vector.broadcast %add3A_165 : i32 to vector<16xi32>
      %add3A_167 = arith.addi %select_n3A_162, %add3A_166 : vector<16xi32>
      %gather3A_168 = tpu.vector_load_idx %arg6[%add3A_167] : memref<512xf32, #tpu.memory_space<vmem>>[vector<16xi32>], vector<16xf32>,
      %le3A_169 = arith.cmpf ole, %gather3A_168, %get3A_99 : vector<16xf32>
      %select_n3A_170 = arith.select %le3A_169, %add3A_167, %select_n3A_162 : vector<16xi1>, vector<16xi32>
      %select_n3A_171 = arith.select %le3A_169, %gather3A_168, %select_n3A_163 : vector<16xi1>, vector<16xf32>
      %select_n3A_172 = arith.select %le3A_169, %select_n3A_164, %gather3A_168 : vector<16xi1>, vector<16xf32>
      %add3A_173 = arith.constant 2 : i32
      %add3A_174 = vector.broadcast %add3A_173 : i32 to vector<16xi32>
      %add3A_175 = arith.addi %select_n3A_170, %add3A_174 : vector<16xi32>
      %gather3A_176 = tpu.vector_load_idx %arg6[%add3A_175] : memref<512xf32, #tpu.memory_space<vmem>>[vector<16xi32>], vector<16xf32>,
      %le3A_177 = arith.cmpf ole, %gather3A_176, %get3A_99 : vector<16xf32>
      %select_n3A_178 = arith.select %le3A_177, %add3A_175, %select_n3A_170 : vector<16xi1>, vector<16xi32>
      %select_n3A_179 = arith.select %le3A_177, %gather3A_176, %select_n3A_171 : vector<16xi1>, vector<16xf32>
      %select_n3A_180 = arith.select %le3A_177, %select_n3A_172, %gather3A_176 : vector<16xi1>, vector<16xf32>
      %add3A_181 = arith.constant 1 : i32
      %add3A_182 = vector.broadcast %add3A_181 : i32 to vector<16xi32>
      %add3A_183 = arith.addi %select_n3A_178, %add3A_182 : vector<16xi32>
      %gather3A_184 = tpu.vector_load_idx %arg6[%add3A_183] : memref<512xf32, #tpu.memory_space<vmem>>[vector<16xi32>], vector<16xf32>,
      %le3A_185 = arith.cmpf ole, %gather3A_184, %get3A_99 : vector<16xf32>
      %select_n3A_186 = arith.select %le3A_185, %add3A_183, %select_n3A_178 : vector<16xi1>, vector<16xi32>
      %select_n3A_187 = arith.select %le3A_185, %gather3A_184, %select_n3A_179 : vector<16xi1>, vector<16xf32>
      %select_n3A_188 = arith.select %le3A_185, %select_n3A_180, %gather3A_184 : vector<16xi1>, vector<16xf32>
      %sub3A_189 = arith.subf %get3A_99, %select_n3A_187 : vector<16xf32>
      %sub3A_190 = arith.subf %select_n3A_188, %get3A_99 : vector<16xf32>
      %min3A = arith.minimumf %sub3A_189, %sub3A_190 : vector<16xf32>
      %ge3A = arith.constant 1.000000e-03 : f32
      %ge3A_191 = vector.broadcast %ge3A : f32 to vector<16xf32>
      %ge3A_192 = arith.cmpf oge, %get3A_99, %ge3A_191 : vector<16xf32>
      %mul3A_193 = arith.mulf %min3A, %min3A : vector<16xf32>
      %jit3A_194 = arith.constant 0.000000e+00 : f32
      %broadcast_in_dim3A_195 = vector.broadcast %jit3A_194 : f32 to vector<16xf32>
      %select_n3A_196 = arith.select %ge3A_192, %mul3A_193, %broadcast_in_dim3A_195 : vector<16xi1>, vector<16xf32>
      %add3A_197 = arith.addf %scan3A_85, %select_n3A_196 : vector<16xf32>
      %jit3A_198 = arith.constant 1.000000e+00 : f32
      %jit3A_199 = arith.constant 0.000000e+00 : f32
      %broadcast_in_dim3A_200 = vector.broadcast %jit3A_198 : f32 to vector<16xf32>
      %broadcast_in_dim3A_201 = vector.broadcast %jit3A_199 : f32 to vector<16xf32>
      %select_n3A_202 = arith.select %ge3A_192, %broadcast_in_dim3A_200, %broadcast_in_dim3A_201 : vector<16xi1>, vector<16xf32>
      %add3A_203 = arith.addf %scan3A_89, %select_n3A_202 : vector<16xf32>
      %mul3A_204 = arith.constant 4 : i32
      %mul3A_205 = arith.muli %scan3A_84, %mul3A_204 : i32
      %add3A_206 = arith.constant 1 : i32
      %add3A_207 = arith.addi %mul3A_205, %add3A_206 : i32
      %mul3A_208 = arith.constant 16 : i32
      %mul3A_209 = arith.muli %add3A_207, %mul3A_208 : i32
      %get3A_210 = arith.index_cast %mul3A_209 : i32 to index
      %get3A_211 = tpu.vector_load %arg5[%get3A_210] {strides = array<i32>} : memref<4800xf32, #tpu.memory_space<vmem>>, vector<16xf32>,
      %le3A_212 = arith.cmpf ole, %gather3A, %get3A_211 : vector<16xf32>
      %jit3A_213 = arith.constant -1.000000e+09 : f32
      %broadcast_in_dim3A_214 = vector.broadcast %jit3A_213 : f32 to vector<16xf32>
      %select_n3A_215 = arith.select %le3A_212, %gather3A, %broadcast_in_dim3A_214 : vector<16xi1>, vector<16xf32>
      %jit3A_216 = arith.constant 1.000000e+09 : f32
      %broadcast_in_dim3A_217 = vector.broadcast %jit3A_216 : f32 to vector<16xf32>
      %select_n3A_218 = arith.select %le3A_212, %broadcast_in_dim3A_217, %gather3A : vector<16xi1>, vector<16xf32>
      %select_n3A_219 = arith.select %le3A_212, %gather3A_29, %gather3A_26 : vector<16xi1>, vector<16xf32>
      %le3A_220 = arith.cmpf ole, %select_n3A_219, %get3A_211 : vector<16xf32>
      %select_n3A_221 = arith.select %le3A_220, %select_n3A_219, %select_n3A_215 : vector<16xi1>, vector<16xf32>
      %select_n3A_222 = arith.select %le3A_220, %select_n3A_218, %select_n3A_219 : vector<16xi1>, vector<16xf32>
      %select_n3A_223 = arith.select %le3A_220, %gather3A_41, %gather3A_38 : vector<16xi1>, vector<16xf32>
      %select_n3A_224 = arith.select %le3A_220, %gather3A_35, %gather3A_32 : vector<16xi1>, vector<16xf32>
      %select_n3A_225 = arith.select %le3A_212, %select_n3A_223, %select_n3A_224 : vector<16xi1>, vector<16xf32>
      %le3A_226 = arith.cmpf ole, %select_n3A_225, %get3A_211 : vector<16xf32>
      %select_n3A_227 = arith.select %le3A_226, %select_n3A_225, %select_n3A_221 : vector<16xi1>, vector<16xf32>
      %select_n3A_228 = arith.select %le3A_226, %select_n3A_222, %select_n3A_225 : vector<16xi1>, vector<16xf32>
      %select_n3A_229 = arith.select %le3A_226, %gather3A_65, %gather3A_62 : vector<16xi1>, vector<16xf32>
      %select_n3A_230 = arith.select %le3A_226, %gather3A_59, %gather3A_56 : vector<16xi1>, vector<16xf32>
      %select_n3A_231 = arith.select %le3A_220, %select_n3A_229, %select_n3A_230 : vector<16xi1>, vector<16xf32>
      %select_n3A_232 = arith.select %le3A_226, %gather3A_53, %gather3A_50 : vector<16xi1>, vector<16xf32>
      %select_n3A_233 = arith.select %le3A_226, %gather3A_47, %gather3A_44 : vector<16xi1>, vector<16xf32>
      %select_n3A_234 = arith.select %le3A_220, %select_n3A_232, %select_n3A_233 : vector<16xi1>, vector<16xf32>
      %select_n3A_235 = arith.select %le3A_212, %select_n3A_231, %select_n3A_234 : vector<16xi1>, vector<16xf32>
      %le3A_236 = arith.cmpf ole, %select_n3A_235, %get3A_211 : vector<16xf32>
      %select_n3A_237 = arith.select %le3A_236, %select_n3A_235, %select_n3A_227 : vector<16xi1>, vector<16xf32>
      %select_n3A_238 = arith.select %le3A_236, %select_n3A_228, %select_n3A_235 : vector<16xi1>, vector<16xf32>
      %jit3A_239 = arith.constant 256 : i32
      %jit3A_240 = arith.constant 0 : i32
      %broadcast_in_dim3A_241 = vector.broadcast %jit3A_239 : i32 to vector<16xi32>
      %broadcast_in_dim3A_242 = vector.broadcast %jit3A_240 : i32 to vector<16xi32>
      %select_n3A_243 = arith.select %le3A_212, %broadcast_in_dim3A_241, %broadcast_in_dim3A_242 : vector<16xi1>, vector<16xi32>
      %jit3A_244 = arith.constant 128 : i32
      %jit3A_245 = arith.constant 0 : i32
      %broadcast_in_dim3A_246 = vector.broadcast %jit3A_244 : i32 to vector<16xi32>
      %broadcast_in_dim3A_247 = vector.broadcast %jit3A_245 : i32 to vector<16xi32>
      %select_n3A_248 = arith.select %le3A_220, %broadcast_in_dim3A_246, %broadcast_in_dim3A_247 : vector<16xi1>, vector<16xi32>
      %add3A_249 = arith.addi %select_n3A_243, %select_n3A_248 : vector<16xi32>
      %jit3A_250 = arith.constant 64 : i32
      %jit3A_251 = arith.constant 0 : i32
      %broadcast_in_dim3A_252 = vector.broadcast %jit3A_250 : i32 to vector<16xi32>
      %broadcast_in_dim3A_253 = vector.broadcast %jit3A_251 : i32 to vector<16xi32>
      %select_n3A_254 = arith.select %le3A_226, %broadcast_in_dim3A_252, %broadcast_in_dim3A_253 : vector<16xi1>, vector<16xi32>
      %add3A_255 = arith.addi %add3A_249, %select_n3A_254 : vector<16xi32>
      %jit3A_256 = arith.constant 32 : i32
      %jit3A_257 = arith.constant 0 : i32
      %broadcast_in_dim3A_258 = vector.broadcast %jit3A_256 : i32 to vector<16xi32>
      %broadcast_in_dim3A_259 = vector.broadcast %jit3A_257 : i32 to vector<16xi32>
      %select_n3A_260 = arith.select %le3A_236, %broadcast_in_dim3A_258, %broadcast_in_dim3A_259 : vector<16xi1>, vector<16xi32>
      %add3A_261 = arith.addi %add3A_255, %select_n3A_260 : vector<16xi32>
      %add3A_262 = arith.constant 16 : i32
      %add3A_263 = vector.broadcast %add3A_262 : i32 to vector<16xi32>
      %add3A_264 = arith.addi %add3A_261, %add3A_263 : vector<16xi32>
      %gather3A_265 = tpu.vector_load_idx %arg6[%add3A_264] : memref<512xf32, #tpu.memory_space<vmem>>[vector<16xi32>], vector<16xf32>,
      %le3A_266 = arith.cmpf ole, %gather3A_265, %get3A_211 : vector<16xf32>
      %select_n3A_267 = arith.select %le3A_266, %add3A_264, %add3A_261 : vector<16xi1>, vector<16xi32>
      %select_n3A_268 = arith.select %le3A_266, %gather3A_265, %select_n3A_237 : vector<16xi1>, vector<16xf32>
      %select_n3A_269 = arith.select %le3A_266, %select_n3A_238, %gather3A_265 : vector<16xi1>, vector<16xf32>
      %add3A_270 = arith.constant 8 : i32
      %add3A_271 = vector.broadcast %add3A_270 : i32 to vector<16xi32>
      %add3A_272 = arith.addi %select_n3A_267, %add3A_271 : vector<16xi32>
      %gather3A_273 = tpu.vector_load_idx %arg6[%add3A_272] : memref<512xf32, #tpu.memory_space<vmem>>[vector<16xi32>], vector<16xf32>,
      %le3A_274 = arith.cmpf ole, %gather3A_273, %get3A_211 : vector<16xf32>
      %select_n3A_275 = arith.select %le3A_274, %add3A_272, %select_n3A_267 : vector<16xi1>, vector<16xi32>
      %select_n3A_276 = arith.select %le3A_274, %gather3A_273, %select_n3A_268 : vector<16xi1>, vector<16xf32>
      %select_n3A_277 = arith.select %le3A_274, %select_n3A_269, %gather3A_273 : vector<16xi1>, vector<16xf32>
      %add3A_278 = arith.constant 4 : i32
      %add3A_279 = vector.broadcast %add3A_278 : i32 to vector<16xi32>
      %add3A_280 = arith.addi %select_n3A_275, %add3A_279 : vector<16xi32>
      %gather3A_281 = tpu.vector_load_idx %arg6[%add3A_280] : memref<512xf32, #tpu.memory_space<vmem>>[vector<16xi32>], vector<16xf32>,
      %le3A_282 = arith.cmpf ole, %gather3A_281, %get3A_211 : vector<16xf32>
      %select_n3A_283 = arith.select %le3A_282, %add3A_280, %select_n3A_275 : vector<16xi1>, vector<16xi32>
      %select_n3A_284 = arith.select %le3A_282, %gather3A_281, %select_n3A_276 : vector<16xi1>, vector<16xf32>
      %select_n3A_285 = arith.select %le3A_282, %select_n3A_277, %gather3A_281 : vector<16xi1>, vector<16xf32>
      %add3A_286 = arith.constant 2 : i32
      %add3A_287 = vector.broadcast %add3A_286 : i32 to vector<16xi32>
      %add3A_288 = arith.addi %select_n3A_283, %add3A_287 : vector<16xi32>
      %gather3A_289 = tpu.vector_load_idx %arg6[%add3A_288] : memref<512xf32, #tpu.memory_space<vmem>>[vector<16xi32>], vector<16xf32>,
      %le3A_290 = arith.cmpf ole, %gather3A_289, %get3A_211 : vector<16xf32>
      %select_n3A_291 = arith.select %le3A_290, %add3A_288, %select_n3A_283 : vector<16xi1>, vector<16xi32>
      %select_n3A_292 = arith.select %le3A_290, %gather3A_289, %select_n3A_284 : vector<16xi1>, vector<16xf32>
      %select_n3A_293 = arith.select %le3A_290, %select_n3A_285, %gather3A_289 : vector<16xi1>, vector<16xf32>
      %add3A_294 = arith.constant 1 : i32
      %add3A_295 = vector.broadcast %add3A_294 : i32 to vector<16xi32>
      %add3A_296 = arith.addi %select_n3A_291, %add3A_295 : vector<16xi32>
      %gather3A_297 = tpu.vector_load_idx %arg6[%add3A_296] : memref<512xf32, #tpu.memory_space<vmem>>[vector<16xi32>], vector<16xf32>,
      %le3A_298 = arith.cmpf ole, %gather3A_297, %get3A_211 : vector<16xf32>
      %select_n3A_299 = arith.select %le3A_298, %add3A_296, %select_n3A_291 : vector<16xi1>, vector<16xi32>
      %select_n3A_300 = arith.select %le3A_298, %gather3A_297, %select_n3A_292 : vector<16xi1>, vector<16xf32>
      %select_n3A_301 = arith.select %le3A_298, %select_n3A_293, %gather3A_297 : vector<16xi1>, vector<16xf32>
      %sub3A_302 = arith.subf %get3A_211, %select_n3A_300 : vector<16xf32>
      %sub3A_303 = arith.subf %select_n3A_301, %get3A_211 : vector<16xf32>
      %min3A_304 = arith.minimumf %sub3A_302, %sub3A_303 : vector<16xf32>
      %ge3A_305 = arith.constant 1.000000e-03 : f32
      %ge3A_306 = vector.broadcast %ge3A_305 : f32 to vector<16xf32>
      %ge3A_307 = arith.cmpf oge, %get3A_211, %ge3A_306 : vector<16xf32>
      %mul3A_308 = arith.mulf %min3A_304, %min3A_304 : vector<16xf32>
      %jit3A_309 = arith.constant 0.000000e+00 : f32
      %broadcast_in_dim3A_310 = vector.broadcast %jit3A_309 : f32 to vector<16xf32>
      %select_n3A_311 = arith.select %ge3A_307, %mul3A_308, %broadcast_in_dim3A_310 : vector<16xi1>, vector<16xf32>
      %add3A_312 = arith.addf %scan3A_86, %select_n3A_311 : vector<16xf32>
      %jit3A_313 = arith.constant 1.000000e+00 : f32
      %jit3A_314 = arith.constant 0.000000e+00 : f32
      %broadcast_in_dim3A_315 = vector.broadcast %jit3A_313 : f32 to vector<16xf32>
      %broadcast_in_dim3A_316 = vector.broadcast %jit3A_314 : f32 to vector<16xf32>
      %select_n3A_317 = arith.select %ge3A_307, %broadcast_in_dim3A_315, %broadcast_in_dim3A_316 : vector<16xi1>, vector<16xf32>
      %add3A_318 = arith.addf %scan3A_90, %select_n3A_317 : vector<16xf32>
      %mul3A_319 = arith.constant 4 : i32
      %mul3A_320 = arith.muli %scan3A_84, %mul3A_319 : i32
      %add3A_321 = arith.constant 2 : i32
      %add3A_322 = arith.addi %mul3A_320, %add3A_321 : i32
      %mul3A_323 = arith.constant 16 : i32
      %mul3A_324 = arith.muli %add3A_322, %mul3A_323 : i32
      %get3A_325 = arith.index_cast %mul3A_324 : i32 to index
      %get3A_326 = tpu.vector_load %arg5[%get3A_325] {strides = array<i32>} : memref<4800xf32, #tpu.memory_space<vmem>>, vector<16xf32>,
      %le3A_327 = arith.cmpf ole, %gather3A, %get3A_326 : vector<16xf32>
      %jit3A_328 = arith.constant -1.000000e+09 : f32
      %broadcast_in_dim3A_329 = vector.broadcast %jit3A_328 : f32 to vector<16xf32>
      %select_n3A_330 = arith.select %le3A_327, %gather3A, %broadcast_in_dim3A_329 : vector<16xi1>, vector<16xf32>
      %jit3A_331 = arith.constant 1.000000e+09 : f32
      %broadcast_in_dim3A_332 = vector.broadcast %jit3A_331 : f32 to vector<16xf32>
      %select_n3A_333 = arith.select %le3A_327, %broadcast_in_dim3A_332, %gather3A : vector<16xi1>, vector<16xf32>
      %select_n3A_334 = arith.select %le3A_327, %gather3A_29, %gather3A_26 : vector<16xi1>, vector<16xf32>
      %le3A_335 = arith.cmpf ole, %select_n3A_334, %get3A_326 : vector<16xf32>
      %select_n3A_336 = arith.select %le3A_335, %select_n3A_334, %select_n3A_330 : vector<16xi1>, vector<16xf32>
      %select_n3A_337 = arith.select %le3A_335, %select_n3A_333, %select_n3A_334 : vector<16xi1>, vector<16xf32>
      %select_n3A_338 = arith.select %le3A_335, %gather3A_41, %gather3A_38 : vector<16xi1>, vector<16xf32>
      %select_n3A_339 = arith.select %le3A_335, %gather3A_35, %gather3A_32 : vector<16xi1>, vector<16xf32>
      %select_n3A_340 = arith.select %le3A_327, %select_n3A_338, %select_n3A_339 : vector<16xi1>, vector<16xf32>
      %le3A_341 = arith.cmpf ole, %select_n3A_340, %get3A_326 : vector<16xf32>
      %select_n3A_342 = arith.select %le3A_341, %select_n3A_340, %select_n3A_336 : vector<16xi1>, vector<16xf32>
      %select_n3A_343 = arith.select %le3A_341, %select_n3A_337, %select_n3A_340 : vector<16xi1>, vector<16xf32>
      %select_n3A_344 = arith.select %le3A_341, %gather3A_65, %gather3A_62 : vector<16xi1>, vector<16xf32>
      %select_n3A_345 = arith.select %le3A_341, %gather3A_59, %gather3A_56 : vector<16xi1>, vector<16xf32>
      %select_n3A_346 = arith.select %le3A_335, %select_n3A_344, %select_n3A_345 : vector<16xi1>, vector<16xf32>
      %select_n3A_347 = arith.select %le3A_341, %gather3A_53, %gather3A_50 : vector<16xi1>, vector<16xf32>
      %select_n3A_348 = arith.select %le3A_341, %gather3A_47, %gather3A_44 : vector<16xi1>, vector<16xf32>
      %select_n3A_349 = arith.select %le3A_335, %select_n3A_347, %select_n3A_348 : vector<16xi1>, vector<16xf32>
      %select_n3A_350 = arith.select %le3A_327, %select_n3A_346, %select_n3A_349 : vector<16xi1>, vector<16xf32>
      %le3A_351 = arith.cmpf ole, %select_n3A_350, %get3A_326 : vector<16xf32>
      %select_n3A_352 = arith.select %le3A_351, %select_n3A_350, %select_n3A_342 : vector<16xi1>, vector<16xf32>
      %select_n3A_353 = arith.select %le3A_351, %select_n3A_343, %select_n3A_350 : vector<16xi1>, vector<16xf32>
      %jit3A_354 = arith.constant 256 : i32
      %jit3A_355 = arith.constant 0 : i32
      %broadcast_in_dim3A_356 = vector.broadcast %jit3A_354 : i32 to vector<16xi32>
      %broadcast_in_dim3A_357 = vector.broadcast %jit3A_355 : i32 to vector<16xi32>
      %select_n3A_358 = arith.select %le3A_327, %broadcast_in_dim3A_356, %broadcast_in_dim3A_357 : vector<16xi1>, vector<16xi32>
      %jit3A_359 = arith.constant 128 : i32
      %jit3A_360 = arith.constant 0 : i32
      %broadcast_in_dim3A_361 = vector.broadcast %jit3A_359 : i32 to vector<16xi32>
      %broadcast_in_dim3A_362 = vector.broadcast %jit3A_360 : i32 to vector<16xi32>
      %select_n3A_363 = arith.select %le3A_335, %broadcast_in_dim3A_361, %broadcast_in_dim3A_362 : vector<16xi1>, vector<16xi32>
      %add3A_364 = arith.addi %select_n3A_358, %select_n3A_363 : vector<16xi32>
      %jit3A_365 = arith.constant 64 : i32
      %jit3A_366 = arith.constant 0 : i32
      %broadcast_in_dim3A_367 = vector.broadcast %jit3A_365 : i32 to vector<16xi32>
      %broadcast_in_dim3A_368 = vector.broadcast %jit3A_366 : i32 to vector<16xi32>
      %select_n3A_369 = arith.select %le3A_341, %broadcast_in_dim3A_367, %broadcast_in_dim3A_368 : vector<16xi1>, vector<16xi32>
      %add3A_370 = arith.addi %add3A_364, %select_n3A_369 : vector<16xi32>
      %jit3A_371 = arith.constant 32 : i32
      %jit3A_372 = arith.constant 0 : i32
      %broadcast_in_dim3A_373 = vector.broadcast %jit3A_371 : i32 to vector<16xi32>
      %broadcast_in_dim3A_374 = vector.broadcast %jit3A_372 : i32 to vector<16xi32>
      %select_n3A_375 = arith.select %le3A_351, %broadcast_in_dim3A_373, %broadcast_in_dim3A_374 : vector<16xi1>, vector<16xi32>
      %add3A_376 = arith.addi %add3A_370, %select_n3A_375 : vector<16xi32>
      %add3A_377 = arith.constant 16 : i32
      %add3A_378 = vector.broadcast %add3A_377 : i32 to vector<16xi32>
      %add3A_379 = arith.addi %add3A_376, %add3A_378 : vector<16xi32>
      %gather3A_380 = tpu.vector_load_idx %arg6[%add3A_379] : memref<512xf32, #tpu.memory_space<vmem>>[vector<16xi32>], vector<16xf32>,
      %le3A_381 = arith.cmpf ole, %gather3A_380, %get3A_326 : vector<16xf32>
      %select_n3A_382 = arith.select %le3A_381, %add3A_379, %add3A_376 : vector<16xi1>, vector<16xi32>
      %select_n3A_383 = arith.select %le3A_381, %gather3A_380, %select_n3A_352 : vector<16xi1>, vector<16xf32>
      %select_n3A_384 = arith.select %le3A_381, %select_n3A_353, %gather3A_380 : vector<16xi1>, vector<16xf32>
      %add3A_385 = arith.constant 8 : i32
      %add3A_386 = vector.broadcast %add3A_385 : i32 to vector<16xi32>
      %add3A_387 = arith.addi %select_n3A_382, %add3A_386 : vector<16xi32>
      %gather3A_388 = tpu.vector_load_idx %arg6[%add3A_387] : memref<512xf32, #tpu.memory_space<vmem>>[vector<16xi32>], vector<16xf32>,
      %le3A_389 = arith.cmpf ole, %gather3A_388, %get3A_326 : vector<16xf32>
      %select_n3A_390 = arith.select %le3A_389, %add3A_387, %select_n3A_382 : vector<16xi1>, vector<16xi32>
      %select_n3A_391 = arith.select %le3A_389, %gather3A_388, %select_n3A_383 : vector<16xi1>, vector<16xf32>
      %select_n3A_392 = arith.select %le3A_389, %select_n3A_384, %gather3A_388 : vector<16xi1>, vector<16xf32>
      %add3A_393 = arith.constant 4 : i32
      %add3A_394 = vector.broadcast %add3A_393 : i32 to vector<16xi32>
      %add3A_395 = arith.addi %select_n3A_390, %add3A_394 : vector<16xi32>
      %gather3A_396 = tpu.vector_load_idx %arg6[%add3A_395] : memref<512xf32, #tpu.memory_space<vmem>>[vector<16xi32>], vector<16xf32>,
      %le3A_397 = arith.cmpf ole, %gather3A_396, %get3A_326 : vector<16xf32>
      %select_n3A_398 = arith.select %le3A_397, %add3A_395, %select_n3A_390 : vector<16xi1>, vector<16xi32>
      %select_n3A_399 = arith.select %le3A_397, %gather3A_396, %select_n3A_391 : vector<16xi1>, vector<16xf32>
      %select_n3A_400 = arith.select %le3A_397, %select_n3A_392, %gather3A_396 : vector<16xi1>, vector<16xf32>
      %add3A_401 = arith.constant 2 : i32
      %add3A_402 = vector.broadcast %add3A_401 : i32 to vector<16xi32>
      %add3A_403 = arith.addi %select_n3A_398, %add3A_402 : vector<16xi32>
      %gather3A_404 = tpu.vector_load_idx %arg6[%add3A_403] : memref<512xf32, #tpu.memory_space<vmem>>[vector<16xi32>], vector<16xf32>,
      %le3A_405 = arith.cmpf ole, %gather3A_404, %get3A_326 : vector<16xf32>
      %select_n3A_406 = arith.select %le3A_405, %add3A_403, %select_n3A_398 : vector<16xi1>, vector<16xi32>
      %select_n3A_407 = arith.select %le3A_405, %gather3A_404, %select_n3A_399 : vector<16xi1>, vector<16xf32>
      %select_n3A_408 = arith.select %le3A_405, %select_n3A_400, %gather3A_404 : vector<16xi1>, vector<16xf32>
      %add3A_409 = arith.constant 1 : i32
      %add3A_410 = vector.broadcast %add3A_409 : i32 to vector<16xi32>
      %add3A_411 = arith.addi %select_n3A_406, %add3A_410 : vector<16xi32>
      %gather3A_412 = tpu.vector_load_idx %arg6[%add3A_411] : memref<512xf32, #tpu.memory_space<vmem>>[vector<16xi32>], vector<16xf32>,
      %le3A_413 = arith.cmpf ole, %gather3A_412, %get3A_326 : vector<16xf32>
      %select_n3A_414 = arith.select %le3A_413, %add3A_411, %select_n3A_406 : vector<16xi1>, vector<16xi32>
      %select_n3A_415 = arith.select %le3A_413, %gather3A_412, %select_n3A_407 : vector<16xi1>, vector<16xf32>
      %select_n3A_416 = arith.select %le3A_413, %select_n3A_408, %gather3A_412 : vector<16xi1>, vector<16xf32>
      %sub3A_417 = arith.subf %get3A_326, %select_n3A_415 : vector<16xf32>
      %sub3A_418 = arith.subf %select_n3A_416, %get3A_326 : vector<16xf32>
      %min3A_419 = arith.minimumf %sub3A_417, %sub3A_418 : vector<16xf32>
      %ge3A_420 = arith.constant 1.000000e-03 : f32
      %ge3A_421 = vector.broadcast %ge3A_420 : f32 to vector<16xf32>
      %ge3A_422 = arith.cmpf oge, %get3A_326, %ge3A_421 : vector<16xf32>
      %mul3A_423 = arith.mulf %min3A_419, %min3A_419 : vector<16xf32>
      %jit3A_424 = arith.constant 0.000000e+00 : f32
      %broadcast_in_dim3A_425 = vector.broadcast %jit3A_424 : f32 to vector<16xf32>
      %select_n3A_426 = arith.select %ge3A_422, %mul3A_423, %broadcast_in_dim3A_425 : vector<16xi1>, vector<16xf32>
      %add3A_427 = arith.addf %scan3A_87, %select_n3A_426 : vector<16xf32>
      %jit3A_428 = arith.constant 1.000000e+00 : f32
      %jit3A_429 = arith.constant 0.000000e+00 : f32
      %broadcast_in_dim3A_430 = vector.broadcast %jit3A_428 : f32 to vector<16xf32>
      %broadcast_in_dim3A_431 = vector.broadcast %jit3A_429 : f32 to vector<16xf32>
      %select_n3A_432 = arith.select %ge3A_422, %broadcast_in_dim3A_430, %broadcast_in_dim3A_431 : vector<16xi1>, vector<16xf32>
      %add3A_433 = arith.addf %scan3A_91, %select_n3A_432 : vector<16xf32>
      %mul3A_434 = arith.constant 4 : i32
      %mul3A_435 = arith.muli %scan3A_84, %mul3A_434 : i32
      %add3A_436 = arith.constant 3 : i32
      %add3A_437 = arith.addi %mul3A_435, %add3A_436 : i32
      %mul3A_438 = arith.constant 16 : i32
      %mul3A_439 = arith.muli %add3A_437, %mul3A_438 : i32
      %get3A_440 = arith.index_cast %mul3A_439 : i32 to index
      %get3A_441 = tpu.vector_load %arg5[%get3A_440] {strides = array<i32>} : memref<4800xf32, #tpu.memory_space<vmem>>, vector<16xf32>,
      %le3A_442 = arith.cmpf ole, %gather3A, %get3A_441 : vector<16xf32>
      %jit3A_443 = arith.constant -1.000000e+09 : f32
      %broadcast_in_dim3A_444 = vector.broadcast %jit3A_443 : f32 to vector<16xf32>
      %select_n3A_445 = arith.select %le3A_442, %gather3A, %broadcast_in_dim3A_444 : vector<16xi1>, vector<16xf32>
      %jit3A_446 = arith.constant 1.000000e+09 : f32
      %broadcast_in_dim3A_447 = vector.broadcast %jit3A_446 : f32 to vector<16xf32>
      %select_n3A_448 = arith.select %le3A_442, %broadcast_in_dim3A_447, %gather3A : vector<16xi1>, vector<16xf32>
      %select_n3A_449 = arith.select %le3A_442, %gather3A_29, %gather3A_26 : vector<16xi1>, vector<16xf32>
      %le3A_450 = arith.cmpf ole, %select_n3A_449, %get3A_441 : vector<16xf32>
      %select_n3A_451 = arith.select %le3A_450, %select_n3A_449, %select_n3A_445 : vector<16xi1>, vector<16xf32>
      %select_n3A_452 = arith.select %le3A_450, %select_n3A_448, %select_n3A_449 : vector<16xi1>, vector<16xf32>
      %select_n3A_453 = arith.select %le3A_450, %gather3A_41, %gather3A_38 : vector<16xi1>, vector<16xf32>
      %select_n3A_454 = arith.select %le3A_450, %gather3A_35, %gather3A_32 : vector<16xi1>, vector<16xf32>
      %select_n3A_455 = arith.select %le3A_442, %select_n3A_453, %select_n3A_454 : vector<16xi1>, vector<16xf32>
      %le3A_456 = arith.cmpf ole, %select_n3A_455, %get3A_441 : vector<16xf32>
      %select_n3A_457 = arith.select %le3A_456, %select_n3A_455, %select_n3A_451 : vector<16xi1>, vector<16xf32>
      %select_n3A_458 = arith.select %le3A_456, %select_n3A_452, %select_n3A_455 : vector<16xi1>, vector<16xf32>
      %select_n3A_459 = arith.select %le3A_456, %gather3A_65, %gather3A_62 : vector<16xi1>, vector<16xf32>
      %select_n3A_460 = arith.select %le3A_456, %gather3A_59, %gather3A_56 : vector<16xi1>, vector<16xf32>
      %select_n3A_461 = arith.select %le3A_450, %select_n3A_459, %select_n3A_460 : vector<16xi1>, vector<16xf32>
      %select_n3A_462 = arith.select %le3A_456, %gather3A_53, %gather3A_50 : vector<16xi1>, vector<16xf32>
      %select_n3A_463 = arith.select %le3A_456, %gather3A_47, %gather3A_44 : vector<16xi1>, vector<16xf32>
      %select_n3A_464 = arith.select %le3A_450, %select_n3A_462, %select_n3A_463 : vector<16xi1>, vector<16xf32>
      %select_n3A_465 = arith.select %le3A_442, %select_n3A_461, %select_n3A_464 : vector<16xi1>, vector<16xf32>
      %le3A_466 = arith.cmpf ole, %select_n3A_465, %get3A_441 : vector<16xf32>
      %select_n3A_467 = arith.select %le3A_466, %select_n3A_465, %select_n3A_457 : vector<16xi1>, vector<16xf32>
      %select_n3A_468 = arith.select %le3A_466, %select_n3A_458, %select_n3A_465 : vector<16xi1>, vector<16xf32>
      %jit3A_469 = arith.constant 256 : i32
      %jit3A_470 = arith.constant 0 : i32
      %broadcast_in_dim3A_471 = vector.broadcast %jit3A_469 : i32 to vector<16xi32>
      %broadcast_in_dim3A_472 = vector.broadcast %jit3A_470 : i32 to vector<16xi32>
      %select_n3A_473 = arith.select %le3A_442, %broadcast_in_dim3A_471, %broadcast_in_dim3A_472 : vector<16xi1>, vector<16xi32>
      %jit3A_474 = arith.constant 128 : i32
      %jit3A_475 = arith.constant 0 : i32
      %broadcast_in_dim3A_476 = vector.broadcast %jit3A_474 : i32 to vector<16xi32>
      %broadcast_in_dim3A_477 = vector.broadcast %jit3A_475 : i32 to vector<16xi32>
      %select_n3A_478 = arith.select %le3A_450, %broadcast_in_dim3A_476, %broadcast_in_dim3A_477 : vector<16xi1>, vector<16xi32>
      %add3A_479 = arith.addi %select_n3A_473, %select_n3A_478 : vector<16xi32>
      %jit3A_480 = arith.constant 64 : i32
      %jit3A_481 = arith.constant 0 : i32
      %broadcast_in_dim3A_482 = vector.broadcast %jit3A_480 : i32 to vector<16xi32>
      %broadcast_in_dim3A_483 = vector.broadcast %jit3A_481 : i32 to vector<16xi32>
      %select_n3A_484 = arith.select %le3A_456, %broadcast_in_dim3A_482, %broadcast_in_dim3A_483 : vector<16xi1>, vector<16xi32>
      %add3A_485 = arith.addi %add3A_479, %select_n3A_484 : vector<16xi32>
      %jit3A_486 = arith.constant 32 : i32
      %jit3A_487 = arith.constant 0 : i32
      %broadcast_in_dim3A_488 = vector.broadcast %jit3A_486 : i32 to vector<16xi32>
      %broadcast_in_dim3A_489 = vector.broadcast %jit3A_487 : i32 to vector<16xi32>
      %select_n3A_490 = arith.select %le3A_466, %broadcast_in_dim3A_488, %broadcast_in_dim3A_489 : vector<16xi1>, vector<16xi32>
      %add3A_491 = arith.addi %add3A_485, %select_n3A_490 : vector<16xi32>
      %add3A_492 = arith.constant 16 : i32
      %add3A_493 = vector.broadcast %add3A_492 : i32 to vector<16xi32>
      %add3A_494 = arith.addi %add3A_491, %add3A_493 : vector<16xi32>
      %gather3A_495 = tpu.vector_load_idx %arg6[%add3A_494] : memref<512xf32, #tpu.memory_space<vmem>>[vector<16xi32>], vector<16xf32>,
      %le3A_496 = arith.cmpf ole, %gather3A_495, %get3A_441 : vector<16xf32>
      %select_n3A_497 = arith.select %le3A_496, %add3A_494, %add3A_491 : vector<16xi1>, vector<16xi32>
      %select_n3A_498 = arith.select %le3A_496, %gather3A_495, %select_n3A_467 : vector<16xi1>, vector<16xf32>
      %select_n3A_499 = arith.select %le3A_496, %select_n3A_468, %gather3A_495 : vector<16xi1>, vector<16xf32>
      %add3A_500 = arith.constant 8 : i32
      %add3A_501 = vector.broadcast %add3A_500 : i32 to vector<16xi32>
      %add3A_502 = arith.addi %select_n3A_497, %add3A_501 : vector<16xi32>
      %gather3A_503 = tpu.vector_load_idx %arg6[%add3A_502] : memref<512xf32, #tpu.memory_space<vmem>>[vector<16xi32>], vector<16xf32>,
      %le3A_504 = arith.cmpf ole, %gather3A_503, %get3A_441 : vector<16xf32>
      %select_n3A_505 = arith.select %le3A_504, %add3A_502, %select_n3A_497 : vector<16xi1>, vector<16xi32>
      %select_n3A_506 = arith.select %le3A_504, %gather3A_503, %select_n3A_498 : vector<16xi1>, vector<16xf32>
      %select_n3A_507 = arith.select %le3A_504, %select_n3A_499, %gather3A_503 : vector<16xi1>, vector<16xf32>
      %add3A_508 = arith.constant 4 : i32
      %add3A_509 = vector.broadcast %add3A_508 : i32 to vector<16xi32>
      %add3A_510 = arith.addi %select_n3A_505, %add3A_509 : vector<16xi32>
      %gather3A_511 = tpu.vector_load_idx %arg6[%add3A_510] : memref<512xf32, #tpu.memory_space<vmem>>[vector<16xi32>], vector<16xf32>,
      %le3A_512 = arith.cmpf ole, %gather3A_511, %get3A_441 : vector<16xf32>
      %select_n3A_513 = arith.select %le3A_512, %add3A_510, %select_n3A_505 : vector<16xi1>, vector<16xi32>
      %select_n3A_514 = arith.select %le3A_512, %gather3A_511, %select_n3A_506 : vector<16xi1>, vector<16xf32>
      %select_n3A_515 = arith.select %le3A_512, %select_n3A_507, %gather3A_511 : vector<16xi1>, vector<16xf32>
      %add3A_516 = arith.constant 2 : i32
      %add3A_517 = vector.broadcast %add3A_516 : i32 to vector<16xi32>
      %add3A_518 = arith.addi %select_n3A_513, %add3A_517 : vector<16xi32>
      %gather3A_519 = tpu.vector_load_idx %arg6[%add3A_518] : memref<512xf32, #tpu.memory_space<vmem>>[vector<16xi32>], vector<16xf32>,
      %le3A_520 = arith.cmpf ole, %gather3A_519, %get3A_441 : vector<16xf32>
      %select_n3A_521 = arith.select %le3A_520, %add3A_518, %select_n3A_513 : vector<16xi1>, vector<16xi32>
      %select_n3A_522 = arith.select %le3A_520, %gather3A_519, %select_n3A_514 : vector<16xi1>, vector<16xf32>
      %select_n3A_523 = arith.select %le3A_520, %select_n3A_515, %gather3A_519 : vector<16xi1>, vector<16xf32>
      %add3A_524 = arith.constant 1 : i32
      %add3A_525 = vector.broadcast %add3A_524 : i32 to vector<16xi32>
      %add3A_526 = arith.addi %select_n3A_521, %add3A_525 : vector<16xi32>
      %gather3A_527 = tpu.vector_load_idx %arg6[%add3A_526] : memref<512xf32, #tpu.memory_space<vmem>>[vector<16xi32>], vector<16xf32>,
      %le3A_528 = arith.cmpf ole, %gather3A_527, %get3A_441 : vector<16xf32>
      %select_n3A_529 = arith.select %le3A_528, %add3A_526, %select_n3A_521 : vector<16xi1>, vector<16xi32>
      %select_n3A_530 = arith.select %le3A_528, %gather3A_527, %select_n3A_522 : vector<16xi1>, vector<16xf32>
      %select_n3A_531 = arith.select %le3A_528, %select_n3A_523, %gather3A_527 : vector<16xi1>, vector<16xf32>
      %sub3A_532 = arith.subf %get3A_441, %select_n3A_530 : vector<16xf32>
      %sub3A_533 = arith.subf %select_n3A_531, %get3A_441 : vector<16xf32>
      %min3A_534 = arith.minimumf %sub3A_532, %sub3A_533 : vector<16xf32>
      %ge3A_535 = arith.constant 1.000000e-03 : f32
      %ge3A_536 = vector.broadcast %ge3A_535 : f32 to vector<16xf32>
      %ge3A_537 = arith.cmpf oge, %get3A_441, %ge3A_536 : vector<16xf32>
      %mul3A_538 = arith.mulf %min3A_534, %min3A_534 : vector<16xf32>
      %jit3A_539 = arith.constant 0.000000e+00 : f32
      %broadcast_in_dim3A_540 = vector.broadcast %jit3A_539 : f32 to vector<16xf32>
      %select_n3A_541 = arith.select %ge3A_537, %mul3A_538, %broadcast_in_dim3A_540 : vector<16xi1>, vector<16xf32>
      %add3A_542 = arith.addf %scan3A_88, %select_n3A_541 : vector<16xf32>
      %jit3A_543 = arith.constant 1.000000e+00 : f32
      %jit3A_544 = arith.constant 0.000000e+00 : f32
      %broadcast_in_dim3A_545 = vector.broadcast %jit3A_543 : f32 to vector<16xf32>
      %broadcast_in_dim3A_546 = vector.broadcast %jit3A_544 : f32 to vector<16xf32>
      %select_n3A_547 = arith.select %ge3A_537, %broadcast_in_dim3A_545, %broadcast_in_dim3A_546 : vector<16xi1>, vector<16xf32>
      %add3A_548 = arith.addf %scan3A_92, %select_n3A_547 : vector<16xf32>
      scf.yield %add3A_197, %add3A_312, %add3A_427, %add3A_542, %add3A_203, %add3A_318, %add3A_433, %add3A_548 : vector<16xf32>, vector<16xf32>, vector<16xf32>, vector<16xf32>, vector<16xf32>, vector<16xf32>, vector<16xf32>, vector<16xf32>
    }
    %scan3A_70 = arith.constant 75 : i32
    %add3A_71 = arith.addf %broadcast_in_dim3A_21, %scan3A_69#0 : vector<16xf32>
    %add3A_72 = arith.addf %broadcast_in_dim3A_21, %scan3A_69#4 : vector<16xf32>
    %add3A_73 = arith.addf %add3A_71, %scan3A_69#1 : vector<16xf32>
    %add3A_74 = arith.addf %add3A_72, %scan3A_69#5 : vector<16xf32>
    %add3A_75 = arith.addf %add3A_73, %scan3A_69#2 : vector<16xf32>
    %add3A_76 = arith.addf %add3A_74, %scan3A_69#6 : vector<16xf32>
    %add3A_77 = arith.addf %add3A_75, %scan3A_69#3 : vector<16xf32>
    %add3A_78 = arith.addf %add3A_76, %scan3A_69#7 : vector<16xf32>
    %swap3A = arith.constant 0 : index
    %swap3A_79 = tpu.vector_load %arg7[%swap3A] {strides = array<i32>} : memref<32xf32, #tpu.memory_space<vmem>>, vector<16xf32>,
    tpu.vector_store %arg7[%swap3A], %add3A_77 {strides = array<i32>} : memref<32xf32, #tpu.memory_space<vmem>>, vector<16xf32>,
    %swap3A_80 = arith.constant 16 : index
    %swap3A_81 = tpu.vector_load %arg7[%swap3A_80] {strides = array<i32>} : memref<32xf32, #tpu.memory_space<vmem>>, vector<16xf32>,
    tpu.vector_store %arg7[%swap3A_80], %add3A_78 {strides = array<i32>} : memref<32xf32, #tpu.memory_space<vmem>>, vector<16xf32>,
    %mul3A_82 = arith.constant 32 : i32
    %mul3A_83 = arith.muli %add3A, %mul3A_82 : i32
    "tpu.region"() ({
      %run_scoped3A = tpu.sem_alloc : memref<!tpu.dma_semaphore, #tpu.memory_space<semaphore_mem>>
      %dma_start3A = tpu.memref_slice %arg4[%mul3A_83] : memref<1024xf32, #tpu.memory_space<hbm>> -> memref<32xf32, #tpu.memory_space<hbm>>
      %dma_start3A_84 = tpu.memref_slice %arg4[%mul3A_83] : memref<1024xf32, #tpu.memory_space<hbm>> -> memref<32xf32, #tpu.memory_space<hbm>>
      tpu.enqueue_dma source(%arg7 : memref<32xf32, #tpu.memory_space<vmem>>) target(%dma_start3A_84 : memref<32xf32, #tpu.memory_space<hbm>>) target_semaphore(%run_scoped3A : memref<!tpu.dma_semaphore, #tpu.memory_space<semaphore_mem>>)
      %dma_wait3A = tpu.memref_slice %arg4[%mul3A_83] : memref<1024xf32, #tpu.memory_space<hbm>> -> memref<32xf32, #tpu.memory_space<hbm>>
      %dma_wait3A_85 = tpu.memref_slice %arg4[%mul3A_83] : memref<1024xf32, #tpu.memory_space<hbm>> -> memref<32xf32, #tpu.memory_space<hbm>>
      tpu.wait_dma2 semaphore(%run_scoped3A : memref<!tpu.dma_semaphore, #tpu.memory_space<semaphore_mem>>) src(%arg7 : memref<32xf32, #tpu.memory_space<vmem>>) dst(%dma_wait3A_85 : memref<32xf32, #tpu.memory_space<hbm>>)
      tpu.yield
    }) : () -> ()
    return
  }
}

module attributes {stable_mosaic.version = 14 : i64} {
  func.func @_chamx_body(%arg0: i32, %arg1: memref<1x256x1xf32, #tpu.memory_space<vmem>>, %arg2: memref<1x1x19200xf32, #tpu.memory_space<vmem>>, %arg3: memref<1x1x128xf32, #tpu.memory_space<vmem>>) attributes {dimension_semantics = [#tpu.dimension_semantics<arbitrary>], iteration_bounds = array<i64: 8>, scalar_prefetch = 0 : i64, scratch_operands = 0 : i64, tpu.core_type = #tpu.core_type<tc>, window_params = [{transform_indices = @transform_0, window_bounds = array<i64: 1, 256, 1>}, {transform_indices = @transform_1, window_bounds = array<i64: 1, 1, 19200>}, {transform_indices = @transform_2, window_bounds = array<i64: 1, 1, 128>}]} {
    %get3A = arith.constant 0 : index
    %get3A_0 = arith.constant 0 : index
    %get3A_1 = arith.constant 0 : index
    %get3A_2 = vector.load %arg1[%get3A, %get3A_0, %get3A_1] : memref<1x256x1xf32, #tpu.memory_space<vmem>>, vector<1x256x1xf32>
    %get3A_3 = vector.shape_cast %get3A_2 : vector<1x256x1xf32> to vector<256x1xf32>
    %slice3A = vector.extract_strided_slice %get3A_3 {offsets = [0, 0], sizes = [128, 1], strides = [1, 1]} : vector<256x1xf32> to vector<128x1xf32>
    %get3A_4 = arith.constant 0 : index
    %get3A_5 = arith.constant 0 : index
    %get3A_6 = arith.constant 0 : index
    %get3A_7 = vector.load %arg2[%get3A_4, %get3A_5, %get3A_6] : memref<1x1x19200xf32, #tpu.memory_space<vmem>>, vector<1x1x128xf32>
    %get3A_8 = vector.shape_cast %get3A_7 : vector<1x1x128xf32> to vector<1x128xf32>
    %ge3A = arith.constant 1.000000e-03 : f32
    %ge3A_9 = vector.broadcast %ge3A : f32 to vector<1x128xf32>
    %ge3A_10 = arith.cmpf oge, %get3A_8, %ge3A_9 : vector<1x128xf32>
    %jit3A = arith.constant 1.000000e+09 : f32
    %broadcast_in_dim3A = vector.broadcast %jit3A : f32 to vector<1x128xf32>
    %select_n3A = arith.select %ge3A_10, %get3A_8, %broadcast_in_dim3A : vector<1x128xi1>, vector<1x128xf32>
    %sub3A = vector.broadcast %slice3A : vector<128x1xf32> to vector<128x128xf32>
    %sub3A_11 = vector.broadcast %select_n3A : vector<1x128xf32> to vector<128x128xf32>
    %sub3A_12 = arith.subf %sub3A, %sub3A_11 : vector<128x128xf32>
    %integer_pow3A = arith.mulf %sub3A_12, %sub3A_12 : vector<128x128xf32>
    %get3A_13 = arith.constant 0 : index
    %get3A_14 = arith.constant 0 : index
    %get3A_15 = arith.constant 128 : index
    %get3A_16 = vector.load %arg2[%get3A_13, %get3A_14, %get3A_15] : memref<1x1x19200xf32, #tpu.memory_space<vmem>>, vector<1x1x128xf32>
    %get3A_17 = vector.shape_cast %get3A_16 : vector<1x1x128xf32> to vector<1x128xf32>
    %ge3A_18 = arith.constant 1.000000e-03 : f32
    %ge3A_19 = vector.broadcast %ge3A_18 : f32 to vector<1x128xf32>
    %ge3A_20 = arith.cmpf oge, %get3A_17, %ge3A_19 : vector<1x128xf32>
    %jit3A_21 = arith.constant 1.000000e+09 : f32
    %broadcast_in_dim3A_22 = vector.broadcast %jit3A_21 : f32 to vector<1x128xf32>
    %select_n3A_23 = arith.select %ge3A_20, %get3A_17, %broadcast_in_dim3A_22 : vector<1x128xi1>, vector<1x128xf32>
    %sub3A_24 = vector.broadcast %slice3A : vector<128x1xf32> to vector<128x128xf32>
    %sub3A_25 = vector.broadcast %select_n3A_23 : vector<1x128xf32> to vector<128x128xf32>
    %sub3A_26 = arith.subf %sub3A_24, %sub3A_25 : vector<128x128xf32>
    %integer_pow3A_27 = arith.mulf %sub3A_26, %sub3A_26 : vector<128x128xf32>
    %min3A = arith.minimumf %integer_pow3A, %integer_pow3A_27 : vector<128x128xf32>
    %get3A_28 = arith.constant 0 : index
    %get3A_29 = arith.constant 0 : index
    %get3A_30 = arith.constant 256 : index
    %get3A_31 = vector.load %arg2[%get3A_28, %get3A_29, %get3A_30] : memref<1x1x19200xf32, #tpu.memory_space<vmem>>, vector<1x1x128xf32>
    %get3A_32 = vector.shape_cast %get3A_31 : vector<1x1x128xf32> to vector<1x128xf32>
    %ge3A_33 = arith.constant 1.000000e-03 : f32
    %ge3A_34 = vector.broadcast %ge3A_33 : f32 to vector<1x128xf32>
    %ge3A_35 = arith.cmpf oge, %get3A_32, %ge3A_34 : vector<1x128xf32>
    %jit3A_36 = arith.constant 1.000000e+09 : f32
    %broadcast_in_dim3A_37 = vector.broadcast %jit3A_36 : f32 to vector<1x128xf32>
    %select_n3A_38 = arith.select %ge3A_35, %get3A_32, %broadcast_in_dim3A_37 : vector<1x128xi1>, vector<1x128xf32>
    %sub3A_39 = vector.broadcast %slice3A : vector<128x1xf32> to vector<128x128xf32>
    %sub3A_40 = vector.broadcast %select_n3A_38 : vector<1x128xf32> to vector<128x128xf32>
    %sub3A_41 = arith.subf %sub3A_39, %sub3A_40 : vector<128x128xf32>
    %integer_pow3A_42 = arith.mulf %sub3A_41, %sub3A_41 : vector<128x128xf32>
    %min3A_43 = arith.minimumf %min3A, %integer_pow3A_42 : vector<128x128xf32>
    %get3A_44 = arith.constant 0 : index
    %get3A_45 = arith.constant 0 : index
    %get3A_46 = arith.constant 384 : index
    %get3A_47 = vector.load %arg2[%get3A_44, %get3A_45, %get3A_46] : memref<1x1x19200xf32, #tpu.memory_space<vmem>>, vector<1x1x128xf32>
    %get3A_48 = vector.shape_cast %get3A_47 : vector<1x1x128xf32> to vector<1x128xf32>
    %ge3A_49 = arith.constant 1.000000e-03 : f32
    %ge3A_50 = vector.broadcast %ge3A_49 : f32 to vector<1x128xf32>
    %ge3A_51 = arith.cmpf oge, %get3A_48, %ge3A_50 : vector<1x128xf32>
    %jit3A_52 = arith.constant 1.000000e+09 : f32
    %broadcast_in_dim3A_53 = vector.broadcast %jit3A_52 : f32 to vector<1x128xf32>
    %select_n3A_54 = arith.select %ge3A_51, %get3A_48, %broadcast_in_dim3A_53 : vector<1x128xi1>, vector<1x128xf32>
    %sub3A_55 = vector.broadcast %slice3A : vector<128x1xf32> to vector<128x128xf32>
    %sub3A_56 = vector.broadcast %select_n3A_54 : vector<1x128xf32> to vector<128x128xf32>
    %sub3A_57 = arith.subf %sub3A_55, %sub3A_56 : vector<128x128xf32>
    %integer_pow3A_58 = arith.mulf %sub3A_57, %sub3A_57 : vector<128x128xf32>
    %min3A_59 = arith.minimumf %min3A_43, %integer_pow3A_58 : vector<128x128xf32>
    %get3A_60 = arith.constant 0 : index
    %get3A_61 = arith.constant 0 : index
    %get3A_62 = arith.constant 512 : index
    %get3A_63 = vector.load %arg2[%get3A_60, %get3A_61, %get3A_62] : memref<1x1x19200xf32, #tpu.memory_space<vmem>>, vector<1x1x128xf32>
    %get3A_64 = vector.shape_cast %get3A_63 : vector<1x1x128xf32> to vector<1x128xf32>
    %ge3A_65 = arith.constant 1.000000e-03 : f32
    %ge3A_66 = vector.broadcast %ge3A_65 : f32 to vector<1x128xf32>
    %ge3A_67 = arith.cmpf oge, %get3A_64, %ge3A_66 : vector<1x128xf32>
    %jit3A_68 = arith.constant 1.000000e+09 : f32
    %broadcast_in_dim3A_69 = vector.broadcast %jit3A_68 : f32 to vector<1x128xf32>
    %select_n3A_70 = arith.select %ge3A_67, %get3A_64, %broadcast_in_dim3A_69 : vector<1x128xi1>, vector<1x128xf32>
    %sub3A_71 = vector.broadcast %slice3A : vector<128x1xf32> to vector<128x128xf32>
    %sub3A_72 = vector.broadcast %select_n3A_70 : vector<1x128xf32> to vector<128x128xf32>
    %sub3A_73 = arith.subf %sub3A_71, %sub3A_72 : vector<128x128xf32>
    %integer_pow3A_74 = arith.mulf %sub3A_73, %sub3A_73 : vector<128x128xf32>
    %min3A_75 = arith.minimumf %min3A_59, %integer_pow3A_74 : vector<128x128xf32>
    %get3A_76 = arith.constant 0 : index
    %get3A_77 = arith.constant 0 : index
    %get3A_78 = arith.constant 640 : index
    %get3A_79 = vector.load %arg2[%get3A_76, %get3A_77, %get3A_78] : memref<1x1x19200xf32, #tpu.memory_space<vmem>>, vector<1x1x128xf32>
    %get3A_80 = vector.shape_cast %get3A_79 : vector<1x1x128xf32> to vector<1x128xf32>
    %ge3A_81 = arith.constant 1.000000e-03 : f32
    %ge3A_82 = vector.broadcast %ge3A_81 : f32 to vector<1x128xf32>
    %ge3A_83 = arith.cmpf oge, %get3A_80, %ge3A_82 : vector<1x128xf32>
    %jit3A_84 = arith.constant 1.000000e+09 : f32
    %broadcast_in_dim3A_85 = vector.broadcast %jit3A_84 : f32 to vector<1x128xf32>
    %select_n3A_86 = arith.select %ge3A_83, %get3A_80, %broadcast_in_dim3A_85 : vector<1x128xi1>, vector<1x128xf32>
    %sub3A_87 = vector.broadcast %slice3A : vector<128x1xf32> to vector<128x128xf32>
    %sub3A_88 = vector.broadcast %select_n3A_86 : vector<1x128xf32> to vector<128x128xf32>
    %sub3A_89 = arith.subf %sub3A_87, %sub3A_88 : vector<128x128xf32>
    %integer_pow3A_90 = arith.mulf %sub3A_89, %sub3A_89 : vector<128x128xf32>
    %min3A_91 = arith.minimumf %min3A_75, %integer_pow3A_90 : vector<128x128xf32>
    %get3A_92 = arith.constant 0 : index
    %get3A_93 = arith.constant 0 : index
    %get3A_94 = arith.constant 768 : index
    %get3A_95 = vector.load %arg2[%get3A_92, %get3A_93, %get3A_94] : memref<1x1x19200xf32, #tpu.memory_space<vmem>>, vector<1x1x128xf32>
    %get3A_96 = vector.shape_cast %get3A_95 : vector<1x1x128xf32> to vector<1x128xf32>
    %ge3A_97 = arith.constant 1.000000e-03 : f32
    %ge3A_98 = vector.broadcast %ge3A_97 : f32 to vector<1x128xf32>
    %ge3A_99 = arith.cmpf oge, %get3A_96, %ge3A_98 : vector<1x128xf32>
    %jit3A_100 = arith.constant 1.000000e+09 : f32
    %broadcast_in_dim3A_101 = vector.broadcast %jit3A_100 : f32 to vector<1x128xf32>
    %select_n3A_102 = arith.select %ge3A_99, %get3A_96, %broadcast_in_dim3A_101 : vector<1x128xi1>, vector<1x128xf32>
    %sub3A_103 = vector.broadcast %slice3A : vector<128x1xf32> to vector<128x128xf32>
    %sub3A_104 = vector.broadcast %select_n3A_102 : vector<1x128xf32> to vector<128x128xf32>
    %sub3A_105 = arith.subf %sub3A_103, %sub3A_104 : vector<128x128xf32>
    %integer_pow3A_106 = arith.mulf %sub3A_105, %sub3A_105 : vector<128x128xf32>
    %min3A_107 = arith.minimumf %min3A_91, %integer_pow3A_106 : vector<128x128xf32>
    %get3A_108 = arith.constant 0 : index
    %get3A_109 = arith.constant 0 : index
    %get3A_110 = arith.constant 896 : index
    %get3A_111 = vector.load %arg2[%get3A_108, %get3A_109, %get3A_110] : memref<1x1x19200xf32, #tpu.memory_space<vmem>>, vector<1x1x128xf32>
    %get3A_112 = vector.shape_cast %get3A_111 : vector<1x1x128xf32> to vector<1x128xf32>
    %ge3A_113 = arith.constant 1.000000e-03 : f32
    %ge3A_114 = vector.broadcast %ge3A_113 : f32 to vector<1x128xf32>
    %ge3A_115 = arith.cmpf oge, %get3A_112, %ge3A_114 : vector<1x128xf32>
    %jit3A_116 = arith.constant 1.000000e+09 : f32
    %broadcast_in_dim3A_117 = vector.broadcast %jit3A_116 : f32 to vector<1x128xf32>
    %select_n3A_118 = arith.select %ge3A_115, %get3A_112, %broadcast_in_dim3A_117 : vector<1x128xi1>, vector<1x128xf32>
    %sub3A_119 = vector.broadcast %slice3A : vector<128x1xf32> to vector<128x128xf32>
    %sub3A_120 = vector.broadcast %select_n3A_118 : vector<1x128xf32> to vector<128x128xf32>
    %sub3A_121 = arith.subf %sub3A_119, %sub3A_120 : vector<128x128xf32>
    %integer_pow3A_122 = arith.mulf %sub3A_121, %sub3A_121 : vector<128x128xf32>
    %min3A_123 = arith.minimumf %min3A_107, %integer_pow3A_122 : vector<128x128xf32>
    %get3A_124 = arith.constant 0 : index
    %get3A_125 = arith.constant 0 : index
    %get3A_126 = arith.constant 1024 : index
    %get3A_127 = vector.load %arg2[%get3A_124, %get3A_125, %get3A_126] : memref<1x1x19200xf32, #tpu.memory_space<vmem>>, vector<1x1x128xf32>
    %get3A_128 = vector.shape_cast %get3A_127 : vector<1x1x128xf32> to vector<1x128xf32>
    %ge3A_129 = arith.constant 1.000000e-03 : f32
    %ge3A_130 = vector.broadcast %ge3A_129 : f32 to vector<1x128xf32>
    %ge3A_131 = arith.cmpf oge, %get3A_128, %ge3A_130 : vector<1x128xf32>
    %jit3A_132 = arith.constant 1.000000e+09 : f32
    %broadcast_in_dim3A_133 = vector.broadcast %jit3A_132 : f32 to vector<1x128xf32>
    %select_n3A_134 = arith.select %ge3A_131, %get3A_128, %broadcast_in_dim3A_133 : vector<1x128xi1>, vector<1x128xf32>
    %sub3A_135 = vector.broadcast %slice3A : vector<128x1xf32> to vector<128x128xf32>
    %sub3A_136 = vector.broadcast %select_n3A_134 : vector<1x128xf32> to vector<128x128xf32>
    %sub3A_137 = arith.subf %sub3A_135, %sub3A_136 : vector<128x128xf32>
    %integer_pow3A_138 = arith.mulf %sub3A_137, %sub3A_137 : vector<128x128xf32>
    %min3A_139 = arith.minimumf %min3A_123, %integer_pow3A_138 : vector<128x128xf32>
    %get3A_140 = arith.constant 0 : index
    %get3A_141 = arith.constant 0 : index
    %get3A_142 = arith.constant 1152 : index
    %get3A_143 = vector.load %arg2[%get3A_140, %get3A_141, %get3A_142] : memref<1x1x19200xf32, #tpu.memory_space<vmem>>, vector<1x1x128xf32>
    %get3A_144 = vector.shape_cast %get3A_143 : vector<1x1x128xf32> to vector<1x128xf32>
    %ge3A_145 = arith.constant 1.000000e-03 : f32
    %ge3A_146 = vector.broadcast %ge3A_145 : f32 to vector<1x128xf32>
    %ge3A_147 = arith.cmpf oge, %get3A_144, %ge3A_146 : vector<1x128xf32>
    %jit3A_148 = arith.constant 1.000000e+09 : f32
    %broadcast_in_dim3A_149 = vector.broadcast %jit3A_148 : f32 to vector<1x128xf32>
    %select_n3A_150 = arith.select %ge3A_147, %get3A_144, %broadcast_in_dim3A_149 : vector<1x128xi1>, vector<1x128xf32>
    %sub3A_151 = vector.broadcast %slice3A : vector<128x1xf32> to vector<128x128xf32>
    %sub3A_152 = vector.broadcast %select_n3A_150 : vector<1x128xf32> to vector<128x128xf32>
    %sub3A_153 = arith.subf %sub3A_151, %sub3A_152 : vector<128x128xf32>
    %integer_pow3A_154 = arith.mulf %sub3A_153, %sub3A_153 : vector<128x128xf32>
    %min3A_155 = arith.minimumf %min3A_139, %integer_pow3A_154 : vector<128x128xf32>
    %get3A_156 = arith.constant 0 : index
    %get3A_157 = arith.constant 0 : index
    %get3A_158 = arith.constant 1280 : index
    %get3A_159 = vector.load %arg2[%get3A_156, %get3A_157, %get3A_158] : memref<1x1x19200xf32, #tpu.memory_space<vmem>>, vector<1x1x128xf32>
    %get3A_160 = vector.shape_cast %get3A_159 : vector<1x1x128xf32> to vector<1x128xf32>
    %ge3A_161 = arith.constant 1.000000e-03 : f32
    %ge3A_162 = vector.broadcast %ge3A_161 : f32 to vector<1x128xf32>
    %ge3A_163 = arith.cmpf oge, %get3A_160, %ge3A_162 : vector<1x128xf32>
    %jit3A_164 = arith.constant 1.000000e+09 : f32
    %broadcast_in_dim3A_165 = vector.broadcast %jit3A_164 : f32 to vector<1x128xf32>
    %select_n3A_166 = arith.select %ge3A_163, %get3A_160, %broadcast_in_dim3A_165 : vector<1x128xi1>, vector<1x128xf32>
    %sub3A_167 = vector.broadcast %slice3A : vector<128x1xf32> to vector<128x128xf32>
    %sub3A_168 = vector.broadcast %select_n3A_166 : vector<1x128xf32> to vector<128x128xf32>
    %sub3A_169 = arith.subf %sub3A_167, %sub3A_168 : vector<128x128xf32>
    %integer_pow3A_170 = arith.mulf %sub3A_169, %sub3A_169 : vector<128x128xf32>
    %min3A_171 = arith.minimumf %min3A_155, %integer_pow3A_170 : vector<128x128xf32>
    %get3A_172 = arith.constant 0 : index
    %get3A_173 = arith.constant 0 : index
    %get3A_174 = arith.constant 1408 : index
    %get3A_175 = vector.load %arg2[%get3A_172, %get3A_173, %get3A_174] : memref<1x1x19200xf32, #tpu.memory_space<vmem>>, vector<1x1x128xf32>
    %get3A_176 = vector.shape_cast %get3A_175 : vector<1x1x128xf32> to vector<1x128xf32>
    %ge3A_177 = arith.constant 1.000000e-03 : f32
    %ge3A_178 = vector.broadcast %ge3A_177 : f32 to vector<1x128xf32>
    %ge3A_179 = arith.cmpf oge, %get3A_176, %ge3A_178 : vector<1x128xf32>
    %jit3A_180 = arith.constant 1.000000e+09 : f32
    %broadcast_in_dim3A_181 = vector.broadcast %jit3A_180 : f32 to vector<1x128xf32>
    %select_n3A_182 = arith.select %ge3A_179, %get3A_176, %broadcast_in_dim3A_181 : vector<1x128xi1>, vector<1x128xf32>
    %sub3A_183 = vector.broadcast %slice3A : vector<128x1xf32> to vector<128x128xf32>
    %sub3A_184 = vector.broadcast %select_n3A_182 : vector<1x128xf32> to vector<128x128xf32>
    %sub3A_185 = arith.subf %sub3A_183, %sub3A_184 : vector<128x128xf32>
    %integer_pow3A_186 = arith.mulf %sub3A_185, %sub3A_185 : vector<128x128xf32>
    %min3A_187 = arith.minimumf %min3A_171, %integer_pow3A_186 : vector<128x128xf32>
    %get3A_188 = arith.constant 0 : index
    %get3A_189 = arith.constant 0 : index
    %get3A_190 = arith.constant 1536 : index
    %get3A_191 = vector.load %arg2[%get3A_188, %get3A_189, %get3A_190] : memref<1x1x19200xf32, #tpu.memory_space<vmem>>, vector<1x1x128xf32>
    %get3A_192 = vector.shape_cast %get3A_191 : vector<1x1x128xf32> to vector<1x128xf32>
    %ge3A_193 = arith.constant 1.000000e-03 : f32
    %ge3A_194 = vector.broadcast %ge3A_193 : f32 to vector<1x128xf32>
    %ge3A_195 = arith.cmpf oge, %get3A_192, %ge3A_194 : vector<1x128xf32>
    %jit3A_196 = arith.constant 1.000000e+09 : f32
    %broadcast_in_dim3A_197 = vector.broadcast %jit3A_196 : f32 to vector<1x128xf32>
    %select_n3A_198 = arith.select %ge3A_195, %get3A_192, %broadcast_in_dim3A_197 : vector<1x128xi1>, vector<1x128xf32>
    %sub3A_199 = vector.broadcast %slice3A : vector<128x1xf32> to vector<128x128xf32>
    %sub3A_200 = vector.broadcast %select_n3A_198 : vector<1x128xf32> to vector<128x128xf32>
    %sub3A_201 = arith.subf %sub3A_199, %sub3A_200 : vector<128x128xf32>
    %integer_pow3A_202 = arith.mulf %sub3A_201, %sub3A_201 : vector<128x128xf32>
    %min3A_203 = arith.minimumf %min3A_187, %integer_pow3A_202 : vector<128x128xf32>
    %get3A_204 = arith.constant 0 : index
    %get3A_205 = arith.constant 0 : index
    %get3A_206 = arith.constant 1664 : index
    %get3A_207 = vector.load %arg2[%get3A_204, %get3A_205, %get3A_206] : memref<1x1x19200xf32, #tpu.memory_space<vmem>>, vector<1x1x128xf32>
    %get3A_208 = vector.shape_cast %get3A_207 : vector<1x1x128xf32> to vector<1x128xf32>
    %ge3A_209 = arith.constant 1.000000e-03 : f32
    %ge3A_210 = vector.broadcast %ge3A_209 : f32 to vector<1x128xf32>
    %ge3A_211 = arith.cmpf oge, %get3A_208, %ge3A_210 : vector<1x128xf32>
    %jit3A_212 = arith.constant 1.000000e+09 : f32
    %broadcast_in_dim3A_213 = vector.broadcast %jit3A_212 : f32 to vector<1x128xf32>
    %select_n3A_214 = arith.select %ge3A_211, %get3A_208, %broadcast_in_dim3A_213 : vector<1x128xi1>, vector<1x128xf32>
    %sub3A_215 = vector.broadcast %slice3A : vector<128x1xf32> to vector<128x128xf32>
    %sub3A_216 = vector.broadcast %select_n3A_214 : vector<1x128xf32> to vector<128x128xf32>
    %sub3A_217 = arith.subf %sub3A_215, %sub3A_216 : vector<128x128xf32>
    %integer_pow3A_218 = arith.mulf %sub3A_217, %sub3A_217 : vector<128x128xf32>
    %min3A_219 = arith.minimumf %min3A_203, %integer_pow3A_218 : vector<128x128xf32>
    %get3A_220 = arith.constant 0 : index
    %get3A_221 = arith.constant 0 : index
    %get3A_222 = arith.constant 1792 : index
    %get3A_223 = vector.load %arg2[%get3A_220, %get3A_221, %get3A_222] : memref<1x1x19200xf32, #tpu.memory_space<vmem>>, vector<1x1x128xf32>
    %get3A_224 = vector.shape_cast %get3A_223 : vector<1x1x128xf32> to vector<1x128xf32>
    %ge3A_225 = arith.constant 1.000000e-03 : f32
    %ge3A_226 = vector.broadcast %ge3A_225 : f32 to vector<1x128xf32>
    %ge3A_227 = arith.cmpf oge, %get3A_224, %ge3A_226 : vector<1x128xf32>
    %jit3A_228 = arith.constant 1.000000e+09 : f32
    %broadcast_in_dim3A_229 = vector.broadcast %jit3A_228 : f32 to vector<1x128xf32>
    %select_n3A_230 = arith.select %ge3A_227, %get3A_224, %broadcast_in_dim3A_229 : vector<1x128xi1>, vector<1x128xf32>
    %sub3A_231 = vector.broadcast %slice3A : vector<128x1xf32> to vector<128x128xf32>
    %sub3A_232 = vector.broadcast %select_n3A_230 : vector<1x128xf32> to vector<128x128xf32>
    %sub3A_233 = arith.subf %sub3A_231, %sub3A_232 : vector<128x128xf32>
    %integer_pow3A_234 = arith.mulf %sub3A_233, %sub3A_233 : vector<128x128xf32>
    %min3A_235 = arith.minimumf %min3A_219, %integer_pow3A_234 : vector<128x128xf32>
    %get3A_236 = arith.constant 0 : index
    %get3A_237 = arith.constant 0 : index
    %get3A_238 = arith.constant 1920 : index
    %get3A_239 = vector.load %arg2[%get3A_236, %get3A_237, %get3A_238] : memref<1x1x19200xf32, #tpu.memory_space<vmem>>, vector<1x1x128xf32>
    %get3A_240 = vector.shape_cast %get3A_239 : vector<1x1x128xf32> to vector<1x128xf32>
    %ge3A_241 = arith.constant 1.000000e-03 : f32
    %ge3A_242 = vector.broadcast %ge3A_241 : f32 to vector<1x128xf32>
    %ge3A_243 = arith.cmpf oge, %get3A_240, %ge3A_242 : vector<1x128xf32>
    %jit3A_244 = arith.constant 1.000000e+09 : f32
    %broadcast_in_dim3A_245 = vector.broadcast %jit3A_244 : f32 to vector<1x128xf32>
    %select_n3A_246 = arith.select %ge3A_243, %get3A_240, %broadcast_in_dim3A_245 : vector<1x128xi1>, vector<1x128xf32>
    %sub3A_247 = vector.broadcast %slice3A : vector<128x1xf32> to vector<128x128xf32>
    %sub3A_248 = vector.broadcast %select_n3A_246 : vector<1x128xf32> to vector<128x128xf32>
    %sub3A_249 = arith.subf %sub3A_247, %sub3A_248 : vector<128x128xf32>
    %integer_pow3A_250 = arith.mulf %sub3A_249, %sub3A_249 : vector<128x128xf32>
    %min3A_251 = arith.minimumf %min3A_235, %integer_pow3A_250 : vector<128x128xf32>
    %get3A_252 = arith.constant 0 : index
    %get3A_253 = arith.constant 0 : index
    %get3A_254 = arith.constant 2048 : index
    %get3A_255 = vector.load %arg2[%get3A_252, %get3A_253, %get3A_254] : memref<1x1x19200xf32, #tpu.memory_space<vmem>>, vector<1x1x128xf32>
    %get3A_256 = vector.shape_cast %get3A_255 : vector<1x1x128xf32> to vector<1x128xf32>
    %ge3A_257 = arith.constant 1.000000e-03 : f32
    %ge3A_258 = vector.broadcast %ge3A_257 : f32 to vector<1x128xf32>
    %ge3A_259 = arith.cmpf oge, %get3A_256, %ge3A_258 : vector<1x128xf32>
    %jit3A_260 = arith.constant 1.000000e+09 : f32
    %broadcast_in_dim3A_261 = vector.broadcast %jit3A_260 : f32 to vector<1x128xf32>
    %select_n3A_262 = arith.select %ge3A_259, %get3A_256, %broadcast_in_dim3A_261 : vector<1x128xi1>, vector<1x128xf32>
    %sub3A_263 = vector.broadcast %slice3A : vector<128x1xf32> to vector<128x128xf32>
    %sub3A_264 = vector.broadcast %select_n3A_262 : vector<1x128xf32> to vector<128x128xf32>
    %sub3A_265 = arith.subf %sub3A_263, %sub3A_264 : vector<128x128xf32>
    %integer_pow3A_266 = arith.mulf %sub3A_265, %sub3A_265 : vector<128x128xf32>
    %min3A_267 = arith.minimumf %min3A_251, %integer_pow3A_266 : vector<128x128xf32>
    %get3A_268 = arith.constant 0 : index
    %get3A_269 = arith.constant 0 : index
    %get3A_270 = arith.constant 2176 : index
    %get3A_271 = vector.load %arg2[%get3A_268, %get3A_269, %get3A_270] : memref<1x1x19200xf32, #tpu.memory_space<vmem>>, vector<1x1x128xf32>
    %get3A_272 = vector.shape_cast %get3A_271 : vector<1x1x128xf32> to vector<1x128xf32>
    %ge3A_273 = arith.constant 1.000000e-03 : f32
    %ge3A_274 = vector.broadcast %ge3A_273 : f32 to vector<1x128xf32>
    %ge3A_275 = arith.cmpf oge, %get3A_272, %ge3A_274 : vector<1x128xf32>
    %jit3A_276 = arith.constant 1.000000e+09 : f32
    %broadcast_in_dim3A_277 = vector.broadcast %jit3A_276 : f32 to vector<1x128xf32>
    %select_n3A_278 = arith.select %ge3A_275, %get3A_272, %broadcast_in_dim3A_277 : vector<1x128xi1>, vector<1x128xf32>
    %sub3A_279 = vector.broadcast %slice3A : vector<128x1xf32> to vector<128x128xf32>
    %sub3A_280 = vector.broadcast %select_n3A_278 : vector<1x128xf32> to vector<128x128xf32>
    %sub3A_281 = arith.subf %sub3A_279, %sub3A_280 : vector<128x128xf32>
    %integer_pow3A_282 = arith.mulf %sub3A_281, %sub3A_281 : vector<128x128xf32>
    %min3A_283 = arith.minimumf %min3A_267, %integer_pow3A_282 : vector<128x128xf32>
    %get3A_284 = arith.constant 0 : index
    %get3A_285 = arith.constant 0 : index
    %get3A_286 = arith.constant 2304 : index
    %get3A_287 = vector.load %arg2[%get3A_284, %get3A_285, %get3A_286] : memref<1x1x19200xf32, #tpu.memory_space<vmem>>, vector<1x1x128xf32>
    %get3A_288 = vector.shape_cast %get3A_287 : vector<1x1x128xf32> to vector<1x128xf32>
    %ge3A_289 = arith.constant 1.000000e-03 : f32
    %ge3A_290 = vector.broadcast %ge3A_289 : f32 to vector<1x128xf32>
    %ge3A_291 = arith.cmpf oge, %get3A_288, %ge3A_290 : vector<1x128xf32>
    %jit3A_292 = arith.constant 1.000000e+09 : f32
    %broadcast_in_dim3A_293 = vector.broadcast %jit3A_292 : f32 to vector<1x128xf32>
    %select_n3A_294 = arith.select %ge3A_291, %get3A_288, %broadcast_in_dim3A_293 : vector<1x128xi1>, vector<1x128xf32>
    %sub3A_295 = vector.broadcast %slice3A : vector<128x1xf32> to vector<128x128xf32>
    %sub3A_296 = vector.broadcast %select_n3A_294 : vector<1x128xf32> to vector<128x128xf32>
    %sub3A_297 = arith.subf %sub3A_295, %sub3A_296 : vector<128x128xf32>
    %integer_pow3A_298 = arith.mulf %sub3A_297, %sub3A_297 : vector<128x128xf32>
    %min3A_299 = arith.minimumf %min3A_283, %integer_pow3A_298 : vector<128x128xf32>
    %get3A_300 = arith.constant 0 : index
    %get3A_301 = arith.constant 0 : index
    %get3A_302 = arith.constant 2432 : index
    %get3A_303 = vector.load %arg2[%get3A_300, %get3A_301, %get3A_302] : memref<1x1x19200xf32, #tpu.memory_space<vmem>>, vector<1x1x128xf32>
    %get3A_304 = vector.shape_cast %get3A_303 : vector<1x1x128xf32> to vector<1x128xf32>
    %ge3A_305 = arith.constant 1.000000e-03 : f32
    %ge3A_306 = vector.broadcast %ge3A_305 : f32 to vector<1x128xf32>
    %ge3A_307 = arith.cmpf oge, %get3A_304, %ge3A_306 : vector<1x128xf32>
    %jit3A_308 = arith.constant 1.000000e+09 : f32
    %broadcast_in_dim3A_309 = vector.broadcast %jit3A_308 : f32 to vector<1x128xf32>
    %select_n3A_310 = arith.select %ge3A_307, %get3A_304, %broadcast_in_dim3A_309 : vector<1x128xi1>, vector<1x128xf32>
    %sub3A_311 = vector.broadcast %slice3A : vector<128x1xf32> to vector<128x128xf32>
    %sub3A_312 = vector.broadcast %select_n3A_310 : vector<1x128xf32> to vector<128x128xf32>
    %sub3A_313 = arith.subf %sub3A_311, %sub3A_312 : vector<128x128xf32>
    %integer_pow3A_314 = arith.mulf %sub3A_313, %sub3A_313 : vector<128x128xf32>
    %min3A_315 = arith.minimumf %min3A_299, %integer_pow3A_314 : vector<128x128xf32>
    %get3A_316 = arith.constant 0 : index
    %get3A_317 = arith.constant 0 : index
    %get3A_318 = arith.constant 2560 : index
    %get3A_319 = vector.load %arg2[%get3A_316, %get3A_317, %get3A_318] : memref<1x1x19200xf32, #tpu.memory_space<vmem>>, vector<1x1x128xf32>
    %get3A_320 = vector.shape_cast %get3A_319 : vector<1x1x128xf32> to vector<1x128xf32>
    %ge3A_321 = arith.constant 1.000000e-03 : f32
    %ge3A_322 = vector.broadcast %ge3A_321 : f32 to vector<1x128xf32>
    %ge3A_323 = arith.cmpf oge, %get3A_320, %ge3A_322 : vector<1x128xf32>
    %jit3A_324 = arith.constant 1.000000e+09 : f32
    %broadcast_in_dim3A_325 = vector.broadcast %jit3A_324 : f32 to vector<1x128xf32>
    %select_n3A_326 = arith.select %ge3A_323, %get3A_320, %broadcast_in_dim3A_325 : vector<1x128xi1>, vector<1x128xf32>
    %sub3A_327 = vector.broadcast %slice3A : vector<128x1xf32> to vector<128x128xf32>
    %sub3A_328 = vector.broadcast %select_n3A_326 : vector<1x128xf32> to vector<128x128xf32>
    %sub3A_329 = arith.subf %sub3A_327, %sub3A_328 : vector<128x128xf32>
    %integer_pow3A_330 = arith.mulf %sub3A_329, %sub3A_329 : vector<128x128xf32>
    %min3A_331 = arith.minimumf %min3A_315, %integer_pow3A_330 : vector<128x128xf32>
    %get3A_332 = arith.constant 0 : index
    %get3A_333 = arith.constant 0 : index
    %get3A_334 = arith.constant 2688 : index
    %get3A_335 = vector.load %arg2[%get3A_332, %get3A_333, %get3A_334] : memref<1x1x19200xf32, #tpu.memory_space<vmem>>, vector<1x1x128xf32>
    %get3A_336 = vector.shape_cast %get3A_335 : vector<1x1x128xf32> to vector<1x128xf32>
    %ge3A_337 = arith.constant 1.000000e-03 : f32
    %ge3A_338 = vector.broadcast %ge3A_337 : f32 to vector<1x128xf32>
    %ge3A_339 = arith.cmpf oge, %get3A_336, %ge3A_338 : vector<1x128xf32>
    %jit3A_340 = arith.constant 1.000000e+09 : f32
    %broadcast_in_dim3A_341 = vector.broadcast %jit3A_340 : f32 to vector<1x128xf32>
    %select_n3A_342 = arith.select %ge3A_339, %get3A_336, %broadcast_in_dim3A_341 : vector<1x128xi1>, vector<1x128xf32>
    %sub3A_343 = vector.broadcast %slice3A : vector<128x1xf32> to vector<128x128xf32>
    %sub3A_344 = vector.broadcast %select_n3A_342 : vector<1x128xf32> to vector<128x128xf32>
    %sub3A_345 = arith.subf %sub3A_343, %sub3A_344 : vector<128x128xf32>
    %integer_pow3A_346 = arith.mulf %sub3A_345, %sub3A_345 : vector<128x128xf32>
    %min3A_347 = arith.minimumf %min3A_331, %integer_pow3A_346 : vector<128x128xf32>
    %get3A_348 = arith.constant 0 : index
    %get3A_349 = arith.constant 0 : index
    %get3A_350 = arith.constant 2816 : index
    %get3A_351 = vector.load %arg2[%get3A_348, %get3A_349, %get3A_350] : memref<1x1x19200xf32, #tpu.memory_space<vmem>>, vector<1x1x128xf32>
    %get3A_352 = vector.shape_cast %get3A_351 : vector<1x1x128xf32> to vector<1x128xf32>
    %ge3A_353 = arith.constant 1.000000e-03 : f32
    %ge3A_354 = vector.broadcast %ge3A_353 : f32 to vector<1x128xf32>
    %ge3A_355 = arith.cmpf oge, %get3A_352, %ge3A_354 : vector<1x128xf32>
    %jit3A_356 = arith.constant 1.000000e+09 : f32
    %broadcast_in_dim3A_357 = vector.broadcast %jit3A_356 : f32 to vector<1x128xf32>
    %select_n3A_358 = arith.select %ge3A_355, %get3A_352, %broadcast_in_dim3A_357 : vector<1x128xi1>, vector<1x128xf32>
    %sub3A_359 = vector.broadcast %slice3A : vector<128x1xf32> to vector<128x128xf32>
    %sub3A_360 = vector.broadcast %select_n3A_358 : vector<1x128xf32> to vector<128x128xf32>
    %sub3A_361 = arith.subf %sub3A_359, %sub3A_360 : vector<128x128xf32>
    %integer_pow3A_362 = arith.mulf %sub3A_361, %sub3A_361 : vector<128x128xf32>
    %min3A_363 = arith.minimumf %min3A_347, %integer_pow3A_362 : vector<128x128xf32>
    %get3A_364 = arith.constant 0 : index
    %get3A_365 = arith.constant 0 : index
    %get3A_366 = arith.constant 2944 : index
    %get3A_367 = vector.load %arg2[%get3A_364, %get3A_365, %get3A_366] : memref<1x1x19200xf32, #tpu.memory_space<vmem>>, vector<1x1x128xf32>
    %get3A_368 = vector.shape_cast %get3A_367 : vector<1x1x128xf32> to vector<1x128xf32>
    %ge3A_369 = arith.constant 1.000000e-03 : f32
    %ge3A_370 = vector.broadcast %ge3A_369 : f32 to vector<1x128xf32>
    %ge3A_371 = arith.cmpf oge, %get3A_368, %ge3A_370 : vector<1x128xf32>
    %jit3A_372 = arith.constant 1.000000e+09 : f32
    %broadcast_in_dim3A_373 = vector.broadcast %jit3A_372 : f32 to vector<1x128xf32>
    %select_n3A_374 = arith.select %ge3A_371, %get3A_368, %broadcast_in_dim3A_373 : vector<1x128xi1>, vector<1x128xf32>
    %sub3A_375 = vector.broadcast %slice3A : vector<128x1xf32> to vector<128x128xf32>
    %sub3A_376 = vector.broadcast %select_n3A_374 : vector<1x128xf32> to vector<128x128xf32>
    %sub3A_377 = arith.subf %sub3A_375, %sub3A_376 : vector<128x128xf32>
    %integer_pow3A_378 = arith.mulf %sub3A_377, %sub3A_377 : vector<128x128xf32>
    %min3A_379 = arith.minimumf %min3A_363, %integer_pow3A_378 : vector<128x128xf32>
    %get3A_380 = arith.constant 0 : index
    %get3A_381 = arith.constant 0 : index
    %get3A_382 = arith.constant 3072 : index
    %get3A_383 = vector.load %arg2[%get3A_380, %get3A_381, %get3A_382] : memref<1x1x19200xf32, #tpu.memory_space<vmem>>, vector<1x1x128xf32>
    %get3A_384 = vector.shape_cast %get3A_383 : vector<1x1x128xf32> to vector<1x128xf32>
    %ge3A_385 = arith.constant 1.000000e-03 : f32
    %ge3A_386 = vector.broadcast %ge3A_385 : f32 to vector<1x128xf32>
    %ge3A_387 = arith.cmpf oge, %get3A_384, %ge3A_386 : vector<1x128xf32>
    %jit3A_388 = arith.constant 1.000000e+09 : f32
    %broadcast_in_dim3A_389 = vector.broadcast %jit3A_388 : f32 to vector<1x128xf32>
    %select_n3A_390 = arith.select %ge3A_387, %get3A_384, %broadcast_in_dim3A_389 : vector<1x128xi1>, vector<1x128xf32>
    %sub3A_391 = vector.broadcast %slice3A : vector<128x1xf32> to vector<128x128xf32>
    %sub3A_392 = vector.broadcast %select_n3A_390 : vector<1x128xf32> to vector<128x128xf32>
    %sub3A_393 = arith.subf %sub3A_391, %sub3A_392 : vector<128x128xf32>
    %integer_pow3A_394 = arith.mulf %sub3A_393, %sub3A_393 : vector<128x128xf32>
    %min3A_395 = arith.minimumf %min3A_379, %integer_pow3A_394 : vector<128x128xf32>
    %get3A_396 = arith.constant 0 : index
    %get3A_397 = arith.constant 0 : index
    %get3A_398 = arith.constant 3200 : index
    %get3A_399 = vector.load %arg2[%get3A_396, %get3A_397, %get3A_398] : memref<1x1x19200xf32, #tpu.memory_space<vmem>>, vector<1x1x128xf32>
    %get3A_400 = vector.shape_cast %get3A_399 : vector<1x1x128xf32> to vector<1x128xf32>
    %ge3A_401 = arith.constant 1.000000e-03 : f32
    %ge3A_402 = vector.broadcast %ge3A_401 : f32 to vector<1x128xf32>
    %ge3A_403 = arith.cmpf oge, %get3A_400, %ge3A_402 : vector<1x128xf32>
    %jit3A_404 = arith.constant 1.000000e+09 : f32
    %broadcast_in_dim3A_405 = vector.broadcast %jit3A_404 : f32 to vector<1x128xf32>
    %select_n3A_406 = arith.select %ge3A_403, %get3A_400, %broadcast_in_dim3A_405 : vector<1x128xi1>, vector<1x128xf32>
    %sub3A_407 = vector.broadcast %slice3A : vector<128x1xf32> to vector<128x128xf32>
    %sub3A_408 = vector.broadcast %select_n3A_406 : vector<1x128xf32> to vector<128x128xf32>
    %sub3A_409 = arith.subf %sub3A_407, %sub3A_408 : vector<128x128xf32>
    %integer_pow3A_410 = arith.mulf %sub3A_409, %sub3A_409 : vector<128x128xf32>
    %min3A_411 = arith.minimumf %min3A_395, %integer_pow3A_410 : vector<128x128xf32>
    %get3A_412 = arith.constant 0 : index
    %get3A_413 = arith.constant 0 : index
    %get3A_414 = arith.constant 3328 : index
    %get3A_415 = vector.load %arg2[%get3A_412, %get3A_413, %get3A_414] : memref<1x1x19200xf32, #tpu.memory_space<vmem>>, vector<1x1x128xf32>
    %get3A_416 = vector.shape_cast %get3A_415 : vector<1x1x128xf32> to vector<1x128xf32>
    %ge3A_417 = arith.constant 1.000000e-03 : f32
    %ge3A_418 = vector.broadcast %ge3A_417 : f32 to vector<1x128xf32>
    %ge3A_419 = arith.cmpf oge, %get3A_416, %ge3A_418 : vector<1x128xf32>
    %jit3A_420 = arith.constant 1.000000e+09 : f32
    %broadcast_in_dim3A_421 = vector.broadcast %jit3A_420 : f32 to vector<1x128xf32>
    %select_n3A_422 = arith.select %ge3A_419, %get3A_416, %broadcast_in_dim3A_421 : vector<1x128xi1>, vector<1x128xf32>
    %sub3A_423 = vector.broadcast %slice3A : vector<128x1xf32> to vector<128x128xf32>
    %sub3A_424 = vector.broadcast %select_n3A_422 : vector<1x128xf32> to vector<128x128xf32>
    %sub3A_425 = arith.subf %sub3A_423, %sub3A_424 : vector<128x128xf32>
    %integer_pow3A_426 = arith.mulf %sub3A_425, %sub3A_425 : vector<128x128xf32>
    %min3A_427 = arith.minimumf %min3A_411, %integer_pow3A_426 : vector<128x128xf32>
    %get3A_428 = arith.constant 0 : index
    %get3A_429 = arith.constant 0 : index
    %get3A_430 = arith.constant 3456 : index
    %get3A_431 = vector.load %arg2[%get3A_428, %get3A_429, %get3A_430] : memref<1x1x19200xf32, #tpu.memory_space<vmem>>, vector<1x1x128xf32>
    %get3A_432 = vector.shape_cast %get3A_431 : vector<1x1x128xf32> to vector<1x128xf32>
    %ge3A_433 = arith.constant 1.000000e-03 : f32
    %ge3A_434 = vector.broadcast %ge3A_433 : f32 to vector<1x128xf32>
    %ge3A_435 = arith.cmpf oge, %get3A_432, %ge3A_434 : vector<1x128xf32>
    %jit3A_436 = arith.constant 1.000000e+09 : f32
    %broadcast_in_dim3A_437 = vector.broadcast %jit3A_436 : f32 to vector<1x128xf32>
    %select_n3A_438 = arith.select %ge3A_435, %get3A_432, %broadcast_in_dim3A_437 : vector<1x128xi1>, vector<1x128xf32>
    %sub3A_439 = vector.broadcast %slice3A : vector<128x1xf32> to vector<128x128xf32>
    %sub3A_440 = vector.broadcast %select_n3A_438 : vector<1x128xf32> to vector<128x128xf32>
    %sub3A_441 = arith.subf %sub3A_439, %sub3A_440 : vector<128x128xf32>
    %integer_pow3A_442 = arith.mulf %sub3A_441, %sub3A_441 : vector<128x128xf32>
    %min3A_443 = arith.minimumf %min3A_427, %integer_pow3A_442 : vector<128x128xf32>
    %get3A_444 = arith.constant 0 : index
    %get3A_445 = arith.constant 0 : index
    %get3A_446 = arith.constant 3584 : index
    %get3A_447 = vector.load %arg2[%get3A_444, %get3A_445, %get3A_446] : memref<1x1x19200xf32, #tpu.memory_space<vmem>>, vector<1x1x128xf32>
    %get3A_448 = vector.shape_cast %get3A_447 : vector<1x1x128xf32> to vector<1x128xf32>
    %ge3A_449 = arith.constant 1.000000e-03 : f32
    %ge3A_450 = vector.broadcast %ge3A_449 : f32 to vector<1x128xf32>
    %ge3A_451 = arith.cmpf oge, %get3A_448, %ge3A_450 : vector<1x128xf32>
    %jit3A_452 = arith.constant 1.000000e+09 : f32
    %broadcast_in_dim3A_453 = vector.broadcast %jit3A_452 : f32 to vector<1x128xf32>
    %select_n3A_454 = arith.select %ge3A_451, %get3A_448, %broadcast_in_dim3A_453 : vector<1x128xi1>, vector<1x128xf32>
    %sub3A_455 = vector.broadcast %slice3A : vector<128x1xf32> to vector<128x128xf32>
    %sub3A_456 = vector.broadcast %select_n3A_454 : vector<1x128xf32> to vector<128x128xf32>
    %sub3A_457 = arith.subf %sub3A_455, %sub3A_456 : vector<128x128xf32>
    %integer_pow3A_458 = arith.mulf %sub3A_457, %sub3A_457 : vector<128x128xf32>
    %min3A_459 = arith.minimumf %min3A_443, %integer_pow3A_458 : vector<128x128xf32>
    %get3A_460 = arith.constant 0 : index
    %get3A_461 = arith.constant 0 : index
    %get3A_462 = arith.constant 3712 : index
    %get3A_463 = vector.load %arg2[%get3A_460, %get3A_461, %get3A_462] : memref<1x1x19200xf32, #tpu.memory_space<vmem>>, vector<1x1x128xf32>
    %get3A_464 = vector.shape_cast %get3A_463 : vector<1x1x128xf32> to vector<1x128xf32>
    %ge3A_465 = arith.constant 1.000000e-03 : f32
    %ge3A_466 = vector.broadcast %ge3A_465 : f32 to vector<1x128xf32>
    %ge3A_467 = arith.cmpf oge, %get3A_464, %ge3A_466 : vector<1x128xf32>
    %jit3A_468 = arith.constant 1.000000e+09 : f32
    %broadcast_in_dim3A_469 = vector.broadcast %jit3A_468 : f32 to vector<1x128xf32>
    %select_n3A_470 = arith.select %ge3A_467, %get3A_464, %broadcast_in_dim3A_469 : vector<1x128xi1>, vector<1x128xf32>
    %sub3A_471 = vector.broadcast %slice3A : vector<128x1xf32> to vector<128x128xf32>
    %sub3A_472 = vector.broadcast %select_n3A_470 : vector<1x128xf32> to vector<128x128xf32>
    %sub3A_473 = arith.subf %sub3A_471, %sub3A_472 : vector<128x128xf32>
    %integer_pow3A_474 = arith.mulf %sub3A_473, %sub3A_473 : vector<128x128xf32>
    %min3A_475 = arith.minimumf %min3A_459, %integer_pow3A_474 : vector<128x128xf32>
    %get3A_476 = arith.constant 0 : index
    %get3A_477 = arith.constant 0 : index
    %get3A_478 = arith.constant 3840 : index
    %get3A_479 = vector.load %arg2[%get3A_476, %get3A_477, %get3A_478] : memref<1x1x19200xf32, #tpu.memory_space<vmem>>, vector<1x1x128xf32>
    %get3A_480 = vector.shape_cast %get3A_479 : vector<1x1x128xf32> to vector<1x128xf32>
    %ge3A_481 = arith.constant 1.000000e-03 : f32
    %ge3A_482 = vector.broadcast %ge3A_481 : f32 to vector<1x128xf32>
    %ge3A_483 = arith.cmpf oge, %get3A_480, %ge3A_482 : vector<1x128xf32>
    %jit3A_484 = arith.constant 1.000000e+09 : f32
    %broadcast_in_dim3A_485 = vector.broadcast %jit3A_484 : f32 to vector<1x128xf32>
    %select_n3A_486 = arith.select %ge3A_483, %get3A_480, %broadcast_in_dim3A_485 : vector<1x128xi1>, vector<1x128xf32>
    %sub3A_487 = vector.broadcast %slice3A : vector<128x1xf32> to vector<128x128xf32>
    %sub3A_488 = vector.broadcast %select_n3A_486 : vector<1x128xf32> to vector<128x128xf32>
    %sub3A_489 = arith.subf %sub3A_487, %sub3A_488 : vector<128x128xf32>
    %integer_pow3A_490 = arith.mulf %sub3A_489, %sub3A_489 : vector<128x128xf32>
    %min3A_491 = arith.minimumf %min3A_475, %integer_pow3A_490 : vector<128x128xf32>
    %get3A_492 = arith.constant 0 : index
    %get3A_493 = arith.constant 0 : index
    %get3A_494 = arith.constant 3968 : index
    %get3A_495 = vector.load %arg2[%get3A_492, %get3A_493, %get3A_494] : memref<1x1x19200xf32, #tpu.memory_space<vmem>>, vector<1x1x128xf32>
    %get3A_496 = vector.shape_cast %get3A_495 : vector<1x1x128xf32> to vector<1x128xf32>
    %ge3A_497 = arith.constant 1.000000e-03 : f32
    %ge3A_498 = vector.broadcast %ge3A_497 : f32 to vector<1x128xf32>
    %ge3A_499 = arith.cmpf oge, %get3A_496, %ge3A_498 : vector<1x128xf32>
    %jit3A_500 = arith.constant 1.000000e+09 : f32
    %broadcast_in_dim3A_501 = vector.broadcast %jit3A_500 : f32 to vector<1x128xf32>
    %select_n3A_502 = arith.select %ge3A_499, %get3A_496, %broadcast_in_dim3A_501 : vector<1x128xi1>, vector<1x128xf32>
    %sub3A_503 = vector.broadcast %slice3A : vector<128x1xf32> to vector<128x128xf32>
    %sub3A_504 = vector.broadcast %select_n3A_502 : vector<1x128xf32> to vector<128x128xf32>
    %sub3A_505 = arith.subf %sub3A_503, %sub3A_504 : vector<128x128xf32>
    %integer_pow3A_506 = arith.mulf %sub3A_505, %sub3A_505 : vector<128x128xf32>
    %min3A_507 = arith.minimumf %min3A_491, %integer_pow3A_506 : vector<128x128xf32>
    %get3A_508 = arith.constant 0 : index
    %get3A_509 = arith.constant 0 : index
    %get3A_510 = arith.constant 4096 : index
    %get3A_511 = vector.load %arg2[%get3A_508, %get3A_509, %get3A_510] : memref<1x1x19200xf32, #tpu.memory_space<vmem>>, vector<1x1x128xf32>
    %get3A_512 = vector.shape_cast %get3A_511 : vector<1x1x128xf32> to vector<1x128xf32>
    %ge3A_513 = arith.constant 1.000000e-03 : f32
    %ge3A_514 = vector.broadcast %ge3A_513 : f32 to vector<1x128xf32>
    %ge3A_515 = arith.cmpf oge, %get3A_512, %ge3A_514 : vector<1x128xf32>
    %jit3A_516 = arith.constant 1.000000e+09 : f32
    %broadcast_in_dim3A_517 = vector.broadcast %jit3A_516 : f32 to vector<1x128xf32>
    %select_n3A_518 = arith.select %ge3A_515, %get3A_512, %broadcast_in_dim3A_517 : vector<1x128xi1>, vector<1x128xf32>
    %sub3A_519 = vector.broadcast %slice3A : vector<128x1xf32> to vector<128x128xf32>
    %sub3A_520 = vector.broadcast %select_n3A_518 : vector<1x128xf32> to vector<128x128xf32>
    %sub3A_521 = arith.subf %sub3A_519, %sub3A_520 : vector<128x128xf32>
    %integer_pow3A_522 = arith.mulf %sub3A_521, %sub3A_521 : vector<128x128xf32>
    %min3A_523 = arith.minimumf %min3A_507, %integer_pow3A_522 : vector<128x128xf32>
    %get3A_524 = arith.constant 0 : index
    %get3A_525 = arith.constant 0 : index
    %get3A_526 = arith.constant 4224 : index
    %get3A_527 = vector.load %arg2[%get3A_524, %get3A_525, %get3A_526] : memref<1x1x19200xf32, #tpu.memory_space<vmem>>, vector<1x1x128xf32>
    %get3A_528 = vector.shape_cast %get3A_527 : vector<1x1x128xf32> to vector<1x128xf32>
    %ge3A_529 = arith.constant 1.000000e-03 : f32
    %ge3A_530 = vector.broadcast %ge3A_529 : f32 to vector<1x128xf32>
    %ge3A_531 = arith.cmpf oge, %get3A_528, %ge3A_530 : vector<1x128xf32>
    %jit3A_532 = arith.constant 1.000000e+09 : f32
    %broadcast_in_dim3A_533 = vector.broadcast %jit3A_532 : f32 to vector<1x128xf32>
    %select_n3A_534 = arith.select %ge3A_531, %get3A_528, %broadcast_in_dim3A_533 : vector<1x128xi1>, vector<1x128xf32>
    %sub3A_535 = vector.broadcast %slice3A : vector<128x1xf32> to vector<128x128xf32>
    %sub3A_536 = vector.broadcast %select_n3A_534 : vector<1x128xf32> to vector<128x128xf32>
    %sub3A_537 = arith.subf %sub3A_535, %sub3A_536 : vector<128x128xf32>
    %integer_pow3A_538 = arith.mulf %sub3A_537, %sub3A_537 : vector<128x128xf32>
    %min3A_539 = arith.minimumf %min3A_523, %integer_pow3A_538 : vector<128x128xf32>
    %get3A_540 = arith.constant 0 : index
    %get3A_541 = arith.constant 0 : index
    %get3A_542 = arith.constant 4352 : index
    %get3A_543 = vector.load %arg2[%get3A_540, %get3A_541, %get3A_542] : memref<1x1x19200xf32, #tpu.memory_space<vmem>>, vector<1x1x128xf32>
    %get3A_544 = vector.shape_cast %get3A_543 : vector<1x1x128xf32> to vector<1x128xf32>
    %ge3A_545 = arith.constant 1.000000e-03 : f32
    %ge3A_546 = vector.broadcast %ge3A_545 : f32 to vector<1x128xf32>
    %ge3A_547 = arith.cmpf oge, %get3A_544, %ge3A_546 : vector<1x128xf32>
    %jit3A_548 = arith.constant 1.000000e+09 : f32
    %broadcast_in_dim3A_549 = vector.broadcast %jit3A_548 : f32 to vector<1x128xf32>
    %select_n3A_550 = arith.select %ge3A_547, %get3A_544, %broadcast_in_dim3A_549 : vector<1x128xi1>, vector<1x128xf32>
    %sub3A_551 = vector.broadcast %slice3A : vector<128x1xf32> to vector<128x128xf32>
    %sub3A_552 = vector.broadcast %select_n3A_550 : vector<1x128xf32> to vector<128x128xf32>
    %sub3A_553 = arith.subf %sub3A_551, %sub3A_552 : vector<128x128xf32>
    %integer_pow3A_554 = arith.mulf %sub3A_553, %sub3A_553 : vector<128x128xf32>
    %min3A_555 = arith.minimumf %min3A_539, %integer_pow3A_554 : vector<128x128xf32>
    %get3A_556 = arith.constant 0 : index
    %get3A_557 = arith.constant 0 : index
    %get3A_558 = arith.constant 4480 : index
    %get3A_559 = vector.load %arg2[%get3A_556, %get3A_557, %get3A_558] : memref<1x1x19200xf32, #tpu.memory_space<vmem>>, vector<1x1x128xf32>
    %get3A_560 = vector.shape_cast %get3A_559 : vector<1x1x128xf32> to vector<1x128xf32>
    %ge3A_561 = arith.constant 1.000000e-03 : f32
    %ge3A_562 = vector.broadcast %ge3A_561 : f32 to vector<1x128xf32>
    %ge3A_563 = arith.cmpf oge, %get3A_560, %ge3A_562 : vector<1x128xf32>
    %jit3A_564 = arith.constant 1.000000e+09 : f32
    %broadcast_in_dim3A_565 = vector.broadcast %jit3A_564 : f32 to vector<1x128xf32>
    %select_n3A_566 = arith.select %ge3A_563, %get3A_560, %broadcast_in_dim3A_565 : vector<1x128xi1>, vector<1x128xf32>
    %sub3A_567 = vector.broadcast %slice3A : vector<128x1xf32> to vector<128x128xf32>
    %sub3A_568 = vector.broadcast %select_n3A_566 : vector<1x128xf32> to vector<128x128xf32>
    %sub3A_569 = arith.subf %sub3A_567, %sub3A_568 : vector<128x128xf32>
    %integer_pow3A_570 = arith.mulf %sub3A_569, %sub3A_569 : vector<128x128xf32>
    %min3A_571 = arith.minimumf %min3A_555, %integer_pow3A_570 : vector<128x128xf32>
    %get3A_572 = arith.constant 0 : index
    %get3A_573 = arith.constant 0 : index
    %get3A_574 = arith.constant 4608 : index
    %get3A_575 = vector.load %arg2[%get3A_572, %get3A_573, %get3A_574] : memref<1x1x19200xf32, #tpu.memory_space<vmem>>, vector<1x1x128xf32>
    %get3A_576 = vector.shape_cast %get3A_575 : vector<1x1x128xf32> to vector<1x128xf32>
    %ge3A_577 = arith.constant 1.000000e-03 : f32
    %ge3A_578 = vector.broadcast %ge3A_577 : f32 to vector<1x128xf32>
    %ge3A_579 = arith.cmpf oge, %get3A_576, %ge3A_578 : vector<1x128xf32>
    %jit3A_580 = arith.constant 1.000000e+09 : f32
    %broadcast_in_dim3A_581 = vector.broadcast %jit3A_580 : f32 to vector<1x128xf32>
    %select_n3A_582 = arith.select %ge3A_579, %get3A_576, %broadcast_in_dim3A_581 : vector<1x128xi1>, vector<1x128xf32>
    %sub3A_583 = vector.broadcast %slice3A : vector<128x1xf32> to vector<128x128xf32>
    %sub3A_584 = vector.broadcast %select_n3A_582 : vector<1x128xf32> to vector<128x128xf32>
    %sub3A_585 = arith.subf %sub3A_583, %sub3A_584 : vector<128x128xf32>
    %integer_pow3A_586 = arith.mulf %sub3A_585, %sub3A_585 : vector<128x128xf32>
    %min3A_587 = arith.minimumf %min3A_571, %integer_pow3A_586 : vector<128x128xf32>
    %get3A_588 = arith.constant 0 : index
    %get3A_589 = arith.constant 0 : index
    %get3A_590 = arith.constant 4736 : index
    %get3A_591 = vector.load %arg2[%get3A_588, %get3A_589, %get3A_590] : memref<1x1x19200xf32, #tpu.memory_space<vmem>>, vector<1x1x128xf32>
    %get3A_592 = vector.shape_cast %get3A_591 : vector<1x1x128xf32> to vector<1x128xf32>
    %ge3A_593 = arith.constant 1.000000e-03 : f32
    %ge3A_594 = vector.broadcast %ge3A_593 : f32 to vector<1x128xf32>
    %ge3A_595 = arith.cmpf oge, %get3A_592, %ge3A_594 : vector<1x128xf32>
    %jit3A_596 = arith.constant 1.000000e+09 : f32
    %broadcast_in_dim3A_597 = vector.broadcast %jit3A_596 : f32 to vector<1x128xf32>
    %select_n3A_598 = arith.select %ge3A_595, %get3A_592, %broadcast_in_dim3A_597 : vector<1x128xi1>, vector<1x128xf32>
    %sub3A_599 = vector.broadcast %slice3A : vector<128x1xf32> to vector<128x128xf32>
    %sub3A_600 = vector.broadcast %select_n3A_598 : vector<1x128xf32> to vector<128x128xf32>
    %sub3A_601 = arith.subf %sub3A_599, %sub3A_600 : vector<128x128xf32>
    %integer_pow3A_602 = arith.mulf %sub3A_601, %sub3A_601 : vector<128x128xf32>
    %min3A_603 = arith.minimumf %min3A_587, %integer_pow3A_602 : vector<128x128xf32>
    %get3A_604 = arith.constant 0 : index
    %get3A_605 = arith.constant 0 : index
    %get3A_606 = arith.constant 4864 : index
    %get3A_607 = vector.load %arg2[%get3A_604, %get3A_605, %get3A_606] : memref<1x1x19200xf32, #tpu.memory_space<vmem>>, vector<1x1x128xf32>
    %get3A_608 = vector.shape_cast %get3A_607 : vector<1x1x128xf32> to vector<1x128xf32>
    %ge3A_609 = arith.constant 1.000000e-03 : f32
    %ge3A_610 = vector.broadcast %ge3A_609 : f32 to vector<1x128xf32>
    %ge3A_611 = arith.cmpf oge, %get3A_608, %ge3A_610 : vector<1x128xf32>
    %jit3A_612 = arith.constant 1.000000e+09 : f32
    %broadcast_in_dim3A_613 = vector.broadcast %jit3A_612 : f32 to vector<1x128xf32>
    %select_n3A_614 = arith.select %ge3A_611, %get3A_608, %broadcast_in_dim3A_613 : vector<1x128xi1>, vector<1x128xf32>
    %sub3A_615 = vector.broadcast %slice3A : vector<128x1xf32> to vector<128x128xf32>
    %sub3A_616 = vector.broadcast %select_n3A_614 : vector<1x128xf32> to vector<128x128xf32>
    %sub3A_617 = arith.subf %sub3A_615, %sub3A_616 : vector<128x128xf32>
    %integer_pow3A_618 = arith.mulf %sub3A_617, %sub3A_617 : vector<128x128xf32>
    %min3A_619 = arith.minimumf %min3A_603, %integer_pow3A_618 : vector<128x128xf32>
    %get3A_620 = arith.constant 0 : index
    %get3A_621 = arith.constant 0 : index
    %get3A_622 = arith.constant 4992 : index
    %get3A_623 = vector.load %arg2[%get3A_620, %get3A_621, %get3A_622] : memref<1x1x19200xf32, #tpu.memory_space<vmem>>, vector<1x1x128xf32>
    %get3A_624 = vector.shape_cast %get3A_623 : vector<1x1x128xf32> to vector<1x128xf32>
    %ge3A_625 = arith.constant 1.000000e-03 : f32
    %ge3A_626 = vector.broadcast %ge3A_625 : f32 to vector<1x128xf32>
    %ge3A_627 = arith.cmpf oge, %get3A_624, %ge3A_626 : vector<1x128xf32>
    %jit3A_628 = arith.constant 1.000000e+09 : f32
    %broadcast_in_dim3A_629 = vector.broadcast %jit3A_628 : f32 to vector<1x128xf32>
    %select_n3A_630 = arith.select %ge3A_627, %get3A_624, %broadcast_in_dim3A_629 : vector<1x128xi1>, vector<1x128xf32>
    %sub3A_631 = vector.broadcast %slice3A : vector<128x1xf32> to vector<128x128xf32>
    %sub3A_632 = vector.broadcast %select_n3A_630 : vector<1x128xf32> to vector<128x128xf32>
    %sub3A_633 = arith.subf %sub3A_631, %sub3A_632 : vector<128x128xf32>
    %integer_pow3A_634 = arith.mulf %sub3A_633, %sub3A_633 : vector<128x128xf32>
    %min3A_635 = arith.minimumf %min3A_619, %integer_pow3A_634 : vector<128x128xf32>
    %get3A_636 = arith.constant 0 : index
    %get3A_637 = arith.constant 0 : index
    %get3A_638 = arith.constant 5120 : index
    %get3A_639 = vector.load %arg2[%get3A_636, %get3A_637, %get3A_638] : memref<1x1x19200xf32, #tpu.memory_space<vmem>>, vector<1x1x128xf32>
    %get3A_640 = vector.shape_cast %get3A_639 : vector<1x1x128xf32> to vector<1x128xf32>
    %ge3A_641 = arith.constant 1.000000e-03 : f32
    %ge3A_642 = vector.broadcast %ge3A_641 : f32 to vector<1x128xf32>
    %ge3A_643 = arith.cmpf oge, %get3A_640, %ge3A_642 : vector<1x128xf32>
    %jit3A_644 = arith.constant 1.000000e+09 : f32
    %broadcast_in_dim3A_645 = vector.broadcast %jit3A_644 : f32 to vector<1x128xf32>
    %select_n3A_646 = arith.select %ge3A_643, %get3A_640, %broadcast_in_dim3A_645 : vector<1x128xi1>, vector<1x128xf32>
    %sub3A_647 = vector.broadcast %slice3A : vector<128x1xf32> to vector<128x128xf32>
    %sub3A_648 = vector.broadcast %select_n3A_646 : vector<1x128xf32> to vector<128x128xf32>
    %sub3A_649 = arith.subf %sub3A_647, %sub3A_648 : vector<128x128xf32>
    %integer_pow3A_650 = arith.mulf %sub3A_649, %sub3A_649 : vector<128x128xf32>
    %min3A_651 = arith.minimumf %min3A_635, %integer_pow3A_650 : vector<128x128xf32>
    %get3A_652 = arith.constant 0 : index
    %get3A_653 = arith.constant 0 : index
    %get3A_654 = arith.constant 5248 : index
    %get3A_655 = vector.load %arg2[%get3A_652, %get3A_653, %get3A_654] : memref<1x1x19200xf32, #tpu.memory_space<vmem>>, vector<1x1x128xf32>
    %get3A_656 = vector.shape_cast %get3A_655 : vector<1x1x128xf32> to vector<1x128xf32>
    %ge3A_657 = arith.constant 1.000000e-03 : f32
    %ge3A_658 = vector.broadcast %ge3A_657 : f32 to vector<1x128xf32>
    %ge3A_659 = arith.cmpf oge, %get3A_656, %ge3A_658 : vector<1x128xf32>
    %jit3A_660 = arith.constant 1.000000e+09 : f32
    %broadcast_in_dim3A_661 = vector.broadcast %jit3A_660 : f32 to vector<1x128xf32>
    %select_n3A_662 = arith.select %ge3A_659, %get3A_656, %broadcast_in_dim3A_661 : vector<1x128xi1>, vector<1x128xf32>
    %sub3A_663 = vector.broadcast %slice3A : vector<128x1xf32> to vector<128x128xf32>
    %sub3A_664 = vector.broadcast %select_n3A_662 : vector<1x128xf32> to vector<128x128xf32>
    %sub3A_665 = arith.subf %sub3A_663, %sub3A_664 : vector<128x128xf32>
    %integer_pow3A_666 = arith.mulf %sub3A_665, %sub3A_665 : vector<128x128xf32>
    %min3A_667 = arith.minimumf %min3A_651, %integer_pow3A_666 : vector<128x128xf32>
    %get3A_668 = arith.constant 0 : index
    %get3A_669 = arith.constant 0 : index
    %get3A_670 = arith.constant 5376 : index
    %get3A_671 = vector.load %arg2[%get3A_668, %get3A_669, %get3A_670] : memref<1x1x19200xf32, #tpu.memory_space<vmem>>, vector<1x1x128xf32>
    %get3A_672 = vector.shape_cast %get3A_671 : vector<1x1x128xf32> to vector<1x128xf32>
    %ge3A_673 = arith.constant 1.000000e-03 : f32
    %ge3A_674 = vector.broadcast %ge3A_673 : f32 to vector<1x128xf32>
    %ge3A_675 = arith.cmpf oge, %get3A_672, %ge3A_674 : vector<1x128xf32>
    %jit3A_676 = arith.constant 1.000000e+09 : f32
    %broadcast_in_dim3A_677 = vector.broadcast %jit3A_676 : f32 to vector<1x128xf32>
    %select_n3A_678 = arith.select %ge3A_675, %get3A_672, %broadcast_in_dim3A_677 : vector<1x128xi1>, vector<1x128xf32>
    %sub3A_679 = vector.broadcast %slice3A : vector<128x1xf32> to vector<128x128xf32>
    %sub3A_680 = vector.broadcast %select_n3A_678 : vector<1x128xf32> to vector<128x128xf32>
    %sub3A_681 = arith.subf %sub3A_679, %sub3A_680 : vector<128x128xf32>
    %integer_pow3A_682 = arith.mulf %sub3A_681, %sub3A_681 : vector<128x128xf32>
    %min3A_683 = arith.minimumf %min3A_667, %integer_pow3A_682 : vector<128x128xf32>
    %get3A_684 = arith.constant 0 : index
    %get3A_685 = arith.constant 0 : index
    %get3A_686 = arith.constant 5504 : index
    %get3A_687 = vector.load %arg2[%get3A_684, %get3A_685, %get3A_686] : memref<1x1x19200xf32, #tpu.memory_space<vmem>>, vector<1x1x128xf32>
    %get3A_688 = vector.shape_cast %get3A_687 : vector<1x1x128xf32> to vector<1x128xf32>
    %ge3A_689 = arith.constant 1.000000e-03 : f32
    %ge3A_690 = vector.broadcast %ge3A_689 : f32 to vector<1x128xf32>
    %ge3A_691 = arith.cmpf oge, %get3A_688, %ge3A_690 : vector<1x128xf32>
    %jit3A_692 = arith.constant 1.000000e+09 : f32
    %broadcast_in_dim3A_693 = vector.broadcast %jit3A_692 : f32 to vector<1x128xf32>
    %select_n3A_694 = arith.select %ge3A_691, %get3A_688, %broadcast_in_dim3A_693 : vector<1x128xi1>, vector<1x128xf32>
    %sub3A_695 = vector.broadcast %slice3A : vector<128x1xf32> to vector<128x128xf32>
    %sub3A_696 = vector.broadcast %select_n3A_694 : vector<1x128xf32> to vector<128x128xf32>
    %sub3A_697 = arith.subf %sub3A_695, %sub3A_696 : vector<128x128xf32>
    %integer_pow3A_698 = arith.mulf %sub3A_697, %sub3A_697 : vector<128x128xf32>
    %min3A_699 = arith.minimumf %min3A_683, %integer_pow3A_698 : vector<128x128xf32>
    %get3A_700 = arith.constant 0 : index
    %get3A_701 = arith.constant 0 : index
    %get3A_702 = arith.constant 5632 : index
    %get3A_703 = vector.load %arg2[%get3A_700, %get3A_701, %get3A_702] : memref<1x1x19200xf32, #tpu.memory_space<vmem>>, vector<1x1x128xf32>
    %get3A_704 = vector.shape_cast %get3A_703 : vector<1x1x128xf32> to vector<1x128xf32>
    %ge3A_705 = arith.constant 1.000000e-03 : f32
    %ge3A_706 = vector.broadcast %ge3A_705 : f32 to vector<1x128xf32>
    %ge3A_707 = arith.cmpf oge, %get3A_704, %ge3A_706 : vector<1x128xf32>
    %jit3A_708 = arith.constant 1.000000e+09 : f32
    %broadcast_in_dim3A_709 = vector.broadcast %jit3A_708 : f32 to vector<1x128xf32>
    %select_n3A_710 = arith.select %ge3A_707, %get3A_704, %broadcast_in_dim3A_709 : vector<1x128xi1>, vector<1x128xf32>
    %sub3A_711 = vector.broadcast %slice3A : vector<128x1xf32> to vector<128x128xf32>
    %sub3A_712 = vector.broadcast %select_n3A_710 : vector<1x128xf32> to vector<128x128xf32>
    %sub3A_713 = arith.subf %sub3A_711, %sub3A_712 : vector<128x128xf32>
    %integer_pow3A_714 = arith.mulf %sub3A_713, %sub3A_713 : vector<128x128xf32>
    %min3A_715 = arith.minimumf %min3A_699, %integer_pow3A_714 : vector<128x128xf32>
    %get3A_716 = arith.constant 0 : index
    %get3A_717 = arith.constant 0 : index
    %get3A_718 = arith.constant 5760 : index
    %get3A_719 = vector.load %arg2[%get3A_716, %get3A_717, %get3A_718] : memref<1x1x19200xf32, #tpu.memory_space<vmem>>, vector<1x1x128xf32>
    %get3A_720 = vector.shape_cast %get3A_719 : vector<1x1x128xf32> to vector<1x128xf32>
    %ge3A_721 = arith.constant 1.000000e-03 : f32
    %ge3A_722 = vector.broadcast %ge3A_721 : f32 to vector<1x128xf32>
    %ge3A_723 = arith.cmpf oge, %get3A_720, %ge3A_722 : vector<1x128xf32>
    %jit3A_724 = arith.constant 1.000000e+09 : f32
    %broadcast_in_dim3A_725 = vector.broadcast %jit3A_724 : f32 to vector<1x128xf32>
    %select_n3A_726 = arith.select %ge3A_723, %get3A_720, %broadcast_in_dim3A_725 : vector<1x128xi1>, vector<1x128xf32>
    %sub3A_727 = vector.broadcast %slice3A : vector<128x1xf32> to vector<128x128xf32>
    %sub3A_728 = vector.broadcast %select_n3A_726 : vector<1x128xf32> to vector<128x128xf32>
    %sub3A_729 = arith.subf %sub3A_727, %sub3A_728 : vector<128x128xf32>
    %integer_pow3A_730 = arith.mulf %sub3A_729, %sub3A_729 : vector<128x128xf32>
    %min3A_731 = arith.minimumf %min3A_715, %integer_pow3A_730 : vector<128x128xf32>
    %get3A_732 = arith.constant 0 : index
    %get3A_733 = arith.constant 0 : index
    %get3A_734 = arith.constant 5888 : index
    %get3A_735 = vector.load %arg2[%get3A_732, %get3A_733, %get3A_734] : memref<1x1x19200xf32, #tpu.memory_space<vmem>>, vector<1x1x128xf32>
    %get3A_736 = vector.shape_cast %get3A_735 : vector<1x1x128xf32> to vector<1x128xf32>
    %ge3A_737 = arith.constant 1.000000e-03 : f32
    %ge3A_738 = vector.broadcast %ge3A_737 : f32 to vector<1x128xf32>
    %ge3A_739 = arith.cmpf oge, %get3A_736, %ge3A_738 : vector<1x128xf32>
    %jit3A_740 = arith.constant 1.000000e+09 : f32
    %broadcast_in_dim3A_741 = vector.broadcast %jit3A_740 : f32 to vector<1x128xf32>
    %select_n3A_742 = arith.select %ge3A_739, %get3A_736, %broadcast_in_dim3A_741 : vector<1x128xi1>, vector<1x128xf32>
    %sub3A_743 = vector.broadcast %slice3A : vector<128x1xf32> to vector<128x128xf32>
    %sub3A_744 = vector.broadcast %select_n3A_742 : vector<1x128xf32> to vector<128x128xf32>
    %sub3A_745 = arith.subf %sub3A_743, %sub3A_744 : vector<128x128xf32>
    %integer_pow3A_746 = arith.mulf %sub3A_745, %sub3A_745 : vector<128x128xf32>
    %min3A_747 = arith.minimumf %min3A_731, %integer_pow3A_746 : vector<128x128xf32>
    %get3A_748 = arith.constant 0 : index
    %get3A_749 = arith.constant 0 : index
    %get3A_750 = arith.constant 6016 : index
    %get3A_751 = vector.load %arg2[%get3A_748, %get3A_749, %get3A_750] : memref<1x1x19200xf32, #tpu.memory_space<vmem>>, vector<1x1x128xf32>
    %get3A_752 = vector.shape_cast %get3A_751 : vector<1x1x128xf32> to vector<1x128xf32>
    %ge3A_753 = arith.constant 1.000000e-03 : f32
    %ge3A_754 = vector.broadcast %ge3A_753 : f32 to vector<1x128xf32>
    %ge3A_755 = arith.cmpf oge, %get3A_752, %ge3A_754 : vector<1x128xf32>
    %jit3A_756 = arith.constant 1.000000e+09 : f32
    %broadcast_in_dim3A_757 = vector.broadcast %jit3A_756 : f32 to vector<1x128xf32>
    %select_n3A_758 = arith.select %ge3A_755, %get3A_752, %broadcast_in_dim3A_757 : vector<1x128xi1>, vector<1x128xf32>
    %sub3A_759 = vector.broadcast %slice3A : vector<128x1xf32> to vector<128x128xf32>
    %sub3A_760 = vector.broadcast %select_n3A_758 : vector<1x128xf32> to vector<128x128xf32>
    %sub3A_761 = arith.subf %sub3A_759, %sub3A_760 : vector<128x128xf32>
    %integer_pow3A_762 = arith.mulf %sub3A_761, %sub3A_761 : vector<128x128xf32>
    %min3A_763 = arith.minimumf %min3A_747, %integer_pow3A_762 : vector<128x128xf32>
    %get3A_764 = arith.constant 0 : index
    %get3A_765 = arith.constant 0 : index
    %get3A_766 = arith.constant 6144 : index
    %get3A_767 = vector.load %arg2[%get3A_764, %get3A_765, %get3A_766] : memref<1x1x19200xf32, #tpu.memory_space<vmem>>, vector<1x1x128xf32>
    %get3A_768 = vector.shape_cast %get3A_767 : vector<1x1x128xf32> to vector<1x128xf32>
    %ge3A_769 = arith.constant 1.000000e-03 : f32
    %ge3A_770 = vector.broadcast %ge3A_769 : f32 to vector<1x128xf32>
    %ge3A_771 = arith.cmpf oge, %get3A_768, %ge3A_770 : vector<1x128xf32>
    %jit3A_772 = arith.constant 1.000000e+09 : f32
    %broadcast_in_dim3A_773 = vector.broadcast %jit3A_772 : f32 to vector<1x128xf32>
    %select_n3A_774 = arith.select %ge3A_771, %get3A_768, %broadcast_in_dim3A_773 : vector<1x128xi1>, vector<1x128xf32>
    %sub3A_775 = vector.broadcast %slice3A : vector<128x1xf32> to vector<128x128xf32>
    %sub3A_776 = vector.broadcast %select_n3A_774 : vector<1x128xf32> to vector<128x128xf32>
    %sub3A_777 = arith.subf %sub3A_775, %sub3A_776 : vector<128x128xf32>
    %integer_pow3A_778 = arith.mulf %sub3A_777, %sub3A_777 : vector<128x128xf32>
    %min3A_779 = arith.minimumf %min3A_763, %integer_pow3A_778 : vector<128x128xf32>
    %get3A_780 = arith.constant 0 : index
    %get3A_781 = arith.constant 0 : index
    %get3A_782 = arith.constant 6272 : index
    %get3A_783 = vector.load %arg2[%get3A_780, %get3A_781, %get3A_782] : memref<1x1x19200xf32, #tpu.memory_space<vmem>>, vector<1x1x128xf32>
    %get3A_784 = vector.shape_cast %get3A_783 : vector<1x1x128xf32> to vector<1x128xf32>
    %ge3A_785 = arith.constant 1.000000e-03 : f32
    %ge3A_786 = vector.broadcast %ge3A_785 : f32 to vector<1x128xf32>
    %ge3A_787 = arith.cmpf oge, %get3A_784, %ge3A_786 : vector<1x128xf32>
    %jit3A_788 = arith.constant 1.000000e+09 : f32
    %broadcast_in_dim3A_789 = vector.broadcast %jit3A_788 : f32 to vector<1x128xf32>
    %select_n3A_790 = arith.select %ge3A_787, %get3A_784, %broadcast_in_dim3A_789 : vector<1x128xi1>, vector<1x128xf32>
    %sub3A_791 = vector.broadcast %slice3A : vector<128x1xf32> to vector<128x128xf32>
    %sub3A_792 = vector.broadcast %select_n3A_790 : vector<1x128xf32> to vector<128x128xf32>
    %sub3A_793 = arith.subf %sub3A_791, %sub3A_792 : vector<128x128xf32>
    %integer_pow3A_794 = arith.mulf %sub3A_793, %sub3A_793 : vector<128x128xf32>
    %min3A_795 = arith.minimumf %min3A_779, %integer_pow3A_794 : vector<128x128xf32>
    %get3A_796 = arith.constant 0 : index
    %get3A_797 = arith.constant 0 : index
    %get3A_798 = arith.constant 6400 : index
    %get3A_799 = vector.load %arg2[%get3A_796, %get3A_797, %get3A_798] : memref<1x1x19200xf32, #tpu.memory_space<vmem>>, vector<1x1x128xf32>
    %get3A_800 = vector.shape_cast %get3A_799 : vector<1x1x128xf32> to vector<1x128xf32>
    %ge3A_801 = arith.constant 1.000000e-03 : f32
    %ge3A_802 = vector.broadcast %ge3A_801 : f32 to vector<1x128xf32>
    %ge3A_803 = arith.cmpf oge, %get3A_800, %ge3A_802 : vector<1x128xf32>
    %jit3A_804 = arith.constant 1.000000e+09 : f32
    %broadcast_in_dim3A_805 = vector.broadcast %jit3A_804 : f32 to vector<1x128xf32>
    %select_n3A_806 = arith.select %ge3A_803, %get3A_800, %broadcast_in_dim3A_805 : vector<1x128xi1>, vector<1x128xf32>
    %sub3A_807 = vector.broadcast %slice3A : vector<128x1xf32> to vector<128x128xf32>
    %sub3A_808 = vector.broadcast %select_n3A_806 : vector<1x128xf32> to vector<128x128xf32>
    %sub3A_809 = arith.subf %sub3A_807, %sub3A_808 : vector<128x128xf32>
    %integer_pow3A_810 = arith.mulf %sub3A_809, %sub3A_809 : vector<128x128xf32>
    %min3A_811 = arith.minimumf %min3A_795, %integer_pow3A_810 : vector<128x128xf32>
    %get3A_812 = arith.constant 0 : index
    %get3A_813 = arith.constant 0 : index
    %get3A_814 = arith.constant 6528 : index
    %get3A_815 = vector.load %arg2[%get3A_812, %get3A_813, %get3A_814] : memref<1x1x19200xf32, #tpu.memory_space<vmem>>, vector<1x1x128xf32>
    %get3A_816 = vector.shape_cast %get3A_815 : vector<1x1x128xf32> to vector<1x128xf32>
    %ge3A_817 = arith.constant 1.000000e-03 : f32
    %ge3A_818 = vector.broadcast %ge3A_817 : f32 to vector<1x128xf32>
    %ge3A_819 = arith.cmpf oge, %get3A_816, %ge3A_818 : vector<1x128xf32>
    %jit3A_820 = arith.constant 1.000000e+09 : f32
    %broadcast_in_dim3A_821 = vector.broadcast %jit3A_820 : f32 to vector<1x128xf32>
    %select_n3A_822 = arith.select %ge3A_819, %get3A_816, %broadcast_in_dim3A_821 : vector<1x128xi1>, vector<1x128xf32>
    %sub3A_823 = vector.broadcast %slice3A : vector<128x1xf32> to vector<128x128xf32>
    %sub3A_824 = vector.broadcast %select_n3A_822 : vector<1x128xf32> to vector<128x128xf32>
    %sub3A_825 = arith.subf %sub3A_823, %sub3A_824 : vector<128x128xf32>
    %integer_pow3A_826 = arith.mulf %sub3A_825, %sub3A_825 : vector<128x128xf32>
    %min3A_827 = arith.minimumf %min3A_811, %integer_pow3A_826 : vector<128x128xf32>
    %get3A_828 = arith.constant 0 : index
    %get3A_829 = arith.constant 0 : index
    %get3A_830 = arith.constant 6656 : index
    %get3A_831 = vector.load %arg2[%get3A_828, %get3A_829, %get3A_830] : memref<1x1x19200xf32, #tpu.memory_space<vmem>>, vector<1x1x128xf32>
    %get3A_832 = vector.shape_cast %get3A_831 : vector<1x1x128xf32> to vector<1x128xf32>
    %ge3A_833 = arith.constant 1.000000e-03 : f32
    %ge3A_834 = vector.broadcast %ge3A_833 : f32 to vector<1x128xf32>
    %ge3A_835 = arith.cmpf oge, %get3A_832, %ge3A_834 : vector<1x128xf32>
    %jit3A_836 = arith.constant 1.000000e+09 : f32
    %broadcast_in_dim3A_837 = vector.broadcast %jit3A_836 : f32 to vector<1x128xf32>
    %select_n3A_838 = arith.select %ge3A_835, %get3A_832, %broadcast_in_dim3A_837 : vector<1x128xi1>, vector<1x128xf32>
    %sub3A_839 = vector.broadcast %slice3A : vector<128x1xf32> to vector<128x128xf32>
    %sub3A_840 = vector.broadcast %select_n3A_838 : vector<1x128xf32> to vector<128x128xf32>
    %sub3A_841 = arith.subf %sub3A_839, %sub3A_840 : vector<128x128xf32>
    %integer_pow3A_842 = arith.mulf %sub3A_841, %sub3A_841 : vector<128x128xf32>
    %min3A_843 = arith.minimumf %min3A_827, %integer_pow3A_842 : vector<128x128xf32>
    %get3A_844 = arith.constant 0 : index
    %get3A_845 = arith.constant 0 : index
    %get3A_846 = arith.constant 6784 : index
    %get3A_847 = vector.load %arg2[%get3A_844, %get3A_845, %get3A_846] : memref<1x1x19200xf32, #tpu.memory_space<vmem>>, vector<1x1x128xf32>
    %get3A_848 = vector.shape_cast %get3A_847 : vector<1x1x128xf32> to vector<1x128xf32>
    %ge3A_849 = arith.constant 1.000000e-03 : f32
    %ge3A_850 = vector.broadcast %ge3A_849 : f32 to vector<1x128xf32>
    %ge3A_851 = arith.cmpf oge, %get3A_848, %ge3A_850 : vector<1x128xf32>
    %jit3A_852 = arith.constant 1.000000e+09 : f32
    %broadcast_in_dim3A_853 = vector.broadcast %jit3A_852 : f32 to vector<1x128xf32>
    %select_n3A_854 = arith.select %ge3A_851, %get3A_848, %broadcast_in_dim3A_853 : vector<1x128xi1>, vector<1x128xf32>
    %sub3A_855 = vector.broadcast %slice3A : vector<128x1xf32> to vector<128x128xf32>
    %sub3A_856 = vector.broadcast %select_n3A_854 : vector<1x128xf32> to vector<128x128xf32>
    %sub3A_857 = arith.subf %sub3A_855, %sub3A_856 : vector<128x128xf32>
    %integer_pow3A_858 = arith.mulf %sub3A_857, %sub3A_857 : vector<128x128xf32>
    %min3A_859 = arith.minimumf %min3A_843, %integer_pow3A_858 : vector<128x128xf32>
    %get3A_860 = arith.constant 0 : index
    %get3A_861 = arith.constant 0 : index
    %get3A_862 = arith.constant 6912 : index
    %get3A_863 = vector.load %arg2[%get3A_860, %get3A_861, %get3A_862] : memref<1x1x19200xf32, #tpu.memory_space<vmem>>, vector<1x1x128xf32>
    %get3A_864 = vector.shape_cast %get3A_863 : vector<1x1x128xf32> to vector<1x128xf32>
    %ge3A_865 = arith.constant 1.000000e-03 : f32
    %ge3A_866 = vector.broadcast %ge3A_865 : f32 to vector<1x128xf32>
    %ge3A_867 = arith.cmpf oge, %get3A_864, %ge3A_866 : vector<1x128xf32>
    %jit3A_868 = arith.constant 1.000000e+09 : f32
    %broadcast_in_dim3A_869 = vector.broadcast %jit3A_868 : f32 to vector<1x128xf32>
    %select_n3A_870 = arith.select %ge3A_867, %get3A_864, %broadcast_in_dim3A_869 : vector<1x128xi1>, vector<1x128xf32>
    %sub3A_871 = vector.broadcast %slice3A : vector<128x1xf32> to vector<128x128xf32>
    %sub3A_872 = vector.broadcast %select_n3A_870 : vector<1x128xf32> to vector<128x128xf32>
    %sub3A_873 = arith.subf %sub3A_871, %sub3A_872 : vector<128x128xf32>
    %integer_pow3A_874 = arith.mulf %sub3A_873, %sub3A_873 : vector<128x128xf32>
    %min3A_875 = arith.minimumf %min3A_859, %integer_pow3A_874 : vector<128x128xf32>
    %get3A_876 = arith.constant 0 : index
    %get3A_877 = arith.constant 0 : index
    %get3A_878 = arith.constant 7040 : index
    %get3A_879 = vector.load %arg2[%get3A_876, %get3A_877, %get3A_878] : memref<1x1x19200xf32, #tpu.memory_space<vmem>>, vector<1x1x128xf32>
    %get3A_880 = vector.shape_cast %get3A_879 : vector<1x1x128xf32> to vector<1x128xf32>
    %ge3A_881 = arith.constant 1.000000e-03 : f32
    %ge3A_882 = vector.broadcast %ge3A_881 : f32 to vector<1x128xf32>
    %ge3A_883 = arith.cmpf oge, %get3A_880, %ge3A_882 : vector<1x128xf32>
    %jit3A_884 = arith.constant 1.000000e+09 : f32
    %broadcast_in_dim3A_885 = vector.broadcast %jit3A_884 : f32 to vector<1x128xf32>
    %select_n3A_886 = arith.select %ge3A_883, %get3A_880, %broadcast_in_dim3A_885 : vector<1x128xi1>, vector<1x128xf32>
    %sub3A_887 = vector.broadcast %slice3A : vector<128x1xf32> to vector<128x128xf32>
    %sub3A_888 = vector.broadcast %select_n3A_886 : vector<1x128xf32> to vector<128x128xf32>
    %sub3A_889 = arith.subf %sub3A_887, %sub3A_888 : vector<128x128xf32>
    %integer_pow3A_890 = arith.mulf %sub3A_889, %sub3A_889 : vector<128x128xf32>
    %min3A_891 = arith.minimumf %min3A_875, %integer_pow3A_890 : vector<128x128xf32>
    %get3A_892 = arith.constant 0 : index
    %get3A_893 = arith.constant 0 : index
    %get3A_894 = arith.constant 7168 : index
    %get3A_895 = vector.load %arg2[%get3A_892, %get3A_893, %get3A_894] : memref<1x1x19200xf32, #tpu.memory_space<vmem>>, vector<1x1x128xf32>
    %get3A_896 = vector.shape_cast %get3A_895 : vector<1x1x128xf32> to vector<1x128xf32>
    %ge3A_897 = arith.constant 1.000000e-03 : f32
    %ge3A_898 = vector.broadcast %ge3A_897 : f32 to vector<1x128xf32>
    %ge3A_899 = arith.cmpf oge, %get3A_896, %ge3A_898 : vector<1x128xf32>
    %jit3A_900 = arith.constant 1.000000e+09 : f32
    %broadcast_in_dim3A_901 = vector.broadcast %jit3A_900 : f32 to vector<1x128xf32>
    %select_n3A_902 = arith.select %ge3A_899, %get3A_896, %broadcast_in_dim3A_901 : vector<1x128xi1>, vector<1x128xf32>
    %sub3A_903 = vector.broadcast %slice3A : vector<128x1xf32> to vector<128x128xf32>
    %sub3A_904 = vector.broadcast %select_n3A_902 : vector<1x128xf32> to vector<128x128xf32>
    %sub3A_905 = arith.subf %sub3A_903, %sub3A_904 : vector<128x128xf32>
    %integer_pow3A_906 = arith.mulf %sub3A_905, %sub3A_905 : vector<128x128xf32>
    %min3A_907 = arith.minimumf %min3A_891, %integer_pow3A_906 : vector<128x128xf32>
    %get3A_908 = arith.constant 0 : index
    %get3A_909 = arith.constant 0 : index
    %get3A_910 = arith.constant 7296 : index
    %get3A_911 = vector.load %arg2[%get3A_908, %get3A_909, %get3A_910] : memref<1x1x19200xf32, #tpu.memory_space<vmem>>, vector<1x1x128xf32>
    %get3A_912 = vector.shape_cast %get3A_911 : vector<1x1x128xf32> to vector<1x128xf32>
    %ge3A_913 = arith.constant 1.000000e-03 : f32
    %ge3A_914 = vector.broadcast %ge3A_913 : f32 to vector<1x128xf32>
    %ge3A_915 = arith.cmpf oge, %get3A_912, %ge3A_914 : vector<1x128xf32>
    %jit3A_916 = arith.constant 1.000000e+09 : f32
    %broadcast_in_dim3A_917 = vector.broadcast %jit3A_916 : f32 to vector<1x128xf32>
    %select_n3A_918 = arith.select %ge3A_915, %get3A_912, %broadcast_in_dim3A_917 : vector<1x128xi1>, vector<1x128xf32>
    %sub3A_919 = vector.broadcast %slice3A : vector<128x1xf32> to vector<128x128xf32>
    %sub3A_920 = vector.broadcast %select_n3A_918 : vector<1x128xf32> to vector<128x128xf32>
    %sub3A_921 = arith.subf %sub3A_919, %sub3A_920 : vector<128x128xf32>
    %integer_pow3A_922 = arith.mulf %sub3A_921, %sub3A_921 : vector<128x128xf32>
    %min3A_923 = arith.minimumf %min3A_907, %integer_pow3A_922 : vector<128x128xf32>
    %get3A_924 = arith.constant 0 : index
    %get3A_925 = arith.constant 0 : index
    %get3A_926 = arith.constant 7424 : index
    %get3A_927 = vector.load %arg2[%get3A_924, %get3A_925, %get3A_926] : memref<1x1x19200xf32, #tpu.memory_space<vmem>>, vector<1x1x128xf32>
    %get3A_928 = vector.shape_cast %get3A_927 : vector<1x1x128xf32> to vector<1x128xf32>
    %ge3A_929 = arith.constant 1.000000e-03 : f32
    %ge3A_930 = vector.broadcast %ge3A_929 : f32 to vector<1x128xf32>
    %ge3A_931 = arith.cmpf oge, %get3A_928, %ge3A_930 : vector<1x128xf32>
    %jit3A_932 = arith.constant 1.000000e+09 : f32
    %broadcast_in_dim3A_933 = vector.broadcast %jit3A_932 : f32 to vector<1x128xf32>
    %select_n3A_934 = arith.select %ge3A_931, %get3A_928, %broadcast_in_dim3A_933 : vector<1x128xi1>, vector<1x128xf32>
    %sub3A_935 = vector.broadcast %slice3A : vector<128x1xf32> to vector<128x128xf32>
    %sub3A_936 = vector.broadcast %select_n3A_934 : vector<1x128xf32> to vector<128x128xf32>
    %sub3A_937 = arith.subf %sub3A_935, %sub3A_936 : vector<128x128xf32>
    %integer_pow3A_938 = arith.mulf %sub3A_937, %sub3A_937 : vector<128x128xf32>
    %min3A_939 = arith.minimumf %min3A_923, %integer_pow3A_938 : vector<128x128xf32>
    %get3A_940 = arith.constant 0 : index
    %get3A_941 = arith.constant 0 : index
    %get3A_942 = arith.constant 7552 : index
    %get3A_943 = vector.load %arg2[%get3A_940, %get3A_941, %get3A_942] : memref<1x1x19200xf32, #tpu.memory_space<vmem>>, vector<1x1x128xf32>
    %get3A_944 = vector.shape_cast %get3A_943 : vector<1x1x128xf32> to vector<1x128xf32>
    %ge3A_945 = arith.constant 1.000000e-03 : f32
    %ge3A_946 = vector.broadcast %ge3A_945 : f32 to vector<1x128xf32>
    %ge3A_947 = arith.cmpf oge, %get3A_944, %ge3A_946 : vector<1x128xf32>
    %jit3A_948 = arith.constant 1.000000e+09 : f32
    %broadcast_in_dim3A_949 = vector.broadcast %jit3A_948 : f32 to vector<1x128xf32>
    %select_n3A_950 = arith.select %ge3A_947, %get3A_944, %broadcast_in_dim3A_949 : vector<1x128xi1>, vector<1x128xf32>
    %sub3A_951 = vector.broadcast %slice3A : vector<128x1xf32> to vector<128x128xf32>
    %sub3A_952 = vector.broadcast %select_n3A_950 : vector<1x128xf32> to vector<128x128xf32>
    %sub3A_953 = arith.subf %sub3A_951, %sub3A_952 : vector<128x128xf32>
    %integer_pow3A_954 = arith.mulf %sub3A_953, %sub3A_953 : vector<128x128xf32>
    %min3A_955 = arith.minimumf %min3A_939, %integer_pow3A_954 : vector<128x128xf32>
    %get3A_956 = arith.constant 0 : index
    %get3A_957 = arith.constant 0 : index
    %get3A_958 = arith.constant 7680 : index
    %get3A_959 = vector.load %arg2[%get3A_956, %get3A_957, %get3A_958] : memref<1x1x19200xf32, #tpu.memory_space<vmem>>, vector<1x1x128xf32>
    %get3A_960 = vector.shape_cast %get3A_959 : vector<1x1x128xf32> to vector<1x128xf32>
    %ge3A_961 = arith.constant 1.000000e-03 : f32
    %ge3A_962 = vector.broadcast %ge3A_961 : f32 to vector<1x128xf32>
    %ge3A_963 = arith.cmpf oge, %get3A_960, %ge3A_962 : vector<1x128xf32>
    %jit3A_964 = arith.constant 1.000000e+09 : f32
    %broadcast_in_dim3A_965 = vector.broadcast %jit3A_964 : f32 to vector<1x128xf32>
    %select_n3A_966 = arith.select %ge3A_963, %get3A_960, %broadcast_in_dim3A_965 : vector<1x128xi1>, vector<1x128xf32>
    %sub3A_967 = vector.broadcast %slice3A : vector<128x1xf32> to vector<128x128xf32>
    %sub3A_968 = vector.broadcast %select_n3A_966 : vector<1x128xf32> to vector<128x128xf32>
    %sub3A_969 = arith.subf %sub3A_967, %sub3A_968 : vector<128x128xf32>
    %integer_pow3A_970 = arith.mulf %sub3A_969, %sub3A_969 : vector<128x128xf32>
    %min3A_971 = arith.minimumf %min3A_955, %integer_pow3A_970 : vector<128x128xf32>
    %get3A_972 = arith.constant 0 : index
    %get3A_973 = arith.constant 0 : index
    %get3A_974 = arith.constant 7808 : index
    %get3A_975 = vector.load %arg2[%get3A_972, %get3A_973, %get3A_974] : memref<1x1x19200xf32, #tpu.memory_space<vmem>>, vector<1x1x128xf32>
    %get3A_976 = vector.shape_cast %get3A_975 : vector<1x1x128xf32> to vector<1x128xf32>
    %ge3A_977 = arith.constant 1.000000e-03 : f32
    %ge3A_978 = vector.broadcast %ge3A_977 : f32 to vector<1x128xf32>
    %ge3A_979 = arith.cmpf oge, %get3A_976, %ge3A_978 : vector<1x128xf32>
    %jit3A_980 = arith.constant 1.000000e+09 : f32
    %broadcast_in_dim3A_981 = vector.broadcast %jit3A_980 : f32 to vector<1x128xf32>
    %select_n3A_982 = arith.select %ge3A_979, %get3A_976, %broadcast_in_dim3A_981 : vector<1x128xi1>, vector<1x128xf32>
    %sub3A_983 = vector.broadcast %slice3A : vector<128x1xf32> to vector<128x128xf32>
    %sub3A_984 = vector.broadcast %select_n3A_982 : vector<1x128xf32> to vector<128x128xf32>
    %sub3A_985 = arith.subf %sub3A_983, %sub3A_984 : vector<128x128xf32>
    %integer_pow3A_986 = arith.mulf %sub3A_985, %sub3A_985 : vector<128x128xf32>
    %min3A_987 = arith.minimumf %min3A_971, %integer_pow3A_986 : vector<128x128xf32>
    %get3A_988 = arith.constant 0 : index
    %get3A_989 = arith.constant 0 : index
    %get3A_990 = arith.constant 7936 : index
    %get3A_991 = vector.load %arg2[%get3A_988, %get3A_989, %get3A_990] : memref<1x1x19200xf32, #tpu.memory_space<vmem>>, vector<1x1x128xf32>
    %get3A_992 = vector.shape_cast %get3A_991 : vector<1x1x128xf32> to vector<1x128xf32>
    %ge3A_993 = arith.constant 1.000000e-03 : f32
    %ge3A_994 = vector.broadcast %ge3A_993 : f32 to vector<1x128xf32>
    %ge3A_995 = arith.cmpf oge, %get3A_992, %ge3A_994 : vector<1x128xf32>
    %jit3A_996 = arith.constant 1.000000e+09 : f32
    %broadcast_in_dim3A_997 = vector.broadcast %jit3A_996 : f32 to vector<1x128xf32>
    %select_n3A_998 = arith.select %ge3A_995, %get3A_992, %broadcast_in_dim3A_997 : vector<1x128xi1>, vector<1x128xf32>
    %sub3A_999 = vector.broadcast %slice3A : vector<128x1xf32> to vector<128x128xf32>
    %sub3A_1000 = vector.broadcast %select_n3A_998 : vector<1x128xf32> to vector<128x128xf32>
    %sub3A_1001 = arith.subf %sub3A_999, %sub3A_1000 : vector<128x128xf32>
    %integer_pow3A_1002 = arith.mulf %sub3A_1001, %sub3A_1001 : vector<128x128xf32>
    %min3A_1003 = arith.minimumf %min3A_987, %integer_pow3A_1002 : vector<128x128xf32>
    %get3A_1004 = arith.constant 0 : index
    %get3A_1005 = arith.constant 0 : index
    %get3A_1006 = arith.constant 8064 : index
    %get3A_1007 = vector.load %arg2[%get3A_1004, %get3A_1005, %get3A_1006] : memref<1x1x19200xf32, #tpu.memory_space<vmem>>, vector<1x1x128xf32>
    %get3A_1008 = vector.shape_cast %get3A_1007 : vector<1x1x128xf32> to vector<1x128xf32>
    %ge3A_1009 = arith.constant 1.000000e-03 : f32
    %ge3A_1010 = vector.broadcast %ge3A_1009 : f32 to vector<1x128xf32>
    %ge3A_1011 = arith.cmpf oge, %get3A_1008, %ge3A_1010 : vector<1x128xf32>
    %jit3A_1012 = arith.constant 1.000000e+09 : f32
    %broadcast_in_dim3A_1013 = vector.broadcast %jit3A_1012 : f32 to vector<1x128xf32>
    %select_n3A_1014 = arith.select %ge3A_1011, %get3A_1008, %broadcast_in_dim3A_1013 : vector<1x128xi1>, vector<1x128xf32>
    %sub3A_1015 = vector.broadcast %slice3A : vector<128x1xf32> to vector<128x128xf32>
    %sub3A_1016 = vector.broadcast %select_n3A_1014 : vector<1x128xf32> to vector<128x128xf32>
    %sub3A_1017 = arith.subf %sub3A_1015, %sub3A_1016 : vector<128x128xf32>
    %integer_pow3A_1018 = arith.mulf %sub3A_1017, %sub3A_1017 : vector<128x128xf32>
    %min3A_1019 = arith.minimumf %min3A_1003, %integer_pow3A_1018 : vector<128x128xf32>
    %get3A_1020 = arith.constant 0 : index
    %get3A_1021 = arith.constant 0 : index
    %get3A_1022 = arith.constant 8192 : index
    %get3A_1023 = vector.load %arg2[%get3A_1020, %get3A_1021, %get3A_1022] : memref<1x1x19200xf32, #tpu.memory_space<vmem>>, vector<1x1x128xf32>
    %get3A_1024 = vector.shape_cast %get3A_1023 : vector<1x1x128xf32> to vector<1x128xf32>
    %ge3A_1025 = arith.constant 1.000000e-03 : f32
    %ge3A_1026 = vector.broadcast %ge3A_1025 : f32 to vector<1x128xf32>
    %ge3A_1027 = arith.cmpf oge, %get3A_1024, %ge3A_1026 : vector<1x128xf32>
    %jit3A_1028 = arith.constant 1.000000e+09 : f32
    %broadcast_in_dim3A_1029 = vector.broadcast %jit3A_1028 : f32 to vector<1x128xf32>
    %select_n3A_1030 = arith.select %ge3A_1027, %get3A_1024, %broadcast_in_dim3A_1029 : vector<1x128xi1>, vector<1x128xf32>
    %sub3A_1031 = vector.broadcast %slice3A : vector<128x1xf32> to vector<128x128xf32>
    %sub3A_1032 = vector.broadcast %select_n3A_1030 : vector<1x128xf32> to vector<128x128xf32>
    %sub3A_1033 = arith.subf %sub3A_1031, %sub3A_1032 : vector<128x128xf32>
    %integer_pow3A_1034 = arith.mulf %sub3A_1033, %sub3A_1033 : vector<128x128xf32>
    %min3A_1035 = arith.minimumf %min3A_1019, %integer_pow3A_1034 : vector<128x128xf32>
    %get3A_1036 = arith.constant 0 : index
    %get3A_1037 = arith.constant 0 : index
    %get3A_1038 = arith.constant 8320 : index
    %get3A_1039 = vector.load %arg2[%get3A_1036, %get3A_1037, %get3A_1038] : memref<1x1x19200xf32, #tpu.memory_space<vmem>>, vector<1x1x128xf32>
    %get3A_1040 = vector.shape_cast %get3A_1039 : vector<1x1x128xf32> to vector<1x128xf32>
    %ge3A_1041 = arith.constant 1.000000e-03 : f32
    %ge3A_1042 = vector.broadcast %ge3A_1041 : f32 to vector<1x128xf32>
    %ge3A_1043 = arith.cmpf oge, %get3A_1040, %ge3A_1042 : vector<1x128xf32>
    %jit3A_1044 = arith.constant 1.000000e+09 : f32
    %broadcast_in_dim3A_1045 = vector.broadcast %jit3A_1044 : f32 to vector<1x128xf32>
    %select_n3A_1046 = arith.select %ge3A_1043, %get3A_1040, %broadcast_in_dim3A_1045 : vector<1x128xi1>, vector<1x128xf32>
    %sub3A_1047 = vector.broadcast %slice3A : vector<128x1xf32> to vector<128x128xf32>
    %sub3A_1048 = vector.broadcast %select_n3A_1046 : vector<1x128xf32> to vector<128x128xf32>
    %sub3A_1049 = arith.subf %sub3A_1047, %sub3A_1048 : vector<128x128xf32>
    %integer_pow3A_1050 = arith.mulf %sub3A_1049, %sub3A_1049 : vector<128x128xf32>
    %min3A_1051 = arith.minimumf %min3A_1035, %integer_pow3A_1050 : vector<128x128xf32>
    %get3A_1052 = arith.constant 0 : index
    %get3A_1053 = arith.constant 0 : index
    %get3A_1054 = arith.constant 8448 : index
    %get3A_1055 = vector.load %arg2[%get3A_1052, %get3A_1053, %get3A_1054] : memref<1x1x19200xf32, #tpu.memory_space<vmem>>, vector<1x1x128xf32>
    %get3A_1056 = vector.shape_cast %get3A_1055 : vector<1x1x128xf32> to vector<1x128xf32>
    %ge3A_1057 = arith.constant 1.000000e-03 : f32
    %ge3A_1058 = vector.broadcast %ge3A_1057 : f32 to vector<1x128xf32>
    %ge3A_1059 = arith.cmpf oge, %get3A_1056, %ge3A_1058 : vector<1x128xf32>
    %jit3A_1060 = arith.constant 1.000000e+09 : f32
    %broadcast_in_dim3A_1061 = vector.broadcast %jit3A_1060 : f32 to vector<1x128xf32>
    %select_n3A_1062 = arith.select %ge3A_1059, %get3A_1056, %broadcast_in_dim3A_1061 : vector<1x128xi1>, vector<1x128xf32>
    %sub3A_1063 = vector.broadcast %slice3A : vector<128x1xf32> to vector<128x128xf32>
    %sub3A_1064 = vector.broadcast %select_n3A_1062 : vector<1x128xf32> to vector<128x128xf32>
    %sub3A_1065 = arith.subf %sub3A_1063, %sub3A_1064 : vector<128x128xf32>
    %integer_pow3A_1066 = arith.mulf %sub3A_1065, %sub3A_1065 : vector<128x128xf32>
    %min3A_1067 = arith.minimumf %min3A_1051, %integer_pow3A_1066 : vector<128x128xf32>
    %get3A_1068 = arith.constant 0 : index
    %get3A_1069 = arith.constant 0 : index
    %get3A_1070 = arith.constant 8576 : index
    %get3A_1071 = vector.load %arg2[%get3A_1068, %get3A_1069, %get3A_1070] : memref<1x1x19200xf32, #tpu.memory_space<vmem>>, vector<1x1x128xf32>
    %get3A_1072 = vector.shape_cast %get3A_1071 : vector<1x1x128xf32> to vector<1x128xf32>
    %ge3A_1073 = arith.constant 1.000000e-03 : f32
    %ge3A_1074 = vector.broadcast %ge3A_1073 : f32 to vector<1x128xf32>
    %ge3A_1075 = arith.cmpf oge, %get3A_1072, %ge3A_1074 : vector<1x128xf32>
    %jit3A_1076 = arith.constant 1.000000e+09 : f32
    %broadcast_in_dim3A_1077 = vector.broadcast %jit3A_1076 : f32 to vector<1x128xf32>
    %select_n3A_1078 = arith.select %ge3A_1075, %get3A_1072, %broadcast_in_dim3A_1077 : vector<1x128xi1>, vector<1x128xf32>
    %sub3A_1079 = vector.broadcast %slice3A : vector<128x1xf32> to vector<128x128xf32>
    %sub3A_1080 = vector.broadcast %select_n3A_1078 : vector<1x128xf32> to vector<128x128xf32>
    %sub3A_1081 = arith.subf %sub3A_1079, %sub3A_1080 : vector<128x128xf32>
    %integer_pow3A_1082 = arith.mulf %sub3A_1081, %sub3A_1081 : vector<128x128xf32>
    %min3A_1083 = arith.minimumf %min3A_1067, %integer_pow3A_1082 : vector<128x128xf32>
    %get3A_1084 = arith.constant 0 : index
    %get3A_1085 = arith.constant 0 : index
    %get3A_1086 = arith.constant 8704 : index
    %get3A_1087 = vector.load %arg2[%get3A_1084, %get3A_1085, %get3A_1086] : memref<1x1x19200xf32, #tpu.memory_space<vmem>>, vector<1x1x128xf32>
    %get3A_1088 = vector.shape_cast %get3A_1087 : vector<1x1x128xf32> to vector<1x128xf32>
    %ge3A_1089 = arith.constant 1.000000e-03 : f32
    %ge3A_1090 = vector.broadcast %ge3A_1089 : f32 to vector<1x128xf32>
    %ge3A_1091 = arith.cmpf oge, %get3A_1088, %ge3A_1090 : vector<1x128xf32>
    %jit3A_1092 = arith.constant 1.000000e+09 : f32
    %broadcast_in_dim3A_1093 = vector.broadcast %jit3A_1092 : f32 to vector<1x128xf32>
    %select_n3A_1094 = arith.select %ge3A_1091, %get3A_1088, %broadcast_in_dim3A_1093 : vector<1x128xi1>, vector<1x128xf32>
    %sub3A_1095 = vector.broadcast %slice3A : vector<128x1xf32> to vector<128x128xf32>
    %sub3A_1096 = vector.broadcast %select_n3A_1094 : vector<1x128xf32> to vector<128x128xf32>
    %sub3A_1097 = arith.subf %sub3A_1095, %sub3A_1096 : vector<128x128xf32>
    %integer_pow3A_1098 = arith.mulf %sub3A_1097, %sub3A_1097 : vector<128x128xf32>
    %min3A_1099 = arith.minimumf %min3A_1083, %integer_pow3A_1098 : vector<128x128xf32>
    %get3A_1100 = arith.constant 0 : index
    %get3A_1101 = arith.constant 0 : index
    %get3A_1102 = arith.constant 8832 : index
    %get3A_1103 = vector.load %arg2[%get3A_1100, %get3A_1101, %get3A_1102] : memref<1x1x19200xf32, #tpu.memory_space<vmem>>, vector<1x1x128xf32>
    %get3A_1104 = vector.shape_cast %get3A_1103 : vector<1x1x128xf32> to vector<1x128xf32>
    %ge3A_1105 = arith.constant 1.000000e-03 : f32
    %ge3A_1106 = vector.broadcast %ge3A_1105 : f32 to vector<1x128xf32>
    %ge3A_1107 = arith.cmpf oge, %get3A_1104, %ge3A_1106 : vector<1x128xf32>
    %jit3A_1108 = arith.constant 1.000000e+09 : f32
    %broadcast_in_dim3A_1109 = vector.broadcast %jit3A_1108 : f32 to vector<1x128xf32>
    %select_n3A_1110 = arith.select %ge3A_1107, %get3A_1104, %broadcast_in_dim3A_1109 : vector<1x128xi1>, vector<1x128xf32>
    %sub3A_1111 = vector.broadcast %slice3A : vector<128x1xf32> to vector<128x128xf32>
    %sub3A_1112 = vector.broadcast %select_n3A_1110 : vector<1x128xf32> to vector<128x128xf32>
    %sub3A_1113 = arith.subf %sub3A_1111, %sub3A_1112 : vector<128x128xf32>
    %integer_pow3A_1114 = arith.mulf %sub3A_1113, %sub3A_1113 : vector<128x128xf32>
    %min3A_1115 = arith.minimumf %min3A_1099, %integer_pow3A_1114 : vector<128x128xf32>
    %get3A_1116 = arith.constant 0 : index
    %get3A_1117 = arith.constant 0 : index
    %get3A_1118 = arith.constant 8960 : index
    %get3A_1119 = vector.load %arg2[%get3A_1116, %get3A_1117, %get3A_1118] : memref<1x1x19200xf32, #tpu.memory_space<vmem>>, vector<1x1x128xf32>
    %get3A_1120 = vector.shape_cast %get3A_1119 : vector<1x1x128xf32> to vector<1x128xf32>
    %ge3A_1121 = arith.constant 1.000000e-03 : f32
    %ge3A_1122 = vector.broadcast %ge3A_1121 : f32 to vector<1x128xf32>
    %ge3A_1123 = arith.cmpf oge, %get3A_1120, %ge3A_1122 : vector<1x128xf32>
    %jit3A_1124 = arith.constant 1.000000e+09 : f32
    %broadcast_in_dim3A_1125 = vector.broadcast %jit3A_1124 : f32 to vector<1x128xf32>
    %select_n3A_1126 = arith.select %ge3A_1123, %get3A_1120, %broadcast_in_dim3A_1125 : vector<1x128xi1>, vector<1x128xf32>
    %sub3A_1127 = vector.broadcast %slice3A : vector<128x1xf32> to vector<128x128xf32>
    %sub3A_1128 = vector.broadcast %select_n3A_1126 : vector<1x128xf32> to vector<128x128xf32>
    %sub3A_1129 = arith.subf %sub3A_1127, %sub3A_1128 : vector<128x128xf32>
    %integer_pow3A_1130 = arith.mulf %sub3A_1129, %sub3A_1129 : vector<128x128xf32>
    %min3A_1131 = arith.minimumf %min3A_1115, %integer_pow3A_1130 : vector<128x128xf32>
    %get3A_1132 = arith.constant 0 : index
    %get3A_1133 = arith.constant 0 : index
    %get3A_1134 = arith.constant 9088 : index
    %get3A_1135 = vector.load %arg2[%get3A_1132, %get3A_1133, %get3A_1134] : memref<1x1x19200xf32, #tpu.memory_space<vmem>>, vector<1x1x128xf32>
    %get3A_1136 = vector.shape_cast %get3A_1135 : vector<1x1x128xf32> to vector<1x128xf32>
    %ge3A_1137 = arith.constant 1.000000e-03 : f32
    %ge3A_1138 = vector.broadcast %ge3A_1137 : f32 to vector<1x128xf32>
    %ge3A_1139 = arith.cmpf oge, %get3A_1136, %ge3A_1138 : vector<1x128xf32>
    %jit3A_1140 = arith.constant 1.000000e+09 : f32
    %broadcast_in_dim3A_1141 = vector.broadcast %jit3A_1140 : f32 to vector<1x128xf32>
    %select_n3A_1142 = arith.select %ge3A_1139, %get3A_1136, %broadcast_in_dim3A_1141 : vector<1x128xi1>, vector<1x128xf32>
    %sub3A_1143 = vector.broadcast %slice3A : vector<128x1xf32> to vector<128x128xf32>
    %sub3A_1144 = vector.broadcast %select_n3A_1142 : vector<1x128xf32> to vector<128x128xf32>
    %sub3A_1145 = arith.subf %sub3A_1143, %sub3A_1144 : vector<128x128xf32>
    %integer_pow3A_1146 = arith.mulf %sub3A_1145, %sub3A_1145 : vector<128x128xf32>
    %min3A_1147 = arith.minimumf %min3A_1131, %integer_pow3A_1146 : vector<128x128xf32>
    %get3A_1148 = arith.constant 0 : index
    %get3A_1149 = arith.constant 0 : index
    %get3A_1150 = arith.constant 9216 : index
    %get3A_1151 = vector.load %arg2[%get3A_1148, %get3A_1149, %get3A_1150] : memref<1x1x19200xf32, #tpu.memory_space<vmem>>, vector<1x1x128xf32>
    %get3A_1152 = vector.shape_cast %get3A_1151 : vector<1x1x128xf32> to vector<1x128xf32>
    %ge3A_1153 = arith.constant 1.000000e-03 : f32
    %ge3A_1154 = vector.broadcast %ge3A_1153 : f32 to vector<1x128xf32>
    %ge3A_1155 = arith.cmpf oge, %get3A_1152, %ge3A_1154 : vector<1x128xf32>
    %jit3A_1156 = arith.constant 1.000000e+09 : f32
    %broadcast_in_dim3A_1157 = vector.broadcast %jit3A_1156 : f32 to vector<1x128xf32>
    %select_n3A_1158 = arith.select %ge3A_1155, %get3A_1152, %broadcast_in_dim3A_1157 : vector<1x128xi1>, vector<1x128xf32>
    %sub3A_1159 = vector.broadcast %slice3A : vector<128x1xf32> to vector<128x128xf32>
    %sub3A_1160 = vector.broadcast %select_n3A_1158 : vector<1x128xf32> to vector<128x128xf32>
    %sub3A_1161 = arith.subf %sub3A_1159, %sub3A_1160 : vector<128x128xf32>
    %integer_pow3A_1162 = arith.mulf %sub3A_1161, %sub3A_1161 : vector<128x128xf32>
    %min3A_1163 = arith.minimumf %min3A_1147, %integer_pow3A_1162 : vector<128x128xf32>
    %get3A_1164 = arith.constant 0 : index
    %get3A_1165 = arith.constant 0 : index
    %get3A_1166 = arith.constant 9344 : index
    %get3A_1167 = vector.load %arg2[%get3A_1164, %get3A_1165, %get3A_1166] : memref<1x1x19200xf32, #tpu.memory_space<vmem>>, vector<1x1x128xf32>
    %get3A_1168 = vector.shape_cast %get3A_1167 : vector<1x1x128xf32> to vector<1x128xf32>
    %ge3A_1169 = arith.constant 1.000000e-03 : f32
    %ge3A_1170 = vector.broadcast %ge3A_1169 : f32 to vector<1x128xf32>
    %ge3A_1171 = arith.cmpf oge, %get3A_1168, %ge3A_1170 : vector<1x128xf32>
    %jit3A_1172 = arith.constant 1.000000e+09 : f32
    %broadcast_in_dim3A_1173 = vector.broadcast %jit3A_1172 : f32 to vector<1x128xf32>
    %select_n3A_1174 = arith.select %ge3A_1171, %get3A_1168, %broadcast_in_dim3A_1173 : vector<1x128xi1>, vector<1x128xf32>
    %sub3A_1175 = vector.broadcast %slice3A : vector<128x1xf32> to vector<128x128xf32>
    %sub3A_1176 = vector.broadcast %select_n3A_1174 : vector<1x128xf32> to vector<128x128xf32>
    %sub3A_1177 = arith.subf %sub3A_1175, %sub3A_1176 : vector<128x128xf32>
    %integer_pow3A_1178 = arith.mulf %sub3A_1177, %sub3A_1177 : vector<128x128xf32>
    %min3A_1179 = arith.minimumf %min3A_1163, %integer_pow3A_1178 : vector<128x128xf32>
    %get3A_1180 = arith.constant 0 : index
    %get3A_1181 = arith.constant 0 : index
    %get3A_1182 = arith.constant 9472 : index
    %get3A_1183 = vector.load %arg2[%get3A_1180, %get3A_1181, %get3A_1182] : memref<1x1x19200xf32, #tpu.memory_space<vmem>>, vector<1x1x128xf32>
    %get3A_1184 = vector.shape_cast %get3A_1183 : vector<1x1x128xf32> to vector<1x128xf32>
    %ge3A_1185 = arith.constant 1.000000e-03 : f32
    %ge3A_1186 = vector.broadcast %ge3A_1185 : f32 to vector<1x128xf32>
    %ge3A_1187 = arith.cmpf oge, %get3A_1184, %ge3A_1186 : vector<1x128xf32>
    %jit3A_1188 = arith.constant 1.000000e+09 : f32
    %broadcast_in_dim3A_1189 = vector.broadcast %jit3A_1188 : f32 to vector<1x128xf32>
    %select_n3A_1190 = arith.select %ge3A_1187, %get3A_1184, %broadcast_in_dim3A_1189 : vector<1x128xi1>, vector<1x128xf32>
    %sub3A_1191 = vector.broadcast %slice3A : vector<128x1xf32> to vector<128x128xf32>
    %sub3A_1192 = vector.broadcast %select_n3A_1190 : vector<1x128xf32> to vector<128x128xf32>
    %sub3A_1193 = arith.subf %sub3A_1191, %sub3A_1192 : vector<128x128xf32>
    %integer_pow3A_1194 = arith.mulf %sub3A_1193, %sub3A_1193 : vector<128x128xf32>
    %min3A_1195 = arith.minimumf %min3A_1179, %integer_pow3A_1194 : vector<128x128xf32>
    %get3A_1196 = arith.constant 0 : index
    %get3A_1197 = arith.constant 0 : index
    %get3A_1198 = arith.constant 9600 : index
    %get3A_1199 = vector.load %arg2[%get3A_1196, %get3A_1197, %get3A_1198] : memref<1x1x19200xf32, #tpu.memory_space<vmem>>, vector<1x1x128xf32>
    %get3A_1200 = vector.shape_cast %get3A_1199 : vector<1x1x128xf32> to vector<1x128xf32>
    %ge3A_1201 = arith.constant 1.000000e-03 : f32
    %ge3A_1202 = vector.broadcast %ge3A_1201 : f32 to vector<1x128xf32>
    %ge3A_1203 = arith.cmpf oge, %get3A_1200, %ge3A_1202 : vector<1x128xf32>
    %jit3A_1204 = arith.constant 1.000000e+09 : f32
    %broadcast_in_dim3A_1205 = vector.broadcast %jit3A_1204 : f32 to vector<1x128xf32>
    %select_n3A_1206 = arith.select %ge3A_1203, %get3A_1200, %broadcast_in_dim3A_1205 : vector<1x128xi1>, vector<1x128xf32>
    %sub3A_1207 = vector.broadcast %slice3A : vector<128x1xf32> to vector<128x128xf32>
    %sub3A_1208 = vector.broadcast %select_n3A_1206 : vector<1x128xf32> to vector<128x128xf32>
    %sub3A_1209 = arith.subf %sub3A_1207, %sub3A_1208 : vector<128x128xf32>
    %integer_pow3A_1210 = arith.mulf %sub3A_1209, %sub3A_1209 : vector<128x128xf32>
    %min3A_1211 = arith.minimumf %min3A_1195, %integer_pow3A_1210 : vector<128x128xf32>
    %get3A_1212 = arith.constant 0 : index
    %get3A_1213 = arith.constant 0 : index
    %get3A_1214 = arith.constant 9728 : index
    %get3A_1215 = vector.load %arg2[%get3A_1212, %get3A_1213, %get3A_1214] : memref<1x1x19200xf32, #tpu.memory_space<vmem>>, vector<1x1x128xf32>
    %get3A_1216 = vector.shape_cast %get3A_1215 : vector<1x1x128xf32> to vector<1x128xf32>
    %ge3A_1217 = arith.constant 1.000000e-03 : f32
    %ge3A_1218 = vector.broadcast %ge3A_1217 : f32 to vector<1x128xf32>
    %ge3A_1219 = arith.cmpf oge, %get3A_1216, %ge3A_1218 : vector<1x128xf32>
    %jit3A_1220 = arith.constant 1.000000e+09 : f32
    %broadcast_in_dim3A_1221 = vector.broadcast %jit3A_1220 : f32 to vector<1x128xf32>
    %select_n3A_1222 = arith.select %ge3A_1219, %get3A_1216, %broadcast_in_dim3A_1221 : vector<1x128xi1>, vector<1x128xf32>
    %sub3A_1223 = vector.broadcast %slice3A : vector<128x1xf32> to vector<128x128xf32>
    %sub3A_1224 = vector.broadcast %select_n3A_1222 : vector<1x128xf32> to vector<128x128xf32>
    %sub3A_1225 = arith.subf %sub3A_1223, %sub3A_1224 : vector<128x128xf32>
    %integer_pow3A_1226 = arith.mulf %sub3A_1225, %sub3A_1225 : vector<128x128xf32>
    %min3A_1227 = arith.minimumf %min3A_1211, %integer_pow3A_1226 : vector<128x128xf32>
    %get3A_1228 = arith.constant 0 : index
    %get3A_1229 = arith.constant 0 : index
    %get3A_1230 = arith.constant 9856 : index
    %get3A_1231 = vector.load %arg2[%get3A_1228, %get3A_1229, %get3A_1230] : memref<1x1x19200xf32, #tpu.memory_space<vmem>>, vector<1x1x128xf32>
    %get3A_1232 = vector.shape_cast %get3A_1231 : vector<1x1x128xf32> to vector<1x128xf32>
    %ge3A_1233 = arith.constant 1.000000e-03 : f32
    %ge3A_1234 = vector.broadcast %ge3A_1233 : f32 to vector<1x128xf32>
    %ge3A_1235 = arith.cmpf oge, %get3A_1232, %ge3A_1234 : vector<1x128xf32>
    %jit3A_1236 = arith.constant 1.000000e+09 : f32
    %broadcast_in_dim3A_1237 = vector.broadcast %jit3A_1236 : f32 to vector<1x128xf32>
    %select_n3A_1238 = arith.select %ge3A_1235, %get3A_1232, %broadcast_in_dim3A_1237 : vector<1x128xi1>, vector<1x128xf32>
    %sub3A_1239 = vector.broadcast %slice3A : vector<128x1xf32> to vector<128x128xf32>
    %sub3A_1240 = vector.broadcast %select_n3A_1238 : vector<1x128xf32> to vector<128x128xf32>
    %sub3A_1241 = arith.subf %sub3A_1239, %sub3A_1240 : vector<128x128xf32>
    %integer_pow3A_1242 = arith.mulf %sub3A_1241, %sub3A_1241 : vector<128x128xf32>
    %min3A_1243 = arith.minimumf %min3A_1227, %integer_pow3A_1242 : vector<128x128xf32>
    %get3A_1244 = arith.constant 0 : index
    %get3A_1245 = arith.constant 0 : index
    %get3A_1246 = arith.constant 9984 : index
    %get3A_1247 = vector.load %arg2[%get3A_1244, %get3A_1245, %get3A_1246] : memref<1x1x19200xf32, #tpu.memory_space<vmem>>, vector<1x1x128xf32>
    %get3A_1248 = vector.shape_cast %get3A_1247 : vector<1x1x128xf32> to vector<1x128xf32>
    %ge3A_1249 = arith.constant 1.000000e-03 : f32
    %ge3A_1250 = vector.broadcast %ge3A_1249 : f32 to vector<1x128xf32>
    %ge3A_1251 = arith.cmpf oge, %get3A_1248, %ge3A_1250 : vector<1x128xf32>
    %jit3A_1252 = arith.constant 1.000000e+09 : f32
    %broadcast_in_dim3A_1253 = vector.broadcast %jit3A_1252 : f32 to vector<1x128xf32>
    %select_n3A_1254 = arith.select %ge3A_1251, %get3A_1248, %broadcast_in_dim3A_1253 : vector<1x128xi1>, vector<1x128xf32>
    %sub3A_1255 = vector.broadcast %slice3A : vector<128x1xf32> to vector<128x128xf32>
    %sub3A_1256 = vector.broadcast %select_n3A_1254 : vector<1x128xf32> to vector<128x128xf32>
    %sub3A_1257 = arith.subf %sub3A_1255, %sub3A_1256 : vector<128x128xf32>
    %integer_pow3A_1258 = arith.mulf %sub3A_1257, %sub3A_1257 : vector<128x128xf32>
    %min3A_1259 = arith.minimumf %min3A_1243, %integer_pow3A_1258 : vector<128x128xf32>
    %get3A_1260 = arith.constant 0 : index
    %get3A_1261 = arith.constant 0 : index
    %get3A_1262 = arith.constant 10112 : index
    %get3A_1263 = vector.load %arg2[%get3A_1260, %get3A_1261, %get3A_1262] : memref<1x1x19200xf32, #tpu.memory_space<vmem>>, vector<1x1x128xf32>
    %get3A_1264 = vector.shape_cast %get3A_1263 : vector<1x1x128xf32> to vector<1x128xf32>
    %ge3A_1265 = arith.constant 1.000000e-03 : f32
    %ge3A_1266 = vector.broadcast %ge3A_1265 : f32 to vector<1x128xf32>
    %ge3A_1267 = arith.cmpf oge, %get3A_1264, %ge3A_1266 : vector<1x128xf32>
    %jit3A_1268 = arith.constant 1.000000e+09 : f32
    %broadcast_in_dim3A_1269 = vector.broadcast %jit3A_1268 : f32 to vector<1x128xf32>
    %select_n3A_1270 = arith.select %ge3A_1267, %get3A_1264, %broadcast_in_dim3A_1269 : vector<1x128xi1>, vector<1x128xf32>
    %sub3A_1271 = vector.broadcast %slice3A : vector<128x1xf32> to vector<128x128xf32>
    %sub3A_1272 = vector.broadcast %select_n3A_1270 : vector<1x128xf32> to vector<128x128xf32>
    %sub3A_1273 = arith.subf %sub3A_1271, %sub3A_1272 : vector<128x128xf32>
    %integer_pow3A_1274 = arith.mulf %sub3A_1273, %sub3A_1273 : vector<128x128xf32>
    %min3A_1275 = arith.minimumf %min3A_1259, %integer_pow3A_1274 : vector<128x128xf32>
    %get3A_1276 = arith.constant 0 : index
    %get3A_1277 = arith.constant 0 : index
    %get3A_1278 = arith.constant 10240 : index
    %get3A_1279 = vector.load %arg2[%get3A_1276, %get3A_1277, %get3A_1278] : memref<1x1x19200xf32, #tpu.memory_space<vmem>>, vector<1x1x128xf32>
    %get3A_1280 = vector.shape_cast %get3A_1279 : vector<1x1x128xf32> to vector<1x128xf32>
    %ge3A_1281 = arith.constant 1.000000e-03 : f32
    %ge3A_1282 = vector.broadcast %ge3A_1281 : f32 to vector<1x128xf32>
    %ge3A_1283 = arith.cmpf oge, %get3A_1280, %ge3A_1282 : vector<1x128xf32>
    %jit3A_1284 = arith.constant 1.000000e+09 : f32
    %broadcast_in_dim3A_1285 = vector.broadcast %jit3A_1284 : f32 to vector<1x128xf32>
    %select_n3A_1286 = arith.select %ge3A_1283, %get3A_1280, %broadcast_in_dim3A_1285 : vector<1x128xi1>, vector<1x128xf32>
    %sub3A_1287 = vector.broadcast %slice3A : vector<128x1xf32> to vector<128x128xf32>
    %sub3A_1288 = vector.broadcast %select_n3A_1286 : vector<1x128xf32> to vector<128x128xf32>
    %sub3A_1289 = arith.subf %sub3A_1287, %sub3A_1288 : vector<128x128xf32>
    %integer_pow3A_1290 = arith.mulf %sub3A_1289, %sub3A_1289 : vector<128x128xf32>
    %min3A_1291 = arith.minimumf %min3A_1275, %integer_pow3A_1290 : vector<128x128xf32>
    %get3A_1292 = arith.constant 0 : index
    %get3A_1293 = arith.constant 0 : index
    %get3A_1294 = arith.constant 10368 : index
    %get3A_1295 = vector.load %arg2[%get3A_1292, %get3A_1293, %get3A_1294] : memref<1x1x19200xf32, #tpu.memory_space<vmem>>, vector<1x1x128xf32>
    %get3A_1296 = vector.shape_cast %get3A_1295 : vector<1x1x128xf32> to vector<1x128xf32>
    %ge3A_1297 = arith.constant 1.000000e-03 : f32
    %ge3A_1298 = vector.broadcast %ge3A_1297 : f32 to vector<1x128xf32>
    %ge3A_1299 = arith.cmpf oge, %get3A_1296, %ge3A_1298 : vector<1x128xf32>
    %jit3A_1300 = arith.constant 1.000000e+09 : f32
    %broadcast_in_dim3A_1301 = vector.broadcast %jit3A_1300 : f32 to vector<1x128xf32>
    %select_n3A_1302 = arith.select %ge3A_1299, %get3A_1296, %broadcast_in_dim3A_1301 : vector<1x128xi1>, vector<1x128xf32>
    %sub3A_1303 = vector.broadcast %slice3A : vector<128x1xf32> to vector<128x128xf32>
    %sub3A_1304 = vector.broadcast %select_n3A_1302 : vector<1x128xf32> to vector<128x128xf32>
    %sub3A_1305 = arith.subf %sub3A_1303, %sub3A_1304 : vector<128x128xf32>
    %integer_pow3A_1306 = arith.mulf %sub3A_1305, %sub3A_1305 : vector<128x128xf32>
    %min3A_1307 = arith.minimumf %min3A_1291, %integer_pow3A_1306 : vector<128x128xf32>
    %get3A_1308 = arith.constant 0 : index
    %get3A_1309 = arith.constant 0 : index
    %get3A_1310 = arith.constant 10496 : index
    %get3A_1311 = vector.load %arg2[%get3A_1308, %get3A_1309, %get3A_1310] : memref<1x1x19200xf32, #tpu.memory_space<vmem>>, vector<1x1x128xf32>
    %get3A_1312 = vector.shape_cast %get3A_1311 : vector<1x1x128xf32> to vector<1x128xf32>
    %ge3A_1313 = arith.constant 1.000000e-03 : f32
    %ge3A_1314 = vector.broadcast %ge3A_1313 : f32 to vector<1x128xf32>
    %ge3A_1315 = arith.cmpf oge, %get3A_1312, %ge3A_1314 : vector<1x128xf32>
    %jit3A_1316 = arith.constant 1.000000e+09 : f32
    %broadcast_in_dim3A_1317 = vector.broadcast %jit3A_1316 : f32 to vector<1x128xf32>
    %select_n3A_1318 = arith.select %ge3A_1315, %get3A_1312, %broadcast_in_dim3A_1317 : vector<1x128xi1>, vector<1x128xf32>
    %sub3A_1319 = vector.broadcast %slice3A : vector<128x1xf32> to vector<128x128xf32>
    %sub3A_1320 = vector.broadcast %select_n3A_1318 : vector<1x128xf32> to vector<128x128xf32>
    %sub3A_1321 = arith.subf %sub3A_1319, %sub3A_1320 : vector<128x128xf32>
    %integer_pow3A_1322 = arith.mulf %sub3A_1321, %sub3A_1321 : vector<128x128xf32>
    %min3A_1323 = arith.minimumf %min3A_1307, %integer_pow3A_1322 : vector<128x128xf32>
    %get3A_1324 = arith.constant 0 : index
    %get3A_1325 = arith.constant 0 : index
    %get3A_1326 = arith.constant 10624 : index
    %get3A_1327 = vector.load %arg2[%get3A_1324, %get3A_1325, %get3A_1326] : memref<1x1x19200xf32, #tpu.memory_space<vmem>>, vector<1x1x128xf32>
    %get3A_1328 = vector.shape_cast %get3A_1327 : vector<1x1x128xf32> to vector<1x128xf32>
    %ge3A_1329 = arith.constant 1.000000e-03 : f32
    %ge3A_1330 = vector.broadcast %ge3A_1329 : f32 to vector<1x128xf32>
    %ge3A_1331 = arith.cmpf oge, %get3A_1328, %ge3A_1330 : vector<1x128xf32>
    %jit3A_1332 = arith.constant 1.000000e+09 : f32
    %broadcast_in_dim3A_1333 = vector.broadcast %jit3A_1332 : f32 to vector<1x128xf32>
    %select_n3A_1334 = arith.select %ge3A_1331, %get3A_1328, %broadcast_in_dim3A_1333 : vector<1x128xi1>, vector<1x128xf32>
    %sub3A_1335 = vector.broadcast %slice3A : vector<128x1xf32> to vector<128x128xf32>
    %sub3A_1336 = vector.broadcast %select_n3A_1334 : vector<1x128xf32> to vector<128x128xf32>
    %sub3A_1337 = arith.subf %sub3A_1335, %sub3A_1336 : vector<128x128xf32>
    %integer_pow3A_1338 = arith.mulf %sub3A_1337, %sub3A_1337 : vector<128x128xf32>
    %min3A_1339 = arith.minimumf %min3A_1323, %integer_pow3A_1338 : vector<128x128xf32>
    %get3A_1340 = arith.constant 0 : index
    %get3A_1341 = arith.constant 0 : index
    %get3A_1342 = arith.constant 10752 : index
    %get3A_1343 = vector.load %arg2[%get3A_1340, %get3A_1341, %get3A_1342] : memref<1x1x19200xf32, #tpu.memory_space<vmem>>, vector<1x1x128xf32>
    %get3A_1344 = vector.shape_cast %get3A_1343 : vector<1x1x128xf32> to vector<1x128xf32>
    %ge3A_1345 = arith.constant 1.000000e-03 : f32
    %ge3A_1346 = vector.broadcast %ge3A_1345 : f32 to vector<1x128xf32>
    %ge3A_1347 = arith.cmpf oge, %get3A_1344, %ge3A_1346 : vector<1x128xf32>
    %jit3A_1348 = arith.constant 1.000000e+09 : f32
    %broadcast_in_dim3A_1349 = vector.broadcast %jit3A_1348 : f32 to vector<1x128xf32>
    %select_n3A_1350 = arith.select %ge3A_1347, %get3A_1344, %broadcast_in_dim3A_1349 : vector<1x128xi1>, vector<1x128xf32>
    %sub3A_1351 = vector.broadcast %slice3A : vector<128x1xf32> to vector<128x128xf32>
    %sub3A_1352 = vector.broadcast %select_n3A_1350 : vector<1x128xf32> to vector<128x128xf32>
    %sub3A_1353 = arith.subf %sub3A_1351, %sub3A_1352 : vector<128x128xf32>
    %integer_pow3A_1354 = arith.mulf %sub3A_1353, %sub3A_1353 : vector<128x128xf32>
    %min3A_1355 = arith.minimumf %min3A_1339, %integer_pow3A_1354 : vector<128x128xf32>
    %get3A_1356 = arith.constant 0 : index
    %get3A_1357 = arith.constant 0 : index
    %get3A_1358 = arith.constant 10880 : index
    %get3A_1359 = vector.load %arg2[%get3A_1356, %get3A_1357, %get3A_1358] : memref<1x1x19200xf32, #tpu.memory_space<vmem>>, vector<1x1x128xf32>
    %get3A_1360 = vector.shape_cast %get3A_1359 : vector<1x1x128xf32> to vector<1x128xf32>
    %ge3A_1361 = arith.constant 1.000000e-03 : f32
    %ge3A_1362 = vector.broadcast %ge3A_1361 : f32 to vector<1x128xf32>
    %ge3A_1363 = arith.cmpf oge, %get3A_1360, %ge3A_1362 : vector<1x128xf32>
    %jit3A_1364 = arith.constant 1.000000e+09 : f32
    %broadcast_in_dim3A_1365 = vector.broadcast %jit3A_1364 : f32 to vector<1x128xf32>
    %select_n3A_1366 = arith.select %ge3A_1363, %get3A_1360, %broadcast_in_dim3A_1365 : vector<1x128xi1>, vector<1x128xf32>
    %sub3A_1367 = vector.broadcast %slice3A : vector<128x1xf32> to vector<128x128xf32>
    %sub3A_1368 = vector.broadcast %select_n3A_1366 : vector<1x128xf32> to vector<128x128xf32>
    %sub3A_1369 = arith.subf %sub3A_1367, %sub3A_1368 : vector<128x128xf32>
    %integer_pow3A_1370 = arith.mulf %sub3A_1369, %sub3A_1369 : vector<128x128xf32>
    %min3A_1371 = arith.minimumf %min3A_1355, %integer_pow3A_1370 : vector<128x128xf32>
    %get3A_1372 = arith.constant 0 : index
    %get3A_1373 = arith.constant 0 : index
    %get3A_1374 = arith.constant 11008 : index
    %get3A_1375 = vector.load %arg2[%get3A_1372, %get3A_1373, %get3A_1374] : memref<1x1x19200xf32, #tpu.memory_space<vmem>>, vector<1x1x128xf32>
    %get3A_1376 = vector.shape_cast %get3A_1375 : vector<1x1x128xf32> to vector<1x128xf32>
    %ge3A_1377 = arith.constant 1.000000e-03 : f32
    %ge3A_1378 = vector.broadcast %ge3A_1377 : f32 to vector<1x128xf32>
    %ge3A_1379 = arith.cmpf oge, %get3A_1376, %ge3A_1378 : vector<1x128xf32>
    %jit3A_1380 = arith.constant 1.000000e+09 : f32
    %broadcast_in_dim3A_1381 = vector.broadcast %jit3A_1380 : f32 to vector<1x128xf32>
    %select_n3A_1382 = arith.select %ge3A_1379, %get3A_1376, %broadcast_in_dim3A_1381 : vector<1x128xi1>, vector<1x128xf32>
    %sub3A_1383 = vector.broadcast %slice3A : vector<128x1xf32> to vector<128x128xf32>
    %sub3A_1384 = vector.broadcast %select_n3A_1382 : vector<1x128xf32> to vector<128x128xf32>
    %sub3A_1385 = arith.subf %sub3A_1383, %sub3A_1384 : vector<128x128xf32>
    %integer_pow3A_1386 = arith.mulf %sub3A_1385, %sub3A_1385 : vector<128x128xf32>
    %min3A_1387 = arith.minimumf %min3A_1371, %integer_pow3A_1386 : vector<128x128xf32>
    %get3A_1388 = arith.constant 0 : index
    %get3A_1389 = arith.constant 0 : index
    %get3A_1390 = arith.constant 11136 : index
    %get3A_1391 = vector.load %arg2[%get3A_1388, %get3A_1389, %get3A_1390] : memref<1x1x19200xf32, #tpu.memory_space<vmem>>, vector<1x1x128xf32>
    %get3A_1392 = vector.shape_cast %get3A_1391 : vector<1x1x128xf32> to vector<1x128xf32>
    %ge3A_1393 = arith.constant 1.000000e-03 : f32
    %ge3A_1394 = vector.broadcast %ge3A_1393 : f32 to vector<1x128xf32>
    %ge3A_1395 = arith.cmpf oge, %get3A_1392, %ge3A_1394 : vector<1x128xf32>
    %jit3A_1396 = arith.constant 1.000000e+09 : f32
    %broadcast_in_dim3A_1397 = vector.broadcast %jit3A_1396 : f32 to vector<1x128xf32>
    %select_n3A_1398 = arith.select %ge3A_1395, %get3A_1392, %broadcast_in_dim3A_1397 : vector<1x128xi1>, vector<1x128xf32>
    %sub3A_1399 = vector.broadcast %slice3A : vector<128x1xf32> to vector<128x128xf32>
    %sub3A_1400 = vector.broadcast %select_n3A_1398 : vector<1x128xf32> to vector<128x128xf32>
    %sub3A_1401 = arith.subf %sub3A_1399, %sub3A_1400 : vector<128x128xf32>
    %integer_pow3A_1402 = arith.mulf %sub3A_1401, %sub3A_1401 : vector<128x128xf32>
    %min3A_1403 = arith.minimumf %min3A_1387, %integer_pow3A_1402 : vector<128x128xf32>
    %get3A_1404 = arith.constant 0 : index
    %get3A_1405 = arith.constant 0 : index
    %get3A_1406 = arith.constant 11264 : index
    %get3A_1407 = vector.load %arg2[%get3A_1404, %get3A_1405, %get3A_1406] : memref<1x1x19200xf32, #tpu.memory_space<vmem>>, vector<1x1x128xf32>
    %get3A_1408 = vector.shape_cast %get3A_1407 : vector<1x1x128xf32> to vector<1x128xf32>
    %ge3A_1409 = arith.constant 1.000000e-03 : f32
    %ge3A_1410 = vector.broadcast %ge3A_1409 : f32 to vector<1x128xf32>
    %ge3A_1411 = arith.cmpf oge, %get3A_1408, %ge3A_1410 : vector<1x128xf32>
    %jit3A_1412 = arith.constant 1.000000e+09 : f32
    %broadcast_in_dim3A_1413 = vector.broadcast %jit3A_1412 : f32 to vector<1x128xf32>
    %select_n3A_1414 = arith.select %ge3A_1411, %get3A_1408, %broadcast_in_dim3A_1413 : vector<1x128xi1>, vector<1x128xf32>
    %sub3A_1415 = vector.broadcast %slice3A : vector<128x1xf32> to vector<128x128xf32>
    %sub3A_1416 = vector.broadcast %select_n3A_1414 : vector<1x128xf32> to vector<128x128xf32>
    %sub3A_1417 = arith.subf %sub3A_1415, %sub3A_1416 : vector<128x128xf32>
    %integer_pow3A_1418 = arith.mulf %sub3A_1417, %sub3A_1417 : vector<128x128xf32>
    %min3A_1419 = arith.minimumf %min3A_1403, %integer_pow3A_1418 : vector<128x128xf32>
    %get3A_1420 = arith.constant 0 : index
    %get3A_1421 = arith.constant 0 : index
    %get3A_1422 = arith.constant 11392 : index
    %get3A_1423 = vector.load %arg2[%get3A_1420, %get3A_1421, %get3A_1422] : memref<1x1x19200xf32, #tpu.memory_space<vmem>>, vector<1x1x128xf32>
    %get3A_1424 = vector.shape_cast %get3A_1423 : vector<1x1x128xf32> to vector<1x128xf32>
    %ge3A_1425 = arith.constant 1.000000e-03 : f32
    %ge3A_1426 = vector.broadcast %ge3A_1425 : f32 to vector<1x128xf32>
    %ge3A_1427 = arith.cmpf oge, %get3A_1424, %ge3A_1426 : vector<1x128xf32>
    %jit3A_1428 = arith.constant 1.000000e+09 : f32
    %broadcast_in_dim3A_1429 = vector.broadcast %jit3A_1428 : f32 to vector<1x128xf32>
    %select_n3A_1430 = arith.select %ge3A_1427, %get3A_1424, %broadcast_in_dim3A_1429 : vector<1x128xi1>, vector<1x128xf32>
    %sub3A_1431 = vector.broadcast %slice3A : vector<128x1xf32> to vector<128x128xf32>
    %sub3A_1432 = vector.broadcast %select_n3A_1430 : vector<1x128xf32> to vector<128x128xf32>
    %sub3A_1433 = arith.subf %sub3A_1431, %sub3A_1432 : vector<128x128xf32>
    %integer_pow3A_1434 = arith.mulf %sub3A_1433, %sub3A_1433 : vector<128x128xf32>
    %min3A_1435 = arith.minimumf %min3A_1419, %integer_pow3A_1434 : vector<128x128xf32>
    %get3A_1436 = arith.constant 0 : index
    %get3A_1437 = arith.constant 0 : index
    %get3A_1438 = arith.constant 11520 : index
    %get3A_1439 = vector.load %arg2[%get3A_1436, %get3A_1437, %get3A_1438] : memref<1x1x19200xf32, #tpu.memory_space<vmem>>, vector<1x1x128xf32>
    %get3A_1440 = vector.shape_cast %get3A_1439 : vector<1x1x128xf32> to vector<1x128xf32>
    %ge3A_1441 = arith.constant 1.000000e-03 : f32
    %ge3A_1442 = vector.broadcast %ge3A_1441 : f32 to vector<1x128xf32>
    %ge3A_1443 = arith.cmpf oge, %get3A_1440, %ge3A_1442 : vector<1x128xf32>
    %jit3A_1444 = arith.constant 1.000000e+09 : f32
    %broadcast_in_dim3A_1445 = vector.broadcast %jit3A_1444 : f32 to vector<1x128xf32>
    %select_n3A_1446 = arith.select %ge3A_1443, %get3A_1440, %broadcast_in_dim3A_1445 : vector<1x128xi1>, vector<1x128xf32>
    %sub3A_1447 = vector.broadcast %slice3A : vector<128x1xf32> to vector<128x128xf32>
    %sub3A_1448 = vector.broadcast %select_n3A_1446 : vector<1x128xf32> to vector<128x128xf32>
    %sub3A_1449 = arith.subf %sub3A_1447, %sub3A_1448 : vector<128x128xf32>
    %integer_pow3A_1450 = arith.mulf %sub3A_1449, %sub3A_1449 : vector<128x128xf32>
    %min3A_1451 = arith.minimumf %min3A_1435, %integer_pow3A_1450 : vector<128x128xf32>
    %get3A_1452 = arith.constant 0 : index
    %get3A_1453 = arith.constant 0 : index
    %get3A_1454 = arith.constant 11648 : index
    %get3A_1455 = vector.load %arg2[%get3A_1452, %get3A_1453, %get3A_1454] : memref<1x1x19200xf32, #tpu.memory_space<vmem>>, vector<1x1x128xf32>
    %get3A_1456 = vector.shape_cast %get3A_1455 : vector<1x1x128xf32> to vector<1x128xf32>
    %ge3A_1457 = arith.constant 1.000000e-03 : f32
    %ge3A_1458 = vector.broadcast %ge3A_1457 : f32 to vector<1x128xf32>
    %ge3A_1459 = arith.cmpf oge, %get3A_1456, %ge3A_1458 : vector<1x128xf32>
    %jit3A_1460 = arith.constant 1.000000e+09 : f32
    %broadcast_in_dim3A_1461 = vector.broadcast %jit3A_1460 : f32 to vector<1x128xf32>
    %select_n3A_1462 = arith.select %ge3A_1459, %get3A_1456, %broadcast_in_dim3A_1461 : vector<1x128xi1>, vector<1x128xf32>
    %sub3A_1463 = vector.broadcast %slice3A : vector<128x1xf32> to vector<128x128xf32>
    %sub3A_1464 = vector.broadcast %select_n3A_1462 : vector<1x128xf32> to vector<128x128xf32>
    %sub3A_1465 = arith.subf %sub3A_1463, %sub3A_1464 : vector<128x128xf32>
    %integer_pow3A_1466 = arith.mulf %sub3A_1465, %sub3A_1465 : vector<128x128xf32>
    %min3A_1467 = arith.minimumf %min3A_1451, %integer_pow3A_1466 : vector<128x128xf32>
    %get3A_1468 = arith.constant 0 : index
    %get3A_1469 = arith.constant 0 : index
    %get3A_1470 = arith.constant 11776 : index
    %get3A_1471 = vector.load %arg2[%get3A_1468, %get3A_1469, %get3A_1470] : memref<1x1x19200xf32, #tpu.memory_space<vmem>>, vector<1x1x128xf32>
    %get3A_1472 = vector.shape_cast %get3A_1471 : vector<1x1x128xf32> to vector<1x128xf32>
    %ge3A_1473 = arith.constant 1.000000e-03 : f32
    %ge3A_1474 = vector.broadcast %ge3A_1473 : f32 to vector<1x128xf32>
    %ge3A_1475 = arith.cmpf oge, %get3A_1472, %ge3A_1474 : vector<1x128xf32>
    %jit3A_1476 = arith.constant 1.000000e+09 : f32
    %broadcast_in_dim3A_1477 = vector.broadcast %jit3A_1476 : f32 to vector<1x128xf32>
    %select_n3A_1478 = arith.select %ge3A_1475, %get3A_1472, %broadcast_in_dim3A_1477 : vector<1x128xi1>, vector<1x128xf32>
    %sub3A_1479 = vector.broadcast %slice3A : vector<128x1xf32> to vector<128x128xf32>
    %sub3A_1480 = vector.broadcast %select_n3A_1478 : vector<1x128xf32> to vector<128x128xf32>
    %sub3A_1481 = arith.subf %sub3A_1479, %sub3A_1480 : vector<128x128xf32>
    %integer_pow3A_1482 = arith.mulf %sub3A_1481, %sub3A_1481 : vector<128x128xf32>
    %min3A_1483 = arith.minimumf %min3A_1467, %integer_pow3A_1482 : vector<128x128xf32>
    %get3A_1484 = arith.constant 0 : index
    %get3A_1485 = arith.constant 0 : index
    %get3A_1486 = arith.constant 11904 : index
    %get3A_1487 = vector.load %arg2[%get3A_1484, %get3A_1485, %get3A_1486] : memref<1x1x19200xf32, #tpu.memory_space<vmem>>, vector<1x1x128xf32>
    %get3A_1488 = vector.shape_cast %get3A_1487 : vector<1x1x128xf32> to vector<1x128xf32>
    %ge3A_1489 = arith.constant 1.000000e-03 : f32
    %ge3A_1490 = vector.broadcast %ge3A_1489 : f32 to vector<1x128xf32>
    %ge3A_1491 = arith.cmpf oge, %get3A_1488, %ge3A_1490 : vector<1x128xf32>
    %jit3A_1492 = arith.constant 1.000000e+09 : f32
    %broadcast_in_dim3A_1493 = vector.broadcast %jit3A_1492 : f32 to vector<1x128xf32>
    %select_n3A_1494 = arith.select %ge3A_1491, %get3A_1488, %broadcast_in_dim3A_1493 : vector<1x128xi1>, vector<1x128xf32>
    %sub3A_1495 = vector.broadcast %slice3A : vector<128x1xf32> to vector<128x128xf32>
    %sub3A_1496 = vector.broadcast %select_n3A_1494 : vector<1x128xf32> to vector<128x128xf32>
    %sub3A_1497 = arith.subf %sub3A_1495, %sub3A_1496 : vector<128x128xf32>
    %integer_pow3A_1498 = arith.mulf %sub3A_1497, %sub3A_1497 : vector<128x128xf32>
    %min3A_1499 = arith.minimumf %min3A_1483, %integer_pow3A_1498 : vector<128x128xf32>
    %get3A_1500 = arith.constant 0 : index
    %get3A_1501 = arith.constant 0 : index
    %get3A_1502 = arith.constant 12032 : index
    %get3A_1503 = vector.load %arg2[%get3A_1500, %get3A_1501, %get3A_1502] : memref<1x1x19200xf32, #tpu.memory_space<vmem>>, vector<1x1x128xf32>
    %get3A_1504 = vector.shape_cast %get3A_1503 : vector<1x1x128xf32> to vector<1x128xf32>
    %ge3A_1505 = arith.constant 1.000000e-03 : f32
    %ge3A_1506 = vector.broadcast %ge3A_1505 : f32 to vector<1x128xf32>
    %ge3A_1507 = arith.cmpf oge, %get3A_1504, %ge3A_1506 : vector<1x128xf32>
    %jit3A_1508 = arith.constant 1.000000e+09 : f32
    %broadcast_in_dim3A_1509 = vector.broadcast %jit3A_1508 : f32 to vector<1x128xf32>
    %select_n3A_1510 = arith.select %ge3A_1507, %get3A_1504, %broadcast_in_dim3A_1509 : vector<1x128xi1>, vector<1x128xf32>
    %sub3A_1511 = vector.broadcast %slice3A : vector<128x1xf32> to vector<128x128xf32>
    %sub3A_1512 = vector.broadcast %select_n3A_1510 : vector<1x128xf32> to vector<128x128xf32>
    %sub3A_1513 = arith.subf %sub3A_1511, %sub3A_1512 : vector<128x128xf32>
    %integer_pow3A_1514 = arith.mulf %sub3A_1513, %sub3A_1513 : vector<128x128xf32>
    %min3A_1515 = arith.minimumf %min3A_1499, %integer_pow3A_1514 : vector<128x128xf32>
    %get3A_1516 = arith.constant 0 : index
    %get3A_1517 = arith.constant 0 : index
    %get3A_1518 = arith.constant 12160 : index
    %get3A_1519 = vector.load %arg2[%get3A_1516, %get3A_1517, %get3A_1518] : memref<1x1x19200xf32, #tpu.memory_space<vmem>>, vector<1x1x128xf32>
    %get3A_1520 = vector.shape_cast %get3A_1519 : vector<1x1x128xf32> to vector<1x128xf32>
    %ge3A_1521 = arith.constant 1.000000e-03 : f32
    %ge3A_1522 = vector.broadcast %ge3A_1521 : f32 to vector<1x128xf32>
    %ge3A_1523 = arith.cmpf oge, %get3A_1520, %ge3A_1522 : vector<1x128xf32>
    %jit3A_1524 = arith.constant 1.000000e+09 : f32
    %broadcast_in_dim3A_1525 = vector.broadcast %jit3A_1524 : f32 to vector<1x128xf32>
    %select_n3A_1526 = arith.select %ge3A_1523, %get3A_1520, %broadcast_in_dim3A_1525 : vector<1x128xi1>, vector<1x128xf32>
    %sub3A_1527 = vector.broadcast %slice3A : vector<128x1xf32> to vector<128x128xf32>
    %sub3A_1528 = vector.broadcast %select_n3A_1526 : vector<1x128xf32> to vector<128x128xf32>
    %sub3A_1529 = arith.subf %sub3A_1527, %sub3A_1528 : vector<128x128xf32>
    %integer_pow3A_1530 = arith.mulf %sub3A_1529, %sub3A_1529 : vector<128x128xf32>
    %min3A_1531 = arith.minimumf %min3A_1515, %integer_pow3A_1530 : vector<128x128xf32>
    %get3A_1532 = arith.constant 0 : index
    %get3A_1533 = arith.constant 0 : index
    %get3A_1534 = arith.constant 12288 : index
    %get3A_1535 = vector.load %arg2[%get3A_1532, %get3A_1533, %get3A_1534] : memref<1x1x19200xf32, #tpu.memory_space<vmem>>, vector<1x1x128xf32>
    %get3A_1536 = vector.shape_cast %get3A_1535 : vector<1x1x128xf32> to vector<1x128xf32>
    %ge3A_1537 = arith.constant 1.000000e-03 : f32
    %ge3A_1538 = vector.broadcast %ge3A_1537 : f32 to vector<1x128xf32>
    %ge3A_1539 = arith.cmpf oge, %get3A_1536, %ge3A_1538 : vector<1x128xf32>
    %jit3A_1540 = arith.constant 1.000000e+09 : f32
    %broadcast_in_dim3A_1541 = vector.broadcast %jit3A_1540 : f32 to vector<1x128xf32>
    %select_n3A_1542 = arith.select %ge3A_1539, %get3A_1536, %broadcast_in_dim3A_1541 : vector<1x128xi1>, vector<1x128xf32>
    %sub3A_1543 = vector.broadcast %slice3A : vector<128x1xf32> to vector<128x128xf32>
    %sub3A_1544 = vector.broadcast %select_n3A_1542 : vector<1x128xf32> to vector<128x128xf32>
    %sub3A_1545 = arith.subf %sub3A_1543, %sub3A_1544 : vector<128x128xf32>
    %integer_pow3A_1546 = arith.mulf %sub3A_1545, %sub3A_1545 : vector<128x128xf32>
    %min3A_1547 = arith.minimumf %min3A_1531, %integer_pow3A_1546 : vector<128x128xf32>
    %get3A_1548 = arith.constant 0 : index
    %get3A_1549 = arith.constant 0 : index
    %get3A_1550 = arith.constant 12416 : index
    %get3A_1551 = vector.load %arg2[%get3A_1548, %get3A_1549, %get3A_1550] : memref<1x1x19200xf32, #tpu.memory_space<vmem>>, vector<1x1x128xf32>
    %get3A_1552 = vector.shape_cast %get3A_1551 : vector<1x1x128xf32> to vector<1x128xf32>
    %ge3A_1553 = arith.constant 1.000000e-03 : f32
    %ge3A_1554 = vector.broadcast %ge3A_1553 : f32 to vector<1x128xf32>
    %ge3A_1555 = arith.cmpf oge, %get3A_1552, %ge3A_1554 : vector<1x128xf32>
    %jit3A_1556 = arith.constant 1.000000e+09 : f32
    %broadcast_in_dim3A_1557 = vector.broadcast %jit3A_1556 : f32 to vector<1x128xf32>
    %select_n3A_1558 = arith.select %ge3A_1555, %get3A_1552, %broadcast_in_dim3A_1557 : vector<1x128xi1>, vector<1x128xf32>
    %sub3A_1559 = vector.broadcast %slice3A : vector<128x1xf32> to vector<128x128xf32>
    %sub3A_1560 = vector.broadcast %select_n3A_1558 : vector<1x128xf32> to vector<128x128xf32>
    %sub3A_1561 = arith.subf %sub3A_1559, %sub3A_1560 : vector<128x128xf32>
    %integer_pow3A_1562 = arith.mulf %sub3A_1561, %sub3A_1561 : vector<128x128xf32>
    %min3A_1563 = arith.minimumf %min3A_1547, %integer_pow3A_1562 : vector<128x128xf32>
    %get3A_1564 = arith.constant 0 : index
    %get3A_1565 = arith.constant 0 : index
    %get3A_1566 = arith.constant 12544 : index
    %get3A_1567 = vector.load %arg2[%get3A_1564, %get3A_1565, %get3A_1566] : memref<1x1x19200xf32, #tpu.memory_space<vmem>>, vector<1x1x128xf32>
    %get3A_1568 = vector.shape_cast %get3A_1567 : vector<1x1x128xf32> to vector<1x128xf32>
    %ge3A_1569 = arith.constant 1.000000e-03 : f32
    %ge3A_1570 = vector.broadcast %ge3A_1569 : f32 to vector<1x128xf32>
    %ge3A_1571 = arith.cmpf oge, %get3A_1568, %ge3A_1570 : vector<1x128xf32>
    %jit3A_1572 = arith.constant 1.000000e+09 : f32
    %broadcast_in_dim3A_1573 = vector.broadcast %jit3A_1572 : f32 to vector<1x128xf32>
    %select_n3A_1574 = arith.select %ge3A_1571, %get3A_1568, %broadcast_in_dim3A_1573 : vector<1x128xi1>, vector<1x128xf32>
    %sub3A_1575 = vector.broadcast %slice3A : vector<128x1xf32> to vector<128x128xf32>
    %sub3A_1576 = vector.broadcast %select_n3A_1574 : vector<1x128xf32> to vector<128x128xf32>
    %sub3A_1577 = arith.subf %sub3A_1575, %sub3A_1576 : vector<128x128xf32>
    %integer_pow3A_1578 = arith.mulf %sub3A_1577, %sub3A_1577 : vector<128x128xf32>
    %min3A_1579 = arith.minimumf %min3A_1563, %integer_pow3A_1578 : vector<128x128xf32>
    %get3A_1580 = arith.constant 0 : index
    %get3A_1581 = arith.constant 0 : index
    %get3A_1582 = arith.constant 12672 : index
    %get3A_1583 = vector.load %arg2[%get3A_1580, %get3A_1581, %get3A_1582] : memref<1x1x19200xf32, #tpu.memory_space<vmem>>, vector<1x1x128xf32>
    %get3A_1584 = vector.shape_cast %get3A_1583 : vector<1x1x128xf32> to vector<1x128xf32>
    %ge3A_1585 = arith.constant 1.000000e-03 : f32
    %ge3A_1586 = vector.broadcast %ge3A_1585 : f32 to vector<1x128xf32>
    %ge3A_1587 = arith.cmpf oge, %get3A_1584, %ge3A_1586 : vector<1x128xf32>
    %jit3A_1588 = arith.constant 1.000000e+09 : f32
    %broadcast_in_dim3A_1589 = vector.broadcast %jit3A_1588 : f32 to vector<1x128xf32>
    %select_n3A_1590 = arith.select %ge3A_1587, %get3A_1584, %broadcast_in_dim3A_1589 : vector<1x128xi1>, vector<1x128xf32>
    %sub3A_1591 = vector.broadcast %slice3A : vector<128x1xf32> to vector<128x128xf32>
    %sub3A_1592 = vector.broadcast %select_n3A_1590 : vector<1x128xf32> to vector<128x128xf32>
    %sub3A_1593 = arith.subf %sub3A_1591, %sub3A_1592 : vector<128x128xf32>
    %integer_pow3A_1594 = arith.mulf %sub3A_1593, %sub3A_1593 : vector<128x128xf32>
    %min3A_1595 = arith.minimumf %min3A_1579, %integer_pow3A_1594 : vector<128x128xf32>
    %get3A_1596 = arith.constant 0 : index
    %get3A_1597 = arith.constant 0 : index
    %get3A_1598 = arith.constant 12800 : index
    %get3A_1599 = vector.load %arg2[%get3A_1596, %get3A_1597, %get3A_1598] : memref<1x1x19200xf32, #tpu.memory_space<vmem>>, vector<1x1x128xf32>
    %get3A_1600 = vector.shape_cast %get3A_1599 : vector<1x1x128xf32> to vector<1x128xf32>
    %ge3A_1601 = arith.constant 1.000000e-03 : f32
    %ge3A_1602 = vector.broadcast %ge3A_1601 : f32 to vector<1x128xf32>
    %ge3A_1603 = arith.cmpf oge, %get3A_1600, %ge3A_1602 : vector<1x128xf32>
    %jit3A_1604 = arith.constant 1.000000e+09 : f32
    %broadcast_in_dim3A_1605 = vector.broadcast %jit3A_1604 : f32 to vector<1x128xf32>
    %select_n3A_1606 = arith.select %ge3A_1603, %get3A_1600, %broadcast_in_dim3A_1605 : vector<1x128xi1>, vector<1x128xf32>
    %sub3A_1607 = vector.broadcast %slice3A : vector<128x1xf32> to vector<128x128xf32>
    %sub3A_1608 = vector.broadcast %select_n3A_1606 : vector<1x128xf32> to vector<128x128xf32>
    %sub3A_1609 = arith.subf %sub3A_1607, %sub3A_1608 : vector<128x128xf32>
    %integer_pow3A_1610 = arith.mulf %sub3A_1609, %sub3A_1609 : vector<128x128xf32>
    %min3A_1611 = arith.minimumf %min3A_1595, %integer_pow3A_1610 : vector<128x128xf32>
    %get3A_1612 = arith.constant 0 : index
    %get3A_1613 = arith.constant 0 : index
    %get3A_1614 = arith.constant 12928 : index
    %get3A_1615 = vector.load %arg2[%get3A_1612, %get3A_1613, %get3A_1614] : memref<1x1x19200xf32, #tpu.memory_space<vmem>>, vector<1x1x128xf32>
    %get3A_1616 = vector.shape_cast %get3A_1615 : vector<1x1x128xf32> to vector<1x128xf32>
    %ge3A_1617 = arith.constant 1.000000e-03 : f32
    %ge3A_1618 = vector.broadcast %ge3A_1617 : f32 to vector<1x128xf32>
    %ge3A_1619 = arith.cmpf oge, %get3A_1616, %ge3A_1618 : vector<1x128xf32>
    %jit3A_1620 = arith.constant 1.000000e+09 : f32
    %broadcast_in_dim3A_1621 = vector.broadcast %jit3A_1620 : f32 to vector<1x128xf32>
    %select_n3A_1622 = arith.select %ge3A_1619, %get3A_1616, %broadcast_in_dim3A_1621 : vector<1x128xi1>, vector<1x128xf32>
    %sub3A_1623 = vector.broadcast %slice3A : vector<128x1xf32> to vector<128x128xf32>
    %sub3A_1624 = vector.broadcast %select_n3A_1622 : vector<1x128xf32> to vector<128x128xf32>
    %sub3A_1625 = arith.subf %sub3A_1623, %sub3A_1624 : vector<128x128xf32>
    %integer_pow3A_1626 = arith.mulf %sub3A_1625, %sub3A_1625 : vector<128x128xf32>
    %min3A_1627 = arith.minimumf %min3A_1611, %integer_pow3A_1626 : vector<128x128xf32>
    %get3A_1628 = arith.constant 0 : index
    %get3A_1629 = arith.constant 0 : index
    %get3A_1630 = arith.constant 13056 : index
    %get3A_1631 = vector.load %arg2[%get3A_1628, %get3A_1629, %get3A_1630] : memref<1x1x19200xf32, #tpu.memory_space<vmem>>, vector<1x1x128xf32>
    %get3A_1632 = vector.shape_cast %get3A_1631 : vector<1x1x128xf32> to vector<1x128xf32>
    %ge3A_1633 = arith.constant 1.000000e-03 : f32
    %ge3A_1634 = vector.broadcast %ge3A_1633 : f32 to vector<1x128xf32>
    %ge3A_1635 = arith.cmpf oge, %get3A_1632, %ge3A_1634 : vector<1x128xf32>
    %jit3A_1636 = arith.constant 1.000000e+09 : f32
    %broadcast_in_dim3A_1637 = vector.broadcast %jit3A_1636 : f32 to vector<1x128xf32>
    %select_n3A_1638 = arith.select %ge3A_1635, %get3A_1632, %broadcast_in_dim3A_1637 : vector<1x128xi1>, vector<1x128xf32>
    %sub3A_1639 = vector.broadcast %slice3A : vector<128x1xf32> to vector<128x128xf32>
    %sub3A_1640 = vector.broadcast %select_n3A_1638 : vector<1x128xf32> to vector<128x128xf32>
    %sub3A_1641 = arith.subf %sub3A_1639, %sub3A_1640 : vector<128x128xf32>
    %integer_pow3A_1642 = arith.mulf %sub3A_1641, %sub3A_1641 : vector<128x128xf32>
    %min3A_1643 = arith.minimumf %min3A_1627, %integer_pow3A_1642 : vector<128x128xf32>
    %get3A_1644 = arith.constant 0 : index
    %get3A_1645 = arith.constant 0 : index
    %get3A_1646 = arith.constant 13184 : index
    %get3A_1647 = vector.load %arg2[%get3A_1644, %get3A_1645, %get3A_1646] : memref<1x1x19200xf32, #tpu.memory_space<vmem>>, vector<1x1x128xf32>
    %get3A_1648 = vector.shape_cast %get3A_1647 : vector<1x1x128xf32> to vector<1x128xf32>
    %ge3A_1649 = arith.constant 1.000000e-03 : f32
    %ge3A_1650 = vector.broadcast %ge3A_1649 : f32 to vector<1x128xf32>
    %ge3A_1651 = arith.cmpf oge, %get3A_1648, %ge3A_1650 : vector<1x128xf32>
    %jit3A_1652 = arith.constant 1.000000e+09 : f32
    %broadcast_in_dim3A_1653 = vector.broadcast %jit3A_1652 : f32 to vector<1x128xf32>
    %select_n3A_1654 = arith.select %ge3A_1651, %get3A_1648, %broadcast_in_dim3A_1653 : vector<1x128xi1>, vector<1x128xf32>
    %sub3A_1655 = vector.broadcast %slice3A : vector<128x1xf32> to vector<128x128xf32>
    %sub3A_1656 = vector.broadcast %select_n3A_1654 : vector<1x128xf32> to vector<128x128xf32>
    %sub3A_1657 = arith.subf %sub3A_1655, %sub3A_1656 : vector<128x128xf32>
    %integer_pow3A_1658 = arith.mulf %sub3A_1657, %sub3A_1657 : vector<128x128xf32>
    %min3A_1659 = arith.minimumf %min3A_1643, %integer_pow3A_1658 : vector<128x128xf32>
    %get3A_1660 = arith.constant 0 : index
    %get3A_1661 = arith.constant 0 : index
    %get3A_1662 = arith.constant 13312 : index
    %get3A_1663 = vector.load %arg2[%get3A_1660, %get3A_1661, %get3A_1662] : memref<1x1x19200xf32, #tpu.memory_space<vmem>>, vector<1x1x128xf32>
    %get3A_1664 = vector.shape_cast %get3A_1663 : vector<1x1x128xf32> to vector<1x128xf32>
    %ge3A_1665 = arith.constant 1.000000e-03 : f32
    %ge3A_1666 = vector.broadcast %ge3A_1665 : f32 to vector<1x128xf32>
    %ge3A_1667 = arith.cmpf oge, %get3A_1664, %ge3A_1666 : vector<1x128xf32>
    %jit3A_1668 = arith.constant 1.000000e+09 : f32
    %broadcast_in_dim3A_1669 = vector.broadcast %jit3A_1668 : f32 to vector<1x128xf32>
    %select_n3A_1670 = arith.select %ge3A_1667, %get3A_1664, %broadcast_in_dim3A_1669 : vector<1x128xi1>, vector<1x128xf32>
    %sub3A_1671 = vector.broadcast %slice3A : vector<128x1xf32> to vector<128x128xf32>
    %sub3A_1672 = vector.broadcast %select_n3A_1670 : vector<1x128xf32> to vector<128x128xf32>
    %sub3A_1673 = arith.subf %sub3A_1671, %sub3A_1672 : vector<128x128xf32>
    %integer_pow3A_1674 = arith.mulf %sub3A_1673, %sub3A_1673 : vector<128x128xf32>
    %min3A_1675 = arith.minimumf %min3A_1659, %integer_pow3A_1674 : vector<128x128xf32>
    %get3A_1676 = arith.constant 0 : index
    %get3A_1677 = arith.constant 0 : index
    %get3A_1678 = arith.constant 13440 : index
    %get3A_1679 = vector.load %arg2[%get3A_1676, %get3A_1677, %get3A_1678] : memref<1x1x19200xf32, #tpu.memory_space<vmem>>, vector<1x1x128xf32>
    %get3A_1680 = vector.shape_cast %get3A_1679 : vector<1x1x128xf32> to vector<1x128xf32>
    %ge3A_1681 = arith.constant 1.000000e-03 : f32
    %ge3A_1682 = vector.broadcast %ge3A_1681 : f32 to vector<1x128xf32>
    %ge3A_1683 = arith.cmpf oge, %get3A_1680, %ge3A_1682 : vector<1x128xf32>
    %jit3A_1684 = arith.constant 1.000000e+09 : f32
    %broadcast_in_dim3A_1685 = vector.broadcast %jit3A_1684 : f32 to vector<1x128xf32>
    %select_n3A_1686 = arith.select %ge3A_1683, %get3A_1680, %broadcast_in_dim3A_1685 : vector<1x128xi1>, vector<1x128xf32>
    %sub3A_1687 = vector.broadcast %slice3A : vector<128x1xf32> to vector<128x128xf32>
    %sub3A_1688 = vector.broadcast %select_n3A_1686 : vector<1x128xf32> to vector<128x128xf32>
    %sub3A_1689 = arith.subf %sub3A_1687, %sub3A_1688 : vector<128x128xf32>
    %integer_pow3A_1690 = arith.mulf %sub3A_1689, %sub3A_1689 : vector<128x128xf32>
    %min3A_1691 = arith.minimumf %min3A_1675, %integer_pow3A_1690 : vector<128x128xf32>
    %get3A_1692 = arith.constant 0 : index
    %get3A_1693 = arith.constant 0 : index
    %get3A_1694 = arith.constant 13568 : index
    %get3A_1695 = vector.load %arg2[%get3A_1692, %get3A_1693, %get3A_1694] : memref<1x1x19200xf32, #tpu.memory_space<vmem>>, vector<1x1x128xf32>
    %get3A_1696 = vector.shape_cast %get3A_1695 : vector<1x1x128xf32> to vector<1x128xf32>
    %ge3A_1697 = arith.constant 1.000000e-03 : f32
    %ge3A_1698 = vector.broadcast %ge3A_1697 : f32 to vector<1x128xf32>
    %ge3A_1699 = arith.cmpf oge, %get3A_1696, %ge3A_1698 : vector<1x128xf32>
    %jit3A_1700 = arith.constant 1.000000e+09 : f32
    %broadcast_in_dim3A_1701 = vector.broadcast %jit3A_1700 : f32 to vector<1x128xf32>
    %select_n3A_1702 = arith.select %ge3A_1699, %get3A_1696, %broadcast_in_dim3A_1701 : vector<1x128xi1>, vector<1x128xf32>
    %sub3A_1703 = vector.broadcast %slice3A : vector<128x1xf32> to vector<128x128xf32>
    %sub3A_1704 = vector.broadcast %select_n3A_1702 : vector<1x128xf32> to vector<128x128xf32>
    %sub3A_1705 = arith.subf %sub3A_1703, %sub3A_1704 : vector<128x128xf32>
    %integer_pow3A_1706 = arith.mulf %sub3A_1705, %sub3A_1705 : vector<128x128xf32>
    %min3A_1707 = arith.minimumf %min3A_1691, %integer_pow3A_1706 : vector<128x128xf32>
    %get3A_1708 = arith.constant 0 : index
    %get3A_1709 = arith.constant 0 : index
    %get3A_1710 = arith.constant 13696 : index
    %get3A_1711 = vector.load %arg2[%get3A_1708, %get3A_1709, %get3A_1710] : memref<1x1x19200xf32, #tpu.memory_space<vmem>>, vector<1x1x128xf32>
    %get3A_1712 = vector.shape_cast %get3A_1711 : vector<1x1x128xf32> to vector<1x128xf32>
    %ge3A_1713 = arith.constant 1.000000e-03 : f32
    %ge3A_1714 = vector.broadcast %ge3A_1713 : f32 to vector<1x128xf32>
    %ge3A_1715 = arith.cmpf oge, %get3A_1712, %ge3A_1714 : vector<1x128xf32>
    %jit3A_1716 = arith.constant 1.000000e+09 : f32
    %broadcast_in_dim3A_1717 = vector.broadcast %jit3A_1716 : f32 to vector<1x128xf32>
    %select_n3A_1718 = arith.select %ge3A_1715, %get3A_1712, %broadcast_in_dim3A_1717 : vector<1x128xi1>, vector<1x128xf32>
    %sub3A_1719 = vector.broadcast %slice3A : vector<128x1xf32> to vector<128x128xf32>
    %sub3A_1720 = vector.broadcast %select_n3A_1718 : vector<1x128xf32> to vector<128x128xf32>
    %sub3A_1721 = arith.subf %sub3A_1719, %sub3A_1720 : vector<128x128xf32>
    %integer_pow3A_1722 = arith.mulf %sub3A_1721, %sub3A_1721 : vector<128x128xf32>
    %min3A_1723 = arith.minimumf %min3A_1707, %integer_pow3A_1722 : vector<128x128xf32>
    %get3A_1724 = arith.constant 0 : index
    %get3A_1725 = arith.constant 0 : index
    %get3A_1726 = arith.constant 13824 : index
    %get3A_1727 = vector.load %arg2[%get3A_1724, %get3A_1725, %get3A_1726] : memref<1x1x19200xf32, #tpu.memory_space<vmem>>, vector<1x1x128xf32>
    %get3A_1728 = vector.shape_cast %get3A_1727 : vector<1x1x128xf32> to vector<1x128xf32>
    %ge3A_1729 = arith.constant 1.000000e-03 : f32
    %ge3A_1730 = vector.broadcast %ge3A_1729 : f32 to vector<1x128xf32>
    %ge3A_1731 = arith.cmpf oge, %get3A_1728, %ge3A_1730 : vector<1x128xf32>
    %jit3A_1732 = arith.constant 1.000000e+09 : f32
    %broadcast_in_dim3A_1733 = vector.broadcast %jit3A_1732 : f32 to vector<1x128xf32>
    %select_n3A_1734 = arith.select %ge3A_1731, %get3A_1728, %broadcast_in_dim3A_1733 : vector<1x128xi1>, vector<1x128xf32>
    %sub3A_1735 = vector.broadcast %slice3A : vector<128x1xf32> to vector<128x128xf32>
    %sub3A_1736 = vector.broadcast %select_n3A_1734 : vector<1x128xf32> to vector<128x128xf32>
    %sub3A_1737 = arith.subf %sub3A_1735, %sub3A_1736 : vector<128x128xf32>
    %integer_pow3A_1738 = arith.mulf %sub3A_1737, %sub3A_1737 : vector<128x128xf32>
    %min3A_1739 = arith.minimumf %min3A_1723, %integer_pow3A_1738 : vector<128x128xf32>
    %get3A_1740 = arith.constant 0 : index
    %get3A_1741 = arith.constant 0 : index
    %get3A_1742 = arith.constant 13952 : index
    %get3A_1743 = vector.load %arg2[%get3A_1740, %get3A_1741, %get3A_1742] : memref<1x1x19200xf32, #tpu.memory_space<vmem>>, vector<1x1x128xf32>
    %get3A_1744 = vector.shape_cast %get3A_1743 : vector<1x1x128xf32> to vector<1x128xf32>
    %ge3A_1745 = arith.constant 1.000000e-03 : f32
    %ge3A_1746 = vector.broadcast %ge3A_1745 : f32 to vector<1x128xf32>
    %ge3A_1747 = arith.cmpf oge, %get3A_1744, %ge3A_1746 : vector<1x128xf32>
    %jit3A_1748 = arith.constant 1.000000e+09 : f32
    %broadcast_in_dim3A_1749 = vector.broadcast %jit3A_1748 : f32 to vector<1x128xf32>
    %select_n3A_1750 = arith.select %ge3A_1747, %get3A_1744, %broadcast_in_dim3A_1749 : vector<1x128xi1>, vector<1x128xf32>
    %sub3A_1751 = vector.broadcast %slice3A : vector<128x1xf32> to vector<128x128xf32>
    %sub3A_1752 = vector.broadcast %select_n3A_1750 : vector<1x128xf32> to vector<128x128xf32>
    %sub3A_1753 = arith.subf %sub3A_1751, %sub3A_1752 : vector<128x128xf32>
    %integer_pow3A_1754 = arith.mulf %sub3A_1753, %sub3A_1753 : vector<128x128xf32>
    %min3A_1755 = arith.minimumf %min3A_1739, %integer_pow3A_1754 : vector<128x128xf32>
    %get3A_1756 = arith.constant 0 : index
    %get3A_1757 = arith.constant 0 : index
    %get3A_1758 = arith.constant 14080 : index
    %get3A_1759 = vector.load %arg2[%get3A_1756, %get3A_1757, %get3A_1758] : memref<1x1x19200xf32, #tpu.memory_space<vmem>>, vector<1x1x128xf32>
    %get3A_1760 = vector.shape_cast %get3A_1759 : vector<1x1x128xf32> to vector<1x128xf32>
    %ge3A_1761 = arith.constant 1.000000e-03 : f32
    %ge3A_1762 = vector.broadcast %ge3A_1761 : f32 to vector<1x128xf32>
    %ge3A_1763 = arith.cmpf oge, %get3A_1760, %ge3A_1762 : vector<1x128xf32>
    %jit3A_1764 = arith.constant 1.000000e+09 : f32
    %broadcast_in_dim3A_1765 = vector.broadcast %jit3A_1764 : f32 to vector<1x128xf32>
    %select_n3A_1766 = arith.select %ge3A_1763, %get3A_1760, %broadcast_in_dim3A_1765 : vector<1x128xi1>, vector<1x128xf32>
    %sub3A_1767 = vector.broadcast %slice3A : vector<128x1xf32> to vector<128x128xf32>
    %sub3A_1768 = vector.broadcast %select_n3A_1766 : vector<1x128xf32> to vector<128x128xf32>
    %sub3A_1769 = arith.subf %sub3A_1767, %sub3A_1768 : vector<128x128xf32>
    %integer_pow3A_1770 = arith.mulf %sub3A_1769, %sub3A_1769 : vector<128x128xf32>
    %min3A_1771 = arith.minimumf %min3A_1755, %integer_pow3A_1770 : vector<128x128xf32>
    %get3A_1772 = arith.constant 0 : index
    %get3A_1773 = arith.constant 0 : index
    %get3A_1774 = arith.constant 14208 : index
    %get3A_1775 = vector.load %arg2[%get3A_1772, %get3A_1773, %get3A_1774] : memref<1x1x19200xf32, #tpu.memory_space<vmem>>, vector<1x1x128xf32>
    %get3A_1776 = vector.shape_cast %get3A_1775 : vector<1x1x128xf32> to vector<1x128xf32>
    %ge3A_1777 = arith.constant 1.000000e-03 : f32
    %ge3A_1778 = vector.broadcast %ge3A_1777 : f32 to vector<1x128xf32>
    %ge3A_1779 = arith.cmpf oge, %get3A_1776, %ge3A_1778 : vector<1x128xf32>
    %jit3A_1780 = arith.constant 1.000000e+09 : f32
    %broadcast_in_dim3A_1781 = vector.broadcast %jit3A_1780 : f32 to vector<1x128xf32>
    %select_n3A_1782 = arith.select %ge3A_1779, %get3A_1776, %broadcast_in_dim3A_1781 : vector<1x128xi1>, vector<1x128xf32>
    %sub3A_1783 = vector.broadcast %slice3A : vector<128x1xf32> to vector<128x128xf32>
    %sub3A_1784 = vector.broadcast %select_n3A_1782 : vector<1x128xf32> to vector<128x128xf32>
    %sub3A_1785 = arith.subf %sub3A_1783, %sub3A_1784 : vector<128x128xf32>
    %integer_pow3A_1786 = arith.mulf %sub3A_1785, %sub3A_1785 : vector<128x128xf32>
    %min3A_1787 = arith.minimumf %min3A_1771, %integer_pow3A_1786 : vector<128x128xf32>
    %get3A_1788 = arith.constant 0 : index
    %get3A_1789 = arith.constant 0 : index
    %get3A_1790 = arith.constant 14336 : index
    %get3A_1791 = vector.load %arg2[%get3A_1788, %get3A_1789, %get3A_1790] : memref<1x1x19200xf32, #tpu.memory_space<vmem>>, vector<1x1x128xf32>
    %get3A_1792 = vector.shape_cast %get3A_1791 : vector<1x1x128xf32> to vector<1x128xf32>
    %ge3A_1793 = arith.constant 1.000000e-03 : f32
    %ge3A_1794 = vector.broadcast %ge3A_1793 : f32 to vector<1x128xf32>
    %ge3A_1795 = arith.cmpf oge, %get3A_1792, %ge3A_1794 : vector<1x128xf32>
    %jit3A_1796 = arith.constant 1.000000e+09 : f32
    %broadcast_in_dim3A_1797 = vector.broadcast %jit3A_1796 : f32 to vector<1x128xf32>
    %select_n3A_1798 = arith.select %ge3A_1795, %get3A_1792, %broadcast_in_dim3A_1797 : vector<1x128xi1>, vector<1x128xf32>
    %sub3A_1799 = vector.broadcast %slice3A : vector<128x1xf32> to vector<128x128xf32>
    %sub3A_1800 = vector.broadcast %select_n3A_1798 : vector<1x128xf32> to vector<128x128xf32>
    %sub3A_1801 = arith.subf %sub3A_1799, %sub3A_1800 : vector<128x128xf32>
    %integer_pow3A_1802 = arith.mulf %sub3A_1801, %sub3A_1801 : vector<128x128xf32>
    %min3A_1803 = arith.minimumf %min3A_1787, %integer_pow3A_1802 : vector<128x128xf32>
    %get3A_1804 = arith.constant 0 : index
    %get3A_1805 = arith.constant 0 : index
    %get3A_1806 = arith.constant 14464 : index
    %get3A_1807 = vector.load %arg2[%get3A_1804, %get3A_1805, %get3A_1806] : memref<1x1x19200xf32, #tpu.memory_space<vmem>>, vector<1x1x128xf32>
    %get3A_1808 = vector.shape_cast %get3A_1807 : vector<1x1x128xf32> to vector<1x128xf32>
    %ge3A_1809 = arith.constant 1.000000e-03 : f32
    %ge3A_1810 = vector.broadcast %ge3A_1809 : f32 to vector<1x128xf32>
    %ge3A_1811 = arith.cmpf oge, %get3A_1808, %ge3A_1810 : vector<1x128xf32>
    %jit3A_1812 = arith.constant 1.000000e+09 : f32
    %broadcast_in_dim3A_1813 = vector.broadcast %jit3A_1812 : f32 to vector<1x128xf32>
    %select_n3A_1814 = arith.select %ge3A_1811, %get3A_1808, %broadcast_in_dim3A_1813 : vector<1x128xi1>, vector<1x128xf32>
    %sub3A_1815 = vector.broadcast %slice3A : vector<128x1xf32> to vector<128x128xf32>
    %sub3A_1816 = vector.broadcast %select_n3A_1814 : vector<1x128xf32> to vector<128x128xf32>
    %sub3A_1817 = arith.subf %sub3A_1815, %sub3A_1816 : vector<128x128xf32>
    %integer_pow3A_1818 = arith.mulf %sub3A_1817, %sub3A_1817 : vector<128x128xf32>
    %min3A_1819 = arith.minimumf %min3A_1803, %integer_pow3A_1818 : vector<128x128xf32>
    %get3A_1820 = arith.constant 0 : index
    %get3A_1821 = arith.constant 0 : index
    %get3A_1822 = arith.constant 14592 : index
    %get3A_1823 = vector.load %arg2[%get3A_1820, %get3A_1821, %get3A_1822] : memref<1x1x19200xf32, #tpu.memory_space<vmem>>, vector<1x1x128xf32>
    %get3A_1824 = vector.shape_cast %get3A_1823 : vector<1x1x128xf32> to vector<1x128xf32>
    %ge3A_1825 = arith.constant 1.000000e-03 : f32
    %ge3A_1826 = vector.broadcast %ge3A_1825 : f32 to vector<1x128xf32>
    %ge3A_1827 = arith.cmpf oge, %get3A_1824, %ge3A_1826 : vector<1x128xf32>
    %jit3A_1828 = arith.constant 1.000000e+09 : f32
    %broadcast_in_dim3A_1829 = vector.broadcast %jit3A_1828 : f32 to vector<1x128xf32>
    %select_n3A_1830 = arith.select %ge3A_1827, %get3A_1824, %broadcast_in_dim3A_1829 : vector<1x128xi1>, vector<1x128xf32>
    %sub3A_1831 = vector.broadcast %slice3A : vector<128x1xf32> to vector<128x128xf32>
    %sub3A_1832 = vector.broadcast %select_n3A_1830 : vector<1x128xf32> to vector<128x128xf32>
    %sub3A_1833 = arith.subf %sub3A_1831, %sub3A_1832 : vector<128x128xf32>
    %integer_pow3A_1834 = arith.mulf %sub3A_1833, %sub3A_1833 : vector<128x128xf32>
    %min3A_1835 = arith.minimumf %min3A_1819, %integer_pow3A_1834 : vector<128x128xf32>
    %get3A_1836 = arith.constant 0 : index
    %get3A_1837 = arith.constant 0 : index
    %get3A_1838 = arith.constant 14720 : index
    %get3A_1839 = vector.load %arg2[%get3A_1836, %get3A_1837, %get3A_1838] : memref<1x1x19200xf32, #tpu.memory_space<vmem>>, vector<1x1x128xf32>
    %get3A_1840 = vector.shape_cast %get3A_1839 : vector<1x1x128xf32> to vector<1x128xf32>
    %ge3A_1841 = arith.constant 1.000000e-03 : f32
    %ge3A_1842 = vector.broadcast %ge3A_1841 : f32 to vector<1x128xf32>
    %ge3A_1843 = arith.cmpf oge, %get3A_1840, %ge3A_1842 : vector<1x128xf32>
    %jit3A_1844 = arith.constant 1.000000e+09 : f32
    %broadcast_in_dim3A_1845 = vector.broadcast %jit3A_1844 : f32 to vector<1x128xf32>
    %select_n3A_1846 = arith.select %ge3A_1843, %get3A_1840, %broadcast_in_dim3A_1845 : vector<1x128xi1>, vector<1x128xf32>
    %sub3A_1847 = vector.broadcast %slice3A : vector<128x1xf32> to vector<128x128xf32>
    %sub3A_1848 = vector.broadcast %select_n3A_1846 : vector<1x128xf32> to vector<128x128xf32>
    %sub3A_1849 = arith.subf %sub3A_1847, %sub3A_1848 : vector<128x128xf32>
    %integer_pow3A_1850 = arith.mulf %sub3A_1849, %sub3A_1849 : vector<128x128xf32>
    %min3A_1851 = arith.minimumf %min3A_1835, %integer_pow3A_1850 : vector<128x128xf32>
    %get3A_1852 = arith.constant 0 : index
    %get3A_1853 = arith.constant 0 : index
    %get3A_1854 = arith.constant 14848 : index
    %get3A_1855 = vector.load %arg2[%get3A_1852, %get3A_1853, %get3A_1854] : memref<1x1x19200xf32, #tpu.memory_space<vmem>>, vector<1x1x128xf32>
    %get3A_1856 = vector.shape_cast %get3A_1855 : vector<1x1x128xf32> to vector<1x128xf32>
    %ge3A_1857 = arith.constant 1.000000e-03 : f32
    %ge3A_1858 = vector.broadcast %ge3A_1857 : f32 to vector<1x128xf32>
    %ge3A_1859 = arith.cmpf oge, %get3A_1856, %ge3A_1858 : vector<1x128xf32>
    %jit3A_1860 = arith.constant 1.000000e+09 : f32
    %broadcast_in_dim3A_1861 = vector.broadcast %jit3A_1860 : f32 to vector<1x128xf32>
    %select_n3A_1862 = arith.select %ge3A_1859, %get3A_1856, %broadcast_in_dim3A_1861 : vector<1x128xi1>, vector<1x128xf32>
    %sub3A_1863 = vector.broadcast %slice3A : vector<128x1xf32> to vector<128x128xf32>
    %sub3A_1864 = vector.broadcast %select_n3A_1862 : vector<1x128xf32> to vector<128x128xf32>
    %sub3A_1865 = arith.subf %sub3A_1863, %sub3A_1864 : vector<128x128xf32>
    %integer_pow3A_1866 = arith.mulf %sub3A_1865, %sub3A_1865 : vector<128x128xf32>
    %min3A_1867 = arith.minimumf %min3A_1851, %integer_pow3A_1866 : vector<128x128xf32>
    %get3A_1868 = arith.constant 0 : index
    %get3A_1869 = arith.constant 0 : index
    %get3A_1870 = arith.constant 14976 : index
    %get3A_1871 = vector.load %arg2[%get3A_1868, %get3A_1869, %get3A_1870] : memref<1x1x19200xf32, #tpu.memory_space<vmem>>, vector<1x1x128xf32>
    %get3A_1872 = vector.shape_cast %get3A_1871 : vector<1x1x128xf32> to vector<1x128xf32>
    %ge3A_1873 = arith.constant 1.000000e-03 : f32
    %ge3A_1874 = vector.broadcast %ge3A_1873 : f32 to vector<1x128xf32>
    %ge3A_1875 = arith.cmpf oge, %get3A_1872, %ge3A_1874 : vector<1x128xf32>
    %jit3A_1876 = arith.constant 1.000000e+09 : f32
    %broadcast_in_dim3A_1877 = vector.broadcast %jit3A_1876 : f32 to vector<1x128xf32>
    %select_n3A_1878 = arith.select %ge3A_1875, %get3A_1872, %broadcast_in_dim3A_1877 : vector<1x128xi1>, vector<1x128xf32>
    %sub3A_1879 = vector.broadcast %slice3A : vector<128x1xf32> to vector<128x128xf32>
    %sub3A_1880 = vector.broadcast %select_n3A_1878 : vector<1x128xf32> to vector<128x128xf32>
    %sub3A_1881 = arith.subf %sub3A_1879, %sub3A_1880 : vector<128x128xf32>
    %integer_pow3A_1882 = arith.mulf %sub3A_1881, %sub3A_1881 : vector<128x128xf32>
    %min3A_1883 = arith.minimumf %min3A_1867, %integer_pow3A_1882 : vector<128x128xf32>
    %get3A_1884 = arith.constant 0 : index
    %get3A_1885 = arith.constant 0 : index
    %get3A_1886 = arith.constant 15104 : index
    %get3A_1887 = vector.load %arg2[%get3A_1884, %get3A_1885, %get3A_1886] : memref<1x1x19200xf32, #tpu.memory_space<vmem>>, vector<1x1x128xf32>
    %get3A_1888 = vector.shape_cast %get3A_1887 : vector<1x1x128xf32> to vector<1x128xf32>
    %ge3A_1889 = arith.constant 1.000000e-03 : f32
    %ge3A_1890 = vector.broadcast %ge3A_1889 : f32 to vector<1x128xf32>
    %ge3A_1891 = arith.cmpf oge, %get3A_1888, %ge3A_1890 : vector<1x128xf32>
    %jit3A_1892 = arith.constant 1.000000e+09 : f32
    %broadcast_in_dim3A_1893 = vector.broadcast %jit3A_1892 : f32 to vector<1x128xf32>
    %select_n3A_1894 = arith.select %ge3A_1891, %get3A_1888, %broadcast_in_dim3A_1893 : vector<1x128xi1>, vector<1x128xf32>
    %sub3A_1895 = vector.broadcast %slice3A : vector<128x1xf32> to vector<128x128xf32>
    %sub3A_1896 = vector.broadcast %select_n3A_1894 : vector<1x128xf32> to vector<128x128xf32>
    %sub3A_1897 = arith.subf %sub3A_1895, %sub3A_1896 : vector<128x128xf32>
    %integer_pow3A_1898 = arith.mulf %sub3A_1897, %sub3A_1897 : vector<128x128xf32>
    %min3A_1899 = arith.minimumf %min3A_1883, %integer_pow3A_1898 : vector<128x128xf32>
    %get3A_1900 = arith.constant 0 : index
    %get3A_1901 = arith.constant 0 : index
    %get3A_1902 = arith.constant 15232 : index
    %get3A_1903 = vector.load %arg2[%get3A_1900, %get3A_1901, %get3A_1902] : memref<1x1x19200xf32, #tpu.memory_space<vmem>>, vector<1x1x128xf32>
    %get3A_1904 = vector.shape_cast %get3A_1903 : vector<1x1x128xf32> to vector<1x128xf32>
    %ge3A_1905 = arith.constant 1.000000e-03 : f32
    %ge3A_1906 = vector.broadcast %ge3A_1905 : f32 to vector<1x128xf32>
    %ge3A_1907 = arith.cmpf oge, %get3A_1904, %ge3A_1906 : vector<1x128xf32>
    %jit3A_1908 = arith.constant 1.000000e+09 : f32
    %broadcast_in_dim3A_1909 = vector.broadcast %jit3A_1908 : f32 to vector<1x128xf32>
    %select_n3A_1910 = arith.select %ge3A_1907, %get3A_1904, %broadcast_in_dim3A_1909 : vector<1x128xi1>, vector<1x128xf32>
    %sub3A_1911 = vector.broadcast %slice3A : vector<128x1xf32> to vector<128x128xf32>
    %sub3A_1912 = vector.broadcast %select_n3A_1910 : vector<1x128xf32> to vector<128x128xf32>
    %sub3A_1913 = arith.subf %sub3A_1911, %sub3A_1912 : vector<128x128xf32>
    %integer_pow3A_1914 = arith.mulf %sub3A_1913, %sub3A_1913 : vector<128x128xf32>
    %min3A_1915 = arith.minimumf %min3A_1899, %integer_pow3A_1914 : vector<128x128xf32>
    %get3A_1916 = arith.constant 0 : index
    %get3A_1917 = arith.constant 0 : index
    %get3A_1918 = arith.constant 15360 : index
    %get3A_1919 = vector.load %arg2[%get3A_1916, %get3A_1917, %get3A_1918] : memref<1x1x19200xf32, #tpu.memory_space<vmem>>, vector<1x1x128xf32>
    %get3A_1920 = vector.shape_cast %get3A_1919 : vector<1x1x128xf32> to vector<1x128xf32>
    %ge3A_1921 = arith.constant 1.000000e-03 : f32
    %ge3A_1922 = vector.broadcast %ge3A_1921 : f32 to vector<1x128xf32>
    %ge3A_1923 = arith.cmpf oge, %get3A_1920, %ge3A_1922 : vector<1x128xf32>
    %jit3A_1924 = arith.constant 1.000000e+09 : f32
    %broadcast_in_dim3A_1925 = vector.broadcast %jit3A_1924 : f32 to vector<1x128xf32>
    %select_n3A_1926 = arith.select %ge3A_1923, %get3A_1920, %broadcast_in_dim3A_1925 : vector<1x128xi1>, vector<1x128xf32>
    %sub3A_1927 = vector.broadcast %slice3A : vector<128x1xf32> to vector<128x128xf32>
    %sub3A_1928 = vector.broadcast %select_n3A_1926 : vector<1x128xf32> to vector<128x128xf32>
    %sub3A_1929 = arith.subf %sub3A_1927, %sub3A_1928 : vector<128x128xf32>
    %integer_pow3A_1930 = arith.mulf %sub3A_1929, %sub3A_1929 : vector<128x128xf32>
    %min3A_1931 = arith.minimumf %min3A_1915, %integer_pow3A_1930 : vector<128x128xf32>
    %get3A_1932 = arith.constant 0 : index
    %get3A_1933 = arith.constant 0 : index
    %get3A_1934 = arith.constant 15488 : index
    %get3A_1935 = vector.load %arg2[%get3A_1932, %get3A_1933, %get3A_1934] : memref<1x1x19200xf32, #tpu.memory_space<vmem>>, vector<1x1x128xf32>
    %get3A_1936 = vector.shape_cast %get3A_1935 : vector<1x1x128xf32> to vector<1x128xf32>
    %ge3A_1937 = arith.constant 1.000000e-03 : f32
    %ge3A_1938 = vector.broadcast %ge3A_1937 : f32 to vector<1x128xf32>
    %ge3A_1939 = arith.cmpf oge, %get3A_1936, %ge3A_1938 : vector<1x128xf32>
    %jit3A_1940 = arith.constant 1.000000e+09 : f32
    %broadcast_in_dim3A_1941 = vector.broadcast %jit3A_1940 : f32 to vector<1x128xf32>
    %select_n3A_1942 = arith.select %ge3A_1939, %get3A_1936, %broadcast_in_dim3A_1941 : vector<1x128xi1>, vector<1x128xf32>
    %sub3A_1943 = vector.broadcast %slice3A : vector<128x1xf32> to vector<128x128xf32>
    %sub3A_1944 = vector.broadcast %select_n3A_1942 : vector<1x128xf32> to vector<128x128xf32>
    %sub3A_1945 = arith.subf %sub3A_1943, %sub3A_1944 : vector<128x128xf32>
    %integer_pow3A_1946 = arith.mulf %sub3A_1945, %sub3A_1945 : vector<128x128xf32>
    %min3A_1947 = arith.minimumf %min3A_1931, %integer_pow3A_1946 : vector<128x128xf32>
    %get3A_1948 = arith.constant 0 : index
    %get3A_1949 = arith.constant 0 : index
    %get3A_1950 = arith.constant 15616 : index
    %get3A_1951 = vector.load %arg2[%get3A_1948, %get3A_1949, %get3A_1950] : memref<1x1x19200xf32, #tpu.memory_space<vmem>>, vector<1x1x128xf32>
    %get3A_1952 = vector.shape_cast %get3A_1951 : vector<1x1x128xf32> to vector<1x128xf32>
    %ge3A_1953 = arith.constant 1.000000e-03 : f32
    %ge3A_1954 = vector.broadcast %ge3A_1953 : f32 to vector<1x128xf32>
    %ge3A_1955 = arith.cmpf oge, %get3A_1952, %ge3A_1954 : vector<1x128xf32>
    %jit3A_1956 = arith.constant 1.000000e+09 : f32
    %broadcast_in_dim3A_1957 = vector.broadcast %jit3A_1956 : f32 to vector<1x128xf32>
    %select_n3A_1958 = arith.select %ge3A_1955, %get3A_1952, %broadcast_in_dim3A_1957 : vector<1x128xi1>, vector<1x128xf32>
    %sub3A_1959 = vector.broadcast %slice3A : vector<128x1xf32> to vector<128x128xf32>
    %sub3A_1960 = vector.broadcast %select_n3A_1958 : vector<1x128xf32> to vector<128x128xf32>
    %sub3A_1961 = arith.subf %sub3A_1959, %sub3A_1960 : vector<128x128xf32>
    %integer_pow3A_1962 = arith.mulf %sub3A_1961, %sub3A_1961 : vector<128x128xf32>
    %min3A_1963 = arith.minimumf %min3A_1947, %integer_pow3A_1962 : vector<128x128xf32>
    %get3A_1964 = arith.constant 0 : index
    %get3A_1965 = arith.constant 0 : index
    %get3A_1966 = arith.constant 15744 : index
    %get3A_1967 = vector.load %arg2[%get3A_1964, %get3A_1965, %get3A_1966] : memref<1x1x19200xf32, #tpu.memory_space<vmem>>, vector<1x1x128xf32>
    %get3A_1968 = vector.shape_cast %get3A_1967 : vector<1x1x128xf32> to vector<1x128xf32>
    %ge3A_1969 = arith.constant 1.000000e-03 : f32
    %ge3A_1970 = vector.broadcast %ge3A_1969 : f32 to vector<1x128xf32>
    %ge3A_1971 = arith.cmpf oge, %get3A_1968, %ge3A_1970 : vector<1x128xf32>
    %jit3A_1972 = arith.constant 1.000000e+09 : f32
    %broadcast_in_dim3A_1973 = vector.broadcast %jit3A_1972 : f32 to vector<1x128xf32>
    %select_n3A_1974 = arith.select %ge3A_1971, %get3A_1968, %broadcast_in_dim3A_1973 : vector<1x128xi1>, vector<1x128xf32>
    %sub3A_1975 = vector.broadcast %slice3A : vector<128x1xf32> to vector<128x128xf32>
    %sub3A_1976 = vector.broadcast %select_n3A_1974 : vector<1x128xf32> to vector<128x128xf32>
    %sub3A_1977 = arith.subf %sub3A_1975, %sub3A_1976 : vector<128x128xf32>
    %integer_pow3A_1978 = arith.mulf %sub3A_1977, %sub3A_1977 : vector<128x128xf32>
    %min3A_1979 = arith.minimumf %min3A_1963, %integer_pow3A_1978 : vector<128x128xf32>
    %get3A_1980 = arith.constant 0 : index
    %get3A_1981 = arith.constant 0 : index
    %get3A_1982 = arith.constant 15872 : index
    %get3A_1983 = vector.load %arg2[%get3A_1980, %get3A_1981, %get3A_1982] : memref<1x1x19200xf32, #tpu.memory_space<vmem>>, vector<1x1x128xf32>
    %get3A_1984 = vector.shape_cast %get3A_1983 : vector<1x1x128xf32> to vector<1x128xf32>
    %ge3A_1985 = arith.constant 1.000000e-03 : f32
    %ge3A_1986 = vector.broadcast %ge3A_1985 : f32 to vector<1x128xf32>
    %ge3A_1987 = arith.cmpf oge, %get3A_1984, %ge3A_1986 : vector<1x128xf32>
    %jit3A_1988 = arith.constant 1.000000e+09 : f32
    %broadcast_in_dim3A_1989 = vector.broadcast %jit3A_1988 : f32 to vector<1x128xf32>
    %select_n3A_1990 = arith.select %ge3A_1987, %get3A_1984, %broadcast_in_dim3A_1989 : vector<1x128xi1>, vector<1x128xf32>
    %sub3A_1991 = vector.broadcast %slice3A : vector<128x1xf32> to vector<128x128xf32>
    %sub3A_1992 = vector.broadcast %select_n3A_1990 : vector<1x128xf32> to vector<128x128xf32>
    %sub3A_1993 = arith.subf %sub3A_1991, %sub3A_1992 : vector<128x128xf32>
    %integer_pow3A_1994 = arith.mulf %sub3A_1993, %sub3A_1993 : vector<128x128xf32>
    %min3A_1995 = arith.minimumf %min3A_1979, %integer_pow3A_1994 : vector<128x128xf32>
    %get3A_1996 = arith.constant 0 : index
    %get3A_1997 = arith.constant 0 : index
    %get3A_1998 = arith.constant 16000 : index
    %get3A_1999 = vector.load %arg2[%get3A_1996, %get3A_1997, %get3A_1998] : memref<1x1x19200xf32, #tpu.memory_space<vmem>>, vector<1x1x128xf32>
    %get3A_2000 = vector.shape_cast %get3A_1999 : vector<1x1x128xf32> to vector<1x128xf32>
    %ge3A_2001 = arith.constant 1.000000e-03 : f32
    %ge3A_2002 = vector.broadcast %ge3A_2001 : f32 to vector<1x128xf32>
    %ge3A_2003 = arith.cmpf oge, %get3A_2000, %ge3A_2002 : vector<1x128xf32>
    %jit3A_2004 = arith.constant 1.000000e+09 : f32
    %broadcast_in_dim3A_2005 = vector.broadcast %jit3A_2004 : f32 to vector<1x128xf32>
    %select_n3A_2006 = arith.select %ge3A_2003, %get3A_2000, %broadcast_in_dim3A_2005 : vector<1x128xi1>, vector<1x128xf32>
    %sub3A_2007 = vector.broadcast %slice3A : vector<128x1xf32> to vector<128x128xf32>
    %sub3A_2008 = vector.broadcast %select_n3A_2006 : vector<1x128xf32> to vector<128x128xf32>
    %sub3A_2009 = arith.subf %sub3A_2007, %sub3A_2008 : vector<128x128xf32>
    %integer_pow3A_2010 = arith.mulf %sub3A_2009, %sub3A_2009 : vector<128x128xf32>
    %min3A_2011 = arith.minimumf %min3A_1995, %integer_pow3A_2010 : vector<128x128xf32>
    %get3A_2012 = arith.constant 0 : index
    %get3A_2013 = arith.constant 0 : index
    %get3A_2014 = arith.constant 16128 : index
    %get3A_2015 = vector.load %arg2[%get3A_2012, %get3A_2013, %get3A_2014] : memref<1x1x19200xf32, #tpu.memory_space<vmem>>, vector<1x1x128xf32>
    %get3A_2016 = vector.shape_cast %get3A_2015 : vector<1x1x128xf32> to vector<1x128xf32>
    %ge3A_2017 = arith.constant 1.000000e-03 : f32
    %ge3A_2018 = vector.broadcast %ge3A_2017 : f32 to vector<1x128xf32>
    %ge3A_2019 = arith.cmpf oge, %get3A_2016, %ge3A_2018 : vector<1x128xf32>
    %jit3A_2020 = arith.constant 1.000000e+09 : f32
    %broadcast_in_dim3A_2021 = vector.broadcast %jit3A_2020 : f32 to vector<1x128xf32>
    %select_n3A_2022 = arith.select %ge3A_2019, %get3A_2016, %broadcast_in_dim3A_2021 : vector<1x128xi1>, vector<1x128xf32>
    %sub3A_2023 = vector.broadcast %slice3A : vector<128x1xf32> to vector<128x128xf32>
    %sub3A_2024 = vector.broadcast %select_n3A_2022 : vector<1x128xf32> to vector<128x128xf32>
    %sub3A_2025 = arith.subf %sub3A_2023, %sub3A_2024 : vector<128x128xf32>
    %integer_pow3A_2026 = arith.mulf %sub3A_2025, %sub3A_2025 : vector<128x128xf32>
    %min3A_2027 = arith.minimumf %min3A_2011, %integer_pow3A_2026 : vector<128x128xf32>
    %get3A_2028 = arith.constant 0 : index
    %get3A_2029 = arith.constant 0 : index
    %get3A_2030 = arith.constant 16256 : index
    %get3A_2031 = vector.load %arg2[%get3A_2028, %get3A_2029, %get3A_2030] : memref<1x1x19200xf32, #tpu.memory_space<vmem>>, vector<1x1x128xf32>
    %get3A_2032 = vector.shape_cast %get3A_2031 : vector<1x1x128xf32> to vector<1x128xf32>
    %ge3A_2033 = arith.constant 1.000000e-03 : f32
    %ge3A_2034 = vector.broadcast %ge3A_2033 : f32 to vector<1x128xf32>
    %ge3A_2035 = arith.cmpf oge, %get3A_2032, %ge3A_2034 : vector<1x128xf32>
    %jit3A_2036 = arith.constant 1.000000e+09 : f32
    %broadcast_in_dim3A_2037 = vector.broadcast %jit3A_2036 : f32 to vector<1x128xf32>
    %select_n3A_2038 = arith.select %ge3A_2035, %get3A_2032, %broadcast_in_dim3A_2037 : vector<1x128xi1>, vector<1x128xf32>
    %sub3A_2039 = vector.broadcast %slice3A : vector<128x1xf32> to vector<128x128xf32>
    %sub3A_2040 = vector.broadcast %select_n3A_2038 : vector<1x128xf32> to vector<128x128xf32>
    %sub3A_2041 = arith.subf %sub3A_2039, %sub3A_2040 : vector<128x128xf32>
    %integer_pow3A_2042 = arith.mulf %sub3A_2041, %sub3A_2041 : vector<128x128xf32>
    %min3A_2043 = arith.minimumf %min3A_2027, %integer_pow3A_2042 : vector<128x128xf32>
    %get3A_2044 = arith.constant 0 : index
    %get3A_2045 = arith.constant 0 : index
    %get3A_2046 = arith.constant 16384 : index
    %get3A_2047 = vector.load %arg2[%get3A_2044, %get3A_2045, %get3A_2046] : memref<1x1x19200xf32, #tpu.memory_space<vmem>>, vector<1x1x128xf32>
    %get3A_2048 = vector.shape_cast %get3A_2047 : vector<1x1x128xf32> to vector<1x128xf32>
    %ge3A_2049 = arith.constant 1.000000e-03 : f32
    %ge3A_2050 = vector.broadcast %ge3A_2049 : f32 to vector<1x128xf32>
    %ge3A_2051 = arith.cmpf oge, %get3A_2048, %ge3A_2050 : vector<1x128xf32>
    %jit3A_2052 = arith.constant 1.000000e+09 : f32
    %broadcast_in_dim3A_2053 = vector.broadcast %jit3A_2052 : f32 to vector<1x128xf32>
    %select_n3A_2054 = arith.select %ge3A_2051, %get3A_2048, %broadcast_in_dim3A_2053 : vector<1x128xi1>, vector<1x128xf32>
    %sub3A_2055 = vector.broadcast %slice3A : vector<128x1xf32> to vector<128x128xf32>
    %sub3A_2056 = vector.broadcast %select_n3A_2054 : vector<1x128xf32> to vector<128x128xf32>
    %sub3A_2057 = arith.subf %sub3A_2055, %sub3A_2056 : vector<128x128xf32>
    %integer_pow3A_2058 = arith.mulf %sub3A_2057, %sub3A_2057 : vector<128x128xf32>
    %min3A_2059 = arith.minimumf %min3A_2043, %integer_pow3A_2058 : vector<128x128xf32>
    %get3A_2060 = arith.constant 0 : index
    %get3A_2061 = arith.constant 0 : index
    %get3A_2062 = arith.constant 16512 : index
    %get3A_2063 = vector.load %arg2[%get3A_2060, %get3A_2061, %get3A_2062] : memref<1x1x19200xf32, #tpu.memory_space<vmem>>, vector<1x1x128xf32>
    %get3A_2064 = vector.shape_cast %get3A_2063 : vector<1x1x128xf32> to vector<1x128xf32>
    %ge3A_2065 = arith.constant 1.000000e-03 : f32
    %ge3A_2066 = vector.broadcast %ge3A_2065 : f32 to vector<1x128xf32>
    %ge3A_2067 = arith.cmpf oge, %get3A_2064, %ge3A_2066 : vector<1x128xf32>
    %jit3A_2068 = arith.constant 1.000000e+09 : f32
    %broadcast_in_dim3A_2069 = vector.broadcast %jit3A_2068 : f32 to vector<1x128xf32>
    %select_n3A_2070 = arith.select %ge3A_2067, %get3A_2064, %broadcast_in_dim3A_2069 : vector<1x128xi1>, vector<1x128xf32>
    %sub3A_2071 = vector.broadcast %slice3A : vector<128x1xf32> to vector<128x128xf32>
    %sub3A_2072 = vector.broadcast %select_n3A_2070 : vector<1x128xf32> to vector<128x128xf32>
    %sub3A_2073 = arith.subf %sub3A_2071, %sub3A_2072 : vector<128x128xf32>
    %integer_pow3A_2074 = arith.mulf %sub3A_2073, %sub3A_2073 : vector<128x128xf32>
    %min3A_2075 = arith.minimumf %min3A_2059, %integer_pow3A_2074 : vector<128x128xf32>
    %get3A_2076 = arith.constant 0 : index
    %get3A_2077 = arith.constant 0 : index
    %get3A_2078 = arith.constant 16640 : index
    %get3A_2079 = vector.load %arg2[%get3A_2076, %get3A_2077, %get3A_2078] : memref<1x1x19200xf32, #tpu.memory_space<vmem>>, vector<1x1x128xf32>
    %get3A_2080 = vector.shape_cast %get3A_2079 : vector<1x1x128xf32> to vector<1x128xf32>
    %ge3A_2081 = arith.constant 1.000000e-03 : f32
    %ge3A_2082 = vector.broadcast %ge3A_2081 : f32 to vector<1x128xf32>
    %ge3A_2083 = arith.cmpf oge, %get3A_2080, %ge3A_2082 : vector<1x128xf32>
    %jit3A_2084 = arith.constant 1.000000e+09 : f32
    %broadcast_in_dim3A_2085 = vector.broadcast %jit3A_2084 : f32 to vector<1x128xf32>
    %select_n3A_2086 = arith.select %ge3A_2083, %get3A_2080, %broadcast_in_dim3A_2085 : vector<1x128xi1>, vector<1x128xf32>
    %sub3A_2087 = vector.broadcast %slice3A : vector<128x1xf32> to vector<128x128xf32>
    %sub3A_2088 = vector.broadcast %select_n3A_2086 : vector<1x128xf32> to vector<128x128xf32>
    %sub3A_2089 = arith.subf %sub3A_2087, %sub3A_2088 : vector<128x128xf32>
    %integer_pow3A_2090 = arith.mulf %sub3A_2089, %sub3A_2089 : vector<128x128xf32>
    %min3A_2091 = arith.minimumf %min3A_2075, %integer_pow3A_2090 : vector<128x128xf32>
    %get3A_2092 = arith.constant 0 : index
    %get3A_2093 = arith.constant 0 : index
    %get3A_2094 = arith.constant 16768 : index
    %get3A_2095 = vector.load %arg2[%get3A_2092, %get3A_2093, %get3A_2094] : memref<1x1x19200xf32, #tpu.memory_space<vmem>>, vector<1x1x128xf32>
    %get3A_2096 = vector.shape_cast %get3A_2095 : vector<1x1x128xf32> to vector<1x128xf32>
    %ge3A_2097 = arith.constant 1.000000e-03 : f32
    %ge3A_2098 = vector.broadcast %ge3A_2097 : f32 to vector<1x128xf32>
    %ge3A_2099 = arith.cmpf oge, %get3A_2096, %ge3A_2098 : vector<1x128xf32>
    %jit3A_2100 = arith.constant 1.000000e+09 : f32
    %broadcast_in_dim3A_2101 = vector.broadcast %jit3A_2100 : f32 to vector<1x128xf32>
    %select_n3A_2102 = arith.select %ge3A_2099, %get3A_2096, %broadcast_in_dim3A_2101 : vector<1x128xi1>, vector<1x128xf32>
    %sub3A_2103 = vector.broadcast %slice3A : vector<128x1xf32> to vector<128x128xf32>
    %sub3A_2104 = vector.broadcast %select_n3A_2102 : vector<1x128xf32> to vector<128x128xf32>
    %sub3A_2105 = arith.subf %sub3A_2103, %sub3A_2104 : vector<128x128xf32>
    %integer_pow3A_2106 = arith.mulf %sub3A_2105, %sub3A_2105 : vector<128x128xf32>
    %min3A_2107 = arith.minimumf %min3A_2091, %integer_pow3A_2106 : vector<128x128xf32>
    %get3A_2108 = arith.constant 0 : index
    %get3A_2109 = arith.constant 0 : index
    %get3A_2110 = arith.constant 16896 : index
    %get3A_2111 = vector.load %arg2[%get3A_2108, %get3A_2109, %get3A_2110] : memref<1x1x19200xf32, #tpu.memory_space<vmem>>, vector<1x1x128xf32>
    %get3A_2112 = vector.shape_cast %get3A_2111 : vector<1x1x128xf32> to vector<1x128xf32>
    %ge3A_2113 = arith.constant 1.000000e-03 : f32
    %ge3A_2114 = vector.broadcast %ge3A_2113 : f32 to vector<1x128xf32>
    %ge3A_2115 = arith.cmpf oge, %get3A_2112, %ge3A_2114 : vector<1x128xf32>
    %jit3A_2116 = arith.constant 1.000000e+09 : f32
    %broadcast_in_dim3A_2117 = vector.broadcast %jit3A_2116 : f32 to vector<1x128xf32>
    %select_n3A_2118 = arith.select %ge3A_2115, %get3A_2112, %broadcast_in_dim3A_2117 : vector<1x128xi1>, vector<1x128xf32>
    %sub3A_2119 = vector.broadcast %slice3A : vector<128x1xf32> to vector<128x128xf32>
    %sub3A_2120 = vector.broadcast %select_n3A_2118 : vector<1x128xf32> to vector<128x128xf32>
    %sub3A_2121 = arith.subf %sub3A_2119, %sub3A_2120 : vector<128x128xf32>
    %integer_pow3A_2122 = arith.mulf %sub3A_2121, %sub3A_2121 : vector<128x128xf32>
    %min3A_2123 = arith.minimumf %min3A_2107, %integer_pow3A_2122 : vector<128x128xf32>
    %get3A_2124 = arith.constant 0 : index
    %get3A_2125 = arith.constant 0 : index
    %get3A_2126 = arith.constant 17024 : index
    %get3A_2127 = vector.load %arg2[%get3A_2124, %get3A_2125, %get3A_2126] : memref<1x1x19200xf32, #tpu.memory_space<vmem>>, vector<1x1x128xf32>
    %get3A_2128 = vector.shape_cast %get3A_2127 : vector<1x1x128xf32> to vector<1x128xf32>
    %ge3A_2129 = arith.constant 1.000000e-03 : f32
    %ge3A_2130 = vector.broadcast %ge3A_2129 : f32 to vector<1x128xf32>
    %ge3A_2131 = arith.cmpf oge, %get3A_2128, %ge3A_2130 : vector<1x128xf32>
    %jit3A_2132 = arith.constant 1.000000e+09 : f32
    %broadcast_in_dim3A_2133 = vector.broadcast %jit3A_2132 : f32 to vector<1x128xf32>
    %select_n3A_2134 = arith.select %ge3A_2131, %get3A_2128, %broadcast_in_dim3A_2133 : vector<1x128xi1>, vector<1x128xf32>
    %sub3A_2135 = vector.broadcast %slice3A : vector<128x1xf32> to vector<128x128xf32>
    %sub3A_2136 = vector.broadcast %select_n3A_2134 : vector<1x128xf32> to vector<128x128xf32>
    %sub3A_2137 = arith.subf %sub3A_2135, %sub3A_2136 : vector<128x128xf32>
    %integer_pow3A_2138 = arith.mulf %sub3A_2137, %sub3A_2137 : vector<128x128xf32>
    %min3A_2139 = arith.minimumf %min3A_2123, %integer_pow3A_2138 : vector<128x128xf32>
    %get3A_2140 = arith.constant 0 : index
    %get3A_2141 = arith.constant 0 : index
    %get3A_2142 = arith.constant 17152 : index
    %get3A_2143 = vector.load %arg2[%get3A_2140, %get3A_2141, %get3A_2142] : memref<1x1x19200xf32, #tpu.memory_space<vmem>>, vector<1x1x128xf32>
    %get3A_2144 = vector.shape_cast %get3A_2143 : vector<1x1x128xf32> to vector<1x128xf32>
    %ge3A_2145 = arith.constant 1.000000e-03 : f32
    %ge3A_2146 = vector.broadcast %ge3A_2145 : f32 to vector<1x128xf32>
    %ge3A_2147 = arith.cmpf oge, %get3A_2144, %ge3A_2146 : vector<1x128xf32>
    %jit3A_2148 = arith.constant 1.000000e+09 : f32
    %broadcast_in_dim3A_2149 = vector.broadcast %jit3A_2148 : f32 to vector<1x128xf32>
    %select_n3A_2150 = arith.select %ge3A_2147, %get3A_2144, %broadcast_in_dim3A_2149 : vector<1x128xi1>, vector<1x128xf32>
    %sub3A_2151 = vector.broadcast %slice3A : vector<128x1xf32> to vector<128x128xf32>
    %sub3A_2152 = vector.broadcast %select_n3A_2150 : vector<1x128xf32> to vector<128x128xf32>
    %sub3A_2153 = arith.subf %sub3A_2151, %sub3A_2152 : vector<128x128xf32>
    %integer_pow3A_2154 = arith.mulf %sub3A_2153, %sub3A_2153 : vector<128x128xf32>
    %min3A_2155 = arith.minimumf %min3A_2139, %integer_pow3A_2154 : vector<128x128xf32>
    %get3A_2156 = arith.constant 0 : index
    %get3A_2157 = arith.constant 0 : index
    %get3A_2158 = arith.constant 17280 : index
    %get3A_2159 = vector.load %arg2[%get3A_2156, %get3A_2157, %get3A_2158] : memref<1x1x19200xf32, #tpu.memory_space<vmem>>, vector<1x1x128xf32>
    %get3A_2160 = vector.shape_cast %get3A_2159 : vector<1x1x128xf32> to vector<1x128xf32>
    %ge3A_2161 = arith.constant 1.000000e-03 : f32
    %ge3A_2162 = vector.broadcast %ge3A_2161 : f32 to vector<1x128xf32>
    %ge3A_2163 = arith.cmpf oge, %get3A_2160, %ge3A_2162 : vector<1x128xf32>
    %jit3A_2164 = arith.constant 1.000000e+09 : f32
    %broadcast_in_dim3A_2165 = vector.broadcast %jit3A_2164 : f32 to vector<1x128xf32>
    %select_n3A_2166 = arith.select %ge3A_2163, %get3A_2160, %broadcast_in_dim3A_2165 : vector<1x128xi1>, vector<1x128xf32>
    %sub3A_2167 = vector.broadcast %slice3A : vector<128x1xf32> to vector<128x128xf32>
    %sub3A_2168 = vector.broadcast %select_n3A_2166 : vector<1x128xf32> to vector<128x128xf32>
    %sub3A_2169 = arith.subf %sub3A_2167, %sub3A_2168 : vector<128x128xf32>
    %integer_pow3A_2170 = arith.mulf %sub3A_2169, %sub3A_2169 : vector<128x128xf32>
    %min3A_2171 = arith.minimumf %min3A_2155, %integer_pow3A_2170 : vector<128x128xf32>
    %get3A_2172 = arith.constant 0 : index
    %get3A_2173 = arith.constant 0 : index
    %get3A_2174 = arith.constant 17408 : index
    %get3A_2175 = vector.load %arg2[%get3A_2172, %get3A_2173, %get3A_2174] : memref<1x1x19200xf32, #tpu.memory_space<vmem>>, vector<1x1x128xf32>
    %get3A_2176 = vector.shape_cast %get3A_2175 : vector<1x1x128xf32> to vector<1x128xf32>
    %ge3A_2177 = arith.constant 1.000000e-03 : f32
    %ge3A_2178 = vector.broadcast %ge3A_2177 : f32 to vector<1x128xf32>
    %ge3A_2179 = arith.cmpf oge, %get3A_2176, %ge3A_2178 : vector<1x128xf32>
    %jit3A_2180 = arith.constant 1.000000e+09 : f32
    %broadcast_in_dim3A_2181 = vector.broadcast %jit3A_2180 : f32 to vector<1x128xf32>
    %select_n3A_2182 = arith.select %ge3A_2179, %get3A_2176, %broadcast_in_dim3A_2181 : vector<1x128xi1>, vector<1x128xf32>
    %sub3A_2183 = vector.broadcast %slice3A : vector<128x1xf32> to vector<128x128xf32>
    %sub3A_2184 = vector.broadcast %select_n3A_2182 : vector<1x128xf32> to vector<128x128xf32>
    %sub3A_2185 = arith.subf %sub3A_2183, %sub3A_2184 : vector<128x128xf32>
    %integer_pow3A_2186 = arith.mulf %sub3A_2185, %sub3A_2185 : vector<128x128xf32>
    %min3A_2187 = arith.minimumf %min3A_2171, %integer_pow3A_2186 : vector<128x128xf32>
    %get3A_2188 = arith.constant 0 : index
    %get3A_2189 = arith.constant 0 : index
    %get3A_2190 = arith.constant 17536 : index
    %get3A_2191 = vector.load %arg2[%get3A_2188, %get3A_2189, %get3A_2190] : memref<1x1x19200xf32, #tpu.memory_space<vmem>>, vector<1x1x128xf32>
    %get3A_2192 = vector.shape_cast %get3A_2191 : vector<1x1x128xf32> to vector<1x128xf32>
    %ge3A_2193 = arith.constant 1.000000e-03 : f32
    %ge3A_2194 = vector.broadcast %ge3A_2193 : f32 to vector<1x128xf32>
    %ge3A_2195 = arith.cmpf oge, %get3A_2192, %ge3A_2194 : vector<1x128xf32>
    %jit3A_2196 = arith.constant 1.000000e+09 : f32
    %broadcast_in_dim3A_2197 = vector.broadcast %jit3A_2196 : f32 to vector<1x128xf32>
    %select_n3A_2198 = arith.select %ge3A_2195, %get3A_2192, %broadcast_in_dim3A_2197 : vector<1x128xi1>, vector<1x128xf32>
    %sub3A_2199 = vector.broadcast %slice3A : vector<128x1xf32> to vector<128x128xf32>
    %sub3A_2200 = vector.broadcast %select_n3A_2198 : vector<1x128xf32> to vector<128x128xf32>
    %sub3A_2201 = arith.subf %sub3A_2199, %sub3A_2200 : vector<128x128xf32>
    %integer_pow3A_2202 = arith.mulf %sub3A_2201, %sub3A_2201 : vector<128x128xf32>
    %min3A_2203 = arith.minimumf %min3A_2187, %integer_pow3A_2202 : vector<128x128xf32>
    %get3A_2204 = arith.constant 0 : index
    %get3A_2205 = arith.constant 0 : index
    %get3A_2206 = arith.constant 17664 : index
    %get3A_2207 = vector.load %arg2[%get3A_2204, %get3A_2205, %get3A_2206] : memref<1x1x19200xf32, #tpu.memory_space<vmem>>, vector<1x1x128xf32>
    %get3A_2208 = vector.shape_cast %get3A_2207 : vector<1x1x128xf32> to vector<1x128xf32>
    %ge3A_2209 = arith.constant 1.000000e-03 : f32
    %ge3A_2210 = vector.broadcast %ge3A_2209 : f32 to vector<1x128xf32>
    %ge3A_2211 = arith.cmpf oge, %get3A_2208, %ge3A_2210 : vector<1x128xf32>
    %jit3A_2212 = arith.constant 1.000000e+09 : f32
    %broadcast_in_dim3A_2213 = vector.broadcast %jit3A_2212 : f32 to vector<1x128xf32>
    %select_n3A_2214 = arith.select %ge3A_2211, %get3A_2208, %broadcast_in_dim3A_2213 : vector<1x128xi1>, vector<1x128xf32>
    %sub3A_2215 = vector.broadcast %slice3A : vector<128x1xf32> to vector<128x128xf32>
    %sub3A_2216 = vector.broadcast %select_n3A_2214 : vector<1x128xf32> to vector<128x128xf32>
    %sub3A_2217 = arith.subf %sub3A_2215, %sub3A_2216 : vector<128x128xf32>
    %integer_pow3A_2218 = arith.mulf %sub3A_2217, %sub3A_2217 : vector<128x128xf32>
    %min3A_2219 = arith.minimumf %min3A_2203, %integer_pow3A_2218 : vector<128x128xf32>
    %get3A_2220 = arith.constant 0 : index
    %get3A_2221 = arith.constant 0 : index
    %get3A_2222 = arith.constant 17792 : index
    %get3A_2223 = vector.load %arg2[%get3A_2220, %get3A_2221, %get3A_2222] : memref<1x1x19200xf32, #tpu.memory_space<vmem>>, vector<1x1x128xf32>
    %get3A_2224 = vector.shape_cast %get3A_2223 : vector<1x1x128xf32> to vector<1x128xf32>
    %ge3A_2225 = arith.constant 1.000000e-03 : f32
    %ge3A_2226 = vector.broadcast %ge3A_2225 : f32 to vector<1x128xf32>
    %ge3A_2227 = arith.cmpf oge, %get3A_2224, %ge3A_2226 : vector<1x128xf32>
    %jit3A_2228 = arith.constant 1.000000e+09 : f32
    %broadcast_in_dim3A_2229 = vector.broadcast %jit3A_2228 : f32 to vector<1x128xf32>
    %select_n3A_2230 = arith.select %ge3A_2227, %get3A_2224, %broadcast_in_dim3A_2229 : vector<1x128xi1>, vector<1x128xf32>
    %sub3A_2231 = vector.broadcast %slice3A : vector<128x1xf32> to vector<128x128xf32>
    %sub3A_2232 = vector.broadcast %select_n3A_2230 : vector<1x128xf32> to vector<128x128xf32>
    %sub3A_2233 = arith.subf %sub3A_2231, %sub3A_2232 : vector<128x128xf32>
    %integer_pow3A_2234 = arith.mulf %sub3A_2233, %sub3A_2233 : vector<128x128xf32>
    %min3A_2235 = arith.minimumf %min3A_2219, %integer_pow3A_2234 : vector<128x128xf32>
    %get3A_2236 = arith.constant 0 : index
    %get3A_2237 = arith.constant 0 : index
    %get3A_2238 = arith.constant 17920 : index
    %get3A_2239 = vector.load %arg2[%get3A_2236, %get3A_2237, %get3A_2238] : memref<1x1x19200xf32, #tpu.memory_space<vmem>>, vector<1x1x128xf32>
    %get3A_2240 = vector.shape_cast %get3A_2239 : vector<1x1x128xf32> to vector<1x128xf32>
    %ge3A_2241 = arith.constant 1.000000e-03 : f32
    %ge3A_2242 = vector.broadcast %ge3A_2241 : f32 to vector<1x128xf32>
    %ge3A_2243 = arith.cmpf oge, %get3A_2240, %ge3A_2242 : vector<1x128xf32>
    %jit3A_2244 = arith.constant 1.000000e+09 : f32
    %broadcast_in_dim3A_2245 = vector.broadcast %jit3A_2244 : f32 to vector<1x128xf32>
    %select_n3A_2246 = arith.select %ge3A_2243, %get3A_2240, %broadcast_in_dim3A_2245 : vector<1x128xi1>, vector<1x128xf32>
    %sub3A_2247 = vector.broadcast %slice3A : vector<128x1xf32> to vector<128x128xf32>
    %sub3A_2248 = vector.broadcast %select_n3A_2246 : vector<1x128xf32> to vector<128x128xf32>
    %sub3A_2249 = arith.subf %sub3A_2247, %sub3A_2248 : vector<128x128xf32>
    %integer_pow3A_2250 = arith.mulf %sub3A_2249, %sub3A_2249 : vector<128x128xf32>
    %min3A_2251 = arith.minimumf %min3A_2235, %integer_pow3A_2250 : vector<128x128xf32>
    %get3A_2252 = arith.constant 0 : index
    %get3A_2253 = arith.constant 0 : index
    %get3A_2254 = arith.constant 18048 : index
    %get3A_2255 = vector.load %arg2[%get3A_2252, %get3A_2253, %get3A_2254] : memref<1x1x19200xf32, #tpu.memory_space<vmem>>, vector<1x1x128xf32>
    %get3A_2256 = vector.shape_cast %get3A_2255 : vector<1x1x128xf32> to vector<1x128xf32>
    %ge3A_2257 = arith.constant 1.000000e-03 : f32
    %ge3A_2258 = vector.broadcast %ge3A_2257 : f32 to vector<1x128xf32>
    %ge3A_2259 = arith.cmpf oge, %get3A_2256, %ge3A_2258 : vector<1x128xf32>
    %jit3A_2260 = arith.constant 1.000000e+09 : f32
    %broadcast_in_dim3A_2261 = vector.broadcast %jit3A_2260 : f32 to vector<1x128xf32>
    %select_n3A_2262 = arith.select %ge3A_2259, %get3A_2256, %broadcast_in_dim3A_2261 : vector<1x128xi1>, vector<1x128xf32>
    %sub3A_2263 = vector.broadcast %slice3A : vector<128x1xf32> to vector<128x128xf32>
    %sub3A_2264 = vector.broadcast %select_n3A_2262 : vector<1x128xf32> to vector<128x128xf32>
    %sub3A_2265 = arith.subf %sub3A_2263, %sub3A_2264 : vector<128x128xf32>
    %integer_pow3A_2266 = arith.mulf %sub3A_2265, %sub3A_2265 : vector<128x128xf32>
    %min3A_2267 = arith.minimumf %min3A_2251, %integer_pow3A_2266 : vector<128x128xf32>
    %get3A_2268 = arith.constant 0 : index
    %get3A_2269 = arith.constant 0 : index
    %get3A_2270 = arith.constant 18176 : index
    %get3A_2271 = vector.load %arg2[%get3A_2268, %get3A_2269, %get3A_2270] : memref<1x1x19200xf32, #tpu.memory_space<vmem>>, vector<1x1x128xf32>
    %get3A_2272 = vector.shape_cast %get3A_2271 : vector<1x1x128xf32> to vector<1x128xf32>
    %ge3A_2273 = arith.constant 1.000000e-03 : f32
    %ge3A_2274 = vector.broadcast %ge3A_2273 : f32 to vector<1x128xf32>
    %ge3A_2275 = arith.cmpf oge, %get3A_2272, %ge3A_2274 : vector<1x128xf32>
    %jit3A_2276 = arith.constant 1.000000e+09 : f32
    %broadcast_in_dim3A_2277 = vector.broadcast %jit3A_2276 : f32 to vector<1x128xf32>
    %select_n3A_2278 = arith.select %ge3A_2275, %get3A_2272, %broadcast_in_dim3A_2277 : vector<1x128xi1>, vector<1x128xf32>
    %sub3A_2279 = vector.broadcast %slice3A : vector<128x1xf32> to vector<128x128xf32>
    %sub3A_2280 = vector.broadcast %select_n3A_2278 : vector<1x128xf32> to vector<128x128xf32>
    %sub3A_2281 = arith.subf %sub3A_2279, %sub3A_2280 : vector<128x128xf32>
    %integer_pow3A_2282 = arith.mulf %sub3A_2281, %sub3A_2281 : vector<128x128xf32>
    %min3A_2283 = arith.minimumf %min3A_2267, %integer_pow3A_2282 : vector<128x128xf32>
    %get3A_2284 = arith.constant 0 : index
    %get3A_2285 = arith.constant 0 : index
    %get3A_2286 = arith.constant 18304 : index
    %get3A_2287 = vector.load %arg2[%get3A_2284, %get3A_2285, %get3A_2286] : memref<1x1x19200xf32, #tpu.memory_space<vmem>>, vector<1x1x128xf32>
    %get3A_2288 = vector.shape_cast %get3A_2287 : vector<1x1x128xf32> to vector<1x128xf32>
    %ge3A_2289 = arith.constant 1.000000e-03 : f32
    %ge3A_2290 = vector.broadcast %ge3A_2289 : f32 to vector<1x128xf32>
    %ge3A_2291 = arith.cmpf oge, %get3A_2288, %ge3A_2290 : vector<1x128xf32>
    %jit3A_2292 = arith.constant 1.000000e+09 : f32
    %broadcast_in_dim3A_2293 = vector.broadcast %jit3A_2292 : f32 to vector<1x128xf32>
    %select_n3A_2294 = arith.select %ge3A_2291, %get3A_2288, %broadcast_in_dim3A_2293 : vector<1x128xi1>, vector<1x128xf32>
    %sub3A_2295 = vector.broadcast %slice3A : vector<128x1xf32> to vector<128x128xf32>
    %sub3A_2296 = vector.broadcast %select_n3A_2294 : vector<1x128xf32> to vector<128x128xf32>
    %sub3A_2297 = arith.subf %sub3A_2295, %sub3A_2296 : vector<128x128xf32>
    %integer_pow3A_2298 = arith.mulf %sub3A_2297, %sub3A_2297 : vector<128x128xf32>
    %min3A_2299 = arith.minimumf %min3A_2283, %integer_pow3A_2298 : vector<128x128xf32>
    %get3A_2300 = arith.constant 0 : index
    %get3A_2301 = arith.constant 0 : index
    %get3A_2302 = arith.constant 18432 : index
    %get3A_2303 = vector.load %arg2[%get3A_2300, %get3A_2301, %get3A_2302] : memref<1x1x19200xf32, #tpu.memory_space<vmem>>, vector<1x1x128xf32>
    %get3A_2304 = vector.shape_cast %get3A_2303 : vector<1x1x128xf32> to vector<1x128xf32>
    %ge3A_2305 = arith.constant 1.000000e-03 : f32
    %ge3A_2306 = vector.broadcast %ge3A_2305 : f32 to vector<1x128xf32>
    %ge3A_2307 = arith.cmpf oge, %get3A_2304, %ge3A_2306 : vector<1x128xf32>
    %jit3A_2308 = arith.constant 1.000000e+09 : f32
    %broadcast_in_dim3A_2309 = vector.broadcast %jit3A_2308 : f32 to vector<1x128xf32>
    %select_n3A_2310 = arith.select %ge3A_2307, %get3A_2304, %broadcast_in_dim3A_2309 : vector<1x128xi1>, vector<1x128xf32>
    %sub3A_2311 = vector.broadcast %slice3A : vector<128x1xf32> to vector<128x128xf32>
    %sub3A_2312 = vector.broadcast %select_n3A_2310 : vector<1x128xf32> to vector<128x128xf32>
    %sub3A_2313 = arith.subf %sub3A_2311, %sub3A_2312 : vector<128x128xf32>
    %integer_pow3A_2314 = arith.mulf %sub3A_2313, %sub3A_2313 : vector<128x128xf32>
    %min3A_2315 = arith.minimumf %min3A_2299, %integer_pow3A_2314 : vector<128x128xf32>
    %get3A_2316 = arith.constant 0 : index
    %get3A_2317 = arith.constant 0 : index
    %get3A_2318 = arith.constant 18560 : index
    %get3A_2319 = vector.load %arg2[%get3A_2316, %get3A_2317, %get3A_2318] : memref<1x1x19200xf32, #tpu.memory_space<vmem>>, vector<1x1x128xf32>
    %get3A_2320 = vector.shape_cast %get3A_2319 : vector<1x1x128xf32> to vector<1x128xf32>
    %ge3A_2321 = arith.constant 1.000000e-03 : f32
    %ge3A_2322 = vector.broadcast %ge3A_2321 : f32 to vector<1x128xf32>
    %ge3A_2323 = arith.cmpf oge, %get3A_2320, %ge3A_2322 : vector<1x128xf32>
    %jit3A_2324 = arith.constant 1.000000e+09 : f32
    %broadcast_in_dim3A_2325 = vector.broadcast %jit3A_2324 : f32 to vector<1x128xf32>
    %select_n3A_2326 = arith.select %ge3A_2323, %get3A_2320, %broadcast_in_dim3A_2325 : vector<1x128xi1>, vector<1x128xf32>
    %sub3A_2327 = vector.broadcast %slice3A : vector<128x1xf32> to vector<128x128xf32>
    %sub3A_2328 = vector.broadcast %select_n3A_2326 : vector<1x128xf32> to vector<128x128xf32>
    %sub3A_2329 = arith.subf %sub3A_2327, %sub3A_2328 : vector<128x128xf32>
    %integer_pow3A_2330 = arith.mulf %sub3A_2329, %sub3A_2329 : vector<128x128xf32>
    %min3A_2331 = arith.minimumf %min3A_2315, %integer_pow3A_2330 : vector<128x128xf32>
    %get3A_2332 = arith.constant 0 : index
    %get3A_2333 = arith.constant 0 : index
    %get3A_2334 = arith.constant 18688 : index
    %get3A_2335 = vector.load %arg2[%get3A_2332, %get3A_2333, %get3A_2334] : memref<1x1x19200xf32, #tpu.memory_space<vmem>>, vector<1x1x128xf32>
    %get3A_2336 = vector.shape_cast %get3A_2335 : vector<1x1x128xf32> to vector<1x128xf32>
    %ge3A_2337 = arith.constant 1.000000e-03 : f32
    %ge3A_2338 = vector.broadcast %ge3A_2337 : f32 to vector<1x128xf32>
    %ge3A_2339 = arith.cmpf oge, %get3A_2336, %ge3A_2338 : vector<1x128xf32>
    %jit3A_2340 = arith.constant 1.000000e+09 : f32
    %broadcast_in_dim3A_2341 = vector.broadcast %jit3A_2340 : f32 to vector<1x128xf32>
    %select_n3A_2342 = arith.select %ge3A_2339, %get3A_2336, %broadcast_in_dim3A_2341 : vector<1x128xi1>, vector<1x128xf32>
    %sub3A_2343 = vector.broadcast %slice3A : vector<128x1xf32> to vector<128x128xf32>
    %sub3A_2344 = vector.broadcast %select_n3A_2342 : vector<1x128xf32> to vector<128x128xf32>
    %sub3A_2345 = arith.subf %sub3A_2343, %sub3A_2344 : vector<128x128xf32>
    %integer_pow3A_2346 = arith.mulf %sub3A_2345, %sub3A_2345 : vector<128x128xf32>
    %min3A_2347 = arith.minimumf %min3A_2331, %integer_pow3A_2346 : vector<128x128xf32>
    %get3A_2348 = arith.constant 0 : index
    %get3A_2349 = arith.constant 0 : index
    %get3A_2350 = arith.constant 18816 : index
    %get3A_2351 = vector.load %arg2[%get3A_2348, %get3A_2349, %get3A_2350] : memref<1x1x19200xf32, #tpu.memory_space<vmem>>, vector<1x1x128xf32>
    %get3A_2352 = vector.shape_cast %get3A_2351 : vector<1x1x128xf32> to vector<1x128xf32>
    %ge3A_2353 = arith.constant 1.000000e-03 : f32
    %ge3A_2354 = vector.broadcast %ge3A_2353 : f32 to vector<1x128xf32>
    %ge3A_2355 = arith.cmpf oge, %get3A_2352, %ge3A_2354 : vector<1x128xf32>
    %jit3A_2356 = arith.constant 1.000000e+09 : f32
    %broadcast_in_dim3A_2357 = vector.broadcast %jit3A_2356 : f32 to vector<1x128xf32>
    %select_n3A_2358 = arith.select %ge3A_2355, %get3A_2352, %broadcast_in_dim3A_2357 : vector<1x128xi1>, vector<1x128xf32>
    %sub3A_2359 = vector.broadcast %slice3A : vector<128x1xf32> to vector<128x128xf32>
    %sub3A_2360 = vector.broadcast %select_n3A_2358 : vector<1x128xf32> to vector<128x128xf32>
    %sub3A_2361 = arith.subf %sub3A_2359, %sub3A_2360 : vector<128x128xf32>
    %integer_pow3A_2362 = arith.mulf %sub3A_2361, %sub3A_2361 : vector<128x128xf32>
    %min3A_2363 = arith.minimumf %min3A_2347, %integer_pow3A_2362 : vector<128x128xf32>
    %get3A_2364 = arith.constant 0 : index
    %get3A_2365 = arith.constant 0 : index
    %get3A_2366 = arith.constant 18944 : index
    %get3A_2367 = vector.load %arg2[%get3A_2364, %get3A_2365, %get3A_2366] : memref<1x1x19200xf32, #tpu.memory_space<vmem>>, vector<1x1x128xf32>
    %get3A_2368 = vector.shape_cast %get3A_2367 : vector<1x1x128xf32> to vector<1x128xf32>
    %ge3A_2369 = arith.constant 1.000000e-03 : f32
    %ge3A_2370 = vector.broadcast %ge3A_2369 : f32 to vector<1x128xf32>
    %ge3A_2371 = arith.cmpf oge, %get3A_2368, %ge3A_2370 : vector<1x128xf32>
    %jit3A_2372 = arith.constant 1.000000e+09 : f32
    %broadcast_in_dim3A_2373 = vector.broadcast %jit3A_2372 : f32 to vector<1x128xf32>
    %select_n3A_2374 = arith.select %ge3A_2371, %get3A_2368, %broadcast_in_dim3A_2373 : vector<1x128xi1>, vector<1x128xf32>
    %sub3A_2375 = vector.broadcast %slice3A : vector<128x1xf32> to vector<128x128xf32>
    %sub3A_2376 = vector.broadcast %select_n3A_2374 : vector<1x128xf32> to vector<128x128xf32>
    %sub3A_2377 = arith.subf %sub3A_2375, %sub3A_2376 : vector<128x128xf32>
    %integer_pow3A_2378 = arith.mulf %sub3A_2377, %sub3A_2377 : vector<128x128xf32>
    %min3A_2379 = arith.minimumf %min3A_2363, %integer_pow3A_2378 : vector<128x128xf32>
    %get3A_2380 = arith.constant 0 : index
    %get3A_2381 = arith.constant 0 : index
    %get3A_2382 = arith.constant 19072 : index
    %get3A_2383 = vector.load %arg2[%get3A_2380, %get3A_2381, %get3A_2382] : memref<1x1x19200xf32, #tpu.memory_space<vmem>>, vector<1x1x128xf32>
    %get3A_2384 = vector.shape_cast %get3A_2383 : vector<1x1x128xf32> to vector<1x128xf32>
    %ge3A_2385 = arith.constant 1.000000e-03 : f32
    %ge3A_2386 = vector.broadcast %ge3A_2385 : f32 to vector<1x128xf32>
    %ge3A_2387 = arith.cmpf oge, %get3A_2384, %ge3A_2386 : vector<1x128xf32>
    %jit3A_2388 = arith.constant 1.000000e+09 : f32
    %broadcast_in_dim3A_2389 = vector.broadcast %jit3A_2388 : f32 to vector<1x128xf32>
    %select_n3A_2390 = arith.select %ge3A_2387, %get3A_2384, %broadcast_in_dim3A_2389 : vector<1x128xi1>, vector<1x128xf32>
    %sub3A_2391 = vector.broadcast %slice3A : vector<128x1xf32> to vector<128x128xf32>
    %sub3A_2392 = vector.broadcast %select_n3A_2390 : vector<1x128xf32> to vector<128x128xf32>
    %sub3A_2393 = arith.subf %sub3A_2391, %sub3A_2392 : vector<128x128xf32>
    %integer_pow3A_2394 = arith.mulf %sub3A_2393, %sub3A_2393 : vector<128x128xf32>
    %min3A_2395 = arith.minimumf %min3A_2379, %integer_pow3A_2394 : vector<128x128xf32>
    %reduce_min3A = arith.constant dense<0x7F800000> : vector<128xf32>
    %reduce_min3A_2396 = vector.multi_reduction <minimumf>, %min3A_2395, %reduce_min3A [1] : vector<128x128xf32> to vector<128xf32>
    %reduce_sum3A = vector.shape_cast %reduce_min3A_2396 : vector<128xf32> to vector<1x128xf32>
    %reduce_sum3A_2397 = arith.constant dense<0.000000e+00> : vector<1xf32>
    %reduce_sum3A_2398 = vector.multi_reduction <add>, %reduce_sum3A, %reduce_sum3A_2397 [1] : vector<1x128xf32> to vector<1xf32>
    %reduce_sum3A_2399 = vector.shape_cast %reduce_sum3A_2398 : vector<1xf32> to vector<1x1xf32>
    %reduce_sum3A_2400 = vector.extract %reduce_sum3A_2399[0, 0] : f32 from vector<1x1xf32>
    %add3A = arith.constant 0.000000e+00 : f32
    %add3A_2401 = arith.addf %add3A, %reduce_sum3A_2400 : f32
    %get3A_2402 = arith.constant 0 : index
    %get3A_2403 = arith.constant 0 : index
    %get3A_2404 = arith.constant 0 : index
    %get3A_2405 = vector.load %arg1[%get3A_2402, %get3A_2403, %get3A_2404] : memref<1x256x1xf32, #tpu.memory_space<vmem>>, vector<1x256x1xf32>
    %get3A_2406 = vector.shape_cast %get3A_2405 : vector<1x256x1xf32> to vector<256x1xf32>
    %slice3A_2407 = vector.extract_strided_slice %get3A_2406 {offsets = [128, 0], sizes = [128, 1], strides = [1, 1]} : vector<256x1xf32> to vector<128x1xf32>
    %get3A_2408 = arith.constant 0 : index
    %get3A_2409 = arith.constant 0 : index
    %get3A_2410 = arith.constant 0 : index
    %get3A_2411 = vector.load %arg2[%get3A_2408, %get3A_2409, %get3A_2410] : memref<1x1x19200xf32, #tpu.memory_space<vmem>>, vector<1x1x128xf32>
    %get3A_2412 = vector.shape_cast %get3A_2411 : vector<1x1x128xf32> to vector<1x128xf32>
    %ge3A_2413 = arith.constant 1.000000e-03 : f32
    %ge3A_2414 = vector.broadcast %ge3A_2413 : f32 to vector<1x128xf32>
    %ge3A_2415 = arith.cmpf oge, %get3A_2412, %ge3A_2414 : vector<1x128xf32>
    %jit3A_2416 = arith.constant 1.000000e+09 : f32
    %broadcast_in_dim3A_2417 = vector.broadcast %jit3A_2416 : f32 to vector<1x128xf32>
    %select_n3A_2418 = arith.select %ge3A_2415, %get3A_2412, %broadcast_in_dim3A_2417 : vector<1x128xi1>, vector<1x128xf32>
    %sub3A_2419 = vector.broadcast %slice3A_2407 : vector<128x1xf32> to vector<128x128xf32>
    %sub3A_2420 = vector.broadcast %select_n3A_2418 : vector<1x128xf32> to vector<128x128xf32>
    %sub3A_2421 = arith.subf %sub3A_2419, %sub3A_2420 : vector<128x128xf32>
    %integer_pow3A_2422 = arith.mulf %sub3A_2421, %sub3A_2421 : vector<128x128xf32>
    %get3A_2423 = arith.constant 0 : index
    %get3A_2424 = arith.constant 0 : index
    %get3A_2425 = arith.constant 128 : index
    %get3A_2426 = vector.load %arg2[%get3A_2423, %get3A_2424, %get3A_2425] : memref<1x1x19200xf32, #tpu.memory_space<vmem>>, vector<1x1x128xf32>
    %get3A_2427 = vector.shape_cast %get3A_2426 : vector<1x1x128xf32> to vector<1x128xf32>
    %ge3A_2428 = arith.constant 1.000000e-03 : f32
    %ge3A_2429 = vector.broadcast %ge3A_2428 : f32 to vector<1x128xf32>
    %ge3A_2430 = arith.cmpf oge, %get3A_2427, %ge3A_2429 : vector<1x128xf32>
    %jit3A_2431 = arith.constant 1.000000e+09 : f32
    %broadcast_in_dim3A_2432 = vector.broadcast %jit3A_2431 : f32 to vector<1x128xf32>
    %select_n3A_2433 = arith.select %ge3A_2430, %get3A_2427, %broadcast_in_dim3A_2432 : vector<1x128xi1>, vector<1x128xf32>
    %sub3A_2434 = vector.broadcast %slice3A_2407 : vector<128x1xf32> to vector<128x128xf32>
    %sub3A_2435 = vector.broadcast %select_n3A_2433 : vector<1x128xf32> to vector<128x128xf32>
    %sub3A_2436 = arith.subf %sub3A_2434, %sub3A_2435 : vector<128x128xf32>
    %integer_pow3A_2437 = arith.mulf %sub3A_2436, %sub3A_2436 : vector<128x128xf32>
    %min3A_2438 = arith.minimumf %integer_pow3A_2422, %integer_pow3A_2437 : vector<128x128xf32>
    %get3A_2439 = arith.constant 0 : index
    %get3A_2440 = arith.constant 0 : index
    %get3A_2441 = arith.constant 256 : index
    %get3A_2442 = vector.load %arg2[%get3A_2439, %get3A_2440, %get3A_2441] : memref<1x1x19200xf32, #tpu.memory_space<vmem>>, vector<1x1x128xf32>
    %get3A_2443 = vector.shape_cast %get3A_2442 : vector<1x1x128xf32> to vector<1x128xf32>
    %ge3A_2444 = arith.constant 1.000000e-03 : f32
    %ge3A_2445 = vector.broadcast %ge3A_2444 : f32 to vector<1x128xf32>
    %ge3A_2446 = arith.cmpf oge, %get3A_2443, %ge3A_2445 : vector<1x128xf32>
    %jit3A_2447 = arith.constant 1.000000e+09 : f32
    %broadcast_in_dim3A_2448 = vector.broadcast %jit3A_2447 : f32 to vector<1x128xf32>
    %select_n3A_2449 = arith.select %ge3A_2446, %get3A_2443, %broadcast_in_dim3A_2448 : vector<1x128xi1>, vector<1x128xf32>
    %sub3A_2450 = vector.broadcast %slice3A_2407 : vector<128x1xf32> to vector<128x128xf32>
    %sub3A_2451 = vector.broadcast %select_n3A_2449 : vector<1x128xf32> to vector<128x128xf32>
    %sub3A_2452 = arith.subf %sub3A_2450, %sub3A_2451 : vector<128x128xf32>
    %integer_pow3A_2453 = arith.mulf %sub3A_2452, %sub3A_2452 : vector<128x128xf32>
    %min3A_2454 = arith.minimumf %min3A_2438, %integer_pow3A_2453 : vector<128x128xf32>
    %get3A_2455 = arith.constant 0 : index
    %get3A_2456 = arith.constant 0 : index
    %get3A_2457 = arith.constant 384 : index
    %get3A_2458 = vector.load %arg2[%get3A_2455, %get3A_2456, %get3A_2457] : memref<1x1x19200xf32, #tpu.memory_space<vmem>>, vector<1x1x128xf32>
    %get3A_2459 = vector.shape_cast %get3A_2458 : vector<1x1x128xf32> to vector<1x128xf32>
    %ge3A_2460 = arith.constant 1.000000e-03 : f32
    %ge3A_2461 = vector.broadcast %ge3A_2460 : f32 to vector<1x128xf32>
    %ge3A_2462 = arith.cmpf oge, %get3A_2459, %ge3A_2461 : vector<1x128xf32>
    %jit3A_2463 = arith.constant 1.000000e+09 : f32
    %broadcast_in_dim3A_2464 = vector.broadcast %jit3A_2463 : f32 to vector<1x128xf32>
    %select_n3A_2465 = arith.select %ge3A_2462, %get3A_2459, %broadcast_in_dim3A_2464 : vector<1x128xi1>, vector<1x128xf32>
    %sub3A_2466 = vector.broadcast %slice3A_2407 : vector<128x1xf32> to vector<128x128xf32>
    %sub3A_2467 = vector.broadcast %select_n3A_2465 : vector<1x128xf32> to vector<128x128xf32>
    %sub3A_2468 = arith.subf %sub3A_2466, %sub3A_2467 : vector<128x128xf32>
    %integer_pow3A_2469 = arith.mulf %sub3A_2468, %sub3A_2468 : vector<128x128xf32>
    %min3A_2470 = arith.minimumf %min3A_2454, %integer_pow3A_2469 : vector<128x128xf32>
    %get3A_2471 = arith.constant 0 : index
    %get3A_2472 = arith.constant 0 : index
    %get3A_2473 = arith.constant 512 : index
    %get3A_2474 = vector.load %arg2[%get3A_2471, %get3A_2472, %get3A_2473] : memref<1x1x19200xf32, #tpu.memory_space<vmem>>, vector<1x1x128xf32>
    %get3A_2475 = vector.shape_cast %get3A_2474 : vector<1x1x128xf32> to vector<1x128xf32>
    %ge3A_2476 = arith.constant 1.000000e-03 : f32
    %ge3A_2477 = vector.broadcast %ge3A_2476 : f32 to vector<1x128xf32>
    %ge3A_2478 = arith.cmpf oge, %get3A_2475, %ge3A_2477 : vector<1x128xf32>
    %jit3A_2479 = arith.constant 1.000000e+09 : f32
    %broadcast_in_dim3A_2480 = vector.broadcast %jit3A_2479 : f32 to vector<1x128xf32>
    %select_n3A_2481 = arith.select %ge3A_2478, %get3A_2475, %broadcast_in_dim3A_2480 : vector<1x128xi1>, vector<1x128xf32>
    %sub3A_2482 = vector.broadcast %slice3A_2407 : vector<128x1xf32> to vector<128x128xf32>
    %sub3A_2483 = vector.broadcast %select_n3A_2481 : vector<1x128xf32> to vector<128x128xf32>
    %sub3A_2484 = arith.subf %sub3A_2482, %sub3A_2483 : vector<128x128xf32>
    %integer_pow3A_2485 = arith.mulf %sub3A_2484, %sub3A_2484 : vector<128x128xf32>
    %min3A_2486 = arith.minimumf %min3A_2470, %integer_pow3A_2485 : vector<128x128xf32>
    %get3A_2487 = arith.constant 0 : index
    %get3A_2488 = arith.constant 0 : index
    %get3A_2489 = arith.constant 640 : index
    %get3A_2490 = vector.load %arg2[%get3A_2487, %get3A_2488, %get3A_2489] : memref<1x1x19200xf32, #tpu.memory_space<vmem>>, vector<1x1x128xf32>
    %get3A_2491 = vector.shape_cast %get3A_2490 : vector<1x1x128xf32> to vector<1x128xf32>
    %ge3A_2492 = arith.constant 1.000000e-03 : f32
    %ge3A_2493 = vector.broadcast %ge3A_2492 : f32 to vector<1x128xf32>
    %ge3A_2494 = arith.cmpf oge, %get3A_2491, %ge3A_2493 : vector<1x128xf32>
    %jit3A_2495 = arith.constant 1.000000e+09 : f32
    %broadcast_in_dim3A_2496 = vector.broadcast %jit3A_2495 : f32 to vector<1x128xf32>
    %select_n3A_2497 = arith.select %ge3A_2494, %get3A_2491, %broadcast_in_dim3A_2496 : vector<1x128xi1>, vector<1x128xf32>
    %sub3A_2498 = vector.broadcast %slice3A_2407 : vector<128x1xf32> to vector<128x128xf32>
    %sub3A_2499 = vector.broadcast %select_n3A_2497 : vector<1x128xf32> to vector<128x128xf32>
    %sub3A_2500 = arith.subf %sub3A_2498, %sub3A_2499 : vector<128x128xf32>
    %integer_pow3A_2501 = arith.mulf %sub3A_2500, %sub3A_2500 : vector<128x128xf32>
    %min3A_2502 = arith.minimumf %min3A_2486, %integer_pow3A_2501 : vector<128x128xf32>
    %get3A_2503 = arith.constant 0 : index
    %get3A_2504 = arith.constant 0 : index
    %get3A_2505 = arith.constant 768 : index
    %get3A_2506 = vector.load %arg2[%get3A_2503, %get3A_2504, %get3A_2505] : memref<1x1x19200xf32, #tpu.memory_space<vmem>>, vector<1x1x128xf32>
    %get3A_2507 = vector.shape_cast %get3A_2506 : vector<1x1x128xf32> to vector<1x128xf32>
    %ge3A_2508 = arith.constant 1.000000e-03 : f32
    %ge3A_2509 = vector.broadcast %ge3A_2508 : f32 to vector<1x128xf32>
    %ge3A_2510 = arith.cmpf oge, %get3A_2507, %ge3A_2509 : vector<1x128xf32>
    %jit3A_2511 = arith.constant 1.000000e+09 : f32
    %broadcast_in_dim3A_2512 = vector.broadcast %jit3A_2511 : f32 to vector<1x128xf32>
    %select_n3A_2513 = arith.select %ge3A_2510, %get3A_2507, %broadcast_in_dim3A_2512 : vector<1x128xi1>, vector<1x128xf32>
    %sub3A_2514 = vector.broadcast %slice3A_2407 : vector<128x1xf32> to vector<128x128xf32>
    %sub3A_2515 = vector.broadcast %select_n3A_2513 : vector<1x128xf32> to vector<128x128xf32>
    %sub3A_2516 = arith.subf %sub3A_2514, %sub3A_2515 : vector<128x128xf32>
    %integer_pow3A_2517 = arith.mulf %sub3A_2516, %sub3A_2516 : vector<128x128xf32>
    %min3A_2518 = arith.minimumf %min3A_2502, %integer_pow3A_2517 : vector<128x128xf32>
    %get3A_2519 = arith.constant 0 : index
    %get3A_2520 = arith.constant 0 : index
    %get3A_2521 = arith.constant 896 : index
    %get3A_2522 = vector.load %arg2[%get3A_2519, %get3A_2520, %get3A_2521] : memref<1x1x19200xf32, #tpu.memory_space<vmem>>, vector<1x1x128xf32>
    %get3A_2523 = vector.shape_cast %get3A_2522 : vector<1x1x128xf32> to vector<1x128xf32>
    %ge3A_2524 = arith.constant 1.000000e-03 : f32
    %ge3A_2525 = vector.broadcast %ge3A_2524 : f32 to vector<1x128xf32>
    %ge3A_2526 = arith.cmpf oge, %get3A_2523, %ge3A_2525 : vector<1x128xf32>
    %jit3A_2527 = arith.constant 1.000000e+09 : f32
    %broadcast_in_dim3A_2528 = vector.broadcast %jit3A_2527 : f32 to vector<1x128xf32>
    %select_n3A_2529 = arith.select %ge3A_2526, %get3A_2523, %broadcast_in_dim3A_2528 : vector<1x128xi1>, vector<1x128xf32>
    %sub3A_2530 = vector.broadcast %slice3A_2407 : vector<128x1xf32> to vector<128x128xf32>
    %sub3A_2531 = vector.broadcast %select_n3A_2529 : vector<1x128xf32> to vector<128x128xf32>
    %sub3A_2532 = arith.subf %sub3A_2530, %sub3A_2531 : vector<128x128xf32>
    %integer_pow3A_2533 = arith.mulf %sub3A_2532, %sub3A_2532 : vector<128x128xf32>
    %min3A_2534 = arith.minimumf %min3A_2518, %integer_pow3A_2533 : vector<128x128xf32>
    %get3A_2535 = arith.constant 0 : index
    %get3A_2536 = arith.constant 0 : index
    %get3A_2537 = arith.constant 1024 : index
    %get3A_2538 = vector.load %arg2[%get3A_2535, %get3A_2536, %get3A_2537] : memref<1x1x19200xf32, #tpu.memory_space<vmem>>, vector<1x1x128xf32>
    %get3A_2539 = vector.shape_cast %get3A_2538 : vector<1x1x128xf32> to vector<1x128xf32>
    %ge3A_2540 = arith.constant 1.000000e-03 : f32
    %ge3A_2541 = vector.broadcast %ge3A_2540 : f32 to vector<1x128xf32>
    %ge3A_2542 = arith.cmpf oge, %get3A_2539, %ge3A_2541 : vector<1x128xf32>
    %jit3A_2543 = arith.constant 1.000000e+09 : f32
    %broadcast_in_dim3A_2544 = vector.broadcast %jit3A_2543 : f32 to vector<1x128xf32>
    %select_n3A_2545 = arith.select %ge3A_2542, %get3A_2539, %broadcast_in_dim3A_2544 : vector<1x128xi1>, vector<1x128xf32>
    %sub3A_2546 = vector.broadcast %slice3A_2407 : vector<128x1xf32> to vector<128x128xf32>
    %sub3A_2547 = vector.broadcast %select_n3A_2545 : vector<1x128xf32> to vector<128x128xf32>
    %sub3A_2548 = arith.subf %sub3A_2546, %sub3A_2547 : vector<128x128xf32>
    %integer_pow3A_2549 = arith.mulf %sub3A_2548, %sub3A_2548 : vector<128x128xf32>
    %min3A_2550 = arith.minimumf %min3A_2534, %integer_pow3A_2549 : vector<128x128xf32>
    %get3A_2551 = arith.constant 0 : index
    %get3A_2552 = arith.constant 0 : index
    %get3A_2553 = arith.constant 1152 : index
    %get3A_2554 = vector.load %arg2[%get3A_2551, %get3A_2552, %get3A_2553] : memref<1x1x19200xf32, #tpu.memory_space<vmem>>, vector<1x1x128xf32>
    %get3A_2555 = vector.shape_cast %get3A_2554 : vector<1x1x128xf32> to vector<1x128xf32>
    %ge3A_2556 = arith.constant 1.000000e-03 : f32
    %ge3A_2557 = vector.broadcast %ge3A_2556 : f32 to vector<1x128xf32>
    %ge3A_2558 = arith.cmpf oge, %get3A_2555, %ge3A_2557 : vector<1x128xf32>
    %jit3A_2559 = arith.constant 1.000000e+09 : f32
    %broadcast_in_dim3A_2560 = vector.broadcast %jit3A_2559 : f32 to vector<1x128xf32>
    %select_n3A_2561 = arith.select %ge3A_2558, %get3A_2555, %broadcast_in_dim3A_2560 : vector<1x128xi1>, vector<1x128xf32>
    %sub3A_2562 = vector.broadcast %slice3A_2407 : vector<128x1xf32> to vector<128x128xf32>
    %sub3A_2563 = vector.broadcast %select_n3A_2561 : vector<1x128xf32> to vector<128x128xf32>
    %sub3A_2564 = arith.subf %sub3A_2562, %sub3A_2563 : vector<128x128xf32>
    %integer_pow3A_2565 = arith.mulf %sub3A_2564, %sub3A_2564 : vector<128x128xf32>
    %min3A_2566 = arith.minimumf %min3A_2550, %integer_pow3A_2565 : vector<128x128xf32>
    %get3A_2567 = arith.constant 0 : index
    %get3A_2568 = arith.constant 0 : index
    %get3A_2569 = arith.constant 1280 : index
    %get3A_2570 = vector.load %arg2[%get3A_2567, %get3A_2568, %get3A_2569] : memref<1x1x19200xf32, #tpu.memory_space<vmem>>, vector<1x1x128xf32>
    %get3A_2571 = vector.shape_cast %get3A_2570 : vector<1x1x128xf32> to vector<1x128xf32>
    %ge3A_2572 = arith.constant 1.000000e-03 : f32
    %ge3A_2573 = vector.broadcast %ge3A_2572 : f32 to vector<1x128xf32>
    %ge3A_2574 = arith.cmpf oge, %get3A_2571, %ge3A_2573 : vector<1x128xf32>
    %jit3A_2575 = arith.constant 1.000000e+09 : f32
    %broadcast_in_dim3A_2576 = vector.broadcast %jit3A_2575 : f32 to vector<1x128xf32>
    %select_n3A_2577 = arith.select %ge3A_2574, %get3A_2571, %broadcast_in_dim3A_2576 : vector<1x128xi1>, vector<1x128xf32>
    %sub3A_2578 = vector.broadcast %slice3A_2407 : vector<128x1xf32> to vector<128x128xf32>
    %sub3A_2579 = vector.broadcast %select_n3A_2577 : vector<1x128xf32> to vector<128x128xf32>
    %sub3A_2580 = arith.subf %sub3A_2578, %sub3A_2579 : vector<128x128xf32>
    %integer_pow3A_2581 = arith.mulf %sub3A_2580, %sub3A_2580 : vector<128x128xf32>
    %min3A_2582 = arith.minimumf %min3A_2566, %integer_pow3A_2581 : vector<128x128xf32>
    %get3A_2583 = arith.constant 0 : index
    %get3A_2584 = arith.constant 0 : index
    %get3A_2585 = arith.constant 1408 : index
    %get3A_2586 = vector.load %arg2[%get3A_2583, %get3A_2584, %get3A_2585] : memref<1x1x19200xf32, #tpu.memory_space<vmem>>, vector<1x1x128xf32>
    %get3A_2587 = vector.shape_cast %get3A_2586 : vector<1x1x128xf32> to vector<1x128xf32>
    %ge3A_2588 = arith.constant 1.000000e-03 : f32
    %ge3A_2589 = vector.broadcast %ge3A_2588 : f32 to vector<1x128xf32>
    %ge3A_2590 = arith.cmpf oge, %get3A_2587, %ge3A_2589 : vector<1x128xf32>
    %jit3A_2591 = arith.constant 1.000000e+09 : f32
    %broadcast_in_dim3A_2592 = vector.broadcast %jit3A_2591 : f32 to vector<1x128xf32>
    %select_n3A_2593 = arith.select %ge3A_2590, %get3A_2587, %broadcast_in_dim3A_2592 : vector<1x128xi1>, vector<1x128xf32>
    %sub3A_2594 = vector.broadcast %slice3A_2407 : vector<128x1xf32> to vector<128x128xf32>
    %sub3A_2595 = vector.broadcast %select_n3A_2593 : vector<1x128xf32> to vector<128x128xf32>
    %sub3A_2596 = arith.subf %sub3A_2594, %sub3A_2595 : vector<128x128xf32>
    %integer_pow3A_2597 = arith.mulf %sub3A_2596, %sub3A_2596 : vector<128x128xf32>
    %min3A_2598 = arith.minimumf %min3A_2582, %integer_pow3A_2597 : vector<128x128xf32>
    %get3A_2599 = arith.constant 0 : index
    %get3A_2600 = arith.constant 0 : index
    %get3A_2601 = arith.constant 1536 : index
    %get3A_2602 = vector.load %arg2[%get3A_2599, %get3A_2600, %get3A_2601] : memref<1x1x19200xf32, #tpu.memory_space<vmem>>, vector<1x1x128xf32>
    %get3A_2603 = vector.shape_cast %get3A_2602 : vector<1x1x128xf32> to vector<1x128xf32>
    %ge3A_2604 = arith.constant 1.000000e-03 : f32
    %ge3A_2605 = vector.broadcast %ge3A_2604 : f32 to vector<1x128xf32>
    %ge3A_2606 = arith.cmpf oge, %get3A_2603, %ge3A_2605 : vector<1x128xf32>
    %jit3A_2607 = arith.constant 1.000000e+09 : f32
    %broadcast_in_dim3A_2608 = vector.broadcast %jit3A_2607 : f32 to vector<1x128xf32>
    %select_n3A_2609 = arith.select %ge3A_2606, %get3A_2603, %broadcast_in_dim3A_2608 : vector<1x128xi1>, vector<1x128xf32>
    %sub3A_2610 = vector.broadcast %slice3A_2407 : vector<128x1xf32> to vector<128x128xf32>
    %sub3A_2611 = vector.broadcast %select_n3A_2609 : vector<1x128xf32> to vector<128x128xf32>
    %sub3A_2612 = arith.subf %sub3A_2610, %sub3A_2611 : vector<128x128xf32>
    %integer_pow3A_2613 = arith.mulf %sub3A_2612, %sub3A_2612 : vector<128x128xf32>
    %min3A_2614 = arith.minimumf %min3A_2598, %integer_pow3A_2613 : vector<128x128xf32>
    %get3A_2615 = arith.constant 0 : index
    %get3A_2616 = arith.constant 0 : index
    %get3A_2617 = arith.constant 1664 : index
    %get3A_2618 = vector.load %arg2[%get3A_2615, %get3A_2616, %get3A_2617] : memref<1x1x19200xf32, #tpu.memory_space<vmem>>, vector<1x1x128xf32>
    %get3A_2619 = vector.shape_cast %get3A_2618 : vector<1x1x128xf32> to vector<1x128xf32>
    %ge3A_2620 = arith.constant 1.000000e-03 : f32
    %ge3A_2621 = vector.broadcast %ge3A_2620 : f32 to vector<1x128xf32>
    %ge3A_2622 = arith.cmpf oge, %get3A_2619, %ge3A_2621 : vector<1x128xf32>
    %jit3A_2623 = arith.constant 1.000000e+09 : f32
    %broadcast_in_dim3A_2624 = vector.broadcast %jit3A_2623 : f32 to vector<1x128xf32>
    %select_n3A_2625 = arith.select %ge3A_2622, %get3A_2619, %broadcast_in_dim3A_2624 : vector<1x128xi1>, vector<1x128xf32>
    %sub3A_2626 = vector.broadcast %slice3A_2407 : vector<128x1xf32> to vector<128x128xf32>
    %sub3A_2627 = vector.broadcast %select_n3A_2625 : vector<1x128xf32> to vector<128x128xf32>
    %sub3A_2628 = arith.subf %sub3A_2626, %sub3A_2627 : vector<128x128xf32>
    %integer_pow3A_2629 = arith.mulf %sub3A_2628, %sub3A_2628 : vector<128x128xf32>
    %min3A_2630 = arith.minimumf %min3A_2614, %integer_pow3A_2629 : vector<128x128xf32>
    %get3A_2631 = arith.constant 0 : index
    %get3A_2632 = arith.constant 0 : index
    %get3A_2633 = arith.constant 1792 : index
    %get3A_2634 = vector.load %arg2[%get3A_2631, %get3A_2632, %get3A_2633] : memref<1x1x19200xf32, #tpu.memory_space<vmem>>, vector<1x1x128xf32>
    %get3A_2635 = vector.shape_cast %get3A_2634 : vector<1x1x128xf32> to vector<1x128xf32>
    %ge3A_2636 = arith.constant 1.000000e-03 : f32
    %ge3A_2637 = vector.broadcast %ge3A_2636 : f32 to vector<1x128xf32>
    %ge3A_2638 = arith.cmpf oge, %get3A_2635, %ge3A_2637 : vector<1x128xf32>
    %jit3A_2639 = arith.constant 1.000000e+09 : f32
    %broadcast_in_dim3A_2640 = vector.broadcast %jit3A_2639 : f32 to vector<1x128xf32>
    %select_n3A_2641 = arith.select %ge3A_2638, %get3A_2635, %broadcast_in_dim3A_2640 : vector<1x128xi1>, vector<1x128xf32>
    %sub3A_2642 = vector.broadcast %slice3A_2407 : vector<128x1xf32> to vector<128x128xf32>
    %sub3A_2643 = vector.broadcast %select_n3A_2641 : vector<1x128xf32> to vector<128x128xf32>
    %sub3A_2644 = arith.subf %sub3A_2642, %sub3A_2643 : vector<128x128xf32>
    %integer_pow3A_2645 = arith.mulf %sub3A_2644, %sub3A_2644 : vector<128x128xf32>
    %min3A_2646 = arith.minimumf %min3A_2630, %integer_pow3A_2645 : vector<128x128xf32>
    %get3A_2647 = arith.constant 0 : index
    %get3A_2648 = arith.constant 0 : index
    %get3A_2649 = arith.constant 1920 : index
    %get3A_2650 = vector.load %arg2[%get3A_2647, %get3A_2648, %get3A_2649] : memref<1x1x19200xf32, #tpu.memory_space<vmem>>, vector<1x1x128xf32>
    %get3A_2651 = vector.shape_cast %get3A_2650 : vector<1x1x128xf32> to vector<1x128xf32>
    %ge3A_2652 = arith.constant 1.000000e-03 : f32
    %ge3A_2653 = vector.broadcast %ge3A_2652 : f32 to vector<1x128xf32>
    %ge3A_2654 = arith.cmpf oge, %get3A_2651, %ge3A_2653 : vector<1x128xf32>
    %jit3A_2655 = arith.constant 1.000000e+09 : f32
    %broadcast_in_dim3A_2656 = vector.broadcast %jit3A_2655 : f32 to vector<1x128xf32>
    %select_n3A_2657 = arith.select %ge3A_2654, %get3A_2651, %broadcast_in_dim3A_2656 : vector<1x128xi1>, vector<1x128xf32>
    %sub3A_2658 = vector.broadcast %slice3A_2407 : vector<128x1xf32> to vector<128x128xf32>
    %sub3A_2659 = vector.broadcast %select_n3A_2657 : vector<1x128xf32> to vector<128x128xf32>
    %sub3A_2660 = arith.subf %sub3A_2658, %sub3A_2659 : vector<128x128xf32>
    %integer_pow3A_2661 = arith.mulf %sub3A_2660, %sub3A_2660 : vector<128x128xf32>
    %min3A_2662 = arith.minimumf %min3A_2646, %integer_pow3A_2661 : vector<128x128xf32>
    %get3A_2663 = arith.constant 0 : index
    %get3A_2664 = arith.constant 0 : index
    %get3A_2665 = arith.constant 2048 : index
    %get3A_2666 = vector.load %arg2[%get3A_2663, %get3A_2664, %get3A_2665] : memref<1x1x19200xf32, #tpu.memory_space<vmem>>, vector<1x1x128xf32>
    %get3A_2667 = vector.shape_cast %get3A_2666 : vector<1x1x128xf32> to vector<1x128xf32>
    %ge3A_2668 = arith.constant 1.000000e-03 : f32
    %ge3A_2669 = vector.broadcast %ge3A_2668 : f32 to vector<1x128xf32>
    %ge3A_2670 = arith.cmpf oge, %get3A_2667, %ge3A_2669 : vector<1x128xf32>
    %jit3A_2671 = arith.constant 1.000000e+09 : f32
    %broadcast_in_dim3A_2672 = vector.broadcast %jit3A_2671 : f32 to vector<1x128xf32>
    %select_n3A_2673 = arith.select %ge3A_2670, %get3A_2667, %broadcast_in_dim3A_2672 : vector<1x128xi1>, vector<1x128xf32>
    %sub3A_2674 = vector.broadcast %slice3A_2407 : vector<128x1xf32> to vector<128x128xf32>
    %sub3A_2675 = vector.broadcast %select_n3A_2673 : vector<1x128xf32> to vector<128x128xf32>
    %sub3A_2676 = arith.subf %sub3A_2674, %sub3A_2675 : vector<128x128xf32>
    %integer_pow3A_2677 = arith.mulf %sub3A_2676, %sub3A_2676 : vector<128x128xf32>
    %min3A_2678 = arith.minimumf %min3A_2662, %integer_pow3A_2677 : vector<128x128xf32>
    %get3A_2679 = arith.constant 0 : index
    %get3A_2680 = arith.constant 0 : index
    %get3A_2681 = arith.constant 2176 : index
    %get3A_2682 = vector.load %arg2[%get3A_2679, %get3A_2680, %get3A_2681] : memref<1x1x19200xf32, #tpu.memory_space<vmem>>, vector<1x1x128xf32>
    %get3A_2683 = vector.shape_cast %get3A_2682 : vector<1x1x128xf32> to vector<1x128xf32>
    %ge3A_2684 = arith.constant 1.000000e-03 : f32
    %ge3A_2685 = vector.broadcast %ge3A_2684 : f32 to vector<1x128xf32>
    %ge3A_2686 = arith.cmpf oge, %get3A_2683, %ge3A_2685 : vector<1x128xf32>
    %jit3A_2687 = arith.constant 1.000000e+09 : f32
    %broadcast_in_dim3A_2688 = vector.broadcast %jit3A_2687 : f32 to vector<1x128xf32>
    %select_n3A_2689 = arith.select %ge3A_2686, %get3A_2683, %broadcast_in_dim3A_2688 : vector<1x128xi1>, vector<1x128xf32>
    %sub3A_2690 = vector.broadcast %slice3A_2407 : vector<128x1xf32> to vector<128x128xf32>
    %sub3A_2691 = vector.broadcast %select_n3A_2689 : vector<1x128xf32> to vector<128x128xf32>
    %sub3A_2692 = arith.subf %sub3A_2690, %sub3A_2691 : vector<128x128xf32>
    %integer_pow3A_2693 = arith.mulf %sub3A_2692, %sub3A_2692 : vector<128x128xf32>
    %min3A_2694 = arith.minimumf %min3A_2678, %integer_pow3A_2693 : vector<128x128xf32>
    %get3A_2695 = arith.constant 0 : index
    %get3A_2696 = arith.constant 0 : index
    %get3A_2697 = arith.constant 2304 : index
    %get3A_2698 = vector.load %arg2[%get3A_2695, %get3A_2696, %get3A_2697] : memref<1x1x19200xf32, #tpu.memory_space<vmem>>, vector<1x1x128xf32>
    %get3A_2699 = vector.shape_cast %get3A_2698 : vector<1x1x128xf32> to vector<1x128xf32>
    %ge3A_2700 = arith.constant 1.000000e-03 : f32
    %ge3A_2701 = vector.broadcast %ge3A_2700 : f32 to vector<1x128xf32>
    %ge3A_2702 = arith.cmpf oge, %get3A_2699, %ge3A_2701 : vector<1x128xf32>
    %jit3A_2703 = arith.constant 1.000000e+09 : f32
    %broadcast_in_dim3A_2704 = vector.broadcast %jit3A_2703 : f32 to vector<1x128xf32>
    %select_n3A_2705 = arith.select %ge3A_2702, %get3A_2699, %broadcast_in_dim3A_2704 : vector<1x128xi1>, vector<1x128xf32>
    %sub3A_2706 = vector.broadcast %slice3A_2407 : vector<128x1xf32> to vector<128x128xf32>
    %sub3A_2707 = vector.broadcast %select_n3A_2705 : vector<1x128xf32> to vector<128x128xf32>
    %sub3A_2708 = arith.subf %sub3A_2706, %sub3A_2707 : vector<128x128xf32>
    %integer_pow3A_2709 = arith.mulf %sub3A_2708, %sub3A_2708 : vector<128x128xf32>
    %min3A_2710 = arith.minimumf %min3A_2694, %integer_pow3A_2709 : vector<128x128xf32>
    %get3A_2711 = arith.constant 0 : index
    %get3A_2712 = arith.constant 0 : index
    %get3A_2713 = arith.constant 2432 : index
    %get3A_2714 = vector.load %arg2[%get3A_2711, %get3A_2712, %get3A_2713] : memref<1x1x19200xf32, #tpu.memory_space<vmem>>, vector<1x1x128xf32>
    %get3A_2715 = vector.shape_cast %get3A_2714 : vector<1x1x128xf32> to vector<1x128xf32>
    %ge3A_2716 = arith.constant 1.000000e-03 : f32
    %ge3A_2717 = vector.broadcast %ge3A_2716 : f32 to vector<1x128xf32>
    %ge3A_2718 = arith.cmpf oge, %get3A_2715, %ge3A_2717 : vector<1x128xf32>
    %jit3A_2719 = arith.constant 1.000000e+09 : f32
    %broadcast_in_dim3A_2720 = vector.broadcast %jit3A_2719 : f32 to vector<1x128xf32>
    %select_n3A_2721 = arith.select %ge3A_2718, %get3A_2715, %broadcast_in_dim3A_2720 : vector<1x128xi1>, vector<1x128xf32>
    %sub3A_2722 = vector.broadcast %slice3A_2407 : vector<128x1xf32> to vector<128x128xf32>
    %sub3A_2723 = vector.broadcast %select_n3A_2721 : vector<1x128xf32> to vector<128x128xf32>
    %sub3A_2724 = arith.subf %sub3A_2722, %sub3A_2723 : vector<128x128xf32>
    %integer_pow3A_2725 = arith.mulf %sub3A_2724, %sub3A_2724 : vector<128x128xf32>
    %min3A_2726 = arith.minimumf %min3A_2710, %integer_pow3A_2725 : vector<128x128xf32>
    %get3A_2727 = arith.constant 0 : index
    %get3A_2728 = arith.constant 0 : index
    %get3A_2729 = arith.constant 2560 : index
    %get3A_2730 = vector.load %arg2[%get3A_2727, %get3A_2728, %get3A_2729] : memref<1x1x19200xf32, #tpu.memory_space<vmem>>, vector<1x1x128xf32>
    %get3A_2731 = vector.shape_cast %get3A_2730 : vector<1x1x128xf32> to vector<1x128xf32>
    %ge3A_2732 = arith.constant 1.000000e-03 : f32
    %ge3A_2733 = vector.broadcast %ge3A_2732 : f32 to vector<1x128xf32>
    %ge3A_2734 = arith.cmpf oge, %get3A_2731, %ge3A_2733 : vector<1x128xf32>
    %jit3A_2735 = arith.constant 1.000000e+09 : f32
    %broadcast_in_dim3A_2736 = vector.broadcast %jit3A_2735 : f32 to vector<1x128xf32>
    %select_n3A_2737 = arith.select %ge3A_2734, %get3A_2731, %broadcast_in_dim3A_2736 : vector<1x128xi1>, vector<1x128xf32>
    %sub3A_2738 = vector.broadcast %slice3A_2407 : vector<128x1xf32> to vector<128x128xf32>
    %sub3A_2739 = vector.broadcast %select_n3A_2737 : vector<1x128xf32> to vector<128x128xf32>
    %sub3A_2740 = arith.subf %sub3A_2738, %sub3A_2739 : vector<128x128xf32>
    %integer_pow3A_2741 = arith.mulf %sub3A_2740, %sub3A_2740 : vector<128x128xf32>
    %min3A_2742 = arith.minimumf %min3A_2726, %integer_pow3A_2741 : vector<128x128xf32>
    %get3A_2743 = arith.constant 0 : index
    %get3A_2744 = arith.constant 0 : index
    %get3A_2745 = arith.constant 2688 : index
    %get3A_2746 = vector.load %arg2[%get3A_2743, %get3A_2744, %get3A_2745] : memref<1x1x19200xf32, #tpu.memory_space<vmem>>, vector<1x1x128xf32>
    %get3A_2747 = vector.shape_cast %get3A_2746 : vector<1x1x128xf32> to vector<1x128xf32>
    %ge3A_2748 = arith.constant 1.000000e-03 : f32
    %ge3A_2749 = vector.broadcast %ge3A_2748 : f32 to vector<1x128xf32>
    %ge3A_2750 = arith.cmpf oge, %get3A_2747, %ge3A_2749 : vector<1x128xf32>
    %jit3A_2751 = arith.constant 1.000000e+09 : f32
    %broadcast_in_dim3A_2752 = vector.broadcast %jit3A_2751 : f32 to vector<1x128xf32>
    %select_n3A_2753 = arith.select %ge3A_2750, %get3A_2747, %broadcast_in_dim3A_2752 : vector<1x128xi1>, vector<1x128xf32>
    %sub3A_2754 = vector.broadcast %slice3A_2407 : vector<128x1xf32> to vector<128x128xf32>
    %sub3A_2755 = vector.broadcast %select_n3A_2753 : vector<1x128xf32> to vector<128x128xf32>
    %sub3A_2756 = arith.subf %sub3A_2754, %sub3A_2755 : vector<128x128xf32>
    %integer_pow3A_2757 = arith.mulf %sub3A_2756, %sub3A_2756 : vector<128x128xf32>
    %min3A_2758 = arith.minimumf %min3A_2742, %integer_pow3A_2757 : vector<128x128xf32>
    %get3A_2759 = arith.constant 0 : index
    %get3A_2760 = arith.constant 0 : index
    %get3A_2761 = arith.constant 2816 : index
    %get3A_2762 = vector.load %arg2[%get3A_2759, %get3A_2760, %get3A_2761] : memref<1x1x19200xf32, #tpu.memory_space<vmem>>, vector<1x1x128xf32>
    %get3A_2763 = vector.shape_cast %get3A_2762 : vector<1x1x128xf32> to vector<1x128xf32>
    %ge3A_2764 = arith.constant 1.000000e-03 : f32
    %ge3A_2765 = vector.broadcast %ge3A_2764 : f32 to vector<1x128xf32>
    %ge3A_2766 = arith.cmpf oge, %get3A_2763, %ge3A_2765 : vector<1x128xf32>
    %jit3A_2767 = arith.constant 1.000000e+09 : f32
    %broadcast_in_dim3A_2768 = vector.broadcast %jit3A_2767 : f32 to vector<1x128xf32>
    %select_n3A_2769 = arith.select %ge3A_2766, %get3A_2763, %broadcast_in_dim3A_2768 : vector<1x128xi1>, vector<1x128xf32>
    %sub3A_2770 = vector.broadcast %slice3A_2407 : vector<128x1xf32> to vector<128x128xf32>
    %sub3A_2771 = vector.broadcast %select_n3A_2769 : vector<1x128xf32> to vector<128x128xf32>
    %sub3A_2772 = arith.subf %sub3A_2770, %sub3A_2771 : vector<128x128xf32>
    %integer_pow3A_2773 = arith.mulf %sub3A_2772, %sub3A_2772 : vector<128x128xf32>
    %min3A_2774 = arith.minimumf %min3A_2758, %integer_pow3A_2773 : vector<128x128xf32>
    %get3A_2775 = arith.constant 0 : index
    %get3A_2776 = arith.constant 0 : index
    %get3A_2777 = arith.constant 2944 : index
    %get3A_2778 = vector.load %arg2[%get3A_2775, %get3A_2776, %get3A_2777] : memref<1x1x19200xf32, #tpu.memory_space<vmem>>, vector<1x1x128xf32>
    %get3A_2779 = vector.shape_cast %get3A_2778 : vector<1x1x128xf32> to vector<1x128xf32>
    %ge3A_2780 = arith.constant 1.000000e-03 : f32
    %ge3A_2781 = vector.broadcast %ge3A_2780 : f32 to vector<1x128xf32>
    %ge3A_2782 = arith.cmpf oge, %get3A_2779, %ge3A_2781 : vector<1x128xf32>
    %jit3A_2783 = arith.constant 1.000000e+09 : f32
    %broadcast_in_dim3A_2784 = vector.broadcast %jit3A_2783 : f32 to vector<1x128xf32>
    %select_n3A_2785 = arith.select %ge3A_2782, %get3A_2779, %broadcast_in_dim3A_2784 : vector<1x128xi1>, vector<1x128xf32>
    %sub3A_2786 = vector.broadcast %slice3A_2407 : vector<128x1xf32> to vector<128x128xf32>
    %sub3A_2787 = vector.broadcast %select_n3A_2785 : vector<1x128xf32> to vector<128x128xf32>
    %sub3A_2788 = arith.subf %sub3A_2786, %sub3A_2787 : vector<128x128xf32>
    %integer_pow3A_2789 = arith.mulf %sub3A_2788, %sub3A_2788 : vector<128x128xf32>
    %min3A_2790 = arith.minimumf %min3A_2774, %integer_pow3A_2789 : vector<128x128xf32>
    %get3A_2791 = arith.constant 0 : index
    %get3A_2792 = arith.constant 0 : index
    %get3A_2793 = arith.constant 3072 : index
    %get3A_2794 = vector.load %arg2[%get3A_2791, %get3A_2792, %get3A_2793] : memref<1x1x19200xf32, #tpu.memory_space<vmem>>, vector<1x1x128xf32>
    %get3A_2795 = vector.shape_cast %get3A_2794 : vector<1x1x128xf32> to vector<1x128xf32>
    %ge3A_2796 = arith.constant 1.000000e-03 : f32
    %ge3A_2797 = vector.broadcast %ge3A_2796 : f32 to vector<1x128xf32>
    %ge3A_2798 = arith.cmpf oge, %get3A_2795, %ge3A_2797 : vector<1x128xf32>
    %jit3A_2799 = arith.constant 1.000000e+09 : f32
    %broadcast_in_dim3A_2800 = vector.broadcast %jit3A_2799 : f32 to vector<1x128xf32>
    %select_n3A_2801 = arith.select %ge3A_2798, %get3A_2795, %broadcast_in_dim3A_2800 : vector<1x128xi1>, vector<1x128xf32>
    %sub3A_2802 = vector.broadcast %slice3A_2407 : vector<128x1xf32> to vector<128x128xf32>
    %sub3A_2803 = vector.broadcast %select_n3A_2801 : vector<1x128xf32> to vector<128x128xf32>
    %sub3A_2804 = arith.subf %sub3A_2802, %sub3A_2803 : vector<128x128xf32>
    %integer_pow3A_2805 = arith.mulf %sub3A_2804, %sub3A_2804 : vector<128x128xf32>
    %min3A_2806 = arith.minimumf %min3A_2790, %integer_pow3A_2805 : vector<128x128xf32>
    %get3A_2807 = arith.constant 0 : index
    %get3A_2808 = arith.constant 0 : index
    %get3A_2809 = arith.constant 3200 : index
    %get3A_2810 = vector.load %arg2[%get3A_2807, %get3A_2808, %get3A_2809] : memref<1x1x19200xf32, #tpu.memory_space<vmem>>, vector<1x1x128xf32>
    %get3A_2811 = vector.shape_cast %get3A_2810 : vector<1x1x128xf32> to vector<1x128xf32>
    %ge3A_2812 = arith.constant 1.000000e-03 : f32
    %ge3A_2813 = vector.broadcast %ge3A_2812 : f32 to vector<1x128xf32>
    %ge3A_2814 = arith.cmpf oge, %get3A_2811, %ge3A_2813 : vector<1x128xf32>
    %jit3A_2815 = arith.constant 1.000000e+09 : f32
    %broadcast_in_dim3A_2816 = vector.broadcast %jit3A_2815 : f32 to vector<1x128xf32>
    %select_n3A_2817 = arith.select %ge3A_2814, %get3A_2811, %broadcast_in_dim3A_2816 : vector<1x128xi1>, vector<1x128xf32>
    %sub3A_2818 = vector.broadcast %slice3A_2407 : vector<128x1xf32> to vector<128x128xf32>
    %sub3A_2819 = vector.broadcast %select_n3A_2817 : vector<1x128xf32> to vector<128x128xf32>
    %sub3A_2820 = arith.subf %sub3A_2818, %sub3A_2819 : vector<128x128xf32>
    %integer_pow3A_2821 = arith.mulf %sub3A_2820, %sub3A_2820 : vector<128x128xf32>
    %min3A_2822 = arith.minimumf %min3A_2806, %integer_pow3A_2821 : vector<128x128xf32>
    %get3A_2823 = arith.constant 0 : index
    %get3A_2824 = arith.constant 0 : index
    %get3A_2825 = arith.constant 3328 : index
    %get3A_2826 = vector.load %arg2[%get3A_2823, %get3A_2824, %get3A_2825] : memref<1x1x19200xf32, #tpu.memory_space<vmem>>, vector<1x1x128xf32>
    %get3A_2827 = vector.shape_cast %get3A_2826 : vector<1x1x128xf32> to vector<1x128xf32>
    %ge3A_2828 = arith.constant 1.000000e-03 : f32
    %ge3A_2829 = vector.broadcast %ge3A_2828 : f32 to vector<1x128xf32>
    %ge3A_2830 = arith.cmpf oge, %get3A_2827, %ge3A_2829 : vector<1x128xf32>
    %jit3A_2831 = arith.constant 1.000000e+09 : f32
    %broadcast_in_dim3A_2832 = vector.broadcast %jit3A_2831 : f32 to vector<1x128xf32>
    %select_n3A_2833 = arith.select %ge3A_2830, %get3A_2827, %broadcast_in_dim3A_2832 : vector<1x128xi1>, vector<1x128xf32>
    %sub3A_2834 = vector.broadcast %slice3A_2407 : vector<128x1xf32> to vector<128x128xf32>
    %sub3A_2835 = vector.broadcast %select_n3A_2833 : vector<1x128xf32> to vector<128x128xf32>
    %sub3A_2836 = arith.subf %sub3A_2834, %sub3A_2835 : vector<128x128xf32>
    %integer_pow3A_2837 = arith.mulf %sub3A_2836, %sub3A_2836 : vector<128x128xf32>
    %min3A_2838 = arith.minimumf %min3A_2822, %integer_pow3A_2837 : vector<128x128xf32>
    %get3A_2839 = arith.constant 0 : index
    %get3A_2840 = arith.constant 0 : index
    %get3A_2841 = arith.constant 3456 : index
    %get3A_2842 = vector.load %arg2[%get3A_2839, %get3A_2840, %get3A_2841] : memref<1x1x19200xf32, #tpu.memory_space<vmem>>, vector<1x1x128xf32>
    %get3A_2843 = vector.shape_cast %get3A_2842 : vector<1x1x128xf32> to vector<1x128xf32>
    %ge3A_2844 = arith.constant 1.000000e-03 : f32
    %ge3A_2845 = vector.broadcast %ge3A_2844 : f32 to vector<1x128xf32>
    %ge3A_2846 = arith.cmpf oge, %get3A_2843, %ge3A_2845 : vector<1x128xf32>
    %jit3A_2847 = arith.constant 1.000000e+09 : f32
    %broadcast_in_dim3A_2848 = vector.broadcast %jit3A_2847 : f32 to vector<1x128xf32>
    %select_n3A_2849 = arith.select %ge3A_2846, %get3A_2843, %broadcast_in_dim3A_2848 : vector<1x128xi1>, vector<1x128xf32>
    %sub3A_2850 = vector.broadcast %slice3A_2407 : vector<128x1xf32> to vector<128x128xf32>
    %sub3A_2851 = vector.broadcast %select_n3A_2849 : vector<1x128xf32> to vector<128x128xf32>
    %sub3A_2852 = arith.subf %sub3A_2850, %sub3A_2851 : vector<128x128xf32>
    %integer_pow3A_2853 = arith.mulf %sub3A_2852, %sub3A_2852 : vector<128x128xf32>
    %min3A_2854 = arith.minimumf %min3A_2838, %integer_pow3A_2853 : vector<128x128xf32>
    %get3A_2855 = arith.constant 0 : index
    %get3A_2856 = arith.constant 0 : index
    %get3A_2857 = arith.constant 3584 : index
    %get3A_2858 = vector.load %arg2[%get3A_2855, %get3A_2856, %get3A_2857] : memref<1x1x19200xf32, #tpu.memory_space<vmem>>, vector<1x1x128xf32>
    %get3A_2859 = vector.shape_cast %get3A_2858 : vector<1x1x128xf32> to vector<1x128xf32>
    %ge3A_2860 = arith.constant 1.000000e-03 : f32
    %ge3A_2861 = vector.broadcast %ge3A_2860 : f32 to vector<1x128xf32>
    %ge3A_2862 = arith.cmpf oge, %get3A_2859, %ge3A_2861 : vector<1x128xf32>
    %jit3A_2863 = arith.constant 1.000000e+09 : f32
    %broadcast_in_dim3A_2864 = vector.broadcast %jit3A_2863 : f32 to vector<1x128xf32>
    %select_n3A_2865 = arith.select %ge3A_2862, %get3A_2859, %broadcast_in_dim3A_2864 : vector<1x128xi1>, vector<1x128xf32>
    %sub3A_2866 = vector.broadcast %slice3A_2407 : vector<128x1xf32> to vector<128x128xf32>
    %sub3A_2867 = vector.broadcast %select_n3A_2865 : vector<1x128xf32> to vector<128x128xf32>
    %sub3A_2868 = arith.subf %sub3A_2866, %sub3A_2867 : vector<128x128xf32>
    %integer_pow3A_2869 = arith.mulf %sub3A_2868, %sub3A_2868 : vector<128x128xf32>
    %min3A_2870 = arith.minimumf %min3A_2854, %integer_pow3A_2869 : vector<128x128xf32>
    %get3A_2871 = arith.constant 0 : index
    %get3A_2872 = arith.constant 0 : index
    %get3A_2873 = arith.constant 3712 : index
    %get3A_2874 = vector.load %arg2[%get3A_2871, %get3A_2872, %get3A_2873] : memref<1x1x19200xf32, #tpu.memory_space<vmem>>, vector<1x1x128xf32>
    %get3A_2875 = vector.shape_cast %get3A_2874 : vector<1x1x128xf32> to vector<1x128xf32>
    %ge3A_2876 = arith.constant 1.000000e-03 : f32
    %ge3A_2877 = vector.broadcast %ge3A_2876 : f32 to vector<1x128xf32>
    %ge3A_2878 = arith.cmpf oge, %get3A_2875, %ge3A_2877 : vector<1x128xf32>
    %jit3A_2879 = arith.constant 1.000000e+09 : f32
    %broadcast_in_dim3A_2880 = vector.broadcast %jit3A_2879 : f32 to vector<1x128xf32>
    %select_n3A_2881 = arith.select %ge3A_2878, %get3A_2875, %broadcast_in_dim3A_2880 : vector<1x128xi1>, vector<1x128xf32>
    %sub3A_2882 = vector.broadcast %slice3A_2407 : vector<128x1xf32> to vector<128x128xf32>
    %sub3A_2883 = vector.broadcast %select_n3A_2881 : vector<1x128xf32> to vector<128x128xf32>
    %sub3A_2884 = arith.subf %sub3A_2882, %sub3A_2883 : vector<128x128xf32>
    %integer_pow3A_2885 = arith.mulf %sub3A_2884, %sub3A_2884 : vector<128x128xf32>
    %min3A_2886 = arith.minimumf %min3A_2870, %integer_pow3A_2885 : vector<128x128xf32>
    %get3A_2887 = arith.constant 0 : index
    %get3A_2888 = arith.constant 0 : index
    %get3A_2889 = arith.constant 3840 : index
    %get3A_2890 = vector.load %arg2[%get3A_2887, %get3A_2888, %get3A_2889] : memref<1x1x19200xf32, #tpu.memory_space<vmem>>, vector<1x1x128xf32>
    %get3A_2891 = vector.shape_cast %get3A_2890 : vector<1x1x128xf32> to vector<1x128xf32>
    %ge3A_2892 = arith.constant 1.000000e-03 : f32
    %ge3A_2893 = vector.broadcast %ge3A_2892 : f32 to vector<1x128xf32>
    %ge3A_2894 = arith.cmpf oge, %get3A_2891, %ge3A_2893 : vector<1x128xf32>
    %jit3A_2895 = arith.constant 1.000000e+09 : f32
    %broadcast_in_dim3A_2896 = vector.broadcast %jit3A_2895 : f32 to vector<1x128xf32>
    %select_n3A_2897 = arith.select %ge3A_2894, %get3A_2891, %broadcast_in_dim3A_2896 : vector<1x128xi1>, vector<1x128xf32>
    %sub3A_2898 = vector.broadcast %slice3A_2407 : vector<128x1xf32> to vector<128x128xf32>
    %sub3A_2899 = vector.broadcast %select_n3A_2897 : vector<1x128xf32> to vector<128x128xf32>
    %sub3A_2900 = arith.subf %sub3A_2898, %sub3A_2899 : vector<128x128xf32>
    %integer_pow3A_2901 = arith.mulf %sub3A_2900, %sub3A_2900 : vector<128x128xf32>
    %min3A_2902 = arith.minimumf %min3A_2886, %integer_pow3A_2901 : vector<128x128xf32>
    %get3A_2903 = arith.constant 0 : index
    %get3A_2904 = arith.constant 0 : index
    %get3A_2905 = arith.constant 3968 : index
    %get3A_2906 = vector.load %arg2[%get3A_2903, %get3A_2904, %get3A_2905] : memref<1x1x19200xf32, #tpu.memory_space<vmem>>, vector<1x1x128xf32>
    %get3A_2907 = vector.shape_cast %get3A_2906 : vector<1x1x128xf32> to vector<1x128xf32>
    %ge3A_2908 = arith.constant 1.000000e-03 : f32
    %ge3A_2909 = vector.broadcast %ge3A_2908 : f32 to vector<1x128xf32>
    %ge3A_2910 = arith.cmpf oge, %get3A_2907, %ge3A_2909 : vector<1x128xf32>
    %jit3A_2911 = arith.constant 1.000000e+09 : f32
    %broadcast_in_dim3A_2912 = vector.broadcast %jit3A_2911 : f32 to vector<1x128xf32>
    %select_n3A_2913 = arith.select %ge3A_2910, %get3A_2907, %broadcast_in_dim3A_2912 : vector<1x128xi1>, vector<1x128xf32>
    %sub3A_2914 = vector.broadcast %slice3A_2407 : vector<128x1xf32> to vector<128x128xf32>
    %sub3A_2915 = vector.broadcast %select_n3A_2913 : vector<1x128xf32> to vector<128x128xf32>
    %sub3A_2916 = arith.subf %sub3A_2914, %sub3A_2915 : vector<128x128xf32>
    %integer_pow3A_2917 = arith.mulf %sub3A_2916, %sub3A_2916 : vector<128x128xf32>
    %min3A_2918 = arith.minimumf %min3A_2902, %integer_pow3A_2917 : vector<128x128xf32>
    %get3A_2919 = arith.constant 0 : index
    %get3A_2920 = arith.constant 0 : index
    %get3A_2921 = arith.constant 4096 : index
    %get3A_2922 = vector.load %arg2[%get3A_2919, %get3A_2920, %get3A_2921] : memref<1x1x19200xf32, #tpu.memory_space<vmem>>, vector<1x1x128xf32>
    %get3A_2923 = vector.shape_cast %get3A_2922 : vector<1x1x128xf32> to vector<1x128xf32>
    %ge3A_2924 = arith.constant 1.000000e-03 : f32
    %ge3A_2925 = vector.broadcast %ge3A_2924 : f32 to vector<1x128xf32>
    %ge3A_2926 = arith.cmpf oge, %get3A_2923, %ge3A_2925 : vector<1x128xf32>
    %jit3A_2927 = arith.constant 1.000000e+09 : f32
    %broadcast_in_dim3A_2928 = vector.broadcast %jit3A_2927 : f32 to vector<1x128xf32>
    %select_n3A_2929 = arith.select %ge3A_2926, %get3A_2923, %broadcast_in_dim3A_2928 : vector<1x128xi1>, vector<1x128xf32>
    %sub3A_2930 = vector.broadcast %slice3A_2407 : vector<128x1xf32> to vector<128x128xf32>
    %sub3A_2931 = vector.broadcast %select_n3A_2929 : vector<1x128xf32> to vector<128x128xf32>
    %sub3A_2932 = arith.subf %sub3A_2930, %sub3A_2931 : vector<128x128xf32>
    %integer_pow3A_2933 = arith.mulf %sub3A_2932, %sub3A_2932 : vector<128x128xf32>
    %min3A_2934 = arith.minimumf %min3A_2918, %integer_pow3A_2933 : vector<128x128xf32>
    %get3A_2935 = arith.constant 0 : index
    %get3A_2936 = arith.constant 0 : index
    %get3A_2937 = arith.constant 4224 : index
    %get3A_2938 = vector.load %arg2[%get3A_2935, %get3A_2936, %get3A_2937] : memref<1x1x19200xf32, #tpu.memory_space<vmem>>, vector<1x1x128xf32>
    %get3A_2939 = vector.shape_cast %get3A_2938 : vector<1x1x128xf32> to vector<1x128xf32>
    %ge3A_2940 = arith.constant 1.000000e-03 : f32
    %ge3A_2941 = vector.broadcast %ge3A_2940 : f32 to vector<1x128xf32>
    %ge3A_2942 = arith.cmpf oge, %get3A_2939, %ge3A_2941 : vector<1x128xf32>
    %jit3A_2943 = arith.constant 1.000000e+09 : f32
    %broadcast_in_dim3A_2944 = vector.broadcast %jit3A_2943 : f32 to vector<1x128xf32>
    %select_n3A_2945 = arith.select %ge3A_2942, %get3A_2939, %broadcast_in_dim3A_2944 : vector<1x128xi1>, vector<1x128xf32>
    %sub3A_2946 = vector.broadcast %slice3A_2407 : vector<128x1xf32> to vector<128x128xf32>
    %sub3A_2947 = vector.broadcast %select_n3A_2945 : vector<1x128xf32> to vector<128x128xf32>
    %sub3A_2948 = arith.subf %sub3A_2946, %sub3A_2947 : vector<128x128xf32>
    %integer_pow3A_2949 = arith.mulf %sub3A_2948, %sub3A_2948 : vector<128x128xf32>
    %min3A_2950 = arith.minimumf %min3A_2934, %integer_pow3A_2949 : vector<128x128xf32>
    %get3A_2951 = arith.constant 0 : index
    %get3A_2952 = arith.constant 0 : index
    %get3A_2953 = arith.constant 4352 : index
    %get3A_2954 = vector.load %arg2[%get3A_2951, %get3A_2952, %get3A_2953] : memref<1x1x19200xf32, #tpu.memory_space<vmem>>, vector<1x1x128xf32>
    %get3A_2955 = vector.shape_cast %get3A_2954 : vector<1x1x128xf32> to vector<1x128xf32>
    %ge3A_2956 = arith.constant 1.000000e-03 : f32
    %ge3A_2957 = vector.broadcast %ge3A_2956 : f32 to vector<1x128xf32>
    %ge3A_2958 = arith.cmpf oge, %get3A_2955, %ge3A_2957 : vector<1x128xf32>
    %jit3A_2959 = arith.constant 1.000000e+09 : f32
    %broadcast_in_dim3A_2960 = vector.broadcast %jit3A_2959 : f32 to vector<1x128xf32>
    %select_n3A_2961 = arith.select %ge3A_2958, %get3A_2955, %broadcast_in_dim3A_2960 : vector<1x128xi1>, vector<1x128xf32>
    %sub3A_2962 = vector.broadcast %slice3A_2407 : vector<128x1xf32> to vector<128x128xf32>
    %sub3A_2963 = vector.broadcast %select_n3A_2961 : vector<1x128xf32> to vector<128x128xf32>
    %sub3A_2964 = arith.subf %sub3A_2962, %sub3A_2963 : vector<128x128xf32>
    %integer_pow3A_2965 = arith.mulf %sub3A_2964, %sub3A_2964 : vector<128x128xf32>
    %min3A_2966 = arith.minimumf %min3A_2950, %integer_pow3A_2965 : vector<128x128xf32>
    %get3A_2967 = arith.constant 0 : index
    %get3A_2968 = arith.constant 0 : index
    %get3A_2969 = arith.constant 4480 : index
    %get3A_2970 = vector.load %arg2[%get3A_2967, %get3A_2968, %get3A_2969] : memref<1x1x19200xf32, #tpu.memory_space<vmem>>, vector<1x1x128xf32>
    %get3A_2971 = vector.shape_cast %get3A_2970 : vector<1x1x128xf32> to vector<1x128xf32>
    %ge3A_2972 = arith.constant 1.000000e-03 : f32
    %ge3A_2973 = vector.broadcast %ge3A_2972 : f32 to vector<1x128xf32>
    %ge3A_2974 = arith.cmpf oge, %get3A_2971, %ge3A_2973 : vector<1x128xf32>
    %jit3A_2975 = arith.constant 1.000000e+09 : f32
    %broadcast_in_dim3A_2976 = vector.broadcast %jit3A_2975 : f32 to vector<1x128xf32>
    %select_n3A_2977 = arith.select %ge3A_2974, %get3A_2971, %broadcast_in_dim3A_2976 : vector<1x128xi1>, vector<1x128xf32>
    %sub3A_2978 = vector.broadcast %slice3A_2407 : vector<128x1xf32> to vector<128x128xf32>
    %sub3A_2979 = vector.broadcast %select_n3A_2977 : vector<1x128xf32> to vector<128x128xf32>
    %sub3A_2980 = arith.subf %sub3A_2978, %sub3A_2979 : vector<128x128xf32>
    %integer_pow3A_2981 = arith.mulf %sub3A_2980, %sub3A_2980 : vector<128x128xf32>
    %min3A_2982 = arith.minimumf %min3A_2966, %integer_pow3A_2981 : vector<128x128xf32>
    %get3A_2983 = arith.constant 0 : index
    %get3A_2984 = arith.constant 0 : index
    %get3A_2985 = arith.constant 4608 : index
    %get3A_2986 = vector.load %arg2[%get3A_2983, %get3A_2984, %get3A_2985] : memref<1x1x19200xf32, #tpu.memory_space<vmem>>, vector<1x1x128xf32>
    %get3A_2987 = vector.shape_cast %get3A_2986 : vector<1x1x128xf32> to vector<1x128xf32>
    %ge3A_2988 = arith.constant 1.000000e-03 : f32
    %ge3A_2989 = vector.broadcast %ge3A_2988 : f32 to vector<1x128xf32>
    %ge3A_2990 = arith.cmpf oge, %get3A_2987, %ge3A_2989 : vector<1x128xf32>
    %jit3A_2991 = arith.constant 1.000000e+09 : f32
    %broadcast_in_dim3A_2992 = vector.broadcast %jit3A_2991 : f32 to vector<1x128xf32>
    %select_n3A_2993 = arith.select %ge3A_2990, %get3A_2987, %broadcast_in_dim3A_2992 : vector<1x128xi1>, vector<1x128xf32>
    %sub3A_2994 = vector.broadcast %slice3A_2407 : vector<128x1xf32> to vector<128x128xf32>
    %sub3A_2995 = vector.broadcast %select_n3A_2993 : vector<1x128xf32> to vector<128x128xf32>
    %sub3A_2996 = arith.subf %sub3A_2994, %sub3A_2995 : vector<128x128xf32>
    %integer_pow3A_2997 = arith.mulf %sub3A_2996, %sub3A_2996 : vector<128x128xf32>
    %min3A_2998 = arith.minimumf %min3A_2982, %integer_pow3A_2997 : vector<128x128xf32>
    %get3A_2999 = arith.constant 0 : index
    %get3A_3000 = arith.constant 0 : index
    %get3A_3001 = arith.constant 4736 : index
    %get3A_3002 = vector.load %arg2[%get3A_2999, %get3A_3000, %get3A_3001] : memref<1x1x19200xf32, #tpu.memory_space<vmem>>, vector<1x1x128xf32>
    %get3A_3003 = vector.shape_cast %get3A_3002 : vector<1x1x128xf32> to vector<1x128xf32>
    %ge3A_3004 = arith.constant 1.000000e-03 : f32
    %ge3A_3005 = vector.broadcast %ge3A_3004 : f32 to vector<1x128xf32>
    %ge3A_3006 = arith.cmpf oge, %get3A_3003, %ge3A_3005 : vector<1x128xf32>
    %jit3A_3007 = arith.constant 1.000000e+09 : f32
    %broadcast_in_dim3A_3008 = vector.broadcast %jit3A_3007 : f32 to vector<1x128xf32>
    %select_n3A_3009 = arith.select %ge3A_3006, %get3A_3003, %broadcast_in_dim3A_3008 : vector<1x128xi1>, vector<1x128xf32>
    %sub3A_3010 = vector.broadcast %slice3A_2407 : vector<128x1xf32> to vector<128x128xf32>
    %sub3A_3011 = vector.broadcast %select_n3A_3009 : vector<1x128xf32> to vector<128x128xf32>
    %sub3A_3012 = arith.subf %sub3A_3010, %sub3A_3011 : vector<128x128xf32>
    %integer_pow3A_3013 = arith.mulf %sub3A_3012, %sub3A_3012 : vector<128x128xf32>
    %min3A_3014 = arith.minimumf %min3A_2998, %integer_pow3A_3013 : vector<128x128xf32>
    %get3A_3015 = arith.constant 0 : index
    %get3A_3016 = arith.constant 0 : index
    %get3A_3017 = arith.constant 4864 : index
    %get3A_3018 = vector.load %arg2[%get3A_3015, %get3A_3016, %get3A_3017] : memref<1x1x19200xf32, #tpu.memory_space<vmem>>, vector<1x1x128xf32>
    %get3A_3019 = vector.shape_cast %get3A_3018 : vector<1x1x128xf32> to vector<1x128xf32>
    %ge3A_3020 = arith.constant 1.000000e-03 : f32
    %ge3A_3021 = vector.broadcast %ge3A_3020 : f32 to vector<1x128xf32>
    %ge3A_3022 = arith.cmpf oge, %get3A_3019, %ge3A_3021 : vector<1x128xf32>
    %jit3A_3023 = arith.constant 1.000000e+09 : f32
    %broadcast_in_dim3A_3024 = vector.broadcast %jit3A_3023 : f32 to vector<1x128xf32>
    %select_n3A_3025 = arith.select %ge3A_3022, %get3A_3019, %broadcast_in_dim3A_3024 : vector<1x128xi1>, vector<1x128xf32>
    %sub3A_3026 = vector.broadcast %slice3A_2407 : vector<128x1xf32> to vector<128x128xf32>
    %sub3A_3027 = vector.broadcast %select_n3A_3025 : vector<1x128xf32> to vector<128x128xf32>
    %sub3A_3028 = arith.subf %sub3A_3026, %sub3A_3027 : vector<128x128xf32>
    %integer_pow3A_3029 = arith.mulf %sub3A_3028, %sub3A_3028 : vector<128x128xf32>
    %min3A_3030 = arith.minimumf %min3A_3014, %integer_pow3A_3029 : vector<128x128xf32>
    %get3A_3031 = arith.constant 0 : index
    %get3A_3032 = arith.constant 0 : index
    %get3A_3033 = arith.constant 4992 : index
    %get3A_3034 = vector.load %arg2[%get3A_3031, %get3A_3032, %get3A_3033] : memref<1x1x19200xf32, #tpu.memory_space<vmem>>, vector<1x1x128xf32>
    %get3A_3035 = vector.shape_cast %get3A_3034 : vector<1x1x128xf32> to vector<1x128xf32>
    %ge3A_3036 = arith.constant 1.000000e-03 : f32
    %ge3A_3037 = vector.broadcast %ge3A_3036 : f32 to vector<1x128xf32>
    %ge3A_3038 = arith.cmpf oge, %get3A_3035, %ge3A_3037 : vector<1x128xf32>
    %jit3A_3039 = arith.constant 1.000000e+09 : f32
    %broadcast_in_dim3A_3040 = vector.broadcast %jit3A_3039 : f32 to vector<1x128xf32>
    %select_n3A_3041 = arith.select %ge3A_3038, %get3A_3035, %broadcast_in_dim3A_3040 : vector<1x128xi1>, vector<1x128xf32>
    %sub3A_3042 = vector.broadcast %slice3A_2407 : vector<128x1xf32> to vector<128x128xf32>
    %sub3A_3043 = vector.broadcast %select_n3A_3041 : vector<1x128xf32> to vector<128x128xf32>
    %sub3A_3044 = arith.subf %sub3A_3042, %sub3A_3043 : vector<128x128xf32>
    %integer_pow3A_3045 = arith.mulf %sub3A_3044, %sub3A_3044 : vector<128x128xf32>
    %min3A_3046 = arith.minimumf %min3A_3030, %integer_pow3A_3045 : vector<128x128xf32>
    %get3A_3047 = arith.constant 0 : index
    %get3A_3048 = arith.constant 0 : index
    %get3A_3049 = arith.constant 5120 : index
    %get3A_3050 = vector.load %arg2[%get3A_3047, %get3A_3048, %get3A_3049] : memref<1x1x19200xf32, #tpu.memory_space<vmem>>, vector<1x1x128xf32>
    %get3A_3051 = vector.shape_cast %get3A_3050 : vector<1x1x128xf32> to vector<1x128xf32>
    %ge3A_3052 = arith.constant 1.000000e-03 : f32
    %ge3A_3053 = vector.broadcast %ge3A_3052 : f32 to vector<1x128xf32>
    %ge3A_3054 = arith.cmpf oge, %get3A_3051, %ge3A_3053 : vector<1x128xf32>
    %jit3A_3055 = arith.constant 1.000000e+09 : f32
    %broadcast_in_dim3A_3056 = vector.broadcast %jit3A_3055 : f32 to vector<1x128xf32>
    %select_n3A_3057 = arith.select %ge3A_3054, %get3A_3051, %broadcast_in_dim3A_3056 : vector<1x128xi1>, vector<1x128xf32>
    %sub3A_3058 = vector.broadcast %slice3A_2407 : vector<128x1xf32> to vector<128x128xf32>
    %sub3A_3059 = vector.broadcast %select_n3A_3057 : vector<1x128xf32> to vector<128x128xf32>
    %sub3A_3060 = arith.subf %sub3A_3058, %sub3A_3059 : vector<128x128xf32>
    %integer_pow3A_3061 = arith.mulf %sub3A_3060, %sub3A_3060 : vector<128x128xf32>
    %min3A_3062 = arith.minimumf %min3A_3046, %integer_pow3A_3061 : vector<128x128xf32>
    %get3A_3063 = arith.constant 0 : index
    %get3A_3064 = arith.constant 0 : index
    %get3A_3065 = arith.constant 5248 : index
    %get3A_3066 = vector.load %arg2[%get3A_3063, %get3A_3064, %get3A_3065] : memref<1x1x19200xf32, #tpu.memory_space<vmem>>, vector<1x1x128xf32>
    %get3A_3067 = vector.shape_cast %get3A_3066 : vector<1x1x128xf32> to vector<1x128xf32>
    %ge3A_3068 = arith.constant 1.000000e-03 : f32
    %ge3A_3069 = vector.broadcast %ge3A_3068 : f32 to vector<1x128xf32>
    %ge3A_3070 = arith.cmpf oge, %get3A_3067, %ge3A_3069 : vector<1x128xf32>
    %jit3A_3071 = arith.constant 1.000000e+09 : f32
    %broadcast_in_dim3A_3072 = vector.broadcast %jit3A_3071 : f32 to vector<1x128xf32>
    %select_n3A_3073 = arith.select %ge3A_3070, %get3A_3067, %broadcast_in_dim3A_3072 : vector<1x128xi1>, vector<1x128xf32>
    %sub3A_3074 = vector.broadcast %slice3A_2407 : vector<128x1xf32> to vector<128x128xf32>
    %sub3A_3075 = vector.broadcast %select_n3A_3073 : vector<1x128xf32> to vector<128x128xf32>
    %sub3A_3076 = arith.subf %sub3A_3074, %sub3A_3075 : vector<128x128xf32>
    %integer_pow3A_3077 = arith.mulf %sub3A_3076, %sub3A_3076 : vector<128x128xf32>
    %min3A_3078 = arith.minimumf %min3A_3062, %integer_pow3A_3077 : vector<128x128xf32>
    %get3A_3079 = arith.constant 0 : index
    %get3A_3080 = arith.constant 0 : index
    %get3A_3081 = arith.constant 5376 : index
    %get3A_3082 = vector.load %arg2[%get3A_3079, %get3A_3080, %get3A_3081] : memref<1x1x19200xf32, #tpu.memory_space<vmem>>, vector<1x1x128xf32>
    %get3A_3083 = vector.shape_cast %get3A_3082 : vector<1x1x128xf32> to vector<1x128xf32>
    %ge3A_3084 = arith.constant 1.000000e-03 : f32
    %ge3A_3085 = vector.broadcast %ge3A_3084 : f32 to vector<1x128xf32>
    %ge3A_3086 = arith.cmpf oge, %get3A_3083, %ge3A_3085 : vector<1x128xf32>
    %jit3A_3087 = arith.constant 1.000000e+09 : f32
    %broadcast_in_dim3A_3088 = vector.broadcast %jit3A_3087 : f32 to vector<1x128xf32>
    %select_n3A_3089 = arith.select %ge3A_3086, %get3A_3083, %broadcast_in_dim3A_3088 : vector<1x128xi1>, vector<1x128xf32>
    %sub3A_3090 = vector.broadcast %slice3A_2407 : vector<128x1xf32> to vector<128x128xf32>
    %sub3A_3091 = vector.broadcast %select_n3A_3089 : vector<1x128xf32> to vector<128x128xf32>
    %sub3A_3092 = arith.subf %sub3A_3090, %sub3A_3091 : vector<128x128xf32>
    %integer_pow3A_3093 = arith.mulf %sub3A_3092, %sub3A_3092 : vector<128x128xf32>
    %min3A_3094 = arith.minimumf %min3A_3078, %integer_pow3A_3093 : vector<128x128xf32>
    %get3A_3095 = arith.constant 0 : index
    %get3A_3096 = arith.constant 0 : index
    %get3A_3097 = arith.constant 5504 : index
    %get3A_3098 = vector.load %arg2[%get3A_3095, %get3A_3096, %get3A_3097] : memref<1x1x19200xf32, #tpu.memory_space<vmem>>, vector<1x1x128xf32>
    %get3A_3099 = vector.shape_cast %get3A_3098 : vector<1x1x128xf32> to vector<1x128xf32>
    %ge3A_3100 = arith.constant 1.000000e-03 : f32
    %ge3A_3101 = vector.broadcast %ge3A_3100 : f32 to vector<1x128xf32>
    %ge3A_3102 = arith.cmpf oge, %get3A_3099, %ge3A_3101 : vector<1x128xf32>
    %jit3A_3103 = arith.constant 1.000000e+09 : f32
    %broadcast_in_dim3A_3104 = vector.broadcast %jit3A_3103 : f32 to vector<1x128xf32>
    %select_n3A_3105 = arith.select %ge3A_3102, %get3A_3099, %broadcast_in_dim3A_3104 : vector<1x128xi1>, vector<1x128xf32>
    %sub3A_3106 = vector.broadcast %slice3A_2407 : vector<128x1xf32> to vector<128x128xf32>
    %sub3A_3107 = vector.broadcast %select_n3A_3105 : vector<1x128xf32> to vector<128x128xf32>
    %sub3A_3108 = arith.subf %sub3A_3106, %sub3A_3107 : vector<128x128xf32>
    %integer_pow3A_3109 = arith.mulf %sub3A_3108, %sub3A_3108 : vector<128x128xf32>
    %min3A_3110 = arith.minimumf %min3A_3094, %integer_pow3A_3109 : vector<128x128xf32>
    %get3A_3111 = arith.constant 0 : index
    %get3A_3112 = arith.constant 0 : index
    %get3A_3113 = arith.constant 5632 : index
    %get3A_3114 = vector.load %arg2[%get3A_3111, %get3A_3112, %get3A_3113] : memref<1x1x19200xf32, #tpu.memory_space<vmem>>, vector<1x1x128xf32>
    %get3A_3115 = vector.shape_cast %get3A_3114 : vector<1x1x128xf32> to vector<1x128xf32>
    %ge3A_3116 = arith.constant 1.000000e-03 : f32
    %ge3A_3117 = vector.broadcast %ge3A_3116 : f32 to vector<1x128xf32>
    %ge3A_3118 = arith.cmpf oge, %get3A_3115, %ge3A_3117 : vector<1x128xf32>
    %jit3A_3119 = arith.constant 1.000000e+09 : f32
    %broadcast_in_dim3A_3120 = vector.broadcast %jit3A_3119 : f32 to vector<1x128xf32>
    %select_n3A_3121 = arith.select %ge3A_3118, %get3A_3115, %broadcast_in_dim3A_3120 : vector<1x128xi1>, vector<1x128xf32>
    %sub3A_3122 = vector.broadcast %slice3A_2407 : vector<128x1xf32> to vector<128x128xf32>
    %sub3A_3123 = vector.broadcast %select_n3A_3121 : vector<1x128xf32> to vector<128x128xf32>
    %sub3A_3124 = arith.subf %sub3A_3122, %sub3A_3123 : vector<128x128xf32>
    %integer_pow3A_3125 = arith.mulf %sub3A_3124, %sub3A_3124 : vector<128x128xf32>
    %min3A_3126 = arith.minimumf %min3A_3110, %integer_pow3A_3125 : vector<128x128xf32>
    %get3A_3127 = arith.constant 0 : index
    %get3A_3128 = arith.constant 0 : index
    %get3A_3129 = arith.constant 5760 : index
    %get3A_3130 = vector.load %arg2[%get3A_3127, %get3A_3128, %get3A_3129] : memref<1x1x19200xf32, #tpu.memory_space<vmem>>, vector<1x1x128xf32>
    %get3A_3131 = vector.shape_cast %get3A_3130 : vector<1x1x128xf32> to vector<1x128xf32>
    %ge3A_3132 = arith.constant 1.000000e-03 : f32
    %ge3A_3133 = vector.broadcast %ge3A_3132 : f32 to vector<1x128xf32>
    %ge3A_3134 = arith.cmpf oge, %get3A_3131, %ge3A_3133 : vector<1x128xf32>
    %jit3A_3135 = arith.constant 1.000000e+09 : f32
    %broadcast_in_dim3A_3136 = vector.broadcast %jit3A_3135 : f32 to vector<1x128xf32>
    %select_n3A_3137 = arith.select %ge3A_3134, %get3A_3131, %broadcast_in_dim3A_3136 : vector<1x128xi1>, vector<1x128xf32>
    %sub3A_3138 = vector.broadcast %slice3A_2407 : vector<128x1xf32> to vector<128x128xf32>
    %sub3A_3139 = vector.broadcast %select_n3A_3137 : vector<1x128xf32> to vector<128x128xf32>
    %sub3A_3140 = arith.subf %sub3A_3138, %sub3A_3139 : vector<128x128xf32>
    %integer_pow3A_3141 = arith.mulf %sub3A_3140, %sub3A_3140 : vector<128x128xf32>
    %min3A_3142 = arith.minimumf %min3A_3126, %integer_pow3A_3141 : vector<128x128xf32>
    %get3A_3143 = arith.constant 0 : index
    %get3A_3144 = arith.constant 0 : index
    %get3A_3145 = arith.constant 5888 : index
    %get3A_3146 = vector.load %arg2[%get3A_3143, %get3A_3144, %get3A_3145] : memref<1x1x19200xf32, #tpu.memory_space<vmem>>, vector<1x1x128xf32>
    %get3A_3147 = vector.shape_cast %get3A_3146 : vector<1x1x128xf32> to vector<1x128xf32>
    %ge3A_3148 = arith.constant 1.000000e-03 : f32
    %ge3A_3149 = vector.broadcast %ge3A_3148 : f32 to vector<1x128xf32>
    %ge3A_3150 = arith.cmpf oge, %get3A_3147, %ge3A_3149 : vector<1x128xf32>
    %jit3A_3151 = arith.constant 1.000000e+09 : f32
    %broadcast_in_dim3A_3152 = vector.broadcast %jit3A_3151 : f32 to vector<1x128xf32>
    %select_n3A_3153 = arith.select %ge3A_3150, %get3A_3147, %broadcast_in_dim3A_3152 : vector<1x128xi1>, vector<1x128xf32>
    %sub3A_3154 = vector.broadcast %slice3A_2407 : vector<128x1xf32> to vector<128x128xf32>
    %sub3A_3155 = vector.broadcast %select_n3A_3153 : vector<1x128xf32> to vector<128x128xf32>
    %sub3A_3156 = arith.subf %sub3A_3154, %sub3A_3155 : vector<128x128xf32>
    %integer_pow3A_3157 = arith.mulf %sub3A_3156, %sub3A_3156 : vector<128x128xf32>
    %min3A_3158 = arith.minimumf %min3A_3142, %integer_pow3A_3157 : vector<128x128xf32>
    %get3A_3159 = arith.constant 0 : index
    %get3A_3160 = arith.constant 0 : index
    %get3A_3161 = arith.constant 6016 : index
    %get3A_3162 = vector.load %arg2[%get3A_3159, %get3A_3160, %get3A_3161] : memref<1x1x19200xf32, #tpu.memory_space<vmem>>, vector<1x1x128xf32>
    %get3A_3163 = vector.shape_cast %get3A_3162 : vector<1x1x128xf32> to vector<1x128xf32>
    %ge3A_3164 = arith.constant 1.000000e-03 : f32
    %ge3A_3165 = vector.broadcast %ge3A_3164 : f32 to vector<1x128xf32>
    %ge3A_3166 = arith.cmpf oge, %get3A_3163, %ge3A_3165 : vector<1x128xf32>
    %jit3A_3167 = arith.constant 1.000000e+09 : f32
    %broadcast_in_dim3A_3168 = vector.broadcast %jit3A_3167 : f32 to vector<1x128xf32>
    %select_n3A_3169 = arith.select %ge3A_3166, %get3A_3163, %broadcast_in_dim3A_3168 : vector<1x128xi1>, vector<1x128xf32>
    %sub3A_3170 = vector.broadcast %slice3A_2407 : vector<128x1xf32> to vector<128x128xf32>
    %sub3A_3171 = vector.broadcast %select_n3A_3169 : vector<1x128xf32> to vector<128x128xf32>
    %sub3A_3172 = arith.subf %sub3A_3170, %sub3A_3171 : vector<128x128xf32>
    %integer_pow3A_3173 = arith.mulf %sub3A_3172, %sub3A_3172 : vector<128x128xf32>
    %min3A_3174 = arith.minimumf %min3A_3158, %integer_pow3A_3173 : vector<128x128xf32>
    %get3A_3175 = arith.constant 0 : index
    %get3A_3176 = arith.constant 0 : index
    %get3A_3177 = arith.constant 6144 : index
    %get3A_3178 = vector.load %arg2[%get3A_3175, %get3A_3176, %get3A_3177] : memref<1x1x19200xf32, #tpu.memory_space<vmem>>, vector<1x1x128xf32>
    %get3A_3179 = vector.shape_cast %get3A_3178 : vector<1x1x128xf32> to vector<1x128xf32>
    %ge3A_3180 = arith.constant 1.000000e-03 : f32
    %ge3A_3181 = vector.broadcast %ge3A_3180 : f32 to vector<1x128xf32>
    %ge3A_3182 = arith.cmpf oge, %get3A_3179, %ge3A_3181 : vector<1x128xf32>
    %jit3A_3183 = arith.constant 1.000000e+09 : f32
    %broadcast_in_dim3A_3184 = vector.broadcast %jit3A_3183 : f32 to vector<1x128xf32>
    %select_n3A_3185 = arith.select %ge3A_3182, %get3A_3179, %broadcast_in_dim3A_3184 : vector<1x128xi1>, vector<1x128xf32>
    %sub3A_3186 = vector.broadcast %slice3A_2407 : vector<128x1xf32> to vector<128x128xf32>
    %sub3A_3187 = vector.broadcast %select_n3A_3185 : vector<1x128xf32> to vector<128x128xf32>
    %sub3A_3188 = arith.subf %sub3A_3186, %sub3A_3187 : vector<128x128xf32>
    %integer_pow3A_3189 = arith.mulf %sub3A_3188, %sub3A_3188 : vector<128x128xf32>
    %min3A_3190 = arith.minimumf %min3A_3174, %integer_pow3A_3189 : vector<128x128xf32>
    %get3A_3191 = arith.constant 0 : index
    %get3A_3192 = arith.constant 0 : index
    %get3A_3193 = arith.constant 6272 : index
    %get3A_3194 = vector.load %arg2[%get3A_3191, %get3A_3192, %get3A_3193] : memref<1x1x19200xf32, #tpu.memory_space<vmem>>, vector<1x1x128xf32>
    %get3A_3195 = vector.shape_cast %get3A_3194 : vector<1x1x128xf32> to vector<1x128xf32>
    %ge3A_3196 = arith.constant 1.000000e-03 : f32
    %ge3A_3197 = vector.broadcast %ge3A_3196 : f32 to vector<1x128xf32>
    %ge3A_3198 = arith.cmpf oge, %get3A_3195, %ge3A_3197 : vector<1x128xf32>
    %jit3A_3199 = arith.constant 1.000000e+09 : f32
    %broadcast_in_dim3A_3200 = vector.broadcast %jit3A_3199 : f32 to vector<1x128xf32>
    %select_n3A_3201 = arith.select %ge3A_3198, %get3A_3195, %broadcast_in_dim3A_3200 : vector<1x128xi1>, vector<1x128xf32>
    %sub3A_3202 = vector.broadcast %slice3A_2407 : vector<128x1xf32> to vector<128x128xf32>
    %sub3A_3203 = vector.broadcast %select_n3A_3201 : vector<1x128xf32> to vector<128x128xf32>
    %sub3A_3204 = arith.subf %sub3A_3202, %sub3A_3203 : vector<128x128xf32>
    %integer_pow3A_3205 = arith.mulf %sub3A_3204, %sub3A_3204 : vector<128x128xf32>
    %min3A_3206 = arith.minimumf %min3A_3190, %integer_pow3A_3205 : vector<128x128xf32>
    %get3A_3207 = arith.constant 0 : index
    %get3A_3208 = arith.constant 0 : index
    %get3A_3209 = arith.constant 6400 : index
    %get3A_3210 = vector.load %arg2[%get3A_3207, %get3A_3208, %get3A_3209] : memref<1x1x19200xf32, #tpu.memory_space<vmem>>, vector<1x1x128xf32>
    %get3A_3211 = vector.shape_cast %get3A_3210 : vector<1x1x128xf32> to vector<1x128xf32>
    %ge3A_3212 = arith.constant 1.000000e-03 : f32
    %ge3A_3213 = vector.broadcast %ge3A_3212 : f32 to vector<1x128xf32>
    %ge3A_3214 = arith.cmpf oge, %get3A_3211, %ge3A_3213 : vector<1x128xf32>
    %jit3A_3215 = arith.constant 1.000000e+09 : f32
    %broadcast_in_dim3A_3216 = vector.broadcast %jit3A_3215 : f32 to vector<1x128xf32>
    %select_n3A_3217 = arith.select %ge3A_3214, %get3A_3211, %broadcast_in_dim3A_3216 : vector<1x128xi1>, vector<1x128xf32>
    %sub3A_3218 = vector.broadcast %slice3A_2407 : vector<128x1xf32> to vector<128x128xf32>
    %sub3A_3219 = vector.broadcast %select_n3A_3217 : vector<1x128xf32> to vector<128x128xf32>
    %sub3A_3220 = arith.subf %sub3A_3218, %sub3A_3219 : vector<128x128xf32>
    %integer_pow3A_3221 = arith.mulf %sub3A_3220, %sub3A_3220 : vector<128x128xf32>
    %min3A_3222 = arith.minimumf %min3A_3206, %integer_pow3A_3221 : vector<128x128xf32>
    %get3A_3223 = arith.constant 0 : index
    %get3A_3224 = arith.constant 0 : index
    %get3A_3225 = arith.constant 6528 : index
    %get3A_3226 = vector.load %arg2[%get3A_3223, %get3A_3224, %get3A_3225] : memref<1x1x19200xf32, #tpu.memory_space<vmem>>, vector<1x1x128xf32>
    %get3A_3227 = vector.shape_cast %get3A_3226 : vector<1x1x128xf32> to vector<1x128xf32>
    %ge3A_3228 = arith.constant 1.000000e-03 : f32
    %ge3A_3229 = vector.broadcast %ge3A_3228 : f32 to vector<1x128xf32>
    %ge3A_3230 = arith.cmpf oge, %get3A_3227, %ge3A_3229 : vector<1x128xf32>
    %jit3A_3231 = arith.constant 1.000000e+09 : f32
    %broadcast_in_dim3A_3232 = vector.broadcast %jit3A_3231 : f32 to vector<1x128xf32>
    %select_n3A_3233 = arith.select %ge3A_3230, %get3A_3227, %broadcast_in_dim3A_3232 : vector<1x128xi1>, vector<1x128xf32>
    %sub3A_3234 = vector.broadcast %slice3A_2407 : vector<128x1xf32> to vector<128x128xf32>
    %sub3A_3235 = vector.broadcast %select_n3A_3233 : vector<1x128xf32> to vector<128x128xf32>
    %sub3A_3236 = arith.subf %sub3A_3234, %sub3A_3235 : vector<128x128xf32>
    %integer_pow3A_3237 = arith.mulf %sub3A_3236, %sub3A_3236 : vector<128x128xf32>
    %min3A_3238 = arith.minimumf %min3A_3222, %integer_pow3A_3237 : vector<128x128xf32>
    %get3A_3239 = arith.constant 0 : index
    %get3A_3240 = arith.constant 0 : index
    %get3A_3241 = arith.constant 6656 : index
    %get3A_3242 = vector.load %arg2[%get3A_3239, %get3A_3240, %get3A_3241] : memref<1x1x19200xf32, #tpu.memory_space<vmem>>, vector<1x1x128xf32>
    %get3A_3243 = vector.shape_cast %get3A_3242 : vector<1x1x128xf32> to vector<1x128xf32>
    %ge3A_3244 = arith.constant 1.000000e-03 : f32
    %ge3A_3245 = vector.broadcast %ge3A_3244 : f32 to vector<1x128xf32>
    %ge3A_3246 = arith.cmpf oge, %get3A_3243, %ge3A_3245 : vector<1x128xf32>
    %jit3A_3247 = arith.constant 1.000000e+09 : f32
    %broadcast_in_dim3A_3248 = vector.broadcast %jit3A_3247 : f32 to vector<1x128xf32>
    %select_n3A_3249 = arith.select %ge3A_3246, %get3A_3243, %broadcast_in_dim3A_3248 : vector<1x128xi1>, vector<1x128xf32>
    %sub3A_3250 = vector.broadcast %slice3A_2407 : vector<128x1xf32> to vector<128x128xf32>
    %sub3A_3251 = vector.broadcast %select_n3A_3249 : vector<1x128xf32> to vector<128x128xf32>
    %sub3A_3252 = arith.subf %sub3A_3250, %sub3A_3251 : vector<128x128xf32>
    %integer_pow3A_3253 = arith.mulf %sub3A_3252, %sub3A_3252 : vector<128x128xf32>
    %min3A_3254 = arith.minimumf %min3A_3238, %integer_pow3A_3253 : vector<128x128xf32>
    %get3A_3255 = arith.constant 0 : index
    %get3A_3256 = arith.constant 0 : index
    %get3A_3257 = arith.constant 6784 : index
    %get3A_3258 = vector.load %arg2[%get3A_3255, %get3A_3256, %get3A_3257] : memref<1x1x19200xf32, #tpu.memory_space<vmem>>, vector<1x1x128xf32>
    %get3A_3259 = vector.shape_cast %get3A_3258 : vector<1x1x128xf32> to vector<1x128xf32>
    %ge3A_3260 = arith.constant 1.000000e-03 : f32
    %ge3A_3261 = vector.broadcast %ge3A_3260 : f32 to vector<1x128xf32>
    %ge3A_3262 = arith.cmpf oge, %get3A_3259, %ge3A_3261 : vector<1x128xf32>
    %jit3A_3263 = arith.constant 1.000000e+09 : f32
    %broadcast_in_dim3A_3264 = vector.broadcast %jit3A_3263 : f32 to vector<1x128xf32>
    %select_n3A_3265 = arith.select %ge3A_3262, %get3A_3259, %broadcast_in_dim3A_3264 : vector<1x128xi1>, vector<1x128xf32>
    %sub3A_3266 = vector.broadcast %slice3A_2407 : vector<128x1xf32> to vector<128x128xf32>
    %sub3A_3267 = vector.broadcast %select_n3A_3265 : vector<1x128xf32> to vector<128x128xf32>
    %sub3A_3268 = arith.subf %sub3A_3266, %sub3A_3267 : vector<128x128xf32>
    %integer_pow3A_3269 = arith.mulf %sub3A_3268, %sub3A_3268 : vector<128x128xf32>
    %min3A_3270 = arith.minimumf %min3A_3254, %integer_pow3A_3269 : vector<128x128xf32>
    %get3A_3271 = arith.constant 0 : index
    %get3A_3272 = arith.constant 0 : index
    %get3A_3273 = arith.constant 6912 : index
    %get3A_3274 = vector.load %arg2[%get3A_3271, %get3A_3272, %get3A_3273] : memref<1x1x19200xf32, #tpu.memory_space<vmem>>, vector<1x1x128xf32>
    %get3A_3275 = vector.shape_cast %get3A_3274 : vector<1x1x128xf32> to vector<1x128xf32>
    %ge3A_3276 = arith.constant 1.000000e-03 : f32
    %ge3A_3277 = vector.broadcast %ge3A_3276 : f32 to vector<1x128xf32>
    %ge3A_3278 = arith.cmpf oge, %get3A_3275, %ge3A_3277 : vector<1x128xf32>
    %jit3A_3279 = arith.constant 1.000000e+09 : f32
    %broadcast_in_dim3A_3280 = vector.broadcast %jit3A_3279 : f32 to vector<1x128xf32>
    %select_n3A_3281 = arith.select %ge3A_3278, %get3A_3275, %broadcast_in_dim3A_3280 : vector<1x128xi1>, vector<1x128xf32>
    %sub3A_3282 = vector.broadcast %slice3A_2407 : vector<128x1xf32> to vector<128x128xf32>
    %sub3A_3283 = vector.broadcast %select_n3A_3281 : vector<1x128xf32> to vector<128x128xf32>
    %sub3A_3284 = arith.subf %sub3A_3282, %sub3A_3283 : vector<128x128xf32>
    %integer_pow3A_3285 = arith.mulf %sub3A_3284, %sub3A_3284 : vector<128x128xf32>
    %min3A_3286 = arith.minimumf %min3A_3270, %integer_pow3A_3285 : vector<128x128xf32>
    %get3A_3287 = arith.constant 0 : index
    %get3A_3288 = arith.constant 0 : index
    %get3A_3289 = arith.constant 7040 : index
    %get3A_3290 = vector.load %arg2[%get3A_3287, %get3A_3288, %get3A_3289] : memref<1x1x19200xf32, #tpu.memory_space<vmem>>, vector<1x1x128xf32>
    %get3A_3291 = vector.shape_cast %get3A_3290 : vector<1x1x128xf32> to vector<1x128xf32>
    %ge3A_3292 = arith.constant 1.000000e-03 : f32
    %ge3A_3293 = vector.broadcast %ge3A_3292 : f32 to vector<1x128xf32>
    %ge3A_3294 = arith.cmpf oge, %get3A_3291, %ge3A_3293 : vector<1x128xf32>
    %jit3A_3295 = arith.constant 1.000000e+09 : f32
    %broadcast_in_dim3A_3296 = vector.broadcast %jit3A_3295 : f32 to vector<1x128xf32>
    %select_n3A_3297 = arith.select %ge3A_3294, %get3A_3291, %broadcast_in_dim3A_3296 : vector<1x128xi1>, vector<1x128xf32>
    %sub3A_3298 = vector.broadcast %slice3A_2407 : vector<128x1xf32> to vector<128x128xf32>
    %sub3A_3299 = vector.broadcast %select_n3A_3297 : vector<1x128xf32> to vector<128x128xf32>
    %sub3A_3300 = arith.subf %sub3A_3298, %sub3A_3299 : vector<128x128xf32>
    %integer_pow3A_3301 = arith.mulf %sub3A_3300, %sub3A_3300 : vector<128x128xf32>
    %min3A_3302 = arith.minimumf %min3A_3286, %integer_pow3A_3301 : vector<128x128xf32>
    %get3A_3303 = arith.constant 0 : index
    %get3A_3304 = arith.constant 0 : index
    %get3A_3305 = arith.constant 7168 : index
    %get3A_3306 = vector.load %arg2[%get3A_3303, %get3A_3304, %get3A_3305] : memref<1x1x19200xf32, #tpu.memory_space<vmem>>, vector<1x1x128xf32>
    %get3A_3307 = vector.shape_cast %get3A_3306 : vector<1x1x128xf32> to vector<1x128xf32>
    %ge3A_3308 = arith.constant 1.000000e-03 : f32
    %ge3A_3309 = vector.broadcast %ge3A_3308 : f32 to vector<1x128xf32>
    %ge3A_3310 = arith.cmpf oge, %get3A_3307, %ge3A_3309 : vector<1x128xf32>
    %jit3A_3311 = arith.constant 1.000000e+09 : f32
    %broadcast_in_dim3A_3312 = vector.broadcast %jit3A_3311 : f32 to vector<1x128xf32>
    %select_n3A_3313 = arith.select %ge3A_3310, %get3A_3307, %broadcast_in_dim3A_3312 : vector<1x128xi1>, vector<1x128xf32>
    %sub3A_3314 = vector.broadcast %slice3A_2407 : vector<128x1xf32> to vector<128x128xf32>
    %sub3A_3315 = vector.broadcast %select_n3A_3313 : vector<1x128xf32> to vector<128x128xf32>
    %sub3A_3316 = arith.subf %sub3A_3314, %sub3A_3315 : vector<128x128xf32>
    %integer_pow3A_3317 = arith.mulf %sub3A_3316, %sub3A_3316 : vector<128x128xf32>
    %min3A_3318 = arith.minimumf %min3A_3302, %integer_pow3A_3317 : vector<128x128xf32>
    %get3A_3319 = arith.constant 0 : index
    %get3A_3320 = arith.constant 0 : index
    %get3A_3321 = arith.constant 7296 : index
    %get3A_3322 = vector.load %arg2[%get3A_3319, %get3A_3320, %get3A_3321] : memref<1x1x19200xf32, #tpu.memory_space<vmem>>, vector<1x1x128xf32>
    %get3A_3323 = vector.shape_cast %get3A_3322 : vector<1x1x128xf32> to vector<1x128xf32>
    %ge3A_3324 = arith.constant 1.000000e-03 : f32
    %ge3A_3325 = vector.broadcast %ge3A_3324 : f32 to vector<1x128xf32>
    %ge3A_3326 = arith.cmpf oge, %get3A_3323, %ge3A_3325 : vector<1x128xf32>
    %jit3A_3327 = arith.constant 1.000000e+09 : f32
    %broadcast_in_dim3A_3328 = vector.broadcast %jit3A_3327 : f32 to vector<1x128xf32>
    %select_n3A_3329 = arith.select %ge3A_3326, %get3A_3323, %broadcast_in_dim3A_3328 : vector<1x128xi1>, vector<1x128xf32>
    %sub3A_3330 = vector.broadcast %slice3A_2407 : vector<128x1xf32> to vector<128x128xf32>
    %sub3A_3331 = vector.broadcast %select_n3A_3329 : vector<1x128xf32> to vector<128x128xf32>
    %sub3A_3332 = arith.subf %sub3A_3330, %sub3A_3331 : vector<128x128xf32>
    %integer_pow3A_3333 = arith.mulf %sub3A_3332, %sub3A_3332 : vector<128x128xf32>
    %min3A_3334 = arith.minimumf %min3A_3318, %integer_pow3A_3333 : vector<128x128xf32>
    %get3A_3335 = arith.constant 0 : index
    %get3A_3336 = arith.constant 0 : index
    %get3A_3337 = arith.constant 7424 : index
    %get3A_3338 = vector.load %arg2[%get3A_3335, %get3A_3336, %get3A_3337] : memref<1x1x19200xf32, #tpu.memory_space<vmem>>, vector<1x1x128xf32>
    %get3A_3339 = vector.shape_cast %get3A_3338 : vector<1x1x128xf32> to vector<1x128xf32>
    %ge3A_3340 = arith.constant 1.000000e-03 : f32
    %ge3A_3341 = vector.broadcast %ge3A_3340 : f32 to vector<1x128xf32>
    %ge3A_3342 = arith.cmpf oge, %get3A_3339, %ge3A_3341 : vector<1x128xf32>
    %jit3A_3343 = arith.constant 1.000000e+09 : f32
    %broadcast_in_dim3A_3344 = vector.broadcast %jit3A_3343 : f32 to vector<1x128xf32>
    %select_n3A_3345 = arith.select %ge3A_3342, %get3A_3339, %broadcast_in_dim3A_3344 : vector<1x128xi1>, vector<1x128xf32>
    %sub3A_3346 = vector.broadcast %slice3A_2407 : vector<128x1xf32> to vector<128x128xf32>
    %sub3A_3347 = vector.broadcast %select_n3A_3345 : vector<1x128xf32> to vector<128x128xf32>
    %sub3A_3348 = arith.subf %sub3A_3346, %sub3A_3347 : vector<128x128xf32>
    %integer_pow3A_3349 = arith.mulf %sub3A_3348, %sub3A_3348 : vector<128x128xf32>
    %min3A_3350 = arith.minimumf %min3A_3334, %integer_pow3A_3349 : vector<128x128xf32>
    %get3A_3351 = arith.constant 0 : index
    %get3A_3352 = arith.constant 0 : index
    %get3A_3353 = arith.constant 7552 : index
    %get3A_3354 = vector.load %arg2[%get3A_3351, %get3A_3352, %get3A_3353] : memref<1x1x19200xf32, #tpu.memory_space<vmem>>, vector<1x1x128xf32>
    %get3A_3355 = vector.shape_cast %get3A_3354 : vector<1x1x128xf32> to vector<1x128xf32>
    %ge3A_3356 = arith.constant 1.000000e-03 : f32
    %ge3A_3357 = vector.broadcast %ge3A_3356 : f32 to vector<1x128xf32>
    %ge3A_3358 = arith.cmpf oge, %get3A_3355, %ge3A_3357 : vector<1x128xf32>
    %jit3A_3359 = arith.constant 1.000000e+09 : f32
    %broadcast_in_dim3A_3360 = vector.broadcast %jit3A_3359 : f32 to vector<1x128xf32>
    %select_n3A_3361 = arith.select %ge3A_3358, %get3A_3355, %broadcast_in_dim3A_3360 : vector<1x128xi1>, vector<1x128xf32>
    %sub3A_3362 = vector.broadcast %slice3A_2407 : vector<128x1xf32> to vector<128x128xf32>
    %sub3A_3363 = vector.broadcast %select_n3A_3361 : vector<1x128xf32> to vector<128x128xf32>
    %sub3A_3364 = arith.subf %sub3A_3362, %sub3A_3363 : vector<128x128xf32>
    %integer_pow3A_3365 = arith.mulf %sub3A_3364, %sub3A_3364 : vector<128x128xf32>
    %min3A_3366 = arith.minimumf %min3A_3350, %integer_pow3A_3365 : vector<128x128xf32>
    %get3A_3367 = arith.constant 0 : index
    %get3A_3368 = arith.constant 0 : index
    %get3A_3369 = arith.constant 7680 : index
    %get3A_3370 = vector.load %arg2[%get3A_3367, %get3A_3368, %get3A_3369] : memref<1x1x19200xf32, #tpu.memory_space<vmem>>, vector<1x1x128xf32>
    %get3A_3371 = vector.shape_cast %get3A_3370 : vector<1x1x128xf32> to vector<1x128xf32>
    %ge3A_3372 = arith.constant 1.000000e-03 : f32
    %ge3A_3373 = vector.broadcast %ge3A_3372 : f32 to vector<1x128xf32>
    %ge3A_3374 = arith.cmpf oge, %get3A_3371, %ge3A_3373 : vector<1x128xf32>
    %jit3A_3375 = arith.constant 1.000000e+09 : f32
    %broadcast_in_dim3A_3376 = vector.broadcast %jit3A_3375 : f32 to vector<1x128xf32>
    %select_n3A_3377 = arith.select %ge3A_3374, %get3A_3371, %broadcast_in_dim3A_3376 : vector<1x128xi1>, vector<1x128xf32>
    %sub3A_3378 = vector.broadcast %slice3A_2407 : vector<128x1xf32> to vector<128x128xf32>
    %sub3A_3379 = vector.broadcast %select_n3A_3377 : vector<1x128xf32> to vector<128x128xf32>
    %sub3A_3380 = arith.subf %sub3A_3378, %sub3A_3379 : vector<128x128xf32>
    %integer_pow3A_3381 = arith.mulf %sub3A_3380, %sub3A_3380 : vector<128x128xf32>
    %min3A_3382 = arith.minimumf %min3A_3366, %integer_pow3A_3381 : vector<128x128xf32>
    %get3A_3383 = arith.constant 0 : index
    %get3A_3384 = arith.constant 0 : index
    %get3A_3385 = arith.constant 7808 : index
    %get3A_3386 = vector.load %arg2[%get3A_3383, %get3A_3384, %get3A_3385] : memref<1x1x19200xf32, #tpu.memory_space<vmem>>, vector<1x1x128xf32>
    %get3A_3387 = vector.shape_cast %get3A_3386 : vector<1x1x128xf32> to vector<1x128xf32>
    %ge3A_3388 = arith.constant 1.000000e-03 : f32
    %ge3A_3389 = vector.broadcast %ge3A_3388 : f32 to vector<1x128xf32>
    %ge3A_3390 = arith.cmpf oge, %get3A_3387, %ge3A_3389 : vector<1x128xf32>
    %jit3A_3391 = arith.constant 1.000000e+09 : f32
    %broadcast_in_dim3A_3392 = vector.broadcast %jit3A_3391 : f32 to vector<1x128xf32>
    %select_n3A_3393 = arith.select %ge3A_3390, %get3A_3387, %broadcast_in_dim3A_3392 : vector<1x128xi1>, vector<1x128xf32>
    %sub3A_3394 = vector.broadcast %slice3A_2407 : vector<128x1xf32> to vector<128x128xf32>
    %sub3A_3395 = vector.broadcast %select_n3A_3393 : vector<1x128xf32> to vector<128x128xf32>
    %sub3A_3396 = arith.subf %sub3A_3394, %sub3A_3395 : vector<128x128xf32>
    %integer_pow3A_3397 = arith.mulf %sub3A_3396, %sub3A_3396 : vector<128x128xf32>
    %min3A_3398 = arith.minimumf %min3A_3382, %integer_pow3A_3397 : vector<128x128xf32>
    %get3A_3399 = arith.constant 0 : index
    %get3A_3400 = arith.constant 0 : index
    %get3A_3401 = arith.constant 7936 : index
    %get3A_3402 = vector.load %arg2[%get3A_3399, %get3A_3400, %get3A_3401] : memref<1x1x19200xf32, #tpu.memory_space<vmem>>, vector<1x1x128xf32>
    %get3A_3403 = vector.shape_cast %get3A_3402 : vector<1x1x128xf32> to vector<1x128xf32>
    %ge3A_3404 = arith.constant 1.000000e-03 : f32
    %ge3A_3405 = vector.broadcast %ge3A_3404 : f32 to vector<1x128xf32>
    %ge3A_3406 = arith.cmpf oge, %get3A_3403, %ge3A_3405 : vector<1x128xf32>
    %jit3A_3407 = arith.constant 1.000000e+09 : f32
    %broadcast_in_dim3A_3408 = vector.broadcast %jit3A_3407 : f32 to vector<1x128xf32>
    %select_n3A_3409 = arith.select %ge3A_3406, %get3A_3403, %broadcast_in_dim3A_3408 : vector<1x128xi1>, vector<1x128xf32>
    %sub3A_3410 = vector.broadcast %slice3A_2407 : vector<128x1xf32> to vector<128x128xf32>
    %sub3A_3411 = vector.broadcast %select_n3A_3409 : vector<1x128xf32> to vector<128x128xf32>
    %sub3A_3412 = arith.subf %sub3A_3410, %sub3A_3411 : vector<128x128xf32>
    %integer_pow3A_3413 = arith.mulf %sub3A_3412, %sub3A_3412 : vector<128x128xf32>
    %min3A_3414 = arith.minimumf %min3A_3398, %integer_pow3A_3413 : vector<128x128xf32>
    %get3A_3415 = arith.constant 0 : index
    %get3A_3416 = arith.constant 0 : index
    %get3A_3417 = arith.constant 8064 : index
    %get3A_3418 = vector.load %arg2[%get3A_3415, %get3A_3416, %get3A_3417] : memref<1x1x19200xf32, #tpu.memory_space<vmem>>, vector<1x1x128xf32>
    %get3A_3419 = vector.shape_cast %get3A_3418 : vector<1x1x128xf32> to vector<1x128xf32>
    %ge3A_3420 = arith.constant 1.000000e-03 : f32
    %ge3A_3421 = vector.broadcast %ge3A_3420 : f32 to vector<1x128xf32>
    %ge3A_3422 = arith.cmpf oge, %get3A_3419, %ge3A_3421 : vector<1x128xf32>
    %jit3A_3423 = arith.constant 1.000000e+09 : f32
    %broadcast_in_dim3A_3424 = vector.broadcast %jit3A_3423 : f32 to vector<1x128xf32>
    %select_n3A_3425 = arith.select %ge3A_3422, %get3A_3419, %broadcast_in_dim3A_3424 : vector<1x128xi1>, vector<1x128xf32>
    %sub3A_3426 = vector.broadcast %slice3A_2407 : vector<128x1xf32> to vector<128x128xf32>
    %sub3A_3427 = vector.broadcast %select_n3A_3425 : vector<1x128xf32> to vector<128x128xf32>
    %sub3A_3428 = arith.subf %sub3A_3426, %sub3A_3427 : vector<128x128xf32>
    %integer_pow3A_3429 = arith.mulf %sub3A_3428, %sub3A_3428 : vector<128x128xf32>
    %min3A_3430 = arith.minimumf %min3A_3414, %integer_pow3A_3429 : vector<128x128xf32>
    %get3A_3431 = arith.constant 0 : index
    %get3A_3432 = arith.constant 0 : index
    %get3A_3433 = arith.constant 8192 : index
    %get3A_3434 = vector.load %arg2[%get3A_3431, %get3A_3432, %get3A_3433] : memref<1x1x19200xf32, #tpu.memory_space<vmem>>, vector<1x1x128xf32>
    %get3A_3435 = vector.shape_cast %get3A_3434 : vector<1x1x128xf32> to vector<1x128xf32>
    %ge3A_3436 = arith.constant 1.000000e-03 : f32
    %ge3A_3437 = vector.broadcast %ge3A_3436 : f32 to vector<1x128xf32>
    %ge3A_3438 = arith.cmpf oge, %get3A_3435, %ge3A_3437 : vector<1x128xf32>
    %jit3A_3439 = arith.constant 1.000000e+09 : f32
    %broadcast_in_dim3A_3440 = vector.broadcast %jit3A_3439 : f32 to vector<1x128xf32>
    %select_n3A_3441 = arith.select %ge3A_3438, %get3A_3435, %broadcast_in_dim3A_3440 : vector<1x128xi1>, vector<1x128xf32>
    %sub3A_3442 = vector.broadcast %slice3A_2407 : vector<128x1xf32> to vector<128x128xf32>
    %sub3A_3443 = vector.broadcast %select_n3A_3441 : vector<1x128xf32> to vector<128x128xf32>
    %sub3A_3444 = arith.subf %sub3A_3442, %sub3A_3443 : vector<128x128xf32>
    %integer_pow3A_3445 = arith.mulf %sub3A_3444, %sub3A_3444 : vector<128x128xf32>
    %min3A_3446 = arith.minimumf %min3A_3430, %integer_pow3A_3445 : vector<128x128xf32>
    %get3A_3447 = arith.constant 0 : index
    %get3A_3448 = arith.constant 0 : index
    %get3A_3449 = arith.constant 8320 : index
    %get3A_3450 = vector.load %arg2[%get3A_3447, %get3A_3448, %get3A_3449] : memref<1x1x19200xf32, #tpu.memory_space<vmem>>, vector<1x1x128xf32>
    %get3A_3451 = vector.shape_cast %get3A_3450 : vector<1x1x128xf32> to vector<1x128xf32>
    %ge3A_3452 = arith.constant 1.000000e-03 : f32
    %ge3A_3453 = vector.broadcast %ge3A_3452 : f32 to vector<1x128xf32>
    %ge3A_3454 = arith.cmpf oge, %get3A_3451, %ge3A_3453 : vector<1x128xf32>
    %jit3A_3455 = arith.constant 1.000000e+09 : f32
    %broadcast_in_dim3A_3456 = vector.broadcast %jit3A_3455 : f32 to vector<1x128xf32>
    %select_n3A_3457 = arith.select %ge3A_3454, %get3A_3451, %broadcast_in_dim3A_3456 : vector<1x128xi1>, vector<1x128xf32>
    %sub3A_3458 = vector.broadcast %slice3A_2407 : vector<128x1xf32> to vector<128x128xf32>
    %sub3A_3459 = vector.broadcast %select_n3A_3457 : vector<1x128xf32> to vector<128x128xf32>
    %sub3A_3460 = arith.subf %sub3A_3458, %sub3A_3459 : vector<128x128xf32>
    %integer_pow3A_3461 = arith.mulf %sub3A_3460, %sub3A_3460 : vector<128x128xf32>
    %min3A_3462 = arith.minimumf %min3A_3446, %integer_pow3A_3461 : vector<128x128xf32>
    %get3A_3463 = arith.constant 0 : index
    %get3A_3464 = arith.constant 0 : index
    %get3A_3465 = arith.constant 8448 : index
    %get3A_3466 = vector.load %arg2[%get3A_3463, %get3A_3464, %get3A_3465] : memref<1x1x19200xf32, #tpu.memory_space<vmem>>, vector<1x1x128xf32>
    %get3A_3467 = vector.shape_cast %get3A_3466 : vector<1x1x128xf32> to vector<1x128xf32>
    %ge3A_3468 = arith.constant 1.000000e-03 : f32
    %ge3A_3469 = vector.broadcast %ge3A_3468 : f32 to vector<1x128xf32>
    %ge3A_3470 = arith.cmpf oge, %get3A_3467, %ge3A_3469 : vector<1x128xf32>
    %jit3A_3471 = arith.constant 1.000000e+09 : f32
    %broadcast_in_dim3A_3472 = vector.broadcast %jit3A_3471 : f32 to vector<1x128xf32>
    %select_n3A_3473 = arith.select %ge3A_3470, %get3A_3467, %broadcast_in_dim3A_3472 : vector<1x128xi1>, vector<1x128xf32>
    %sub3A_3474 = vector.broadcast %slice3A_2407 : vector<128x1xf32> to vector<128x128xf32>
    %sub3A_3475 = vector.broadcast %select_n3A_3473 : vector<1x128xf32> to vector<128x128xf32>
    %sub3A_3476 = arith.subf %sub3A_3474, %sub3A_3475 : vector<128x128xf32>
    %integer_pow3A_3477 = arith.mulf %sub3A_3476, %sub3A_3476 : vector<128x128xf32>
    %min3A_3478 = arith.minimumf %min3A_3462, %integer_pow3A_3477 : vector<128x128xf32>
    %get3A_3479 = arith.constant 0 : index
    %get3A_3480 = arith.constant 0 : index
    %get3A_3481 = arith.constant 8576 : index
    %get3A_3482 = vector.load %arg2[%get3A_3479, %get3A_3480, %get3A_3481] : memref<1x1x19200xf32, #tpu.memory_space<vmem>>, vector<1x1x128xf32>
    %get3A_3483 = vector.shape_cast %get3A_3482 : vector<1x1x128xf32> to vector<1x128xf32>
    %ge3A_3484 = arith.constant 1.000000e-03 : f32
    %ge3A_3485 = vector.broadcast %ge3A_3484 : f32 to vector<1x128xf32>
    %ge3A_3486 = arith.cmpf oge, %get3A_3483, %ge3A_3485 : vector<1x128xf32>
    %jit3A_3487 = arith.constant 1.000000e+09 : f32
    %broadcast_in_dim3A_3488 = vector.broadcast %jit3A_3487 : f32 to vector<1x128xf32>
    %select_n3A_3489 = arith.select %ge3A_3486, %get3A_3483, %broadcast_in_dim3A_3488 : vector<1x128xi1>, vector<1x128xf32>
    %sub3A_3490 = vector.broadcast %slice3A_2407 : vector<128x1xf32> to vector<128x128xf32>
    %sub3A_3491 = vector.broadcast %select_n3A_3489 : vector<1x128xf32> to vector<128x128xf32>
    %sub3A_3492 = arith.subf %sub3A_3490, %sub3A_3491 : vector<128x128xf32>
    %integer_pow3A_3493 = arith.mulf %sub3A_3492, %sub3A_3492 : vector<128x128xf32>
    %min3A_3494 = arith.minimumf %min3A_3478, %integer_pow3A_3493 : vector<128x128xf32>
    %get3A_3495 = arith.constant 0 : index
    %get3A_3496 = arith.constant 0 : index
    %get3A_3497 = arith.constant 8704 : index
    %get3A_3498 = vector.load %arg2[%get3A_3495, %get3A_3496, %get3A_3497] : memref<1x1x19200xf32, #tpu.memory_space<vmem>>, vector<1x1x128xf32>
    %get3A_3499 = vector.shape_cast %get3A_3498 : vector<1x1x128xf32> to vector<1x128xf32>
    %ge3A_3500 = arith.constant 1.000000e-03 : f32
    %ge3A_3501 = vector.broadcast %ge3A_3500 : f32 to vector<1x128xf32>
    %ge3A_3502 = arith.cmpf oge, %get3A_3499, %ge3A_3501 : vector<1x128xf32>
    %jit3A_3503 = arith.constant 1.000000e+09 : f32
    %broadcast_in_dim3A_3504 = vector.broadcast %jit3A_3503 : f32 to vector<1x128xf32>
    %select_n3A_3505 = arith.select %ge3A_3502, %get3A_3499, %broadcast_in_dim3A_3504 : vector<1x128xi1>, vector<1x128xf32>
    %sub3A_3506 = vector.broadcast %slice3A_2407 : vector<128x1xf32> to vector<128x128xf32>
    %sub3A_3507 = vector.broadcast %select_n3A_3505 : vector<1x128xf32> to vector<128x128xf32>
    %sub3A_3508 = arith.subf %sub3A_3506, %sub3A_3507 : vector<128x128xf32>
    %integer_pow3A_3509 = arith.mulf %sub3A_3508, %sub3A_3508 : vector<128x128xf32>
    %min3A_3510 = arith.minimumf %min3A_3494, %integer_pow3A_3509 : vector<128x128xf32>
    %get3A_3511 = arith.constant 0 : index
    %get3A_3512 = arith.constant 0 : index
    %get3A_3513 = arith.constant 8832 : index
    %get3A_3514 = vector.load %arg2[%get3A_3511, %get3A_3512, %get3A_3513] : memref<1x1x19200xf32, #tpu.memory_space<vmem>>, vector<1x1x128xf32>
    %get3A_3515 = vector.shape_cast %get3A_3514 : vector<1x1x128xf32> to vector<1x128xf32>
    %ge3A_3516 = arith.constant 1.000000e-03 : f32
    %ge3A_3517 = vector.broadcast %ge3A_3516 : f32 to vector<1x128xf32>
    %ge3A_3518 = arith.cmpf oge, %get3A_3515, %ge3A_3517 : vector<1x128xf32>
    %jit3A_3519 = arith.constant 1.000000e+09 : f32
    %broadcast_in_dim3A_3520 = vector.broadcast %jit3A_3519 : f32 to vector<1x128xf32>
    %select_n3A_3521 = arith.select %ge3A_3518, %get3A_3515, %broadcast_in_dim3A_3520 : vector<1x128xi1>, vector<1x128xf32>
    %sub3A_3522 = vector.broadcast %slice3A_2407 : vector<128x1xf32> to vector<128x128xf32>
    %sub3A_3523 = vector.broadcast %select_n3A_3521 : vector<1x128xf32> to vector<128x128xf32>
    %sub3A_3524 = arith.subf %sub3A_3522, %sub3A_3523 : vector<128x128xf32>
    %integer_pow3A_3525 = arith.mulf %sub3A_3524, %sub3A_3524 : vector<128x128xf32>
    %min3A_3526 = arith.minimumf %min3A_3510, %integer_pow3A_3525 : vector<128x128xf32>
    %get3A_3527 = arith.constant 0 : index
    %get3A_3528 = arith.constant 0 : index
    %get3A_3529 = arith.constant 8960 : index
    %get3A_3530 = vector.load %arg2[%get3A_3527, %get3A_3528, %get3A_3529] : memref<1x1x19200xf32, #tpu.memory_space<vmem>>, vector<1x1x128xf32>
    %get3A_3531 = vector.shape_cast %get3A_3530 : vector<1x1x128xf32> to vector<1x128xf32>
    %ge3A_3532 = arith.constant 1.000000e-03 : f32
    %ge3A_3533 = vector.broadcast %ge3A_3532 : f32 to vector<1x128xf32>
    %ge3A_3534 = arith.cmpf oge, %get3A_3531, %ge3A_3533 : vector<1x128xf32>
    %jit3A_3535 = arith.constant 1.000000e+09 : f32
    %broadcast_in_dim3A_3536 = vector.broadcast %jit3A_3535 : f32 to vector<1x128xf32>
    %select_n3A_3537 = arith.select %ge3A_3534, %get3A_3531, %broadcast_in_dim3A_3536 : vector<1x128xi1>, vector<1x128xf32>
    %sub3A_3538 = vector.broadcast %slice3A_2407 : vector<128x1xf32> to vector<128x128xf32>
    %sub3A_3539 = vector.broadcast %select_n3A_3537 : vector<1x128xf32> to vector<128x128xf32>
    %sub3A_3540 = arith.subf %sub3A_3538, %sub3A_3539 : vector<128x128xf32>
    %integer_pow3A_3541 = arith.mulf %sub3A_3540, %sub3A_3540 : vector<128x128xf32>
    %min3A_3542 = arith.minimumf %min3A_3526, %integer_pow3A_3541 : vector<128x128xf32>
    %get3A_3543 = arith.constant 0 : index
    %get3A_3544 = arith.constant 0 : index
    %get3A_3545 = arith.constant 9088 : index
    %get3A_3546 = vector.load %arg2[%get3A_3543, %get3A_3544, %get3A_3545] : memref<1x1x19200xf32, #tpu.memory_space<vmem>>, vector<1x1x128xf32>
    %get3A_3547 = vector.shape_cast %get3A_3546 : vector<1x1x128xf32> to vector<1x128xf32>
    %ge3A_3548 = arith.constant 1.000000e-03 : f32
    %ge3A_3549 = vector.broadcast %ge3A_3548 : f32 to vector<1x128xf32>
    %ge3A_3550 = arith.cmpf oge, %get3A_3547, %ge3A_3549 : vector<1x128xf32>
    %jit3A_3551 = arith.constant 1.000000e+09 : f32
    %broadcast_in_dim3A_3552 = vector.broadcast %jit3A_3551 : f32 to vector<1x128xf32>
    %select_n3A_3553 = arith.select %ge3A_3550, %get3A_3547, %broadcast_in_dim3A_3552 : vector<1x128xi1>, vector<1x128xf32>
    %sub3A_3554 = vector.broadcast %slice3A_2407 : vector<128x1xf32> to vector<128x128xf32>
    %sub3A_3555 = vector.broadcast %select_n3A_3553 : vector<1x128xf32> to vector<128x128xf32>
    %sub3A_3556 = arith.subf %sub3A_3554, %sub3A_3555 : vector<128x128xf32>
    %integer_pow3A_3557 = arith.mulf %sub3A_3556, %sub3A_3556 : vector<128x128xf32>
    %min3A_3558 = arith.minimumf %min3A_3542, %integer_pow3A_3557 : vector<128x128xf32>
    %get3A_3559 = arith.constant 0 : index
    %get3A_3560 = arith.constant 0 : index
    %get3A_3561 = arith.constant 9216 : index
    %get3A_3562 = vector.load %arg2[%get3A_3559, %get3A_3560, %get3A_3561] : memref<1x1x19200xf32, #tpu.memory_space<vmem>>, vector<1x1x128xf32>
    %get3A_3563 = vector.shape_cast %get3A_3562 : vector<1x1x128xf32> to vector<1x128xf32>
    %ge3A_3564 = arith.constant 1.000000e-03 : f32
    %ge3A_3565 = vector.broadcast %ge3A_3564 : f32 to vector<1x128xf32>
    %ge3A_3566 = arith.cmpf oge, %get3A_3563, %ge3A_3565 : vector<1x128xf32>
    %jit3A_3567 = arith.constant 1.000000e+09 : f32
    %broadcast_in_dim3A_3568 = vector.broadcast %jit3A_3567 : f32 to vector<1x128xf32>
    %select_n3A_3569 = arith.select %ge3A_3566, %get3A_3563, %broadcast_in_dim3A_3568 : vector<1x128xi1>, vector<1x128xf32>
    %sub3A_3570 = vector.broadcast %slice3A_2407 : vector<128x1xf32> to vector<128x128xf32>
    %sub3A_3571 = vector.broadcast %select_n3A_3569 : vector<1x128xf32> to vector<128x128xf32>
    %sub3A_3572 = arith.subf %sub3A_3570, %sub3A_3571 : vector<128x128xf32>
    %integer_pow3A_3573 = arith.mulf %sub3A_3572, %sub3A_3572 : vector<128x128xf32>
    %min3A_3574 = arith.minimumf %min3A_3558, %integer_pow3A_3573 : vector<128x128xf32>
    %get3A_3575 = arith.constant 0 : index
    %get3A_3576 = arith.constant 0 : index
    %get3A_3577 = arith.constant 9344 : index
    %get3A_3578 = vector.load %arg2[%get3A_3575, %get3A_3576, %get3A_3577] : memref<1x1x19200xf32, #tpu.memory_space<vmem>>, vector<1x1x128xf32>
    %get3A_3579 = vector.shape_cast %get3A_3578 : vector<1x1x128xf32> to vector<1x128xf32>
    %ge3A_3580 = arith.constant 1.000000e-03 : f32
    %ge3A_3581 = vector.broadcast %ge3A_3580 : f32 to vector<1x128xf32>
    %ge3A_3582 = arith.cmpf oge, %get3A_3579, %ge3A_3581 : vector<1x128xf32>
    %jit3A_3583 = arith.constant 1.000000e+09 : f32
    %broadcast_in_dim3A_3584 = vector.broadcast %jit3A_3583 : f32 to vector<1x128xf32>
    %select_n3A_3585 = arith.select %ge3A_3582, %get3A_3579, %broadcast_in_dim3A_3584 : vector<1x128xi1>, vector<1x128xf32>
    %sub3A_3586 = vector.broadcast %slice3A_2407 : vector<128x1xf32> to vector<128x128xf32>
    %sub3A_3587 = vector.broadcast %select_n3A_3585 : vector<1x128xf32> to vector<128x128xf32>
    %sub3A_3588 = arith.subf %sub3A_3586, %sub3A_3587 : vector<128x128xf32>
    %integer_pow3A_3589 = arith.mulf %sub3A_3588, %sub3A_3588 : vector<128x128xf32>
    %min3A_3590 = arith.minimumf %min3A_3574, %integer_pow3A_3589 : vector<128x128xf32>
    %get3A_3591 = arith.constant 0 : index
    %get3A_3592 = arith.constant 0 : index
    %get3A_3593 = arith.constant 9472 : index
    %get3A_3594 = vector.load %arg2[%get3A_3591, %get3A_3592, %get3A_3593] : memref<1x1x19200xf32, #tpu.memory_space<vmem>>, vector<1x1x128xf32>
    %get3A_3595 = vector.shape_cast %get3A_3594 : vector<1x1x128xf32> to vector<1x128xf32>
    %ge3A_3596 = arith.constant 1.000000e-03 : f32
    %ge3A_3597 = vector.broadcast %ge3A_3596 : f32 to vector<1x128xf32>
    %ge3A_3598 = arith.cmpf oge, %get3A_3595, %ge3A_3597 : vector<1x128xf32>
    %jit3A_3599 = arith.constant 1.000000e+09 : f32
    %broadcast_in_dim3A_3600 = vector.broadcast %jit3A_3599 : f32 to vector<1x128xf32>
    %select_n3A_3601 = arith.select %ge3A_3598, %get3A_3595, %broadcast_in_dim3A_3600 : vector<1x128xi1>, vector<1x128xf32>
    %sub3A_3602 = vector.broadcast %slice3A_2407 : vector<128x1xf32> to vector<128x128xf32>
    %sub3A_3603 = vector.broadcast %select_n3A_3601 : vector<1x128xf32> to vector<128x128xf32>
    %sub3A_3604 = arith.subf %sub3A_3602, %sub3A_3603 : vector<128x128xf32>
    %integer_pow3A_3605 = arith.mulf %sub3A_3604, %sub3A_3604 : vector<128x128xf32>
    %min3A_3606 = arith.minimumf %min3A_3590, %integer_pow3A_3605 : vector<128x128xf32>
    %get3A_3607 = arith.constant 0 : index
    %get3A_3608 = arith.constant 0 : index
    %get3A_3609 = arith.constant 9600 : index
    %get3A_3610 = vector.load %arg2[%get3A_3607, %get3A_3608, %get3A_3609] : memref<1x1x19200xf32, #tpu.memory_space<vmem>>, vector<1x1x128xf32>
    %get3A_3611 = vector.shape_cast %get3A_3610 : vector<1x1x128xf32> to vector<1x128xf32>
    %ge3A_3612 = arith.constant 1.000000e-03 : f32
    %ge3A_3613 = vector.broadcast %ge3A_3612 : f32 to vector<1x128xf32>
    %ge3A_3614 = arith.cmpf oge, %get3A_3611, %ge3A_3613 : vector<1x128xf32>
    %jit3A_3615 = arith.constant 1.000000e+09 : f32
    %broadcast_in_dim3A_3616 = vector.broadcast %jit3A_3615 : f32 to vector<1x128xf32>
    %select_n3A_3617 = arith.select %ge3A_3614, %get3A_3611, %broadcast_in_dim3A_3616 : vector<1x128xi1>, vector<1x128xf32>
    %sub3A_3618 = vector.broadcast %slice3A_2407 : vector<128x1xf32> to vector<128x128xf32>
    %sub3A_3619 = vector.broadcast %select_n3A_3617 : vector<1x128xf32> to vector<128x128xf32>
    %sub3A_3620 = arith.subf %sub3A_3618, %sub3A_3619 : vector<128x128xf32>
    %integer_pow3A_3621 = arith.mulf %sub3A_3620, %sub3A_3620 : vector<128x128xf32>
    %min3A_3622 = arith.minimumf %min3A_3606, %integer_pow3A_3621 : vector<128x128xf32>
    %get3A_3623 = arith.constant 0 : index
    %get3A_3624 = arith.constant 0 : index
    %get3A_3625 = arith.constant 9728 : index
    %get3A_3626 = vector.load %arg2[%get3A_3623, %get3A_3624, %get3A_3625] : memref<1x1x19200xf32, #tpu.memory_space<vmem>>, vector<1x1x128xf32>
    %get3A_3627 = vector.shape_cast %get3A_3626 : vector<1x1x128xf32> to vector<1x128xf32>
    %ge3A_3628 = arith.constant 1.000000e-03 : f32
    %ge3A_3629 = vector.broadcast %ge3A_3628 : f32 to vector<1x128xf32>
    %ge3A_3630 = arith.cmpf oge, %get3A_3627, %ge3A_3629 : vector<1x128xf32>
    %jit3A_3631 = arith.constant 1.000000e+09 : f32
    %broadcast_in_dim3A_3632 = vector.broadcast %jit3A_3631 : f32 to vector<1x128xf32>
    %select_n3A_3633 = arith.select %ge3A_3630, %get3A_3627, %broadcast_in_dim3A_3632 : vector<1x128xi1>, vector<1x128xf32>
    %sub3A_3634 = vector.broadcast %slice3A_2407 : vector<128x1xf32> to vector<128x128xf32>
    %sub3A_3635 = vector.broadcast %select_n3A_3633 : vector<1x128xf32> to vector<128x128xf32>
    %sub3A_3636 = arith.subf %sub3A_3634, %sub3A_3635 : vector<128x128xf32>
    %integer_pow3A_3637 = arith.mulf %sub3A_3636, %sub3A_3636 : vector<128x128xf32>
    %min3A_3638 = arith.minimumf %min3A_3622, %integer_pow3A_3637 : vector<128x128xf32>
    %get3A_3639 = arith.constant 0 : index
    %get3A_3640 = arith.constant 0 : index
    %get3A_3641 = arith.constant 9856 : index
    %get3A_3642 = vector.load %arg2[%get3A_3639, %get3A_3640, %get3A_3641] : memref<1x1x19200xf32, #tpu.memory_space<vmem>>, vector<1x1x128xf32>
    %get3A_3643 = vector.shape_cast %get3A_3642 : vector<1x1x128xf32> to vector<1x128xf32>
    %ge3A_3644 = arith.constant 1.000000e-03 : f32
    %ge3A_3645 = vector.broadcast %ge3A_3644 : f32 to vector<1x128xf32>
    %ge3A_3646 = arith.cmpf oge, %get3A_3643, %ge3A_3645 : vector<1x128xf32>
    %jit3A_3647 = arith.constant 1.000000e+09 : f32
    %broadcast_in_dim3A_3648 = vector.broadcast %jit3A_3647 : f32 to vector<1x128xf32>
    %select_n3A_3649 = arith.select %ge3A_3646, %get3A_3643, %broadcast_in_dim3A_3648 : vector<1x128xi1>, vector<1x128xf32>
    %sub3A_3650 = vector.broadcast %slice3A_2407 : vector<128x1xf32> to vector<128x128xf32>
    %sub3A_3651 = vector.broadcast %select_n3A_3649 : vector<1x128xf32> to vector<128x128xf32>
    %sub3A_3652 = arith.subf %sub3A_3650, %sub3A_3651 : vector<128x128xf32>
    %integer_pow3A_3653 = arith.mulf %sub3A_3652, %sub3A_3652 : vector<128x128xf32>
    %min3A_3654 = arith.minimumf %min3A_3638, %integer_pow3A_3653 : vector<128x128xf32>
    %get3A_3655 = arith.constant 0 : index
    %get3A_3656 = arith.constant 0 : index
    %get3A_3657 = arith.constant 9984 : index
    %get3A_3658 = vector.load %arg2[%get3A_3655, %get3A_3656, %get3A_3657] : memref<1x1x19200xf32, #tpu.memory_space<vmem>>, vector<1x1x128xf32>
    %get3A_3659 = vector.shape_cast %get3A_3658 : vector<1x1x128xf32> to vector<1x128xf32>
    %ge3A_3660 = arith.constant 1.000000e-03 : f32
    %ge3A_3661 = vector.broadcast %ge3A_3660 : f32 to vector<1x128xf32>
    %ge3A_3662 = arith.cmpf oge, %get3A_3659, %ge3A_3661 : vector<1x128xf32>
    %jit3A_3663 = arith.constant 1.000000e+09 : f32
    %broadcast_in_dim3A_3664 = vector.broadcast %jit3A_3663 : f32 to vector<1x128xf32>
    %select_n3A_3665 = arith.select %ge3A_3662, %get3A_3659, %broadcast_in_dim3A_3664 : vector<1x128xi1>, vector<1x128xf32>
    %sub3A_3666 = vector.broadcast %slice3A_2407 : vector<128x1xf32> to vector<128x128xf32>
    %sub3A_3667 = vector.broadcast %select_n3A_3665 : vector<1x128xf32> to vector<128x128xf32>
    %sub3A_3668 = arith.subf %sub3A_3666, %sub3A_3667 : vector<128x128xf32>
    %integer_pow3A_3669 = arith.mulf %sub3A_3668, %sub3A_3668 : vector<128x128xf32>
    %min3A_3670 = arith.minimumf %min3A_3654, %integer_pow3A_3669 : vector<128x128xf32>
    %get3A_3671 = arith.constant 0 : index
    %get3A_3672 = arith.constant 0 : index
    %get3A_3673 = arith.constant 10112 : index
    %get3A_3674 = vector.load %arg2[%get3A_3671, %get3A_3672, %get3A_3673] : memref<1x1x19200xf32, #tpu.memory_space<vmem>>, vector<1x1x128xf32>
    %get3A_3675 = vector.shape_cast %get3A_3674 : vector<1x1x128xf32> to vector<1x128xf32>
    %ge3A_3676 = arith.constant 1.000000e-03 : f32
    %ge3A_3677 = vector.broadcast %ge3A_3676 : f32 to vector<1x128xf32>
    %ge3A_3678 = arith.cmpf oge, %get3A_3675, %ge3A_3677 : vector<1x128xf32>
    %jit3A_3679 = arith.constant 1.000000e+09 : f32
    %broadcast_in_dim3A_3680 = vector.broadcast %jit3A_3679 : f32 to vector<1x128xf32>
    %select_n3A_3681 = arith.select %ge3A_3678, %get3A_3675, %broadcast_in_dim3A_3680 : vector<1x128xi1>, vector<1x128xf32>
    %sub3A_3682 = vector.broadcast %slice3A_2407 : vector<128x1xf32> to vector<128x128xf32>
    %sub3A_3683 = vector.broadcast %select_n3A_3681 : vector<1x128xf32> to vector<128x128xf32>
    %sub3A_3684 = arith.subf %sub3A_3682, %sub3A_3683 : vector<128x128xf32>
    %integer_pow3A_3685 = arith.mulf %sub3A_3684, %sub3A_3684 : vector<128x128xf32>
    %min3A_3686 = arith.minimumf %min3A_3670, %integer_pow3A_3685 : vector<128x128xf32>
    %get3A_3687 = arith.constant 0 : index
    %get3A_3688 = arith.constant 0 : index
    %get3A_3689 = arith.constant 10240 : index
    %get3A_3690 = vector.load %arg2[%get3A_3687, %get3A_3688, %get3A_3689] : memref<1x1x19200xf32, #tpu.memory_space<vmem>>, vector<1x1x128xf32>
    %get3A_3691 = vector.shape_cast %get3A_3690 : vector<1x1x128xf32> to vector<1x128xf32>
    %ge3A_3692 = arith.constant 1.000000e-03 : f32
    %ge3A_3693 = vector.broadcast %ge3A_3692 : f32 to vector<1x128xf32>
    %ge3A_3694 = arith.cmpf oge, %get3A_3691, %ge3A_3693 : vector<1x128xf32>
    %jit3A_3695 = arith.constant 1.000000e+09 : f32
    %broadcast_in_dim3A_3696 = vector.broadcast %jit3A_3695 : f32 to vector<1x128xf32>
    %select_n3A_3697 = arith.select %ge3A_3694, %get3A_3691, %broadcast_in_dim3A_3696 : vector<1x128xi1>, vector<1x128xf32>
    %sub3A_3698 = vector.broadcast %slice3A_2407 : vector<128x1xf32> to vector<128x128xf32>
    %sub3A_3699 = vector.broadcast %select_n3A_3697 : vector<1x128xf32> to vector<128x128xf32>
    %sub3A_3700 = arith.subf %sub3A_3698, %sub3A_3699 : vector<128x128xf32>
    %integer_pow3A_3701 = arith.mulf %sub3A_3700, %sub3A_3700 : vector<128x128xf32>
    %min3A_3702 = arith.minimumf %min3A_3686, %integer_pow3A_3701 : vector<128x128xf32>
    %get3A_3703 = arith.constant 0 : index
    %get3A_3704 = arith.constant 0 : index
    %get3A_3705 = arith.constant 10368 : index
    %get3A_3706 = vector.load %arg2[%get3A_3703, %get3A_3704, %get3A_3705] : memref<1x1x19200xf32, #tpu.memory_space<vmem>>, vector<1x1x128xf32>
    %get3A_3707 = vector.shape_cast %get3A_3706 : vector<1x1x128xf32> to vector<1x128xf32>
    %ge3A_3708 = arith.constant 1.000000e-03 : f32
    %ge3A_3709 = vector.broadcast %ge3A_3708 : f32 to vector<1x128xf32>
    %ge3A_3710 = arith.cmpf oge, %get3A_3707, %ge3A_3709 : vector<1x128xf32>
    %jit3A_3711 = arith.constant 1.000000e+09 : f32
    %broadcast_in_dim3A_3712 = vector.broadcast %jit3A_3711 : f32 to vector<1x128xf32>
    %select_n3A_3713 = arith.select %ge3A_3710, %get3A_3707, %broadcast_in_dim3A_3712 : vector<1x128xi1>, vector<1x128xf32>
    %sub3A_3714 = vector.broadcast %slice3A_2407 : vector<128x1xf32> to vector<128x128xf32>
    %sub3A_3715 = vector.broadcast %select_n3A_3713 : vector<1x128xf32> to vector<128x128xf32>
    %sub3A_3716 = arith.subf %sub3A_3714, %sub3A_3715 : vector<128x128xf32>
    %integer_pow3A_3717 = arith.mulf %sub3A_3716, %sub3A_3716 : vector<128x128xf32>
    %min3A_3718 = arith.minimumf %min3A_3702, %integer_pow3A_3717 : vector<128x128xf32>
    %get3A_3719 = arith.constant 0 : index
    %get3A_3720 = arith.constant 0 : index
    %get3A_3721 = arith.constant 10496 : index
    %get3A_3722 = vector.load %arg2[%get3A_3719, %get3A_3720, %get3A_3721] : memref<1x1x19200xf32, #tpu.memory_space<vmem>>, vector<1x1x128xf32>
    %get3A_3723 = vector.shape_cast %get3A_3722 : vector<1x1x128xf32> to vector<1x128xf32>
    %ge3A_3724 = arith.constant 1.000000e-03 : f32
    %ge3A_3725 = vector.broadcast %ge3A_3724 : f32 to vector<1x128xf32>
    %ge3A_3726 = arith.cmpf oge, %get3A_3723, %ge3A_3725 : vector<1x128xf32>
    %jit3A_3727 = arith.constant 1.000000e+09 : f32
    %broadcast_in_dim3A_3728 = vector.broadcast %jit3A_3727 : f32 to vector<1x128xf32>
    %select_n3A_3729 = arith.select %ge3A_3726, %get3A_3723, %broadcast_in_dim3A_3728 : vector<1x128xi1>, vector<1x128xf32>
    %sub3A_3730 = vector.broadcast %slice3A_2407 : vector<128x1xf32> to vector<128x128xf32>
    %sub3A_3731 = vector.broadcast %select_n3A_3729 : vector<1x128xf32> to vector<128x128xf32>
    %sub3A_3732 = arith.subf %sub3A_3730, %sub3A_3731 : vector<128x128xf32>
    %integer_pow3A_3733 = arith.mulf %sub3A_3732, %sub3A_3732 : vector<128x128xf32>
    %min3A_3734 = arith.minimumf %min3A_3718, %integer_pow3A_3733 : vector<128x128xf32>
    %get3A_3735 = arith.constant 0 : index
    %get3A_3736 = arith.constant 0 : index
    %get3A_3737 = arith.constant 10624 : index
    %get3A_3738 = vector.load %arg2[%get3A_3735, %get3A_3736, %get3A_3737] : memref<1x1x19200xf32, #tpu.memory_space<vmem>>, vector<1x1x128xf32>
    %get3A_3739 = vector.shape_cast %get3A_3738 : vector<1x1x128xf32> to vector<1x128xf32>
    %ge3A_3740 = arith.constant 1.000000e-03 : f32
    %ge3A_3741 = vector.broadcast %ge3A_3740 : f32 to vector<1x128xf32>
    %ge3A_3742 = arith.cmpf oge, %get3A_3739, %ge3A_3741 : vector<1x128xf32>
    %jit3A_3743 = arith.constant 1.000000e+09 : f32
    %broadcast_in_dim3A_3744 = vector.broadcast %jit3A_3743 : f32 to vector<1x128xf32>
    %select_n3A_3745 = arith.select %ge3A_3742, %get3A_3739, %broadcast_in_dim3A_3744 : vector<1x128xi1>, vector<1x128xf32>
    %sub3A_3746 = vector.broadcast %slice3A_2407 : vector<128x1xf32> to vector<128x128xf32>
    %sub3A_3747 = vector.broadcast %select_n3A_3745 : vector<1x128xf32> to vector<128x128xf32>
    %sub3A_3748 = arith.subf %sub3A_3746, %sub3A_3747 : vector<128x128xf32>
    %integer_pow3A_3749 = arith.mulf %sub3A_3748, %sub3A_3748 : vector<128x128xf32>
    %min3A_3750 = arith.minimumf %min3A_3734, %integer_pow3A_3749 : vector<128x128xf32>
    %get3A_3751 = arith.constant 0 : index
    %get3A_3752 = arith.constant 0 : index
    %get3A_3753 = arith.constant 10752 : index
    %get3A_3754 = vector.load %arg2[%get3A_3751, %get3A_3752, %get3A_3753] : memref<1x1x19200xf32, #tpu.memory_space<vmem>>, vector<1x1x128xf32>
    %get3A_3755 = vector.shape_cast %get3A_3754 : vector<1x1x128xf32> to vector<1x128xf32>
    %ge3A_3756 = arith.constant 1.000000e-03 : f32
    %ge3A_3757 = vector.broadcast %ge3A_3756 : f32 to vector<1x128xf32>
    %ge3A_3758 = arith.cmpf oge, %get3A_3755, %ge3A_3757 : vector<1x128xf32>
    %jit3A_3759 = arith.constant 1.000000e+09 : f32
    %broadcast_in_dim3A_3760 = vector.broadcast %jit3A_3759 : f32 to vector<1x128xf32>
    %select_n3A_3761 = arith.select %ge3A_3758, %get3A_3755, %broadcast_in_dim3A_3760 : vector<1x128xi1>, vector<1x128xf32>
    %sub3A_3762 = vector.broadcast %slice3A_2407 : vector<128x1xf32> to vector<128x128xf32>
    %sub3A_3763 = vector.broadcast %select_n3A_3761 : vector<1x128xf32> to vector<128x128xf32>
    %sub3A_3764 = arith.subf %sub3A_3762, %sub3A_3763 : vector<128x128xf32>
    %integer_pow3A_3765 = arith.mulf %sub3A_3764, %sub3A_3764 : vector<128x128xf32>
    %min3A_3766 = arith.minimumf %min3A_3750, %integer_pow3A_3765 : vector<128x128xf32>
    %get3A_3767 = arith.constant 0 : index
    %get3A_3768 = arith.constant 0 : index
    %get3A_3769 = arith.constant 10880 : index
    %get3A_3770 = vector.load %arg2[%get3A_3767, %get3A_3768, %get3A_3769] : memref<1x1x19200xf32, #tpu.memory_space<vmem>>, vector<1x1x128xf32>
    %get3A_3771 = vector.shape_cast %get3A_3770 : vector<1x1x128xf32> to vector<1x128xf32>
    %ge3A_3772 = arith.constant 1.000000e-03 : f32
    %ge3A_3773 = vector.broadcast %ge3A_3772 : f32 to vector<1x128xf32>
    %ge3A_3774 = arith.cmpf oge, %get3A_3771, %ge3A_3773 : vector<1x128xf32>
    %jit3A_3775 = arith.constant 1.000000e+09 : f32
    %broadcast_in_dim3A_3776 = vector.broadcast %jit3A_3775 : f32 to vector<1x128xf32>
    %select_n3A_3777 = arith.select %ge3A_3774, %get3A_3771, %broadcast_in_dim3A_3776 : vector<1x128xi1>, vector<1x128xf32>
    %sub3A_3778 = vector.broadcast %slice3A_2407 : vector<128x1xf32> to vector<128x128xf32>
    %sub3A_3779 = vector.broadcast %select_n3A_3777 : vector<1x128xf32> to vector<128x128xf32>
    %sub3A_3780 = arith.subf %sub3A_3778, %sub3A_3779 : vector<128x128xf32>
    %integer_pow3A_3781 = arith.mulf %sub3A_3780, %sub3A_3780 : vector<128x128xf32>
    %min3A_3782 = arith.minimumf %min3A_3766, %integer_pow3A_3781 : vector<128x128xf32>
    %get3A_3783 = arith.constant 0 : index
    %get3A_3784 = arith.constant 0 : index
    %get3A_3785 = arith.constant 11008 : index
    %get3A_3786 = vector.load %arg2[%get3A_3783, %get3A_3784, %get3A_3785] : memref<1x1x19200xf32, #tpu.memory_space<vmem>>, vector<1x1x128xf32>
    %get3A_3787 = vector.shape_cast %get3A_3786 : vector<1x1x128xf32> to vector<1x128xf32>
    %ge3A_3788 = arith.constant 1.000000e-03 : f32
    %ge3A_3789 = vector.broadcast %ge3A_3788 : f32 to vector<1x128xf32>
    %ge3A_3790 = arith.cmpf oge, %get3A_3787, %ge3A_3789 : vector<1x128xf32>
    %jit3A_3791 = arith.constant 1.000000e+09 : f32
    %broadcast_in_dim3A_3792 = vector.broadcast %jit3A_3791 : f32 to vector<1x128xf32>
    %select_n3A_3793 = arith.select %ge3A_3790, %get3A_3787, %broadcast_in_dim3A_3792 : vector<1x128xi1>, vector<1x128xf32>
    %sub3A_3794 = vector.broadcast %slice3A_2407 : vector<128x1xf32> to vector<128x128xf32>
    %sub3A_3795 = vector.broadcast %select_n3A_3793 : vector<1x128xf32> to vector<128x128xf32>
    %sub3A_3796 = arith.subf %sub3A_3794, %sub3A_3795 : vector<128x128xf32>
    %integer_pow3A_3797 = arith.mulf %sub3A_3796, %sub3A_3796 : vector<128x128xf32>
    %min3A_3798 = arith.minimumf %min3A_3782, %integer_pow3A_3797 : vector<128x128xf32>
    %get3A_3799 = arith.constant 0 : index
    %get3A_3800 = arith.constant 0 : index
    %get3A_3801 = arith.constant 11136 : index
    %get3A_3802 = vector.load %arg2[%get3A_3799, %get3A_3800, %get3A_3801] : memref<1x1x19200xf32, #tpu.memory_space<vmem>>, vector<1x1x128xf32>
    %get3A_3803 = vector.shape_cast %get3A_3802 : vector<1x1x128xf32> to vector<1x128xf32>
    %ge3A_3804 = arith.constant 1.000000e-03 : f32
    %ge3A_3805 = vector.broadcast %ge3A_3804 : f32 to vector<1x128xf32>
    %ge3A_3806 = arith.cmpf oge, %get3A_3803, %ge3A_3805 : vector<1x128xf32>
    %jit3A_3807 = arith.constant 1.000000e+09 : f32
    %broadcast_in_dim3A_3808 = vector.broadcast %jit3A_3807 : f32 to vector<1x128xf32>
    %select_n3A_3809 = arith.select %ge3A_3806, %get3A_3803, %broadcast_in_dim3A_3808 : vector<1x128xi1>, vector<1x128xf32>
    %sub3A_3810 = vector.broadcast %slice3A_2407 : vector<128x1xf32> to vector<128x128xf32>
    %sub3A_3811 = vector.broadcast %select_n3A_3809 : vector<1x128xf32> to vector<128x128xf32>
    %sub3A_3812 = arith.subf %sub3A_3810, %sub3A_3811 : vector<128x128xf32>
    %integer_pow3A_3813 = arith.mulf %sub3A_3812, %sub3A_3812 : vector<128x128xf32>
    %min3A_3814 = arith.minimumf %min3A_3798, %integer_pow3A_3813 : vector<128x128xf32>
    %get3A_3815 = arith.constant 0 : index
    %get3A_3816 = arith.constant 0 : index
    %get3A_3817 = arith.constant 11264 : index
    %get3A_3818 = vector.load %arg2[%get3A_3815, %get3A_3816, %get3A_3817] : memref<1x1x19200xf32, #tpu.memory_space<vmem>>, vector<1x1x128xf32>
    %get3A_3819 = vector.shape_cast %get3A_3818 : vector<1x1x128xf32> to vector<1x128xf32>
    %ge3A_3820 = arith.constant 1.000000e-03 : f32
    %ge3A_3821 = vector.broadcast %ge3A_3820 : f32 to vector<1x128xf32>
    %ge3A_3822 = arith.cmpf oge, %get3A_3819, %ge3A_3821 : vector<1x128xf32>
    %jit3A_3823 = arith.constant 1.000000e+09 : f32
    %broadcast_in_dim3A_3824 = vector.broadcast %jit3A_3823 : f32 to vector<1x128xf32>
    %select_n3A_3825 = arith.select %ge3A_3822, %get3A_3819, %broadcast_in_dim3A_3824 : vector<1x128xi1>, vector<1x128xf32>
    %sub3A_3826 = vector.broadcast %slice3A_2407 : vector<128x1xf32> to vector<128x128xf32>
    %sub3A_3827 = vector.broadcast %select_n3A_3825 : vector<1x128xf32> to vector<128x128xf32>
    %sub3A_3828 = arith.subf %sub3A_3826, %sub3A_3827 : vector<128x128xf32>
    %integer_pow3A_3829 = arith.mulf %sub3A_3828, %sub3A_3828 : vector<128x128xf32>
    %min3A_3830 = arith.minimumf %min3A_3814, %integer_pow3A_3829 : vector<128x128xf32>
    %get3A_3831 = arith.constant 0 : index
    %get3A_3832 = arith.constant 0 : index
    %get3A_3833 = arith.constant 11392 : index
    %get3A_3834 = vector.load %arg2[%get3A_3831, %get3A_3832, %get3A_3833] : memref<1x1x19200xf32, #tpu.memory_space<vmem>>, vector<1x1x128xf32>
    %get3A_3835 = vector.shape_cast %get3A_3834 : vector<1x1x128xf32> to vector<1x128xf32>
    %ge3A_3836 = arith.constant 1.000000e-03 : f32
    %ge3A_3837 = vector.broadcast %ge3A_3836 : f32 to vector<1x128xf32>
    %ge3A_3838 = arith.cmpf oge, %get3A_3835, %ge3A_3837 : vector<1x128xf32>
    %jit3A_3839 = arith.constant 1.000000e+09 : f32
    %broadcast_in_dim3A_3840 = vector.broadcast %jit3A_3839 : f32 to vector<1x128xf32>
    %select_n3A_3841 = arith.select %ge3A_3838, %get3A_3835, %broadcast_in_dim3A_3840 : vector<1x128xi1>, vector<1x128xf32>
    %sub3A_3842 = vector.broadcast %slice3A_2407 : vector<128x1xf32> to vector<128x128xf32>
    %sub3A_3843 = vector.broadcast %select_n3A_3841 : vector<1x128xf32> to vector<128x128xf32>
    %sub3A_3844 = arith.subf %sub3A_3842, %sub3A_3843 : vector<128x128xf32>
    %integer_pow3A_3845 = arith.mulf %sub3A_3844, %sub3A_3844 : vector<128x128xf32>
    %min3A_3846 = arith.minimumf %min3A_3830, %integer_pow3A_3845 : vector<128x128xf32>
    %get3A_3847 = arith.constant 0 : index
    %get3A_3848 = arith.constant 0 : index
    %get3A_3849 = arith.constant 11520 : index
    %get3A_3850 = vector.load %arg2[%get3A_3847, %get3A_3848, %get3A_3849] : memref<1x1x19200xf32, #tpu.memory_space<vmem>>, vector<1x1x128xf32>
    %get3A_3851 = vector.shape_cast %get3A_3850 : vector<1x1x128xf32> to vector<1x128xf32>
    %ge3A_3852 = arith.constant 1.000000e-03 : f32
    %ge3A_3853 = vector.broadcast %ge3A_3852 : f32 to vector<1x128xf32>
    %ge3A_3854 = arith.cmpf oge, %get3A_3851, %ge3A_3853 : vector<1x128xf32>
    %jit3A_3855 = arith.constant 1.000000e+09 : f32
    %broadcast_in_dim3A_3856 = vector.broadcast %jit3A_3855 : f32 to vector<1x128xf32>
    %select_n3A_3857 = arith.select %ge3A_3854, %get3A_3851, %broadcast_in_dim3A_3856 : vector<1x128xi1>, vector<1x128xf32>
    %sub3A_3858 = vector.broadcast %slice3A_2407 : vector<128x1xf32> to vector<128x128xf32>
    %sub3A_3859 = vector.broadcast %select_n3A_3857 : vector<1x128xf32> to vector<128x128xf32>
    %sub3A_3860 = arith.subf %sub3A_3858, %sub3A_3859 : vector<128x128xf32>
    %integer_pow3A_3861 = arith.mulf %sub3A_3860, %sub3A_3860 : vector<128x128xf32>
    %min3A_3862 = arith.minimumf %min3A_3846, %integer_pow3A_3861 : vector<128x128xf32>
    %get3A_3863 = arith.constant 0 : index
    %get3A_3864 = arith.constant 0 : index
    %get3A_3865 = arith.constant 11648 : index
    %get3A_3866 = vector.load %arg2[%get3A_3863, %get3A_3864, %get3A_3865] : memref<1x1x19200xf32, #tpu.memory_space<vmem>>, vector<1x1x128xf32>
    %get3A_3867 = vector.shape_cast %get3A_3866 : vector<1x1x128xf32> to vector<1x128xf32>
    %ge3A_3868 = arith.constant 1.000000e-03 : f32
    %ge3A_3869 = vector.broadcast %ge3A_3868 : f32 to vector<1x128xf32>
    %ge3A_3870 = arith.cmpf oge, %get3A_3867, %ge3A_3869 : vector<1x128xf32>
    %jit3A_3871 = arith.constant 1.000000e+09 : f32
    %broadcast_in_dim3A_3872 = vector.broadcast %jit3A_3871 : f32 to vector<1x128xf32>
    %select_n3A_3873 = arith.select %ge3A_3870, %get3A_3867, %broadcast_in_dim3A_3872 : vector<1x128xi1>, vector<1x128xf32>
    %sub3A_3874 = vector.broadcast %slice3A_2407 : vector<128x1xf32> to vector<128x128xf32>
    %sub3A_3875 = vector.broadcast %select_n3A_3873 : vector<1x128xf32> to vector<128x128xf32>
    %sub3A_3876 = arith.subf %sub3A_3874, %sub3A_3875 : vector<128x128xf32>
    %integer_pow3A_3877 = arith.mulf %sub3A_3876, %sub3A_3876 : vector<128x128xf32>
    %min3A_3878 = arith.minimumf %min3A_3862, %integer_pow3A_3877 : vector<128x128xf32>
    %get3A_3879 = arith.constant 0 : index
    %get3A_3880 = arith.constant 0 : index
    %get3A_3881 = arith.constant 11776 : index
    %get3A_3882 = vector.load %arg2[%get3A_3879, %get3A_3880, %get3A_3881] : memref<1x1x19200xf32, #tpu.memory_space<vmem>>, vector<1x1x128xf32>
    %get3A_3883 = vector.shape_cast %get3A_3882 : vector<1x1x128xf32> to vector<1x128xf32>
    %ge3A_3884 = arith.constant 1.000000e-03 : f32
    %ge3A_3885 = vector.broadcast %ge3A_3884 : f32 to vector<1x128xf32>
    %ge3A_3886 = arith.cmpf oge, %get3A_3883, %ge3A_3885 : vector<1x128xf32>
    %jit3A_3887 = arith.constant 1.000000e+09 : f32
    %broadcast_in_dim3A_3888 = vector.broadcast %jit3A_3887 : f32 to vector<1x128xf32>
    %select_n3A_3889 = arith.select %ge3A_3886, %get3A_3883, %broadcast_in_dim3A_3888 : vector<1x128xi1>, vector<1x128xf32>
    %sub3A_3890 = vector.broadcast %slice3A_2407 : vector<128x1xf32> to vector<128x128xf32>
    %sub3A_3891 = vector.broadcast %select_n3A_3889 : vector<1x128xf32> to vector<128x128xf32>
    %sub3A_3892 = arith.subf %sub3A_3890, %sub3A_3891 : vector<128x128xf32>
    %integer_pow3A_3893 = arith.mulf %sub3A_3892, %sub3A_3892 : vector<128x128xf32>
    %min3A_3894 = arith.minimumf %min3A_3878, %integer_pow3A_3893 : vector<128x128xf32>
    %get3A_3895 = arith.constant 0 : index
    %get3A_3896 = arith.constant 0 : index
    %get3A_3897 = arith.constant 11904 : index
    %get3A_3898 = vector.load %arg2[%get3A_3895, %get3A_3896, %get3A_3897] : memref<1x1x19200xf32, #tpu.memory_space<vmem>>, vector<1x1x128xf32>
    %get3A_3899 = vector.shape_cast %get3A_3898 : vector<1x1x128xf32> to vector<1x128xf32>
    %ge3A_3900 = arith.constant 1.000000e-03 : f32
    %ge3A_3901 = vector.broadcast %ge3A_3900 : f32 to vector<1x128xf32>
    %ge3A_3902 = arith.cmpf oge, %get3A_3899, %ge3A_3901 : vector<1x128xf32>
    %jit3A_3903 = arith.constant 1.000000e+09 : f32
    %broadcast_in_dim3A_3904 = vector.broadcast %jit3A_3903 : f32 to vector<1x128xf32>
    %select_n3A_3905 = arith.select %ge3A_3902, %get3A_3899, %broadcast_in_dim3A_3904 : vector<1x128xi1>, vector<1x128xf32>
    %sub3A_3906 = vector.broadcast %slice3A_2407 : vector<128x1xf32> to vector<128x128xf32>
    %sub3A_3907 = vector.broadcast %select_n3A_3905 : vector<1x128xf32> to vector<128x128xf32>
    %sub3A_3908 = arith.subf %sub3A_3906, %sub3A_3907 : vector<128x128xf32>
    %integer_pow3A_3909 = arith.mulf %sub3A_3908, %sub3A_3908 : vector<128x128xf32>
    %min3A_3910 = arith.minimumf %min3A_3894, %integer_pow3A_3909 : vector<128x128xf32>
    %get3A_3911 = arith.constant 0 : index
    %get3A_3912 = arith.constant 0 : index
    %get3A_3913 = arith.constant 12032 : index
    %get3A_3914 = vector.load %arg2[%get3A_3911, %get3A_3912, %get3A_3913] : memref<1x1x19200xf32, #tpu.memory_space<vmem>>, vector<1x1x128xf32>
    %get3A_3915 = vector.shape_cast %get3A_3914 : vector<1x1x128xf32> to vector<1x128xf32>
    %ge3A_3916 = arith.constant 1.000000e-03 : f32
    %ge3A_3917 = vector.broadcast %ge3A_3916 : f32 to vector<1x128xf32>
    %ge3A_3918 = arith.cmpf oge, %get3A_3915, %ge3A_3917 : vector<1x128xf32>
    %jit3A_3919 = arith.constant 1.000000e+09 : f32
    %broadcast_in_dim3A_3920 = vector.broadcast %jit3A_3919 : f32 to vector<1x128xf32>
    %select_n3A_3921 = arith.select %ge3A_3918, %get3A_3915, %broadcast_in_dim3A_3920 : vector<1x128xi1>, vector<1x128xf32>
    %sub3A_3922 = vector.broadcast %slice3A_2407 : vector<128x1xf32> to vector<128x128xf32>
    %sub3A_3923 = vector.broadcast %select_n3A_3921 : vector<1x128xf32> to vector<128x128xf32>
    %sub3A_3924 = arith.subf %sub3A_3922, %sub3A_3923 : vector<128x128xf32>
    %integer_pow3A_3925 = arith.mulf %sub3A_3924, %sub3A_3924 : vector<128x128xf32>
    %min3A_3926 = arith.minimumf %min3A_3910, %integer_pow3A_3925 : vector<128x128xf32>
    %get3A_3927 = arith.constant 0 : index
    %get3A_3928 = arith.constant 0 : index
    %get3A_3929 = arith.constant 12160 : index
    %get3A_3930 = vector.load %arg2[%get3A_3927, %get3A_3928, %get3A_3929] : memref<1x1x19200xf32, #tpu.memory_space<vmem>>, vector<1x1x128xf32>
    %get3A_3931 = vector.shape_cast %get3A_3930 : vector<1x1x128xf32> to vector<1x128xf32>
    %ge3A_3932 = arith.constant 1.000000e-03 : f32
    %ge3A_3933 = vector.broadcast %ge3A_3932 : f32 to vector<1x128xf32>
    %ge3A_3934 = arith.cmpf oge, %get3A_3931, %ge3A_3933 : vector<1x128xf32>
    %jit3A_3935 = arith.constant 1.000000e+09 : f32
    %broadcast_in_dim3A_3936 = vector.broadcast %jit3A_3935 : f32 to vector<1x128xf32>
    %select_n3A_3937 = arith.select %ge3A_3934, %get3A_3931, %broadcast_in_dim3A_3936 : vector<1x128xi1>, vector<1x128xf32>
    %sub3A_3938 = vector.broadcast %slice3A_2407 : vector<128x1xf32> to vector<128x128xf32>
    %sub3A_3939 = vector.broadcast %select_n3A_3937 : vector<1x128xf32> to vector<128x128xf32>
    %sub3A_3940 = arith.subf %sub3A_3938, %sub3A_3939 : vector<128x128xf32>
    %integer_pow3A_3941 = arith.mulf %sub3A_3940, %sub3A_3940 : vector<128x128xf32>
    %min3A_3942 = arith.minimumf %min3A_3926, %integer_pow3A_3941 : vector<128x128xf32>
    %get3A_3943 = arith.constant 0 : index
    %get3A_3944 = arith.constant 0 : index
    %get3A_3945 = arith.constant 12288 : index
    %get3A_3946 = vector.load %arg2[%get3A_3943, %get3A_3944, %get3A_3945] : memref<1x1x19200xf32, #tpu.memory_space<vmem>>, vector<1x1x128xf32>
    %get3A_3947 = vector.shape_cast %get3A_3946 : vector<1x1x128xf32> to vector<1x128xf32>
    %ge3A_3948 = arith.constant 1.000000e-03 : f32
    %ge3A_3949 = vector.broadcast %ge3A_3948 : f32 to vector<1x128xf32>
    %ge3A_3950 = arith.cmpf oge, %get3A_3947, %ge3A_3949 : vector<1x128xf32>
    %jit3A_3951 = arith.constant 1.000000e+09 : f32
    %broadcast_in_dim3A_3952 = vector.broadcast %jit3A_3951 : f32 to vector<1x128xf32>
    %select_n3A_3953 = arith.select %ge3A_3950, %get3A_3947, %broadcast_in_dim3A_3952 : vector<1x128xi1>, vector<1x128xf32>
    %sub3A_3954 = vector.broadcast %slice3A_2407 : vector<128x1xf32> to vector<128x128xf32>
    %sub3A_3955 = vector.broadcast %select_n3A_3953 : vector<1x128xf32> to vector<128x128xf32>
    %sub3A_3956 = arith.subf %sub3A_3954, %sub3A_3955 : vector<128x128xf32>
    %integer_pow3A_3957 = arith.mulf %sub3A_3956, %sub3A_3956 : vector<128x128xf32>
    %min3A_3958 = arith.minimumf %min3A_3942, %integer_pow3A_3957 : vector<128x128xf32>
    %get3A_3959 = arith.constant 0 : index
    %get3A_3960 = arith.constant 0 : index
    %get3A_3961 = arith.constant 12416 : index
    %get3A_3962 = vector.load %arg2[%get3A_3959, %get3A_3960, %get3A_3961] : memref<1x1x19200xf32, #tpu.memory_space<vmem>>, vector<1x1x128xf32>
    %get3A_3963 = vector.shape_cast %get3A_3962 : vector<1x1x128xf32> to vector<1x128xf32>
    %ge3A_3964 = arith.constant 1.000000e-03 : f32
    %ge3A_3965 = vector.broadcast %ge3A_3964 : f32 to vector<1x128xf32>
    %ge3A_3966 = arith.cmpf oge, %get3A_3963, %ge3A_3965 : vector<1x128xf32>
    %jit3A_3967 = arith.constant 1.000000e+09 : f32
    %broadcast_in_dim3A_3968 = vector.broadcast %jit3A_3967 : f32 to vector<1x128xf32>
    %select_n3A_3969 = arith.select %ge3A_3966, %get3A_3963, %broadcast_in_dim3A_3968 : vector<1x128xi1>, vector<1x128xf32>
    %sub3A_3970 = vector.broadcast %slice3A_2407 : vector<128x1xf32> to vector<128x128xf32>
    %sub3A_3971 = vector.broadcast %select_n3A_3969 : vector<1x128xf32> to vector<128x128xf32>
    %sub3A_3972 = arith.subf %sub3A_3970, %sub3A_3971 : vector<128x128xf32>
    %integer_pow3A_3973 = arith.mulf %sub3A_3972, %sub3A_3972 : vector<128x128xf32>
    %min3A_3974 = arith.minimumf %min3A_3958, %integer_pow3A_3973 : vector<128x128xf32>
    %get3A_3975 = arith.constant 0 : index
    %get3A_3976 = arith.constant 0 : index
    %get3A_3977 = arith.constant 12544 : index
    %get3A_3978 = vector.load %arg2[%get3A_3975, %get3A_3976, %get3A_3977] : memref<1x1x19200xf32, #tpu.memory_space<vmem>>, vector<1x1x128xf32>
    %get3A_3979 = vector.shape_cast %get3A_3978 : vector<1x1x128xf32> to vector<1x128xf32>
    %ge3A_3980 = arith.constant 1.000000e-03 : f32
    %ge3A_3981 = vector.broadcast %ge3A_3980 : f32 to vector<1x128xf32>
    %ge3A_3982 = arith.cmpf oge, %get3A_3979, %ge3A_3981 : vector<1x128xf32>
    %jit3A_3983 = arith.constant 1.000000e+09 : f32
    %broadcast_in_dim3A_3984 = vector.broadcast %jit3A_3983 : f32 to vector<1x128xf32>
    %select_n3A_3985 = arith.select %ge3A_3982, %get3A_3979, %broadcast_in_dim3A_3984 : vector<1x128xi1>, vector<1x128xf32>
    %sub3A_3986 = vector.broadcast %slice3A_2407 : vector<128x1xf32> to vector<128x128xf32>
    %sub3A_3987 = vector.broadcast %select_n3A_3985 : vector<1x128xf32> to vector<128x128xf32>
    %sub3A_3988 = arith.subf %sub3A_3986, %sub3A_3987 : vector<128x128xf32>
    %integer_pow3A_3989 = arith.mulf %sub3A_3988, %sub3A_3988 : vector<128x128xf32>
    %min3A_3990 = arith.minimumf %min3A_3974, %integer_pow3A_3989 : vector<128x128xf32>
    %get3A_3991 = arith.constant 0 : index
    %get3A_3992 = arith.constant 0 : index
    %get3A_3993 = arith.constant 12672 : index
    %get3A_3994 = vector.load %arg2[%get3A_3991, %get3A_3992, %get3A_3993] : memref<1x1x19200xf32, #tpu.memory_space<vmem>>, vector<1x1x128xf32>
    %get3A_3995 = vector.shape_cast %get3A_3994 : vector<1x1x128xf32> to vector<1x128xf32>
    %ge3A_3996 = arith.constant 1.000000e-03 : f32
    %ge3A_3997 = vector.broadcast %ge3A_3996 : f32 to vector<1x128xf32>
    %ge3A_3998 = arith.cmpf oge, %get3A_3995, %ge3A_3997 : vector<1x128xf32>
    %jit3A_3999 = arith.constant 1.000000e+09 : f32
    %broadcast_in_dim3A_4000 = vector.broadcast %jit3A_3999 : f32 to vector<1x128xf32>
    %select_n3A_4001 = arith.select %ge3A_3998, %get3A_3995, %broadcast_in_dim3A_4000 : vector<1x128xi1>, vector<1x128xf32>
    %sub3A_4002 = vector.broadcast %slice3A_2407 : vector<128x1xf32> to vector<128x128xf32>
    %sub3A_4003 = vector.broadcast %select_n3A_4001 : vector<1x128xf32> to vector<128x128xf32>
    %sub3A_4004 = arith.subf %sub3A_4002, %sub3A_4003 : vector<128x128xf32>
    %integer_pow3A_4005 = arith.mulf %sub3A_4004, %sub3A_4004 : vector<128x128xf32>
    %min3A_4006 = arith.minimumf %min3A_3990, %integer_pow3A_4005 : vector<128x128xf32>
    %get3A_4007 = arith.constant 0 : index
    %get3A_4008 = arith.constant 0 : index
    %get3A_4009 = arith.constant 12800 : index
    %get3A_4010 = vector.load %arg2[%get3A_4007, %get3A_4008, %get3A_4009] : memref<1x1x19200xf32, #tpu.memory_space<vmem>>, vector<1x1x128xf32>
    %get3A_4011 = vector.shape_cast %get3A_4010 : vector<1x1x128xf32> to vector<1x128xf32>
    %ge3A_4012 = arith.constant 1.000000e-03 : f32
    %ge3A_4013 = vector.broadcast %ge3A_4012 : f32 to vector<1x128xf32>
    %ge3A_4014 = arith.cmpf oge, %get3A_4011, %ge3A_4013 : vector<1x128xf32>
    %jit3A_4015 = arith.constant 1.000000e+09 : f32
    %broadcast_in_dim3A_4016 = vector.broadcast %jit3A_4015 : f32 to vector<1x128xf32>
    %select_n3A_4017 = arith.select %ge3A_4014, %get3A_4011, %broadcast_in_dim3A_4016 : vector<1x128xi1>, vector<1x128xf32>
    %sub3A_4018 = vector.broadcast %slice3A_2407 : vector<128x1xf32> to vector<128x128xf32>
    %sub3A_4019 = vector.broadcast %select_n3A_4017 : vector<1x128xf32> to vector<128x128xf32>
    %sub3A_4020 = arith.subf %sub3A_4018, %sub3A_4019 : vector<128x128xf32>
    %integer_pow3A_4021 = arith.mulf %sub3A_4020, %sub3A_4020 : vector<128x128xf32>
    %min3A_4022 = arith.minimumf %min3A_4006, %integer_pow3A_4021 : vector<128x128xf32>
    %get3A_4023 = arith.constant 0 : index
    %get3A_4024 = arith.constant 0 : index
    %get3A_4025 = arith.constant 12928 : index
    %get3A_4026 = vector.load %arg2[%get3A_4023, %get3A_4024, %get3A_4025] : memref<1x1x19200xf32, #tpu.memory_space<vmem>>, vector<1x1x128xf32>
    %get3A_4027 = vector.shape_cast %get3A_4026 : vector<1x1x128xf32> to vector<1x128xf32>
    %ge3A_4028 = arith.constant 1.000000e-03 : f32
    %ge3A_4029 = vector.broadcast %ge3A_4028 : f32 to vector<1x128xf32>
    %ge3A_4030 = arith.cmpf oge, %get3A_4027, %ge3A_4029 : vector<1x128xf32>
    %jit3A_4031 = arith.constant 1.000000e+09 : f32
    %broadcast_in_dim3A_4032 = vector.broadcast %jit3A_4031 : f32 to vector<1x128xf32>
    %select_n3A_4033 = arith.select %ge3A_4030, %get3A_4027, %broadcast_in_dim3A_4032 : vector<1x128xi1>, vector<1x128xf32>
    %sub3A_4034 = vector.broadcast %slice3A_2407 : vector<128x1xf32> to vector<128x128xf32>
    %sub3A_4035 = vector.broadcast %select_n3A_4033 : vector<1x128xf32> to vector<128x128xf32>
    %sub3A_4036 = arith.subf %sub3A_4034, %sub3A_4035 : vector<128x128xf32>
    %integer_pow3A_4037 = arith.mulf %sub3A_4036, %sub3A_4036 : vector<128x128xf32>
    %min3A_4038 = arith.minimumf %min3A_4022, %integer_pow3A_4037 : vector<128x128xf32>
    %get3A_4039 = arith.constant 0 : index
    %get3A_4040 = arith.constant 0 : index
    %get3A_4041 = arith.constant 13056 : index
    %get3A_4042 = vector.load %arg2[%get3A_4039, %get3A_4040, %get3A_4041] : memref<1x1x19200xf32, #tpu.memory_space<vmem>>, vector<1x1x128xf32>
    %get3A_4043 = vector.shape_cast %get3A_4042 : vector<1x1x128xf32> to vector<1x128xf32>
    %ge3A_4044 = arith.constant 1.000000e-03 : f32
    %ge3A_4045 = vector.broadcast %ge3A_4044 : f32 to vector<1x128xf32>
    %ge3A_4046 = arith.cmpf oge, %get3A_4043, %ge3A_4045 : vector<1x128xf32>
    %jit3A_4047 = arith.constant 1.000000e+09 : f32
    %broadcast_in_dim3A_4048 = vector.broadcast %jit3A_4047 : f32 to vector<1x128xf32>
    %select_n3A_4049 = arith.select %ge3A_4046, %get3A_4043, %broadcast_in_dim3A_4048 : vector<1x128xi1>, vector<1x128xf32>
    %sub3A_4050 = vector.broadcast %slice3A_2407 : vector<128x1xf32> to vector<128x128xf32>
    %sub3A_4051 = vector.broadcast %select_n3A_4049 : vector<1x128xf32> to vector<128x128xf32>
    %sub3A_4052 = arith.subf %sub3A_4050, %sub3A_4051 : vector<128x128xf32>
    %integer_pow3A_4053 = arith.mulf %sub3A_4052, %sub3A_4052 : vector<128x128xf32>
    %min3A_4054 = arith.minimumf %min3A_4038, %integer_pow3A_4053 : vector<128x128xf32>
    %get3A_4055 = arith.constant 0 : index
    %get3A_4056 = arith.constant 0 : index
    %get3A_4057 = arith.constant 13184 : index
    %get3A_4058 = vector.load %arg2[%get3A_4055, %get3A_4056, %get3A_4057] : memref<1x1x19200xf32, #tpu.memory_space<vmem>>, vector<1x1x128xf32>
    %get3A_4059 = vector.shape_cast %get3A_4058 : vector<1x1x128xf32> to vector<1x128xf32>
    %ge3A_4060 = arith.constant 1.000000e-03 : f32
    %ge3A_4061 = vector.broadcast %ge3A_4060 : f32 to vector<1x128xf32>
    %ge3A_4062 = arith.cmpf oge, %get3A_4059, %ge3A_4061 : vector<1x128xf32>
    %jit3A_4063 = arith.constant 1.000000e+09 : f32
    %broadcast_in_dim3A_4064 = vector.broadcast %jit3A_4063 : f32 to vector<1x128xf32>
    %select_n3A_4065 = arith.select %ge3A_4062, %get3A_4059, %broadcast_in_dim3A_4064 : vector<1x128xi1>, vector<1x128xf32>
    %sub3A_4066 = vector.broadcast %slice3A_2407 : vector<128x1xf32> to vector<128x128xf32>
    %sub3A_4067 = vector.broadcast %select_n3A_4065 : vector<1x128xf32> to vector<128x128xf32>
    %sub3A_4068 = arith.subf %sub3A_4066, %sub3A_4067 : vector<128x128xf32>
    %integer_pow3A_4069 = arith.mulf %sub3A_4068, %sub3A_4068 : vector<128x128xf32>
    %min3A_4070 = arith.minimumf %min3A_4054, %integer_pow3A_4069 : vector<128x128xf32>
    %get3A_4071 = arith.constant 0 : index
    %get3A_4072 = arith.constant 0 : index
    %get3A_4073 = arith.constant 13312 : index
    %get3A_4074 = vector.load %arg2[%get3A_4071, %get3A_4072, %get3A_4073] : memref<1x1x19200xf32, #tpu.memory_space<vmem>>, vector<1x1x128xf32>
    %get3A_4075 = vector.shape_cast %get3A_4074 : vector<1x1x128xf32> to vector<1x128xf32>
    %ge3A_4076 = arith.constant 1.000000e-03 : f32
    %ge3A_4077 = vector.broadcast %ge3A_4076 : f32 to vector<1x128xf32>
    %ge3A_4078 = arith.cmpf oge, %get3A_4075, %ge3A_4077 : vector<1x128xf32>
    %jit3A_4079 = arith.constant 1.000000e+09 : f32
    %broadcast_in_dim3A_4080 = vector.broadcast %jit3A_4079 : f32 to vector<1x128xf32>
    %select_n3A_4081 = arith.select %ge3A_4078, %get3A_4075, %broadcast_in_dim3A_4080 : vector<1x128xi1>, vector<1x128xf32>
    %sub3A_4082 = vector.broadcast %slice3A_2407 : vector<128x1xf32> to vector<128x128xf32>
    %sub3A_4083 = vector.broadcast %select_n3A_4081 : vector<1x128xf32> to vector<128x128xf32>
    %sub3A_4084 = arith.subf %sub3A_4082, %sub3A_4083 : vector<128x128xf32>
    %integer_pow3A_4085 = arith.mulf %sub3A_4084, %sub3A_4084 : vector<128x128xf32>
    %min3A_4086 = arith.minimumf %min3A_4070, %integer_pow3A_4085 : vector<128x128xf32>
    %get3A_4087 = arith.constant 0 : index
    %get3A_4088 = arith.constant 0 : index
    %get3A_4089 = arith.constant 13440 : index
    %get3A_4090 = vector.load %arg2[%get3A_4087, %get3A_4088, %get3A_4089] : memref<1x1x19200xf32, #tpu.memory_space<vmem>>, vector<1x1x128xf32>
    %get3A_4091 = vector.shape_cast %get3A_4090 : vector<1x1x128xf32> to vector<1x128xf32>
    %ge3A_4092 = arith.constant 1.000000e-03 : f32
    %ge3A_4093 = vector.broadcast %ge3A_4092 : f32 to vector<1x128xf32>
    %ge3A_4094 = arith.cmpf oge, %get3A_4091, %ge3A_4093 : vector<1x128xf32>
    %jit3A_4095 = arith.constant 1.000000e+09 : f32
    %broadcast_in_dim3A_4096 = vector.broadcast %jit3A_4095 : f32 to vector<1x128xf32>
    %select_n3A_4097 = arith.select %ge3A_4094, %get3A_4091, %broadcast_in_dim3A_4096 : vector<1x128xi1>, vector<1x128xf32>
    %sub3A_4098 = vector.broadcast %slice3A_2407 : vector<128x1xf32> to vector<128x128xf32>
    %sub3A_4099 = vector.broadcast %select_n3A_4097 : vector<1x128xf32> to vector<128x128xf32>
    %sub3A_4100 = arith.subf %sub3A_4098, %sub3A_4099 : vector<128x128xf32>
    %integer_pow3A_4101 = arith.mulf %sub3A_4100, %sub3A_4100 : vector<128x128xf32>
    %min3A_4102 = arith.minimumf %min3A_4086, %integer_pow3A_4101 : vector<128x128xf32>
    %get3A_4103 = arith.constant 0 : index
    %get3A_4104 = arith.constant 0 : index
    %get3A_4105 = arith.constant 13568 : index
    %get3A_4106 = vector.load %arg2[%get3A_4103, %get3A_4104, %get3A_4105] : memref<1x1x19200xf32, #tpu.memory_space<vmem>>, vector<1x1x128xf32>
    %get3A_4107 = vector.shape_cast %get3A_4106 : vector<1x1x128xf32> to vector<1x128xf32>
    %ge3A_4108 = arith.constant 1.000000e-03 : f32
    %ge3A_4109 = vector.broadcast %ge3A_4108 : f32 to vector<1x128xf32>
    %ge3A_4110 = arith.cmpf oge, %get3A_4107, %ge3A_4109 : vector<1x128xf32>
    %jit3A_4111 = arith.constant 1.000000e+09 : f32
    %broadcast_in_dim3A_4112 = vector.broadcast %jit3A_4111 : f32 to vector<1x128xf32>
    %select_n3A_4113 = arith.select %ge3A_4110, %get3A_4107, %broadcast_in_dim3A_4112 : vector<1x128xi1>, vector<1x128xf32>
    %sub3A_4114 = vector.broadcast %slice3A_2407 : vector<128x1xf32> to vector<128x128xf32>
    %sub3A_4115 = vector.broadcast %select_n3A_4113 : vector<1x128xf32> to vector<128x128xf32>
    %sub3A_4116 = arith.subf %sub3A_4114, %sub3A_4115 : vector<128x128xf32>
    %integer_pow3A_4117 = arith.mulf %sub3A_4116, %sub3A_4116 : vector<128x128xf32>
    %min3A_4118 = arith.minimumf %min3A_4102, %integer_pow3A_4117 : vector<128x128xf32>
    %get3A_4119 = arith.constant 0 : index
    %get3A_4120 = arith.constant 0 : index
    %get3A_4121 = arith.constant 13696 : index
    %get3A_4122 = vector.load %arg2[%get3A_4119, %get3A_4120, %get3A_4121] : memref<1x1x19200xf32, #tpu.memory_space<vmem>>, vector<1x1x128xf32>
    %get3A_4123 = vector.shape_cast %get3A_4122 : vector<1x1x128xf32> to vector<1x128xf32>
    %ge3A_4124 = arith.constant 1.000000e-03 : f32
    %ge3A_4125 = vector.broadcast %ge3A_4124 : f32 to vector<1x128xf32>
    %ge3A_4126 = arith.cmpf oge, %get3A_4123, %ge3A_4125 : vector<1x128xf32>
    %jit3A_4127 = arith.constant 1.000000e+09 : f32
    %broadcast_in_dim3A_4128 = vector.broadcast %jit3A_4127 : f32 to vector<1x128xf32>
    %select_n3A_4129 = arith.select %ge3A_4126, %get3A_4123, %broadcast_in_dim3A_4128 : vector<1x128xi1>, vector<1x128xf32>
    %sub3A_4130 = vector.broadcast %slice3A_2407 : vector<128x1xf32> to vector<128x128xf32>
    %sub3A_4131 = vector.broadcast %select_n3A_4129 : vector<1x128xf32> to vector<128x128xf32>
    %sub3A_4132 = arith.subf %sub3A_4130, %sub3A_4131 : vector<128x128xf32>
    %integer_pow3A_4133 = arith.mulf %sub3A_4132, %sub3A_4132 : vector<128x128xf32>
    %min3A_4134 = arith.minimumf %min3A_4118, %integer_pow3A_4133 : vector<128x128xf32>
    %get3A_4135 = arith.constant 0 : index
    %get3A_4136 = arith.constant 0 : index
    %get3A_4137 = arith.constant 13824 : index
    %get3A_4138 = vector.load %arg2[%get3A_4135, %get3A_4136, %get3A_4137] : memref<1x1x19200xf32, #tpu.memory_space<vmem>>, vector<1x1x128xf32>
    %get3A_4139 = vector.shape_cast %get3A_4138 : vector<1x1x128xf32> to vector<1x128xf32>
    %ge3A_4140 = arith.constant 1.000000e-03 : f32
    %ge3A_4141 = vector.broadcast %ge3A_4140 : f32 to vector<1x128xf32>
    %ge3A_4142 = arith.cmpf oge, %get3A_4139, %ge3A_4141 : vector<1x128xf32>
    %jit3A_4143 = arith.constant 1.000000e+09 : f32
    %broadcast_in_dim3A_4144 = vector.broadcast %jit3A_4143 : f32 to vector<1x128xf32>
    %select_n3A_4145 = arith.select %ge3A_4142, %get3A_4139, %broadcast_in_dim3A_4144 : vector<1x128xi1>, vector<1x128xf32>
    %sub3A_4146 = vector.broadcast %slice3A_2407 : vector<128x1xf32> to vector<128x128xf32>
    %sub3A_4147 = vector.broadcast %select_n3A_4145 : vector<1x128xf32> to vector<128x128xf32>
    %sub3A_4148 = arith.subf %sub3A_4146, %sub3A_4147 : vector<128x128xf32>
    %integer_pow3A_4149 = arith.mulf %sub3A_4148, %sub3A_4148 : vector<128x128xf32>
    %min3A_4150 = arith.minimumf %min3A_4134, %integer_pow3A_4149 : vector<128x128xf32>
    %get3A_4151 = arith.constant 0 : index
    %get3A_4152 = arith.constant 0 : index
    %get3A_4153 = arith.constant 13952 : index
    %get3A_4154 = vector.load %arg2[%get3A_4151, %get3A_4152, %get3A_4153] : memref<1x1x19200xf32, #tpu.memory_space<vmem>>, vector<1x1x128xf32>
    %get3A_4155 = vector.shape_cast %get3A_4154 : vector<1x1x128xf32> to vector<1x128xf32>
    %ge3A_4156 = arith.constant 1.000000e-03 : f32
    %ge3A_4157 = vector.broadcast %ge3A_4156 : f32 to vector<1x128xf32>
    %ge3A_4158 = arith.cmpf oge, %get3A_4155, %ge3A_4157 : vector<1x128xf32>
    %jit3A_4159 = arith.constant 1.000000e+09 : f32
    %broadcast_in_dim3A_4160 = vector.broadcast %jit3A_4159 : f32 to vector<1x128xf32>
    %select_n3A_4161 = arith.select %ge3A_4158, %get3A_4155, %broadcast_in_dim3A_4160 : vector<1x128xi1>, vector<1x128xf32>
    %sub3A_4162 = vector.broadcast %slice3A_2407 : vector<128x1xf32> to vector<128x128xf32>
    %sub3A_4163 = vector.broadcast %select_n3A_4161 : vector<1x128xf32> to vector<128x128xf32>
    %sub3A_4164 = arith.subf %sub3A_4162, %sub3A_4163 : vector<128x128xf32>
    %integer_pow3A_4165 = arith.mulf %sub3A_4164, %sub3A_4164 : vector<128x128xf32>
    %min3A_4166 = arith.minimumf %min3A_4150, %integer_pow3A_4165 : vector<128x128xf32>
    %get3A_4167 = arith.constant 0 : index
    %get3A_4168 = arith.constant 0 : index
    %get3A_4169 = arith.constant 14080 : index
    %get3A_4170 = vector.load %arg2[%get3A_4167, %get3A_4168, %get3A_4169] : memref<1x1x19200xf32, #tpu.memory_space<vmem>>, vector<1x1x128xf32>
    %get3A_4171 = vector.shape_cast %get3A_4170 : vector<1x1x128xf32> to vector<1x128xf32>
    %ge3A_4172 = arith.constant 1.000000e-03 : f32
    %ge3A_4173 = vector.broadcast %ge3A_4172 : f32 to vector<1x128xf32>
    %ge3A_4174 = arith.cmpf oge, %get3A_4171, %ge3A_4173 : vector<1x128xf32>
    %jit3A_4175 = arith.constant 1.000000e+09 : f32
    %broadcast_in_dim3A_4176 = vector.broadcast %jit3A_4175 : f32 to vector<1x128xf32>
    %select_n3A_4177 = arith.select %ge3A_4174, %get3A_4171, %broadcast_in_dim3A_4176 : vector<1x128xi1>, vector<1x128xf32>
    %sub3A_4178 = vector.broadcast %slice3A_2407 : vector<128x1xf32> to vector<128x128xf32>
    %sub3A_4179 = vector.broadcast %select_n3A_4177 : vector<1x128xf32> to vector<128x128xf32>
    %sub3A_4180 = arith.subf %sub3A_4178, %sub3A_4179 : vector<128x128xf32>
    %integer_pow3A_4181 = arith.mulf %sub3A_4180, %sub3A_4180 : vector<128x128xf32>
    %min3A_4182 = arith.minimumf %min3A_4166, %integer_pow3A_4181 : vector<128x128xf32>
    %get3A_4183 = arith.constant 0 : index
    %get3A_4184 = arith.constant 0 : index
    %get3A_4185 = arith.constant 14208 : index
    %get3A_4186 = vector.load %arg2[%get3A_4183, %get3A_4184, %get3A_4185] : memref<1x1x19200xf32, #tpu.memory_space<vmem>>, vector<1x1x128xf32>
    %get3A_4187 = vector.shape_cast %get3A_4186 : vector<1x1x128xf32> to vector<1x128xf32>
    %ge3A_4188 = arith.constant 1.000000e-03 : f32
    %ge3A_4189 = vector.broadcast %ge3A_4188 : f32 to vector<1x128xf32>
    %ge3A_4190 = arith.cmpf oge, %get3A_4187, %ge3A_4189 : vector<1x128xf32>
    %jit3A_4191 = arith.constant 1.000000e+09 : f32
    %broadcast_in_dim3A_4192 = vector.broadcast %jit3A_4191 : f32 to vector<1x128xf32>
    %select_n3A_4193 = arith.select %ge3A_4190, %get3A_4187, %broadcast_in_dim3A_4192 : vector<1x128xi1>, vector<1x128xf32>
    %sub3A_4194 = vector.broadcast %slice3A_2407 : vector<128x1xf32> to vector<128x128xf32>
    %sub3A_4195 = vector.broadcast %select_n3A_4193 : vector<1x128xf32> to vector<128x128xf32>
    %sub3A_4196 = arith.subf %sub3A_4194, %sub3A_4195 : vector<128x128xf32>
    %integer_pow3A_4197 = arith.mulf %sub3A_4196, %sub3A_4196 : vector<128x128xf32>
    %min3A_4198 = arith.minimumf %min3A_4182, %integer_pow3A_4197 : vector<128x128xf32>
    %get3A_4199 = arith.constant 0 : index
    %get3A_4200 = arith.constant 0 : index
    %get3A_4201 = arith.constant 14336 : index
    %get3A_4202 = vector.load %arg2[%get3A_4199, %get3A_4200, %get3A_4201] : memref<1x1x19200xf32, #tpu.memory_space<vmem>>, vector<1x1x128xf32>
    %get3A_4203 = vector.shape_cast %get3A_4202 : vector<1x1x128xf32> to vector<1x128xf32>
    %ge3A_4204 = arith.constant 1.000000e-03 : f32
    %ge3A_4205 = vector.broadcast %ge3A_4204 : f32 to vector<1x128xf32>
    %ge3A_4206 = arith.cmpf oge, %get3A_4203, %ge3A_4205 : vector<1x128xf32>
    %jit3A_4207 = arith.constant 1.000000e+09 : f32
    %broadcast_in_dim3A_4208 = vector.broadcast %jit3A_4207 : f32 to vector<1x128xf32>
    %select_n3A_4209 = arith.select %ge3A_4206, %get3A_4203, %broadcast_in_dim3A_4208 : vector<1x128xi1>, vector<1x128xf32>
    %sub3A_4210 = vector.broadcast %slice3A_2407 : vector<128x1xf32> to vector<128x128xf32>
    %sub3A_4211 = vector.broadcast %select_n3A_4209 : vector<1x128xf32> to vector<128x128xf32>
    %sub3A_4212 = arith.subf %sub3A_4210, %sub3A_4211 : vector<128x128xf32>
    %integer_pow3A_4213 = arith.mulf %sub3A_4212, %sub3A_4212 : vector<128x128xf32>
    %min3A_4214 = arith.minimumf %min3A_4198, %integer_pow3A_4213 : vector<128x128xf32>
    %get3A_4215 = arith.constant 0 : index
    %get3A_4216 = arith.constant 0 : index
    %get3A_4217 = arith.constant 14464 : index
    %get3A_4218 = vector.load %arg2[%get3A_4215, %get3A_4216, %get3A_4217] : memref<1x1x19200xf32, #tpu.memory_space<vmem>>, vector<1x1x128xf32>
    %get3A_4219 = vector.shape_cast %get3A_4218 : vector<1x1x128xf32> to vector<1x128xf32>
    %ge3A_4220 = arith.constant 1.000000e-03 : f32
    %ge3A_4221 = vector.broadcast %ge3A_4220 : f32 to vector<1x128xf32>
    %ge3A_4222 = arith.cmpf oge, %get3A_4219, %ge3A_4221 : vector<1x128xf32>
    %jit3A_4223 = arith.constant 1.000000e+09 : f32
    %broadcast_in_dim3A_4224 = vector.broadcast %jit3A_4223 : f32 to vector<1x128xf32>
    %select_n3A_4225 = arith.select %ge3A_4222, %get3A_4219, %broadcast_in_dim3A_4224 : vector<1x128xi1>, vector<1x128xf32>
    %sub3A_4226 = vector.broadcast %slice3A_2407 : vector<128x1xf32> to vector<128x128xf32>
    %sub3A_4227 = vector.broadcast %select_n3A_4225 : vector<1x128xf32> to vector<128x128xf32>
    %sub3A_4228 = arith.subf %sub3A_4226, %sub3A_4227 : vector<128x128xf32>
    %integer_pow3A_4229 = arith.mulf %sub3A_4228, %sub3A_4228 : vector<128x128xf32>
    %min3A_4230 = arith.minimumf %min3A_4214, %integer_pow3A_4229 : vector<128x128xf32>
    %get3A_4231 = arith.constant 0 : index
    %get3A_4232 = arith.constant 0 : index
    %get3A_4233 = arith.constant 14592 : index
    %get3A_4234 = vector.load %arg2[%get3A_4231, %get3A_4232, %get3A_4233] : memref<1x1x19200xf32, #tpu.memory_space<vmem>>, vector<1x1x128xf32>
    %get3A_4235 = vector.shape_cast %get3A_4234 : vector<1x1x128xf32> to vector<1x128xf32>
    %ge3A_4236 = arith.constant 1.000000e-03 : f32
    %ge3A_4237 = vector.broadcast %ge3A_4236 : f32 to vector<1x128xf32>
    %ge3A_4238 = arith.cmpf oge, %get3A_4235, %ge3A_4237 : vector<1x128xf32>
    %jit3A_4239 = arith.constant 1.000000e+09 : f32
    %broadcast_in_dim3A_4240 = vector.broadcast %jit3A_4239 : f32 to vector<1x128xf32>
    %select_n3A_4241 = arith.select %ge3A_4238, %get3A_4235, %broadcast_in_dim3A_4240 : vector<1x128xi1>, vector<1x128xf32>
    %sub3A_4242 = vector.broadcast %slice3A_2407 : vector<128x1xf32> to vector<128x128xf32>
    %sub3A_4243 = vector.broadcast %select_n3A_4241 : vector<1x128xf32> to vector<128x128xf32>
    %sub3A_4244 = arith.subf %sub3A_4242, %sub3A_4243 : vector<128x128xf32>
    %integer_pow3A_4245 = arith.mulf %sub3A_4244, %sub3A_4244 : vector<128x128xf32>
    %min3A_4246 = arith.minimumf %min3A_4230, %integer_pow3A_4245 : vector<128x128xf32>
    %get3A_4247 = arith.constant 0 : index
    %get3A_4248 = arith.constant 0 : index
    %get3A_4249 = arith.constant 14720 : index
    %get3A_4250 = vector.load %arg2[%get3A_4247, %get3A_4248, %get3A_4249] : memref<1x1x19200xf32, #tpu.memory_space<vmem>>, vector<1x1x128xf32>
    %get3A_4251 = vector.shape_cast %get3A_4250 : vector<1x1x128xf32> to vector<1x128xf32>
    %ge3A_4252 = arith.constant 1.000000e-03 : f32
    %ge3A_4253 = vector.broadcast %ge3A_4252 : f32 to vector<1x128xf32>
    %ge3A_4254 = arith.cmpf oge, %get3A_4251, %ge3A_4253 : vector<1x128xf32>
    %jit3A_4255 = arith.constant 1.000000e+09 : f32
    %broadcast_in_dim3A_4256 = vector.broadcast %jit3A_4255 : f32 to vector<1x128xf32>
    %select_n3A_4257 = arith.select %ge3A_4254, %get3A_4251, %broadcast_in_dim3A_4256 : vector<1x128xi1>, vector<1x128xf32>
    %sub3A_4258 = vector.broadcast %slice3A_2407 : vector<128x1xf32> to vector<128x128xf32>
    %sub3A_4259 = vector.broadcast %select_n3A_4257 : vector<1x128xf32> to vector<128x128xf32>
    %sub3A_4260 = arith.subf %sub3A_4258, %sub3A_4259 : vector<128x128xf32>
    %integer_pow3A_4261 = arith.mulf %sub3A_4260, %sub3A_4260 : vector<128x128xf32>
    %min3A_4262 = arith.minimumf %min3A_4246, %integer_pow3A_4261 : vector<128x128xf32>
    %get3A_4263 = arith.constant 0 : index
    %get3A_4264 = arith.constant 0 : index
    %get3A_4265 = arith.constant 14848 : index
    %get3A_4266 = vector.load %arg2[%get3A_4263, %get3A_4264, %get3A_4265] : memref<1x1x19200xf32, #tpu.memory_space<vmem>>, vector<1x1x128xf32>
    %get3A_4267 = vector.shape_cast %get3A_4266 : vector<1x1x128xf32> to vector<1x128xf32>
    %ge3A_4268 = arith.constant 1.000000e-03 : f32
    %ge3A_4269 = vector.broadcast %ge3A_4268 : f32 to vector<1x128xf32>
    %ge3A_4270 = arith.cmpf oge, %get3A_4267, %ge3A_4269 : vector<1x128xf32>
    %jit3A_4271 = arith.constant 1.000000e+09 : f32
    %broadcast_in_dim3A_4272 = vector.broadcast %jit3A_4271 : f32 to vector<1x128xf32>
    %select_n3A_4273 = arith.select %ge3A_4270, %get3A_4267, %broadcast_in_dim3A_4272 : vector<1x128xi1>, vector<1x128xf32>
    %sub3A_4274 = vector.broadcast %slice3A_2407 : vector<128x1xf32> to vector<128x128xf32>
    %sub3A_4275 = vector.broadcast %select_n3A_4273 : vector<1x128xf32> to vector<128x128xf32>
    %sub3A_4276 = arith.subf %sub3A_4274, %sub3A_4275 : vector<128x128xf32>
    %integer_pow3A_4277 = arith.mulf %sub3A_4276, %sub3A_4276 : vector<128x128xf32>
    %min3A_4278 = arith.minimumf %min3A_4262, %integer_pow3A_4277 : vector<128x128xf32>
    %get3A_4279 = arith.constant 0 : index
    %get3A_4280 = arith.constant 0 : index
    %get3A_4281 = arith.constant 14976 : index
    %get3A_4282 = vector.load %arg2[%get3A_4279, %get3A_4280, %get3A_4281] : memref<1x1x19200xf32, #tpu.memory_space<vmem>>, vector<1x1x128xf32>
    %get3A_4283 = vector.shape_cast %get3A_4282 : vector<1x1x128xf32> to vector<1x128xf32>
    %ge3A_4284 = arith.constant 1.000000e-03 : f32
    %ge3A_4285 = vector.broadcast %ge3A_4284 : f32 to vector<1x128xf32>
    %ge3A_4286 = arith.cmpf oge, %get3A_4283, %ge3A_4285 : vector<1x128xf32>
    %jit3A_4287 = arith.constant 1.000000e+09 : f32
    %broadcast_in_dim3A_4288 = vector.broadcast %jit3A_4287 : f32 to vector<1x128xf32>
    %select_n3A_4289 = arith.select %ge3A_4286, %get3A_4283, %broadcast_in_dim3A_4288 : vector<1x128xi1>, vector<1x128xf32>
    %sub3A_4290 = vector.broadcast %slice3A_2407 : vector<128x1xf32> to vector<128x128xf32>
    %sub3A_4291 = vector.broadcast %select_n3A_4289 : vector<1x128xf32> to vector<128x128xf32>
    %sub3A_4292 = arith.subf %sub3A_4290, %sub3A_4291 : vector<128x128xf32>
    %integer_pow3A_4293 = arith.mulf %sub3A_4292, %sub3A_4292 : vector<128x128xf32>
    %min3A_4294 = arith.minimumf %min3A_4278, %integer_pow3A_4293 : vector<128x128xf32>
    %get3A_4295 = arith.constant 0 : index
    %get3A_4296 = arith.constant 0 : index
    %get3A_4297 = arith.constant 15104 : index
    %get3A_4298 = vector.load %arg2[%get3A_4295, %get3A_4296, %get3A_4297] : memref<1x1x19200xf32, #tpu.memory_space<vmem>>, vector<1x1x128xf32>
    %get3A_4299 = vector.shape_cast %get3A_4298 : vector<1x1x128xf32> to vector<1x128xf32>
    %ge3A_4300 = arith.constant 1.000000e-03 : f32
    %ge3A_4301 = vector.broadcast %ge3A_4300 : f32 to vector<1x128xf32>
    %ge3A_4302 = arith.cmpf oge, %get3A_4299, %ge3A_4301 : vector<1x128xf32>
    %jit3A_4303 = arith.constant 1.000000e+09 : f32
    %broadcast_in_dim3A_4304 = vector.broadcast %jit3A_4303 : f32 to vector<1x128xf32>
    %select_n3A_4305 = arith.select %ge3A_4302, %get3A_4299, %broadcast_in_dim3A_4304 : vector<1x128xi1>, vector<1x128xf32>
    %sub3A_4306 = vector.broadcast %slice3A_2407 : vector<128x1xf32> to vector<128x128xf32>
    %sub3A_4307 = vector.broadcast %select_n3A_4305 : vector<1x128xf32> to vector<128x128xf32>
    %sub3A_4308 = arith.subf %sub3A_4306, %sub3A_4307 : vector<128x128xf32>
    %integer_pow3A_4309 = arith.mulf %sub3A_4308, %sub3A_4308 : vector<128x128xf32>
    %min3A_4310 = arith.minimumf %min3A_4294, %integer_pow3A_4309 : vector<128x128xf32>
    %get3A_4311 = arith.constant 0 : index
    %get3A_4312 = arith.constant 0 : index
    %get3A_4313 = arith.constant 15232 : index
    %get3A_4314 = vector.load %arg2[%get3A_4311, %get3A_4312, %get3A_4313] : memref<1x1x19200xf32, #tpu.memory_space<vmem>>, vector<1x1x128xf32>
    %get3A_4315 = vector.shape_cast %get3A_4314 : vector<1x1x128xf32> to vector<1x128xf32>
    %ge3A_4316 = arith.constant 1.000000e-03 : f32
    %ge3A_4317 = vector.broadcast %ge3A_4316 : f32 to vector<1x128xf32>
    %ge3A_4318 = arith.cmpf oge, %get3A_4315, %ge3A_4317 : vector<1x128xf32>
    %jit3A_4319 = arith.constant 1.000000e+09 : f32
    %broadcast_in_dim3A_4320 = vector.broadcast %jit3A_4319 : f32 to vector<1x128xf32>
    %select_n3A_4321 = arith.select %ge3A_4318, %get3A_4315, %broadcast_in_dim3A_4320 : vector<1x128xi1>, vector<1x128xf32>
    %sub3A_4322 = vector.broadcast %slice3A_2407 : vector<128x1xf32> to vector<128x128xf32>
    %sub3A_4323 = vector.broadcast %select_n3A_4321 : vector<1x128xf32> to vector<128x128xf32>
    %sub3A_4324 = arith.subf %sub3A_4322, %sub3A_4323 : vector<128x128xf32>
    %integer_pow3A_4325 = arith.mulf %sub3A_4324, %sub3A_4324 : vector<128x128xf32>
    %min3A_4326 = arith.minimumf %min3A_4310, %integer_pow3A_4325 : vector<128x128xf32>
    %get3A_4327 = arith.constant 0 : index
    %get3A_4328 = arith.constant 0 : index
    %get3A_4329 = arith.constant 15360 : index
    %get3A_4330 = vector.load %arg2[%get3A_4327, %get3A_4328, %get3A_4329] : memref<1x1x19200xf32, #tpu.memory_space<vmem>>, vector<1x1x128xf32>
    %get3A_4331 = vector.shape_cast %get3A_4330 : vector<1x1x128xf32> to vector<1x128xf32>
    %ge3A_4332 = arith.constant 1.000000e-03 : f32
    %ge3A_4333 = vector.broadcast %ge3A_4332 : f32 to vector<1x128xf32>
    %ge3A_4334 = arith.cmpf oge, %get3A_4331, %ge3A_4333 : vector<1x128xf32>
    %jit3A_4335 = arith.constant 1.000000e+09 : f32
    %broadcast_in_dim3A_4336 = vector.broadcast %jit3A_4335 : f32 to vector<1x128xf32>
    %select_n3A_4337 = arith.select %ge3A_4334, %get3A_4331, %broadcast_in_dim3A_4336 : vector<1x128xi1>, vector<1x128xf32>
    %sub3A_4338 = vector.broadcast %slice3A_2407 : vector<128x1xf32> to vector<128x128xf32>
    %sub3A_4339 = vector.broadcast %select_n3A_4337 : vector<1x128xf32> to vector<128x128xf32>
    %sub3A_4340 = arith.subf %sub3A_4338, %sub3A_4339 : vector<128x128xf32>
    %integer_pow3A_4341 = arith.mulf %sub3A_4340, %sub3A_4340 : vector<128x128xf32>
    %min3A_4342 = arith.minimumf %min3A_4326, %integer_pow3A_4341 : vector<128x128xf32>
    %get3A_4343 = arith.constant 0 : index
    %get3A_4344 = arith.constant 0 : index
    %get3A_4345 = arith.constant 15488 : index
    %get3A_4346 = vector.load %arg2[%get3A_4343, %get3A_4344, %get3A_4345] : memref<1x1x19200xf32, #tpu.memory_space<vmem>>, vector<1x1x128xf32>
    %get3A_4347 = vector.shape_cast %get3A_4346 : vector<1x1x128xf32> to vector<1x128xf32>
    %ge3A_4348 = arith.constant 1.000000e-03 : f32
    %ge3A_4349 = vector.broadcast %ge3A_4348 : f32 to vector<1x128xf32>
    %ge3A_4350 = arith.cmpf oge, %get3A_4347, %ge3A_4349 : vector<1x128xf32>
    %jit3A_4351 = arith.constant 1.000000e+09 : f32
    %broadcast_in_dim3A_4352 = vector.broadcast %jit3A_4351 : f32 to vector<1x128xf32>
    %select_n3A_4353 = arith.select %ge3A_4350, %get3A_4347, %broadcast_in_dim3A_4352 : vector<1x128xi1>, vector<1x128xf32>
    %sub3A_4354 = vector.broadcast %slice3A_2407 : vector<128x1xf32> to vector<128x128xf32>
    %sub3A_4355 = vector.broadcast %select_n3A_4353 : vector<1x128xf32> to vector<128x128xf32>
    %sub3A_4356 = arith.subf %sub3A_4354, %sub3A_4355 : vector<128x128xf32>
    %integer_pow3A_4357 = arith.mulf %sub3A_4356, %sub3A_4356 : vector<128x128xf32>
    %min3A_4358 = arith.minimumf %min3A_4342, %integer_pow3A_4357 : vector<128x128xf32>
    %get3A_4359 = arith.constant 0 : index
    %get3A_4360 = arith.constant 0 : index
    %get3A_4361 = arith.constant 15616 : index
    %get3A_4362 = vector.load %arg2[%get3A_4359, %get3A_4360, %get3A_4361] : memref<1x1x19200xf32, #tpu.memory_space<vmem>>, vector<1x1x128xf32>
    %get3A_4363 = vector.shape_cast %get3A_4362 : vector<1x1x128xf32> to vector<1x128xf32>
    %ge3A_4364 = arith.constant 1.000000e-03 : f32
    %ge3A_4365 = vector.broadcast %ge3A_4364 : f32 to vector<1x128xf32>
    %ge3A_4366 = arith.cmpf oge, %get3A_4363, %ge3A_4365 : vector<1x128xf32>
    %jit3A_4367 = arith.constant 1.000000e+09 : f32
    %broadcast_in_dim3A_4368 = vector.broadcast %jit3A_4367 : f32 to vector<1x128xf32>
    %select_n3A_4369 = arith.select %ge3A_4366, %get3A_4363, %broadcast_in_dim3A_4368 : vector<1x128xi1>, vector<1x128xf32>
    %sub3A_4370 = vector.broadcast %slice3A_2407 : vector<128x1xf32> to vector<128x128xf32>
    %sub3A_4371 = vector.broadcast %select_n3A_4369 : vector<1x128xf32> to vector<128x128xf32>
    %sub3A_4372 = arith.subf %sub3A_4370, %sub3A_4371 : vector<128x128xf32>
    %integer_pow3A_4373 = arith.mulf %sub3A_4372, %sub3A_4372 : vector<128x128xf32>
    %min3A_4374 = arith.minimumf %min3A_4358, %integer_pow3A_4373 : vector<128x128xf32>
    %get3A_4375 = arith.constant 0 : index
    %get3A_4376 = arith.constant 0 : index
    %get3A_4377 = arith.constant 15744 : index
    %get3A_4378 = vector.load %arg2[%get3A_4375, %get3A_4376, %get3A_4377] : memref<1x1x19200xf32, #tpu.memory_space<vmem>>, vector<1x1x128xf32>
    %get3A_4379 = vector.shape_cast %get3A_4378 : vector<1x1x128xf32> to vector<1x128xf32>
    %ge3A_4380 = arith.constant 1.000000e-03 : f32
    %ge3A_4381 = vector.broadcast %ge3A_4380 : f32 to vector<1x128xf32>
    %ge3A_4382 = arith.cmpf oge, %get3A_4379, %ge3A_4381 : vector<1x128xf32>
    %jit3A_4383 = arith.constant 1.000000e+09 : f32
    %broadcast_in_dim3A_4384 = vector.broadcast %jit3A_4383 : f32 to vector<1x128xf32>
    %select_n3A_4385 = arith.select %ge3A_4382, %get3A_4379, %broadcast_in_dim3A_4384 : vector<1x128xi1>, vector<1x128xf32>
    %sub3A_4386 = vector.broadcast %slice3A_2407 : vector<128x1xf32> to vector<128x128xf32>
    %sub3A_4387 = vector.broadcast %select_n3A_4385 : vector<1x128xf32> to vector<128x128xf32>
    %sub3A_4388 = arith.subf %sub3A_4386, %sub3A_4387 : vector<128x128xf32>
    %integer_pow3A_4389 = arith.mulf %sub3A_4388, %sub3A_4388 : vector<128x128xf32>
    %min3A_4390 = arith.minimumf %min3A_4374, %integer_pow3A_4389 : vector<128x128xf32>
    %get3A_4391 = arith.constant 0 : index
    %get3A_4392 = arith.constant 0 : index
    %get3A_4393 = arith.constant 15872 : index
    %get3A_4394 = vector.load %arg2[%get3A_4391, %get3A_4392, %get3A_4393] : memref<1x1x19200xf32, #tpu.memory_space<vmem>>, vector<1x1x128xf32>
    %get3A_4395 = vector.shape_cast %get3A_4394 : vector<1x1x128xf32> to vector<1x128xf32>
    %ge3A_4396 = arith.constant 1.000000e-03 : f32
    %ge3A_4397 = vector.broadcast %ge3A_4396 : f32 to vector<1x128xf32>
    %ge3A_4398 = arith.cmpf oge, %get3A_4395, %ge3A_4397 : vector<1x128xf32>
    %jit3A_4399 = arith.constant 1.000000e+09 : f32
    %broadcast_in_dim3A_4400 = vector.broadcast %jit3A_4399 : f32 to vector<1x128xf32>
    %select_n3A_4401 = arith.select %ge3A_4398, %get3A_4395, %broadcast_in_dim3A_4400 : vector<1x128xi1>, vector<1x128xf32>
    %sub3A_4402 = vector.broadcast %slice3A_2407 : vector<128x1xf32> to vector<128x128xf32>
    %sub3A_4403 = vector.broadcast %select_n3A_4401 : vector<1x128xf32> to vector<128x128xf32>
    %sub3A_4404 = arith.subf %sub3A_4402, %sub3A_4403 : vector<128x128xf32>
    %integer_pow3A_4405 = arith.mulf %sub3A_4404, %sub3A_4404 : vector<128x128xf32>
    %min3A_4406 = arith.minimumf %min3A_4390, %integer_pow3A_4405 : vector<128x128xf32>
    %get3A_4407 = arith.constant 0 : index
    %get3A_4408 = arith.constant 0 : index
    %get3A_4409 = arith.constant 16000 : index
    %get3A_4410 = vector.load %arg2[%get3A_4407, %get3A_4408, %get3A_4409] : memref<1x1x19200xf32, #tpu.memory_space<vmem>>, vector<1x1x128xf32>
    %get3A_4411 = vector.shape_cast %get3A_4410 : vector<1x1x128xf32> to vector<1x128xf32>
    %ge3A_4412 = arith.constant 1.000000e-03 : f32
    %ge3A_4413 = vector.broadcast %ge3A_4412 : f32 to vector<1x128xf32>
    %ge3A_4414 = arith.cmpf oge, %get3A_4411, %ge3A_4413 : vector<1x128xf32>
    %jit3A_4415 = arith.constant 1.000000e+09 : f32
    %broadcast_in_dim3A_4416 = vector.broadcast %jit3A_4415 : f32 to vector<1x128xf32>
    %select_n3A_4417 = arith.select %ge3A_4414, %get3A_4411, %broadcast_in_dim3A_4416 : vector<1x128xi1>, vector<1x128xf32>
    %sub3A_4418 = vector.broadcast %slice3A_2407 : vector<128x1xf32> to vector<128x128xf32>
    %sub3A_4419 = vector.broadcast %select_n3A_4417 : vector<1x128xf32> to vector<128x128xf32>
    %sub3A_4420 = arith.subf %sub3A_4418, %sub3A_4419 : vector<128x128xf32>
    %integer_pow3A_4421 = arith.mulf %sub3A_4420, %sub3A_4420 : vector<128x128xf32>
    %min3A_4422 = arith.minimumf %min3A_4406, %integer_pow3A_4421 : vector<128x128xf32>
    %get3A_4423 = arith.constant 0 : index
    %get3A_4424 = arith.constant 0 : index
    %get3A_4425 = arith.constant 16128 : index
    %get3A_4426 = vector.load %arg2[%get3A_4423, %get3A_4424, %get3A_4425] : memref<1x1x19200xf32, #tpu.memory_space<vmem>>, vector<1x1x128xf32>
    %get3A_4427 = vector.shape_cast %get3A_4426 : vector<1x1x128xf32> to vector<1x128xf32>
    %ge3A_4428 = arith.constant 1.000000e-03 : f32
    %ge3A_4429 = vector.broadcast %ge3A_4428 : f32 to vector<1x128xf32>
    %ge3A_4430 = arith.cmpf oge, %get3A_4427, %ge3A_4429 : vector<1x128xf32>
    %jit3A_4431 = arith.constant 1.000000e+09 : f32
    %broadcast_in_dim3A_4432 = vector.broadcast %jit3A_4431 : f32 to vector<1x128xf32>
    %select_n3A_4433 = arith.select %ge3A_4430, %get3A_4427, %broadcast_in_dim3A_4432 : vector<1x128xi1>, vector<1x128xf32>
    %sub3A_4434 = vector.broadcast %slice3A_2407 : vector<128x1xf32> to vector<128x128xf32>
    %sub3A_4435 = vector.broadcast %select_n3A_4433 : vector<1x128xf32> to vector<128x128xf32>
    %sub3A_4436 = arith.subf %sub3A_4434, %sub3A_4435 : vector<128x128xf32>
    %integer_pow3A_4437 = arith.mulf %sub3A_4436, %sub3A_4436 : vector<128x128xf32>
    %min3A_4438 = arith.minimumf %min3A_4422, %integer_pow3A_4437 : vector<128x128xf32>
    %get3A_4439 = arith.constant 0 : index
    %get3A_4440 = arith.constant 0 : index
    %get3A_4441 = arith.constant 16256 : index
    %get3A_4442 = vector.load %arg2[%get3A_4439, %get3A_4440, %get3A_4441] : memref<1x1x19200xf32, #tpu.memory_space<vmem>>, vector<1x1x128xf32>
    %get3A_4443 = vector.shape_cast %get3A_4442 : vector<1x1x128xf32> to vector<1x128xf32>
    %ge3A_4444 = arith.constant 1.000000e-03 : f32
    %ge3A_4445 = vector.broadcast %ge3A_4444 : f32 to vector<1x128xf32>
    %ge3A_4446 = arith.cmpf oge, %get3A_4443, %ge3A_4445 : vector<1x128xf32>
    %jit3A_4447 = arith.constant 1.000000e+09 : f32
    %broadcast_in_dim3A_4448 = vector.broadcast %jit3A_4447 : f32 to vector<1x128xf32>
    %select_n3A_4449 = arith.select %ge3A_4446, %get3A_4443, %broadcast_in_dim3A_4448 : vector<1x128xi1>, vector<1x128xf32>
    %sub3A_4450 = vector.broadcast %slice3A_2407 : vector<128x1xf32> to vector<128x128xf32>
    %sub3A_4451 = vector.broadcast %select_n3A_4449 : vector<1x128xf32> to vector<128x128xf32>
    %sub3A_4452 = arith.subf %sub3A_4450, %sub3A_4451 : vector<128x128xf32>
    %integer_pow3A_4453 = arith.mulf %sub3A_4452, %sub3A_4452 : vector<128x128xf32>
    %min3A_4454 = arith.minimumf %min3A_4438, %integer_pow3A_4453 : vector<128x128xf32>
    %get3A_4455 = arith.constant 0 : index
    %get3A_4456 = arith.constant 0 : index
    %get3A_4457 = arith.constant 16384 : index
    %get3A_4458 = vector.load %arg2[%get3A_4455, %get3A_4456, %get3A_4457] : memref<1x1x19200xf32, #tpu.memory_space<vmem>>, vector<1x1x128xf32>
    %get3A_4459 = vector.shape_cast %get3A_4458 : vector<1x1x128xf32> to vector<1x128xf32>
    %ge3A_4460 = arith.constant 1.000000e-03 : f32
    %ge3A_4461 = vector.broadcast %ge3A_4460 : f32 to vector<1x128xf32>
    %ge3A_4462 = arith.cmpf oge, %get3A_4459, %ge3A_4461 : vector<1x128xf32>
    %jit3A_4463 = arith.constant 1.000000e+09 : f32
    %broadcast_in_dim3A_4464 = vector.broadcast %jit3A_4463 : f32 to vector<1x128xf32>
    %select_n3A_4465 = arith.select %ge3A_4462, %get3A_4459, %broadcast_in_dim3A_4464 : vector<1x128xi1>, vector<1x128xf32>
    %sub3A_4466 = vector.broadcast %slice3A_2407 : vector<128x1xf32> to vector<128x128xf32>
    %sub3A_4467 = vector.broadcast %select_n3A_4465 : vector<1x128xf32> to vector<128x128xf32>
    %sub3A_4468 = arith.subf %sub3A_4466, %sub3A_4467 : vector<128x128xf32>
    %integer_pow3A_4469 = arith.mulf %sub3A_4468, %sub3A_4468 : vector<128x128xf32>
    %min3A_4470 = arith.minimumf %min3A_4454, %integer_pow3A_4469 : vector<128x128xf32>
    %get3A_4471 = arith.constant 0 : index
    %get3A_4472 = arith.constant 0 : index
    %get3A_4473 = arith.constant 16512 : index
    %get3A_4474 = vector.load %arg2[%get3A_4471, %get3A_4472, %get3A_4473] : memref<1x1x19200xf32, #tpu.memory_space<vmem>>, vector<1x1x128xf32>
    %get3A_4475 = vector.shape_cast %get3A_4474 : vector<1x1x128xf32> to vector<1x128xf32>
    %ge3A_4476 = arith.constant 1.000000e-03 : f32
    %ge3A_4477 = vector.broadcast %ge3A_4476 : f32 to vector<1x128xf32>
    %ge3A_4478 = arith.cmpf oge, %get3A_4475, %ge3A_4477 : vector<1x128xf32>
    %jit3A_4479 = arith.constant 1.000000e+09 : f32
    %broadcast_in_dim3A_4480 = vector.broadcast %jit3A_4479 : f32 to vector<1x128xf32>
    %select_n3A_4481 = arith.select %ge3A_4478, %get3A_4475, %broadcast_in_dim3A_4480 : vector<1x128xi1>, vector<1x128xf32>
    %sub3A_4482 = vector.broadcast %slice3A_2407 : vector<128x1xf32> to vector<128x128xf32>
    %sub3A_4483 = vector.broadcast %select_n3A_4481 : vector<1x128xf32> to vector<128x128xf32>
    %sub3A_4484 = arith.subf %sub3A_4482, %sub3A_4483 : vector<128x128xf32>
    %integer_pow3A_4485 = arith.mulf %sub3A_4484, %sub3A_4484 : vector<128x128xf32>
    %min3A_4486 = arith.minimumf %min3A_4470, %integer_pow3A_4485 : vector<128x128xf32>
    %get3A_4487 = arith.constant 0 : index
    %get3A_4488 = arith.constant 0 : index
    %get3A_4489 = arith.constant 16640 : index
    %get3A_4490 = vector.load %arg2[%get3A_4487, %get3A_4488, %get3A_4489] : memref<1x1x19200xf32, #tpu.memory_space<vmem>>, vector<1x1x128xf32>
    %get3A_4491 = vector.shape_cast %get3A_4490 : vector<1x1x128xf32> to vector<1x128xf32>
    %ge3A_4492 = arith.constant 1.000000e-03 : f32
    %ge3A_4493 = vector.broadcast %ge3A_4492 : f32 to vector<1x128xf32>
    %ge3A_4494 = arith.cmpf oge, %get3A_4491, %ge3A_4493 : vector<1x128xf32>
    %jit3A_4495 = arith.constant 1.000000e+09 : f32
    %broadcast_in_dim3A_4496 = vector.broadcast %jit3A_4495 : f32 to vector<1x128xf32>
    %select_n3A_4497 = arith.select %ge3A_4494, %get3A_4491, %broadcast_in_dim3A_4496 : vector<1x128xi1>, vector<1x128xf32>
    %sub3A_4498 = vector.broadcast %slice3A_2407 : vector<128x1xf32> to vector<128x128xf32>
    %sub3A_4499 = vector.broadcast %select_n3A_4497 : vector<1x128xf32> to vector<128x128xf32>
    %sub3A_4500 = arith.subf %sub3A_4498, %sub3A_4499 : vector<128x128xf32>
    %integer_pow3A_4501 = arith.mulf %sub3A_4500, %sub3A_4500 : vector<128x128xf32>
    %min3A_4502 = arith.minimumf %min3A_4486, %integer_pow3A_4501 : vector<128x128xf32>
    %get3A_4503 = arith.constant 0 : index
    %get3A_4504 = arith.constant 0 : index
    %get3A_4505 = arith.constant 16768 : index
    %get3A_4506 = vector.load %arg2[%get3A_4503, %get3A_4504, %get3A_4505] : memref<1x1x19200xf32, #tpu.memory_space<vmem>>, vector<1x1x128xf32>
    %get3A_4507 = vector.shape_cast %get3A_4506 : vector<1x1x128xf32> to vector<1x128xf32>
    %ge3A_4508 = arith.constant 1.000000e-03 : f32
    %ge3A_4509 = vector.broadcast %ge3A_4508 : f32 to vector<1x128xf32>
    %ge3A_4510 = arith.cmpf oge, %get3A_4507, %ge3A_4509 : vector<1x128xf32>
    %jit3A_4511 = arith.constant 1.000000e+09 : f32
    %broadcast_in_dim3A_4512 = vector.broadcast %jit3A_4511 : f32 to vector<1x128xf32>
    %select_n3A_4513 = arith.select %ge3A_4510, %get3A_4507, %broadcast_in_dim3A_4512 : vector<1x128xi1>, vector<1x128xf32>
    %sub3A_4514 = vector.broadcast %slice3A_2407 : vector<128x1xf32> to vector<128x128xf32>
    %sub3A_4515 = vector.broadcast %select_n3A_4513 : vector<1x128xf32> to vector<128x128xf32>
    %sub3A_4516 = arith.subf %sub3A_4514, %sub3A_4515 : vector<128x128xf32>
    %integer_pow3A_4517 = arith.mulf %sub3A_4516, %sub3A_4516 : vector<128x128xf32>
    %min3A_4518 = arith.minimumf %min3A_4502, %integer_pow3A_4517 : vector<128x128xf32>
    %get3A_4519 = arith.constant 0 : index
    %get3A_4520 = arith.constant 0 : index
    %get3A_4521 = arith.constant 16896 : index
    %get3A_4522 = vector.load %arg2[%get3A_4519, %get3A_4520, %get3A_4521] : memref<1x1x19200xf32, #tpu.memory_space<vmem>>, vector<1x1x128xf32>
    %get3A_4523 = vector.shape_cast %get3A_4522 : vector<1x1x128xf32> to vector<1x128xf32>
    %ge3A_4524 = arith.constant 1.000000e-03 : f32
    %ge3A_4525 = vector.broadcast %ge3A_4524 : f32 to vector<1x128xf32>
    %ge3A_4526 = arith.cmpf oge, %get3A_4523, %ge3A_4525 : vector<1x128xf32>
    %jit3A_4527 = arith.constant 1.000000e+09 : f32
    %broadcast_in_dim3A_4528 = vector.broadcast %jit3A_4527 : f32 to vector<1x128xf32>
    %select_n3A_4529 = arith.select %ge3A_4526, %get3A_4523, %broadcast_in_dim3A_4528 : vector<1x128xi1>, vector<1x128xf32>
    %sub3A_4530 = vector.broadcast %slice3A_2407 : vector<128x1xf32> to vector<128x128xf32>
    %sub3A_4531 = vector.broadcast %select_n3A_4529 : vector<1x128xf32> to vector<128x128xf32>
    %sub3A_4532 = arith.subf %sub3A_4530, %sub3A_4531 : vector<128x128xf32>
    %integer_pow3A_4533 = arith.mulf %sub3A_4532, %sub3A_4532 : vector<128x128xf32>
    %min3A_4534 = arith.minimumf %min3A_4518, %integer_pow3A_4533 : vector<128x128xf32>
    %get3A_4535 = arith.constant 0 : index
    %get3A_4536 = arith.constant 0 : index
    %get3A_4537 = arith.constant 17024 : index
    %get3A_4538 = vector.load %arg2[%get3A_4535, %get3A_4536, %get3A_4537] : memref<1x1x19200xf32, #tpu.memory_space<vmem>>, vector<1x1x128xf32>
    %get3A_4539 = vector.shape_cast %get3A_4538 : vector<1x1x128xf32> to vector<1x128xf32>
    %ge3A_4540 = arith.constant 1.000000e-03 : f32
    %ge3A_4541 = vector.broadcast %ge3A_4540 : f32 to vector<1x128xf32>
    %ge3A_4542 = arith.cmpf oge, %get3A_4539, %ge3A_4541 : vector<1x128xf32>
    %jit3A_4543 = arith.constant 1.000000e+09 : f32
    %broadcast_in_dim3A_4544 = vector.broadcast %jit3A_4543 : f32 to vector<1x128xf32>
    %select_n3A_4545 = arith.select %ge3A_4542, %get3A_4539, %broadcast_in_dim3A_4544 : vector<1x128xi1>, vector<1x128xf32>
    %sub3A_4546 = vector.broadcast %slice3A_2407 : vector<128x1xf32> to vector<128x128xf32>
    %sub3A_4547 = vector.broadcast %select_n3A_4545 : vector<1x128xf32> to vector<128x128xf32>
    %sub3A_4548 = arith.subf %sub3A_4546, %sub3A_4547 : vector<128x128xf32>
    %integer_pow3A_4549 = arith.mulf %sub3A_4548, %sub3A_4548 : vector<128x128xf32>
    %min3A_4550 = arith.minimumf %min3A_4534, %integer_pow3A_4549 : vector<128x128xf32>
    %get3A_4551 = arith.constant 0 : index
    %get3A_4552 = arith.constant 0 : index
    %get3A_4553 = arith.constant 17152 : index
    %get3A_4554 = vector.load %arg2[%get3A_4551, %get3A_4552, %get3A_4553] : memref<1x1x19200xf32, #tpu.memory_space<vmem>>, vector<1x1x128xf32>
    %get3A_4555 = vector.shape_cast %get3A_4554 : vector<1x1x128xf32> to vector<1x128xf32>
    %ge3A_4556 = arith.constant 1.000000e-03 : f32
    %ge3A_4557 = vector.broadcast %ge3A_4556 : f32 to vector<1x128xf32>
    %ge3A_4558 = arith.cmpf oge, %get3A_4555, %ge3A_4557 : vector<1x128xf32>
    %jit3A_4559 = arith.constant 1.000000e+09 : f32
    %broadcast_in_dim3A_4560 = vector.broadcast %jit3A_4559 : f32 to vector<1x128xf32>
    %select_n3A_4561 = arith.select %ge3A_4558, %get3A_4555, %broadcast_in_dim3A_4560 : vector<1x128xi1>, vector<1x128xf32>
    %sub3A_4562 = vector.broadcast %slice3A_2407 : vector<128x1xf32> to vector<128x128xf32>
    %sub3A_4563 = vector.broadcast %select_n3A_4561 : vector<1x128xf32> to vector<128x128xf32>
    %sub3A_4564 = arith.subf %sub3A_4562, %sub3A_4563 : vector<128x128xf32>
    %integer_pow3A_4565 = arith.mulf %sub3A_4564, %sub3A_4564 : vector<128x128xf32>
    %min3A_4566 = arith.minimumf %min3A_4550, %integer_pow3A_4565 : vector<128x128xf32>
    %get3A_4567 = arith.constant 0 : index
    %get3A_4568 = arith.constant 0 : index
    %get3A_4569 = arith.constant 17280 : index
    %get3A_4570 = vector.load %arg2[%get3A_4567, %get3A_4568, %get3A_4569] : memref<1x1x19200xf32, #tpu.memory_space<vmem>>, vector<1x1x128xf32>
    %get3A_4571 = vector.shape_cast %get3A_4570 : vector<1x1x128xf32> to vector<1x128xf32>
    %ge3A_4572 = arith.constant 1.000000e-03 : f32
    %ge3A_4573 = vector.broadcast %ge3A_4572 : f32 to vector<1x128xf32>
    %ge3A_4574 = arith.cmpf oge, %get3A_4571, %ge3A_4573 : vector<1x128xf32>
    %jit3A_4575 = arith.constant 1.000000e+09 : f32
    %broadcast_in_dim3A_4576 = vector.broadcast %jit3A_4575 : f32 to vector<1x128xf32>
    %select_n3A_4577 = arith.select %ge3A_4574, %get3A_4571, %broadcast_in_dim3A_4576 : vector<1x128xi1>, vector<1x128xf32>
    %sub3A_4578 = vector.broadcast %slice3A_2407 : vector<128x1xf32> to vector<128x128xf32>
    %sub3A_4579 = vector.broadcast %select_n3A_4577 : vector<1x128xf32> to vector<128x128xf32>
    %sub3A_4580 = arith.subf %sub3A_4578, %sub3A_4579 : vector<128x128xf32>
    %integer_pow3A_4581 = arith.mulf %sub3A_4580, %sub3A_4580 : vector<128x128xf32>
    %min3A_4582 = arith.minimumf %min3A_4566, %integer_pow3A_4581 : vector<128x128xf32>
    %get3A_4583 = arith.constant 0 : index
    %get3A_4584 = arith.constant 0 : index
    %get3A_4585 = arith.constant 17408 : index
    %get3A_4586 = vector.load %arg2[%get3A_4583, %get3A_4584, %get3A_4585] : memref<1x1x19200xf32, #tpu.memory_space<vmem>>, vector<1x1x128xf32>
    %get3A_4587 = vector.shape_cast %get3A_4586 : vector<1x1x128xf32> to vector<1x128xf32>
    %ge3A_4588 = arith.constant 1.000000e-03 : f32
    %ge3A_4589 = vector.broadcast %ge3A_4588 : f32 to vector<1x128xf32>
    %ge3A_4590 = arith.cmpf oge, %get3A_4587, %ge3A_4589 : vector<1x128xf32>
    %jit3A_4591 = arith.constant 1.000000e+09 : f32
    %broadcast_in_dim3A_4592 = vector.broadcast %jit3A_4591 : f32 to vector<1x128xf32>
    %select_n3A_4593 = arith.select %ge3A_4590, %get3A_4587, %broadcast_in_dim3A_4592 : vector<1x128xi1>, vector<1x128xf32>
    %sub3A_4594 = vector.broadcast %slice3A_2407 : vector<128x1xf32> to vector<128x128xf32>
    %sub3A_4595 = vector.broadcast %select_n3A_4593 : vector<1x128xf32> to vector<128x128xf32>
    %sub3A_4596 = arith.subf %sub3A_4594, %sub3A_4595 : vector<128x128xf32>
    %integer_pow3A_4597 = arith.mulf %sub3A_4596, %sub3A_4596 : vector<128x128xf32>
    %min3A_4598 = arith.minimumf %min3A_4582, %integer_pow3A_4597 : vector<128x128xf32>
    %get3A_4599 = arith.constant 0 : index
    %get3A_4600 = arith.constant 0 : index
    %get3A_4601 = arith.constant 17536 : index
    %get3A_4602 = vector.load %arg2[%get3A_4599, %get3A_4600, %get3A_4601] : memref<1x1x19200xf32, #tpu.memory_space<vmem>>, vector<1x1x128xf32>
    %get3A_4603 = vector.shape_cast %get3A_4602 : vector<1x1x128xf32> to vector<1x128xf32>
    %ge3A_4604 = arith.constant 1.000000e-03 : f32
    %ge3A_4605 = vector.broadcast %ge3A_4604 : f32 to vector<1x128xf32>
    %ge3A_4606 = arith.cmpf oge, %get3A_4603, %ge3A_4605 : vector<1x128xf32>
    %jit3A_4607 = arith.constant 1.000000e+09 : f32
    %broadcast_in_dim3A_4608 = vector.broadcast %jit3A_4607 : f32 to vector<1x128xf32>
    %select_n3A_4609 = arith.select %ge3A_4606, %get3A_4603, %broadcast_in_dim3A_4608 : vector<1x128xi1>, vector<1x128xf32>
    %sub3A_4610 = vector.broadcast %slice3A_2407 : vector<128x1xf32> to vector<128x128xf32>
    %sub3A_4611 = vector.broadcast %select_n3A_4609 : vector<1x128xf32> to vector<128x128xf32>
    %sub3A_4612 = arith.subf %sub3A_4610, %sub3A_4611 : vector<128x128xf32>
    %integer_pow3A_4613 = arith.mulf %sub3A_4612, %sub3A_4612 : vector<128x128xf32>
    %min3A_4614 = arith.minimumf %min3A_4598, %integer_pow3A_4613 : vector<128x128xf32>
    %get3A_4615 = arith.constant 0 : index
    %get3A_4616 = arith.constant 0 : index
    %get3A_4617 = arith.constant 17664 : index
    %get3A_4618 = vector.load %arg2[%get3A_4615, %get3A_4616, %get3A_4617] : memref<1x1x19200xf32, #tpu.memory_space<vmem>>, vector<1x1x128xf32>
    %get3A_4619 = vector.shape_cast %get3A_4618 : vector<1x1x128xf32> to vector<1x128xf32>
    %ge3A_4620 = arith.constant 1.000000e-03 : f32
    %ge3A_4621 = vector.broadcast %ge3A_4620 : f32 to vector<1x128xf32>
    %ge3A_4622 = arith.cmpf oge, %get3A_4619, %ge3A_4621 : vector<1x128xf32>
    %jit3A_4623 = arith.constant 1.000000e+09 : f32
    %broadcast_in_dim3A_4624 = vector.broadcast %jit3A_4623 : f32 to vector<1x128xf32>
    %select_n3A_4625 = arith.select %ge3A_4622, %get3A_4619, %broadcast_in_dim3A_4624 : vector<1x128xi1>, vector<1x128xf32>
    %sub3A_4626 = vector.broadcast %slice3A_2407 : vector<128x1xf32> to vector<128x128xf32>
    %sub3A_4627 = vector.broadcast %select_n3A_4625 : vector<1x128xf32> to vector<128x128xf32>
    %sub3A_4628 = arith.subf %sub3A_4626, %sub3A_4627 : vector<128x128xf32>
    %integer_pow3A_4629 = arith.mulf %sub3A_4628, %sub3A_4628 : vector<128x128xf32>
    %min3A_4630 = arith.minimumf %min3A_4614, %integer_pow3A_4629 : vector<128x128xf32>
    %get3A_4631 = arith.constant 0 : index
    %get3A_4632 = arith.constant 0 : index
    %get3A_4633 = arith.constant 17792 : index
    %get3A_4634 = vector.load %arg2[%get3A_4631, %get3A_4632, %get3A_4633] : memref<1x1x19200xf32, #tpu.memory_space<vmem>>, vector<1x1x128xf32>
    %get3A_4635 = vector.shape_cast %get3A_4634 : vector<1x1x128xf32> to vector<1x128xf32>
    %ge3A_4636 = arith.constant 1.000000e-03 : f32
    %ge3A_4637 = vector.broadcast %ge3A_4636 : f32 to vector<1x128xf32>
    %ge3A_4638 = arith.cmpf oge, %get3A_4635, %ge3A_4637 : vector<1x128xf32>
    %jit3A_4639 = arith.constant 1.000000e+09 : f32
    %broadcast_in_dim3A_4640 = vector.broadcast %jit3A_4639 : f32 to vector<1x128xf32>
    %select_n3A_4641 = arith.select %ge3A_4638, %get3A_4635, %broadcast_in_dim3A_4640 : vector<1x128xi1>, vector<1x128xf32>
    %sub3A_4642 = vector.broadcast %slice3A_2407 : vector<128x1xf32> to vector<128x128xf32>
    %sub3A_4643 = vector.broadcast %select_n3A_4641 : vector<1x128xf32> to vector<128x128xf32>
    %sub3A_4644 = arith.subf %sub3A_4642, %sub3A_4643 : vector<128x128xf32>
    %integer_pow3A_4645 = arith.mulf %sub3A_4644, %sub3A_4644 : vector<128x128xf32>
    %min3A_4646 = arith.minimumf %min3A_4630, %integer_pow3A_4645 : vector<128x128xf32>
    %get3A_4647 = arith.constant 0 : index
    %get3A_4648 = arith.constant 0 : index
    %get3A_4649 = arith.constant 17920 : index
    %get3A_4650 = vector.load %arg2[%get3A_4647, %get3A_4648, %get3A_4649] : memref<1x1x19200xf32, #tpu.memory_space<vmem>>, vector<1x1x128xf32>
    %get3A_4651 = vector.shape_cast %get3A_4650 : vector<1x1x128xf32> to vector<1x128xf32>
    %ge3A_4652 = arith.constant 1.000000e-03 : f32
    %ge3A_4653 = vector.broadcast %ge3A_4652 : f32 to vector<1x128xf32>
    %ge3A_4654 = arith.cmpf oge, %get3A_4651, %ge3A_4653 : vector<1x128xf32>
    %jit3A_4655 = arith.constant 1.000000e+09 : f32
    %broadcast_in_dim3A_4656 = vector.broadcast %jit3A_4655 : f32 to vector<1x128xf32>
    %select_n3A_4657 = arith.select %ge3A_4654, %get3A_4651, %broadcast_in_dim3A_4656 : vector<1x128xi1>, vector<1x128xf32>
    %sub3A_4658 = vector.broadcast %slice3A_2407 : vector<128x1xf32> to vector<128x128xf32>
    %sub3A_4659 = vector.broadcast %select_n3A_4657 : vector<1x128xf32> to vector<128x128xf32>
    %sub3A_4660 = arith.subf %sub3A_4658, %sub3A_4659 : vector<128x128xf32>
    %integer_pow3A_4661 = arith.mulf %sub3A_4660, %sub3A_4660 : vector<128x128xf32>
    %min3A_4662 = arith.minimumf %min3A_4646, %integer_pow3A_4661 : vector<128x128xf32>
    %get3A_4663 = arith.constant 0 : index
    %get3A_4664 = arith.constant 0 : index
    %get3A_4665 = arith.constant 18048 : index
    %get3A_4666 = vector.load %arg2[%get3A_4663, %get3A_4664, %get3A_4665] : memref<1x1x19200xf32, #tpu.memory_space<vmem>>, vector<1x1x128xf32>
    %get3A_4667 = vector.shape_cast %get3A_4666 : vector<1x1x128xf32> to vector<1x128xf32>
    %ge3A_4668 = arith.constant 1.000000e-03 : f32
    %ge3A_4669 = vector.broadcast %ge3A_4668 : f32 to vector<1x128xf32>
    %ge3A_4670 = arith.cmpf oge, %get3A_4667, %ge3A_4669 : vector<1x128xf32>
    %jit3A_4671 = arith.constant 1.000000e+09 : f32
    %broadcast_in_dim3A_4672 = vector.broadcast %jit3A_4671 : f32 to vector<1x128xf32>
    %select_n3A_4673 = arith.select %ge3A_4670, %get3A_4667, %broadcast_in_dim3A_4672 : vector<1x128xi1>, vector<1x128xf32>
    %sub3A_4674 = vector.broadcast %slice3A_2407 : vector<128x1xf32> to vector<128x128xf32>
    %sub3A_4675 = vector.broadcast %select_n3A_4673 : vector<1x128xf32> to vector<128x128xf32>
    %sub3A_4676 = arith.subf %sub3A_4674, %sub3A_4675 : vector<128x128xf32>
    %integer_pow3A_4677 = arith.mulf %sub3A_4676, %sub3A_4676 : vector<128x128xf32>
    %min3A_4678 = arith.minimumf %min3A_4662, %integer_pow3A_4677 : vector<128x128xf32>
    %get3A_4679 = arith.constant 0 : index
    %get3A_4680 = arith.constant 0 : index
    %get3A_4681 = arith.constant 18176 : index
    %get3A_4682 = vector.load %arg2[%get3A_4679, %get3A_4680, %get3A_4681] : memref<1x1x19200xf32, #tpu.memory_space<vmem>>, vector<1x1x128xf32>
    %get3A_4683 = vector.shape_cast %get3A_4682 : vector<1x1x128xf32> to vector<1x128xf32>
    %ge3A_4684 = arith.constant 1.000000e-03 : f32
    %ge3A_4685 = vector.broadcast %ge3A_4684 : f32 to vector<1x128xf32>
    %ge3A_4686 = arith.cmpf oge, %get3A_4683, %ge3A_4685 : vector<1x128xf32>
    %jit3A_4687 = arith.constant 1.000000e+09 : f32
    %broadcast_in_dim3A_4688 = vector.broadcast %jit3A_4687 : f32 to vector<1x128xf32>
    %select_n3A_4689 = arith.select %ge3A_4686, %get3A_4683, %broadcast_in_dim3A_4688 : vector<1x128xi1>, vector<1x128xf32>
    %sub3A_4690 = vector.broadcast %slice3A_2407 : vector<128x1xf32> to vector<128x128xf32>
    %sub3A_4691 = vector.broadcast %select_n3A_4689 : vector<1x128xf32> to vector<128x128xf32>
    %sub3A_4692 = arith.subf %sub3A_4690, %sub3A_4691 : vector<128x128xf32>
    %integer_pow3A_4693 = arith.mulf %sub3A_4692, %sub3A_4692 : vector<128x128xf32>
    %min3A_4694 = arith.minimumf %min3A_4678, %integer_pow3A_4693 : vector<128x128xf32>
    %get3A_4695 = arith.constant 0 : index
    %get3A_4696 = arith.constant 0 : index
    %get3A_4697 = arith.constant 18304 : index
    %get3A_4698 = vector.load %arg2[%get3A_4695, %get3A_4696, %get3A_4697] : memref<1x1x19200xf32, #tpu.memory_space<vmem>>, vector<1x1x128xf32>
    %get3A_4699 = vector.shape_cast %get3A_4698 : vector<1x1x128xf32> to vector<1x128xf32>
    %ge3A_4700 = arith.constant 1.000000e-03 : f32
    %ge3A_4701 = vector.broadcast %ge3A_4700 : f32 to vector<1x128xf32>
    %ge3A_4702 = arith.cmpf oge, %get3A_4699, %ge3A_4701 : vector<1x128xf32>
    %jit3A_4703 = arith.constant 1.000000e+09 : f32
    %broadcast_in_dim3A_4704 = vector.broadcast %jit3A_4703 : f32 to vector<1x128xf32>
    %select_n3A_4705 = arith.select %ge3A_4702, %get3A_4699, %broadcast_in_dim3A_4704 : vector<1x128xi1>, vector<1x128xf32>
    %sub3A_4706 = vector.broadcast %slice3A_2407 : vector<128x1xf32> to vector<128x128xf32>
    %sub3A_4707 = vector.broadcast %select_n3A_4705 : vector<1x128xf32> to vector<128x128xf32>
    %sub3A_4708 = arith.subf %sub3A_4706, %sub3A_4707 : vector<128x128xf32>
    %integer_pow3A_4709 = arith.mulf %sub3A_4708, %sub3A_4708 : vector<128x128xf32>
    %min3A_4710 = arith.minimumf %min3A_4694, %integer_pow3A_4709 : vector<128x128xf32>
    %get3A_4711 = arith.constant 0 : index
    %get3A_4712 = arith.constant 0 : index
    %get3A_4713 = arith.constant 18432 : index
    %get3A_4714 = vector.load %arg2[%get3A_4711, %get3A_4712, %get3A_4713] : memref<1x1x19200xf32, #tpu.memory_space<vmem>>, vector<1x1x128xf32>
    %get3A_4715 = vector.shape_cast %get3A_4714 : vector<1x1x128xf32> to vector<1x128xf32>
    %ge3A_4716 = arith.constant 1.000000e-03 : f32
    %ge3A_4717 = vector.broadcast %ge3A_4716 : f32 to vector<1x128xf32>
    %ge3A_4718 = arith.cmpf oge, %get3A_4715, %ge3A_4717 : vector<1x128xf32>
    %jit3A_4719 = arith.constant 1.000000e+09 : f32
    %broadcast_in_dim3A_4720 = vector.broadcast %jit3A_4719 : f32 to vector<1x128xf32>
    %select_n3A_4721 = arith.select %ge3A_4718, %get3A_4715, %broadcast_in_dim3A_4720 : vector<1x128xi1>, vector<1x128xf32>
    %sub3A_4722 = vector.broadcast %slice3A_2407 : vector<128x1xf32> to vector<128x128xf32>
    %sub3A_4723 = vector.broadcast %select_n3A_4721 : vector<1x128xf32> to vector<128x128xf32>
    %sub3A_4724 = arith.subf %sub3A_4722, %sub3A_4723 : vector<128x128xf32>
    %integer_pow3A_4725 = arith.mulf %sub3A_4724, %sub3A_4724 : vector<128x128xf32>
    %min3A_4726 = arith.minimumf %min3A_4710, %integer_pow3A_4725 : vector<128x128xf32>
    %get3A_4727 = arith.constant 0 : index
    %get3A_4728 = arith.constant 0 : index
    %get3A_4729 = arith.constant 18560 : index
    %get3A_4730 = vector.load %arg2[%get3A_4727, %get3A_4728, %get3A_4729] : memref<1x1x19200xf32, #tpu.memory_space<vmem>>, vector<1x1x128xf32>
    %get3A_4731 = vector.shape_cast %get3A_4730 : vector<1x1x128xf32> to vector<1x128xf32>
    %ge3A_4732 = arith.constant 1.000000e-03 : f32
    %ge3A_4733 = vector.broadcast %ge3A_4732 : f32 to vector<1x128xf32>
    %ge3A_4734 = arith.cmpf oge, %get3A_4731, %ge3A_4733 : vector<1x128xf32>
    %jit3A_4735 = arith.constant 1.000000e+09 : f32
    %broadcast_in_dim3A_4736 = vector.broadcast %jit3A_4735 : f32 to vector<1x128xf32>
    %select_n3A_4737 = arith.select %ge3A_4734, %get3A_4731, %broadcast_in_dim3A_4736 : vector<1x128xi1>, vector<1x128xf32>
    %sub3A_4738 = vector.broadcast %slice3A_2407 : vector<128x1xf32> to vector<128x128xf32>
    %sub3A_4739 = vector.broadcast %select_n3A_4737 : vector<1x128xf32> to vector<128x128xf32>
    %sub3A_4740 = arith.subf %sub3A_4738, %sub3A_4739 : vector<128x128xf32>
    %integer_pow3A_4741 = arith.mulf %sub3A_4740, %sub3A_4740 : vector<128x128xf32>
    %min3A_4742 = arith.minimumf %min3A_4726, %integer_pow3A_4741 : vector<128x128xf32>
    %get3A_4743 = arith.constant 0 : index
    %get3A_4744 = arith.constant 0 : index
    %get3A_4745 = arith.constant 18688 : index
    %get3A_4746 = vector.load %arg2[%get3A_4743, %get3A_4744, %get3A_4745] : memref<1x1x19200xf32, #tpu.memory_space<vmem>>, vector<1x1x128xf32>
    %get3A_4747 = vector.shape_cast %get3A_4746 : vector<1x1x128xf32> to vector<1x128xf32>
    %ge3A_4748 = arith.constant 1.000000e-03 : f32
    %ge3A_4749 = vector.broadcast %ge3A_4748 : f32 to vector<1x128xf32>
    %ge3A_4750 = arith.cmpf oge, %get3A_4747, %ge3A_4749 : vector<1x128xf32>
    %jit3A_4751 = arith.constant 1.000000e+09 : f32
    %broadcast_in_dim3A_4752 = vector.broadcast %jit3A_4751 : f32 to vector<1x128xf32>
    %select_n3A_4753 = arith.select %ge3A_4750, %get3A_4747, %broadcast_in_dim3A_4752 : vector<1x128xi1>, vector<1x128xf32>
    %sub3A_4754 = vector.broadcast %slice3A_2407 : vector<128x1xf32> to vector<128x128xf32>
    %sub3A_4755 = vector.broadcast %select_n3A_4753 : vector<1x128xf32> to vector<128x128xf32>
    %sub3A_4756 = arith.subf %sub3A_4754, %sub3A_4755 : vector<128x128xf32>
    %integer_pow3A_4757 = arith.mulf %sub3A_4756, %sub3A_4756 : vector<128x128xf32>
    %min3A_4758 = arith.minimumf %min3A_4742, %integer_pow3A_4757 : vector<128x128xf32>
    %get3A_4759 = arith.constant 0 : index
    %get3A_4760 = arith.constant 0 : index
    %get3A_4761 = arith.constant 18816 : index
    %get3A_4762 = vector.load %arg2[%get3A_4759, %get3A_4760, %get3A_4761] : memref<1x1x19200xf32, #tpu.memory_space<vmem>>, vector<1x1x128xf32>
    %get3A_4763 = vector.shape_cast %get3A_4762 : vector<1x1x128xf32> to vector<1x128xf32>
    %ge3A_4764 = arith.constant 1.000000e-03 : f32
    %ge3A_4765 = vector.broadcast %ge3A_4764 : f32 to vector<1x128xf32>
    %ge3A_4766 = arith.cmpf oge, %get3A_4763, %ge3A_4765 : vector<1x128xf32>
    %jit3A_4767 = arith.constant 1.000000e+09 : f32
    %broadcast_in_dim3A_4768 = vector.broadcast %jit3A_4767 : f32 to vector<1x128xf32>
    %select_n3A_4769 = arith.select %ge3A_4766, %get3A_4763, %broadcast_in_dim3A_4768 : vector<1x128xi1>, vector<1x128xf32>
    %sub3A_4770 = vector.broadcast %slice3A_2407 : vector<128x1xf32> to vector<128x128xf32>
    %sub3A_4771 = vector.broadcast %select_n3A_4769 : vector<1x128xf32> to vector<128x128xf32>
    %sub3A_4772 = arith.subf %sub3A_4770, %sub3A_4771 : vector<128x128xf32>
    %integer_pow3A_4773 = arith.mulf %sub3A_4772, %sub3A_4772 : vector<128x128xf32>
    %min3A_4774 = arith.minimumf %min3A_4758, %integer_pow3A_4773 : vector<128x128xf32>
    %get3A_4775 = arith.constant 0 : index
    %get3A_4776 = arith.constant 0 : index
    %get3A_4777 = arith.constant 18944 : index
    %get3A_4778 = vector.load %arg2[%get3A_4775, %get3A_4776, %get3A_4777] : memref<1x1x19200xf32, #tpu.memory_space<vmem>>, vector<1x1x128xf32>
    %get3A_4779 = vector.shape_cast %get3A_4778 : vector<1x1x128xf32> to vector<1x128xf32>
    %ge3A_4780 = arith.constant 1.000000e-03 : f32
    %ge3A_4781 = vector.broadcast %ge3A_4780 : f32 to vector<1x128xf32>
    %ge3A_4782 = arith.cmpf oge, %get3A_4779, %ge3A_4781 : vector<1x128xf32>
    %jit3A_4783 = arith.constant 1.000000e+09 : f32
    %broadcast_in_dim3A_4784 = vector.broadcast %jit3A_4783 : f32 to vector<1x128xf32>
    %select_n3A_4785 = arith.select %ge3A_4782, %get3A_4779, %broadcast_in_dim3A_4784 : vector<1x128xi1>, vector<1x128xf32>
    %sub3A_4786 = vector.broadcast %slice3A_2407 : vector<128x1xf32> to vector<128x128xf32>
    %sub3A_4787 = vector.broadcast %select_n3A_4785 : vector<1x128xf32> to vector<128x128xf32>
    %sub3A_4788 = arith.subf %sub3A_4786, %sub3A_4787 : vector<128x128xf32>
    %integer_pow3A_4789 = arith.mulf %sub3A_4788, %sub3A_4788 : vector<128x128xf32>
    %min3A_4790 = arith.minimumf %min3A_4774, %integer_pow3A_4789 : vector<128x128xf32>
    %get3A_4791 = arith.constant 0 : index
    %get3A_4792 = arith.constant 0 : index
    %get3A_4793 = arith.constant 19072 : index
    %get3A_4794 = vector.load %arg2[%get3A_4791, %get3A_4792, %get3A_4793] : memref<1x1x19200xf32, #tpu.memory_space<vmem>>, vector<1x1x128xf32>
    %get3A_4795 = vector.shape_cast %get3A_4794 : vector<1x1x128xf32> to vector<1x128xf32>
    %ge3A_4796 = arith.constant 1.000000e-03 : f32
    %ge3A_4797 = vector.broadcast %ge3A_4796 : f32 to vector<1x128xf32>
    %ge3A_4798 = arith.cmpf oge, %get3A_4795, %ge3A_4797 : vector<1x128xf32>
    %jit3A_4799 = arith.constant 1.000000e+09 : f32
    %broadcast_in_dim3A_4800 = vector.broadcast %jit3A_4799 : f32 to vector<1x128xf32>
    %select_n3A_4801 = arith.select %ge3A_4798, %get3A_4795, %broadcast_in_dim3A_4800 : vector<1x128xi1>, vector<1x128xf32>
    %sub3A_4802 = vector.broadcast %slice3A_2407 : vector<128x1xf32> to vector<128x128xf32>
    %sub3A_4803 = vector.broadcast %select_n3A_4801 : vector<1x128xf32> to vector<128x128xf32>
    %sub3A_4804 = arith.subf %sub3A_4802, %sub3A_4803 : vector<128x128xf32>
    %integer_pow3A_4805 = arith.mulf %sub3A_4804, %sub3A_4804 : vector<128x128xf32>
    %min3A_4806 = arith.minimumf %min3A_4790, %integer_pow3A_4805 : vector<128x128xf32>
    %reduce_min3A_4807 = arith.constant dense<0x7F800000> : vector<128xf32>
    %reduce_min3A_4808 = vector.multi_reduction <minimumf>, %min3A_4806, %reduce_min3A_4807 [1] : vector<128x128xf32> to vector<128xf32>
    %reduce_sum3A_4809 = vector.shape_cast %reduce_min3A_4808 : vector<128xf32> to vector<1x128xf32>
    %reduce_sum3A_4810 = arith.constant dense<0.000000e+00> : vector<1xf32>
    %reduce_sum3A_4811 = vector.multi_reduction <add>, %reduce_sum3A_4809, %reduce_sum3A_4810 [1] : vector<1x128xf32> to vector<1xf32>
    %reduce_sum3A_4812 = vector.shape_cast %reduce_sum3A_4811 : vector<1xf32> to vector<1x1xf32>
    %reduce_sum3A_4813 = vector.extract %reduce_sum3A_4812[0, 0] : f32 from vector<1x1xf32>
    %add3A_4814 = arith.addf %add3A_2401, %reduce_sum3A_4813 : f32
    %div3A = arith.constant 2.560000e+02 : f32
    %div3A_4815 = arith.divf %add3A_4814, %div3A : f32
    %broadcast_in_dim3A_4816 = vector.broadcast %div3A_4815 : f32 to vector<1x128xf32>
    %swap3A = arith.constant 0 : index
    %swap3A_4817 = arith.constant 0 : index
    %swap3A_4818 = arith.constant 0 : index
    %swap3A_4819 = vector.load %arg3[%swap3A, %swap3A_4817, %swap3A_4818] : memref<1x1x128xf32, #tpu.memory_space<vmem>>, vector<1x1x128xf32>
    %swap3A_4820 = vector.shape_cast %swap3A_4819 : vector<1x1x128xf32> to vector<1x128xf32>
    %swap3A_4821 = vector.shape_cast %broadcast_in_dim3A_4816 : vector<1x128xf32> to vector<1x1x128xf32>
    tpu.vector_store %arg3[%swap3A, %swap3A_4817, %swap3A_4818], %swap3A_4821 {strides = array<i32>} : memref<1x1x128xf32, #tpu.memory_space<vmem>>, vector<1x1x128xf32>,
    return
  }
  func.func @transform_0(%arg0: i32) -> (i32, i32, i32) {
    %c0_i32 = arith.constant 0 : i32
    %c0_i32_0 = arith.constant 0 : i32
    %c0_i32_1 = arith.constant 0 : i32
    return %arg0, %c0_i32, %c0_i32_0 : i32, i32, i32
  }
  func.func @transform_1(%arg0: i32) -> (i32, i32, i32) {
    %c0_i32 = arith.constant 0 : i32
    %c0_i32_0 = arith.constant 0 : i32
    %c0_i32_1 = arith.constant 0 : i32
    return %arg0, %c0_i32, %c0_i32_0 : i32, i32, i32
  }
  func.func @transform_2(%arg0: i32) -> (i32, i32, i32) {
    %c0_i32 = arith.constant 0 : i32
    %c0_i32_0 = arith.constant 0 : i32
    %c0_i32_1 = arith.constant 0 : i32
    return %arg0, %c0_i32, %c0_i32_0 : i32, i32, i32
  }
}

</mosaic_0001>

<sc_bundles>
// kernel: kernel.4.cloned.1.call-start
scs
__scs_entry_jumppad:
0x0: {  	(pc) =	sbr.rel $0x88, $3  }
0x1: {  	(tag) =	ssettag $0x0;
	lr =	simm.s32 $0x1  }
0x2: {  	[smem:$0x3F9F] =	sst lr;
	_ =	strace $0xD0000000  }
0x3: {  	_ = 	snop  }
0x4: {  	_ = 	snop  }
0x5: {  	_ = 	snop  }
0x6: {  	_ = 	snop  }
0x7: {  	_ = 	snop  }
__scs_overlays_trampoline_lowered:
0x8: {  	[smem:$0x3FAE] =	sst s0  }
0x9: {  	[smem:$0x3FAF] =	sst s1  }
0xa: {  	[smem:$0x3FB0] =	sst s2  }
0xb: {  	[smem:$0x3FB1] =	sst s3  }
0xc: {  	[smem:$0x3FB2] =	sst s4  }
0xd: {  	[smem:$0x3FB3] =	sst s5  }
0xe: {  	[smem:$0x3FB4] =	sst s6  }
0xf: {  	[smem:$0x3FB5] =	sst s7  }
0x10: {  	[smem:$0x3FB6] =	sst s8  }
0x11: {  	[smem:$0x3FB7] =	sst s9;
	s0 =	simm.s32 @!p0 $0x0  }
0x12: {  	s1 =	sld [smem:$0x3F9D];
	s0 =	simm.s32 @p0 $0x1  }
0x13: {  	[smem:$0x3FB8] =	sst s0;
	s0 =	simm.s32 @!p1 $0x0  }
0x14: {  	s2 =	sld [smem:$0x3F9C];
	s0 =	simm.s32 @p1 $0x1  }
0x15: {  	[smem:$0x3FB9] =	sst s0;
	s0 =	simm.s32 @!p2 $0x0  }
0x16: {  	s3 =	sld [smem:$0x3FDB];
	s0 =	simm.s32 @p2 $0x1  }
0x17: {  	s4 =	simm.s32 $0x1BF5;
	[smem:$0x3FBB] =	sst s0  }
0x18: {  	s0 =	sld [smem:$0x3F9E];
	_ =	swait.ge [sflag:s4], $0x0  }
0x19: {  	s7 =	sld [smem:$0x3F9F]  }
0x1a: {  	s8 =	sadd.s32 $0xFFFFE003, lr  }
0x1b: {  	s9 =	sadd.s32 $0xFFFFFEF7, lr;
	s5 =	simm.s32 $0xFFFFFFFF;
	p2 =	slt.u32 s8, $0xFFFFF086  }
0x1c: {  	p1 =	slt.u32 s9, $0xF7A;
	s5 =	simm.s32 @!p2 $0x0  }
0x1d: {  	s5 =	simm.s32 @p1 $0x1;
	p0 =	seq.s32 s7, s2  }
0x1e: {  	s7 =	smul.u32 @!p0 $0xF7A, s2;
	p2 =	seq.s32 @!p0 s5, $0x0  }
0x1f: {  	s9 =	smul.u32 $0xF7A, s1;
	s8 =	simm.s32 @!p0 $0x1BF5;
	p2 =	por !p2, p0  }
0x20: {  	[sflag:s8] =	ssyncset.s32 @!p0 $0xFFFFF086;
	s6 =	sadd.s32 @!p0 s3, s7;
	s7 =	simm.s32 @!p0 $0x108  }
0x21: {  	s3 =	sadd.s32 s3, s9;
	s6 =	sadd.s32 @!p0 $0x88, s6;
	s7 =	simm.s32 @p2 $0x1082  }
0x22: {  	[simem:s7], [sflag:s8] =	dma.local @!p0 [hbm:s6], $0xF7A  }
0x23: {  	s9 =	sor.u32 $0xD0000000, s2;
	s6 =	simm.s32 $0x108;
	_ =	swait.ge @!p0 [sflag:s8], $0x0  }
0x24: {  	s3 =	sadd.s32 $0x88, s3;
	s6 =	simm.s32 @!p1 $0x1082;
	[sflag:s4] =	ssyncset.s32 $0xFFFFF086  }
0x25: {  	[simem:s6], [sflag:s4] =	dma.local [hbm:s3], $0xF7A  }
0x26: {  	[smem:$0x3F9F] =	sst s1;
	(tag) =	ssettag s2;
	_ =	strace s9  }
0x27: {  	s1 =	sld [smem:$0x3FAF]  }
0x28: {  	s2 =	sld [smem:$0x3FB0]  }
0x29: {  	s4 =	sld [smem:$0x3FB2]  }
0x2a: {  	p0 =	seq.s32 s5, $0x0;
	s5 =	sld [smem:$0x3FB3]  }
0x2b: {  	s6 =	sld [smem:$0x3FB4]  }
0x2c: {  	s7 =	sld [smem:$0x3FB5]  }
0x2d: {  	s3 =	simm.s32 $0x108;
	s8 =	sld [smem:$0x3FB6]  }
0x2e: {  	s3 =	simm.s32 @!p0 $0x1082;
	s9 =	sld [smem:$0x3FB7]  }
0x2f: {  	lr =	sadd.s32 s0, s3;
	s0 =	sld [smem:$0x3FAE]  }
0x30: {  	s3 =	sld [smem:$0x3FB1]  }
0x31: {  	[smem:$0x3FBA] =	sst s10  }
0x32: {  	s10 =	sld [smem:$0x3FB8];
	_ =	sdelay $0x3  }
0x33: {  	p0 =	seq.s32 s10, $0x1;
	s10 =	sld [smem:$0x3FBA];
	_ =	sdelay $0x3  }
0x34: {  	[smem:$0x3FBA] =	sst s10  }
0x35: {  	s10 =	sld [smem:$0x3FB9];
	_ =	sdelay $0x3  }
0x36: {  	p1 =	seq.s32 s10, $0x1;
	s10 =	sld [smem:$0x3FBA];
	_ =	sdelay $0x3  }
0x37: {  	[smem:$0x3FBA] =	sst s10  }
0x38: {  	s10 =	sld [smem:$0x3FBB]  }
0x39: {  	_ = 	snop;
	(pc) =	sbr.ind lr, $3  }
0x3a: {  	_ = 	snop  }
0x3b: {  	_ = 	snop  }
0x3c: {  	p2 =	seq.s32 s10, $0x1;
	s10 =	sld [smem:$0x3FBA]  }
0x3d: {  	_ =	shalt  }
0x3e: {  	_ =	shalt  }
0x3f: {  	_ =	shalt  }
0x40: {  	_ =	shalt  }
0x41: {  	_ =	shalt  }
0x42: {  	_ =	shalt  }
0x43: {  	_ =	shalt  }
0x44: {  	_ =	shalt  }
0x45: {  	_ =	shalt  }
0x46: {  	_ =	shalt  }
0x47: {  	_ =	shalt  }
0x48: {  	_ =	shalt  }
0x49: {  	_ =	shalt  }
0x4a: {  	_ =	shalt  }
0x4b: {  	_ =	shalt  }
0x4c: {  	_ =	shalt  }
0x4d: {  	_ =	shalt  }
0x4e: {  	_ =	shalt  }
0x4f: {  	_ =	shalt  }
0x50: {  	_ =	shalt  }
0x51: {  	_ =	shalt  }
0x52: {  	_ =	shalt  }
0x53: {  	_ =	shalt  }
0x54: {  	_ =	shalt  }
0x55: {  	_ =	shalt  }
0x56: {  	_ =	shalt  }
0x57: {  	_ =	shalt  }
0x58: {  	_ =	shalt  }
0x59: {  	_ =	shalt  }
0x5a: {  	_ =	shalt  }
0x5b: {  	_ =	shalt  }
0x5c: {  	_ =	shalt  }
0x5d: {  	_ =	shalt  }
0x5e: {  	_ =	shalt  }
0x5f: {  	_ =	shalt  }
0x60: {  	_ =	shalt  }
0x61: {  	_ =	shalt  }
0x62: {  	_ =	shalt  }
0x63: {  	_ =	shalt  }
0x64: {  	_ =	shalt  }
0x65: {  	_ =	shalt  }
0x66: {  	_ =	shalt  }
0x67: {  	_ =	shalt  }
0x68: {  	_ =	shalt  }
0x69: {  	_ =	shalt  }
0x6a: {  	_ =	shalt  }
0x6b: {  	_ =	shalt  }
0x6c: {  	_ =	shalt  }
0x6d: {  	_ =	shalt  }
0x6e: {  	_ =	shalt  }
0x6f: {  	_ =	shalt  }
0x70: {  	_ =	shalt  }
0x71: {  	_ =	shalt  }
0x72: {  	_ =	shalt  }
0x73: {  	_ =	shalt  }
0x74: {  	_ =	shalt  }
0x75: {  	_ =	shalt  }
0x76: {  	_ =	shalt  }
0x77: {  	_ =	shalt  }
0x78: {  	_ =	shalt  }
0x79: {  	_ =	shalt  }
0x7a: {  	_ =	shalt  }
0x7b: {  	_ =	shalt  }
0x7c: {  	_ =	shalt  }
0x7d: {  	_ =	shalt  }
0x7e: {  	_ =	shalt  }
0x7f: {  	_ =	shalt  }
0x80: {  	_ =	shalt  }
0x81: {  	_ =	shalt  }
0x82: {  	_ =	shalt  }
0x83: {  	_ =	shalt  }
0x84: {  	_ =	shalt  }
0x85: {  	_ =	shalt  }
0x86: {  	_ =	shalt  }
0x87: {  	_ =	shalt  }
.Lfunc_end0:
.L_simem_size_0:
called_computation_lowered:
.L_overlay_start_0:
0x88: {  	s2 =	sld [smem:$0x3FD9]  }
0x89: {  	s3 =	sld [smem:$0x3FFE];
	_ =	sdelay $0x1  }
0x8a: {  	s1 =	srdreg.scid  }
0x8b: {  	s0 =	sand.u32 $0x1, s1  }
0x8c: {  	s16 =	sshll.u32 s0, $0xA;
	s2 =	sadd.s32 s3, s2  }
0x8d: {  	s2 =	sadd.s32 s2, s16  }
0x8e: {  	[smem:$0x3FC6] =	sst s2  }
0x8f: {  	_ = 	snop  }
0x90: {  	(tm) =	ssettm $0x1  }
0x91: {  	s17 =	sld [smem:$0x3FFB];
	_ =	sdelay $0x3  }
0x92: {  	_ =	strace s17  }
0x93: {  	s2 =	sld [smem:$0x3FFC];
	_ =	sdelay $0x3  }
0x94: {  	_ =	strace s2  }
0x95: {  	s2 =	sld [smem:$0x3FFD];
	_ =	sdelay $0x3  }
0x96: {  	_ =	strace s2  }
0x97: {  	_ =	strace $0x8FFFFFFF  }
0x98: {  	s18 =	sld [smem:$0x3FDB];
	_ =	sdelay $0x1  }
0x99: {  	s19 =	simm.s32 $_scs_section_size  }
0x9a: {  	s4 =	simm.s32 $_size__tile_overlayer_lowered;
	s5 =	simm.s32 $_tile_overlayer_lowered  }
0x9b: {  	s22 =	simm.s32 $0x1BFF;
	s21 =	sshll.u32 s5, $0x1;
	s2 =	sadd.s32 s19, s18  }
0x9c: {  	s6 =	simm.s32 $0x0;
	s20 =	sshll.u32 s4, $0x1;
	s4 =	sadd.s32 s21, s2  }
0x9d: {  	[timem:s6], [sflag:s22] =	dma.local [hbm:s4], s20  }
0x9e: {  	_ =	swait.ge [sflag:s22], s20  }
0x9f: {  	s3 =	ssub.s32 $0x0, s20;
	[sflag:s22] =	ssyncset.done $0x0  }
0xa0: {  	[sflag:s22] =	ssyncadd.s32 s3;
	_ =	sdelay $0x1  }
0xa1: {  	s23 =	simm.s32 $0x1B8B  }
0xa2: {  	_ =	swait.ge [sflag:s23], $0x1  }
0xa3: {  	[sflag:s23] =	ssyncset.done $0x0  }
0xa4: {  	s25 =	simm.s32 $0x1B8E;
	s24 =	sld [smem:$0x3FFE];
	[sflag:s23] =	ssyncadd.s32 $0xFFFFFFFF  }
0xa5: {  	s26 =	simm.s32 $execute0_lowered;
	[smem:$0x3FD2] =	sst s25  }
0xa6: {  	s4 =	sshll.u32 s26, $0x1;
	_ =	strace $0x80000046;
	[dreg:$0x1] =	wrdreg $0xFFFFFFFF  }
0xa7: {  	s28 =	simm.s32 $_size_execute0_lowered;
	s2 =	sadd.s32 s2, s4;
	[dreg:$0x0] =	wrdreg $0x0  }
0xa8: {  	s4 =	sshll.u32 s28, $0x1;
	[dreg:$0x2] =	wrdreg s2  }
0xa9: {  	[dreg:$0x3] =	wrdreg s4  }
0xaa: {  	[dreg:$0x4] =	wrdreg $0xC0  }
0xab: {  	_ =	task [dreg:s6], $0x5FFFF  }
0xac: {  	[dreg:$0x1] =	wrdreg $0xFFFFFFFF  }
0xad: {  	[dreg:$0x0] =	wrdreg $0x60  }
0xae: {  	[dreg:$0x2] =	wrdreg s24  }
0xaf: {  	[dreg:$0x3] =	wrdreg $0x9  }
0xb0: {  	_ =	task.clear_ibuf [dreg:s6], $0x4FFFF;
	_ =	strace $0x90000046  }
0xb1: {  	s29 =	simm.s32 $0x9;
	_ =	strace $0x80000048  }
0xb2: {  	_ =	swait.ge [sflag:s29], $0x1  }
0xb3: {  	[sflag:s29] =	ssyncadd.s32 $0xFFFFFFFF  }
0xb4: {  	_ =	strace $0x90000048  }
0xb5: {  	_ =	sfence  }
0xb6: {  	s30 =	sld [smem:$0x0];
	_ =	sdelay $0x2  }
0xb7: {  	s31 =	sshll.u32 s1, $0xD;
	s1 =	sshrl.u32 s1, $0x2  }
0xb8: {  	s3 =	sand.u32 $0x4000, s31;
	s1 =	sadd.s32 s1, s30  }
0xb9: {  	s0 =	sor.u32 s3, s0;
	s1 =	sshll.u32 s1, $0x11  }
0xba: {  	s0 =	sor.u32 s1, s0  }
0xbb: {  	s0 =	sadd.s32 $0x8F2B, s0  }
0xbc: {  	[sflag:s0] =	ssyncadd.remote.s32 $0x1  }
0xbd: {  	_ =	sfence.sel $0xFFFF  }
0xbe: {  	[dreg:$0x0] =	wrdreg $0xFFFFFFFF;
	(pc) =	sbr.abs _section_cstart, $3  }
0xbf: {  	[dreg:$0x1] =	wrdreg $0xFFFFFFFF  }
0xc0: {  	_ =	task.clear_ibuf [dreg:s6], $0x2FFFF;
	_ =	strace $0x9FFFFFFF  }
0xc1: {  	(tm) =	ssettm $0x7FFFFFFF  }
tec
execute0_lowered:
.L_overlay_start_1:
0x0: {  	(tag) =	ssettag $0x1  }
0x1: {  	s3 =	rddreg [dreg:$0x0]  }
0x2: {  	s0 =	rddreg [dreg:$0x1];
	s2 =	simm.s32 $0x0  }
0x3: {  	s1 =	stileid.u32;
	s4 =	srdreg.scid;
	s9 =	simm.s32 $0x1500  }
0x4: {  	s10 =	simm.s32 $0x0;
	[smem:$0x7FF] =	sst s2;
	s5 =	sshll.u32 s1, $0x5  }
0x5: {  	s4 =	sand.u32 $0x1, s4;
	s6 =	sshll.u32 s1, $0x1;
	_ =	strace $0x80000047  }
0x6: {  	s5 =	sand.u32 $0x1C0, s5;
	s6 =	sor.u32 s4, s6;
	s4 =	ssub.s32 $0x2, s4  }
0x7: {  	s7 =	sshll.u32 s6, $0x2;
	s6 =	smul.u32 $0x258, s6;
	s8 =	sshrl.u32 s4, $0x1  }
0x8: {  	s5 =	sadd.s32 s5, s3;
	s7 =	sadd.s32 s7, s3;
	s8 =	ssub.s32 s4, s8  }
0x9: {  	s4 =	sadd.s32 $0x4C00, s5;
	s3 =	sadd.s32 s3, s6;
	s5 =	sadd.s32 $0x4E00, s7  }
0xa: {  	v15 =	vimm.s32 $0x0;
	s6 =	smax.u32 s8, $0x1;
	s7 =	simm.s32 $0x1;
	s8 =	simm.s32 $0x1300  }
.LBB2_1:
0xb: {  	[tilespmem:s2], [sflag:$0x1] =	stream.linear.gather [hbm4b:s3+s2], $0x12C0, $0x38;
	[tilespmem:$0x1580] =	vst v63  }
0xc: {  	_ =	swait.ge [sflag:s7], $0x12C0  }
0xd: {  	[sflag:s7] =	ssyncset.done $0x0  }
0xe: {  	v0 =	vimm.s32 $0x100;
	[sflag:s7] =	ssyncadd.s32 $0xFFFFED40  }
0xf: {  	[tilespmem:s8], [sflag:$0x1] =	stream.linear.gather [hbm4b:s4+s2], $0x200, $0x38;
	[tilespmem:$0x1580] =	vst v63  }
0x10: {  	_ =	swait.ge [sflag:s7], $0x200  }
0x11: {  	[sflag:s7] =	ssyncset.done $0x0  }
0x12: {  	[sflag:s7] =	ssyncadd.s32 $0xFFFFFE00  }
0x13: {  	v17 =	vld.idx.msk [tilespmem:v0+s8+$0x0], $0xffff;
	v0 =	vimm.s32 $0x80;
	_ =	sdelay $0x4  }
0x14: {  	v31 =	vld.idx.msk [tilespmem:v0+s8+$0x0], $0xffff;
	v0 =	vimm.s32 $0x180;
	_ =	sdelay $0x4  }
0x15: {  	v32 =	vld.idx.msk [tilespmem:v0+s8+$0x0], $0xffff;
	v0 =	vimm.s32 $0x40;
	_ =	sdelay $0x4  }
0x16: {  	v18 =	vld.idx.msk [tilespmem:v0+s8+$0x0], $0xffff;
	v0 =	vimm.s32 $0xC0;
	_ =	sdelay $0x4  }
0x17: {  	v26 =	vld.idx.msk [tilespmem:v0+s8+$0x0], $0xffff;
	v0 =	vimm.s32 $0x140;
	_ =	sdelay $0x4  }
0x18: {  	v28 =	vld.idx.msk [tilespmem:v0+s8+$0x0], $0xffff;
	v0 =	vimm.s32 $0x1C0;
	_ =	sdelay $0x4  }
0x19: {  	v29 =	vld.idx.msk [tilespmem:v0+s8+$0x0], $0xffff;
	v0 =	vimm.s32 $0x20;
	_ =	sdelay $0x4  }
0x1a: {  	v12 =	vld.idx.msk [tilespmem:v0+s8+$0x0], $0xffff;
	v0 =	vimm.s32 $0x60;
	_ =	sdelay $0x4  }
0x1b: {  	v13 =	vld.idx.msk [tilespmem:v0+s8+$0x0], $0xffff;
	v0 =	vimm.s32 $0xA0;
	_ =	sdelay $0x4  }
0x1c: {  	v11 =	vld.idx.msk [tilespmem:v0+s8+$0x0], $0xffff;
	v0 =	vimm.s32 $0xE0;
	_ =	sdelay $0x4  }
0x1d: {  	v14 =	vld.idx.msk [tilespmem:v0+s8+$0x0], $0xffff;
	v0 =	vimm.s32 $0x120;
	_ =	sdelay $0x2  }
0x1e: {  	s11 =	simm.s32 $0x0  }
0x1f: {  	v36 =	vld [tilespmem:s11+$0x30]  }
0x20: {  	v10 =	vld.idx.msk [tilespmem:v0+s8+$0x0], $0xffff;
	v0 =	vimm.s32 $0x1A0;
	_ =	sdelay $0x4  }
0x21: {  	vm0 =	vle.f32 v17, v36;
	v16 =	vld.idx.msk [tilespmem:v0+s8+$0x0], $0xffff;
	v0 =	vimm.s32 $0x0  }
0x22: {  	v0 =	vsel vm0, $0xFFFFFFFF, v0  }
0x23: {  	[tilespmem:$0x1FF40] =	vst v0;
	v0 =	vimm.s32 $0x1E0  }
0x24: {  	v1 =	vimm.s32 $0x160;
	v39 =	vld [tilespmem:s11+$0x0]  }
0x25: {  	v38 =	vld [tilespmem:s11+$0x10]  }
0x26: {  	v37 =	vld [tilespmem:s11+$0x20];
	_ =	sdelay $0x1  }
0x27: {  	v20 =	vimm.s32 $0x0;
	v19 =	vld.idx.msk [tilespmem:v0+s8+$0x0], $0xffff;
	v0 =	vsel vm0, v32, v31  }
0x28: {  	v59 =	vimm.s32 $0x0;
	v27 =	vld.idx.msk [tilespmem:v1+s8+$0x0], $0xffff;
	vm4 =	vle.f32 v17, v39;
	vm5 =	vle.f32 v0, v36  }
0x29: {  	vm7 =	vle.f32 v17, v38;
	v1 =	vsel vm5, v29, v28;
	v3 =	vsel vm5, v26, v18  }
0x2a: {  	vm8 =	vle.f32 v17, v37;
	v33 =	vsel vm0, $0x100, v15;
	v1 =	vsel vm0, v1, v3  }
0x2b: {  	v2 =	vsel vm4, v32, v31;
	v5 =	vsel vm7, v32, v31;
	vm3 =	vle.f32 v1, v36  }
0x2c: {  	v6 =	vsel vm8, v32, v31;
	vm9 =	vle.f32 v2, v39;
	v3 =	vsel vm3, v19, v16  }
0x2d: {  	v7 =	vsel vm3, v27, v10;
	v8 =	vsel vm3, v14, v11;
	v9 =	vsel vm3, v13, v12  }
0x2e: {  	vm6 =	vle.f32 v5, v38;
	v3 =	vsel vm5, v3, v7;
	v7 =	vsel vm5, v8, v9  }
0x2f: {  	vm10 =	vle.f32 v6, v37;
	v55 =	vsel vm9, $0x80, v15;
	v3 =	vsel vm0, v3, v7  }
0x30: {  	v41 =	vsel vm10, v26, v18;
	v30 =	vsel vm10, v29, v28;
	vm1 =	vle.f32 v3, v36  }
0x31: {  	v34 =	vsel vm5, $0x80, v15;
	v35 =	vsel vm3, $0x40, v15;
	v40 =	vsel vm1, $0x20, v15  }
0x32: {  	v30 =	vsel vm8, v30, v41;
	v33 =	vor.u32 v33, v34;
	v57 =	vor.u32 v35, v40  }
0x33: {  	v4 =	vsel vm9, v29, v28;
	vm11 =	vle.f32 v30, v37;
	v58 =	vor.u32 v33, v57  }
0x34: {  	v56 =	vsel vm6, v29, v28;
	v54 =	vsel vm11, $0x40, v15;
	v33 =	vor.u32 $0x10, v58  }
0x35: {  	v48 =	vsel vm11, v13, v12;
	v47 =	vsel vm11, v14, v11;
	v8 =	vsel vm9, v26, v18  }
0x36: {  	v52 =	vsel vm10, v47, v48;
	v46 =	vsel vm11, v27, v10;
	v8 =	vsel vm4, v4, v8  }
0x37: {  	v45 =	vsel vm11, v19, v16;
	vm12 =	vle.f32 v8, v39;
	v20 =	vsel vm1, $0xFFFFFFFF, v20  }
0x38: {  	v7 =	vsel vm6, v26, v18;
	v4 =	vsel vm12, v19, v16;
	[tilespmem:$0x1FF50] =	vst v20;
	v20 =	vsel vm12, v27, v10  }
0x39: {  	v51 =	vsel vm10, v45, v46;
	v7 =	vsel vm7, v56, v7;
	v34 =	vsel vm9, v4, v20;
	v4 =	vld.idx.msk [tilespmem:v33+s8+$0x0], $0xffff  }
0x3a: {  	vm13 =	vle.f32 v7, v38;
	v21 =	vsel vm12, v14, v11;
	v22 =	vsel vm12, v13, v12  }
0x3b: {  	v56 =	vsel vm6, $0x80, v15;
	v23 =	vsel vm13, v19, v16;
	v35 =	vsel vm9, v21, v22  }
0x3c: {  	v42 =	vsel vm13, v27, v10;
	v34 =	vsel vm4, v34, v35;
	v35 =	vsel vm8, v51, v52  }
0x3d: {  	v43 =	vsel vm13, v14, v11;
	v44 =	vsel vm13, v13, v12;
	vm0 =	vle.f32 v35, v37  }
0x3e: {  	v20 =	vsel vm0, $0xFFFFFFFF, v59;
	v62 =	vsel vm0, $0x20, v15;
	vm0 =	vle.f32 v4, v36  }
0x3f: {  	v49 =	vsel vm6, v23, v42;
	v50 =	vsel vm6, v43, v44;
	v9 =	vsel vm0, v33, v58  }
0x40: {  	v60 =	vsel vm12, $0x40, v15;
	v40 =	vsel vm7, v49, v50;
	v50 =	vor.u32 $0x8, v9  }
0x41: {  	v63 =	vsel vm13, $0x40, v15;
	vm15 =	vle.f32 v34, v39;
	vm14 =	vle.f32 v40, v38  }
0x42: {  	v53 =	vsel vm15, $0x20, v15;
	v61 =	vsel vm14, $0x20, v15;
	v58 =	vsel vm4, $0x100, v15  }
0x43: {  	v59 =	vsel vm7, $0x100, v15;
	v41 =	vor.u32 v60, v53;
	v33 =	vor.u32 v58, v55  }
0x44: {  	v43 =	vor.u32 v63, v61;
	v60 =	vor.u32 v59, v56;
	v33 =	vor.u32 v33, v41  }
0x45: {  	v44 =	vor.u32 v54, v62;
	v41 =	vor.u32 v60, v43;
	v62 =	vor.u32 $0x10, v33;
	v46 =	vld.idx.msk [tilespmem:v50+s8+$0x0], $0xffff  }
0x46: {  	v43 =	vor.u32 $0x10, v41;
	_ =	sdelay $0x1  }
0x47: {  	v49 =	vsel vm10, $0x80, v15;
	v51 =	vsel vm8, $0x100, v15  }
0x48: {  	v57 =	vimm.s32 $0x0;
	v61 =	vor.u32 v51, v49  }
0x49: {  	[tilespmem:$0x1FF30] =	vst v20;
	v42 =	vor.u32 v61, v44;
	v20 =	vsel vm0, $0xFFFFFFFF, v57;
	v47 =	vld.idx.msk [tilespmem:v62+s8+$0x0], $0xffff;
	vm0 =	vle.f32 v46, v36  }
0x4a: {  	v44 =	vor.u32 $0x10, v42;
	v48 =	vld.idx.msk [tilespmem:v43+s8+$0x0], $0xffff;
	v9 =	vsel vm0, v50, v9  }
0x4b: {  	v50 =	vadd.s32 $0x4, v9;
	_ =	sdelay $0x1  }
0x4c: {  	v63 =	vimm.s32 $0x0  }
0x4d: {  	[tilespmem:$0x1FF60] =	vst v20;
	v20 =	vsel vm0, $0xFFFFFFFF, v63;
	vm0 =	vle.f32 v47, v39  }
0x4e: {  	v49 =	vld.idx.msk [tilespmem:v44+s8+$0x0], $0xffff;
	vm2 =	vle.f32 v48, v38;
	v33 =	vsel vm0, v62, v33  }
0x4f: {  	v41 =	vsel vm2, v43, v41;
	v45 =	vor.u32 $0x8, v33;
	v51 =	vld.idx.msk [tilespmem:v50+s8+$0x0], $0xffff  }
0x50: {  	v43 =	vor.u32 $0x8, v41;
	_ =	sdelay $0x1  }
0x51: {  	v52 =	vnsel vm4, $0xCE6E6B28, v17  }
0x52: {  	v52 =	vsel vm9, v2, v52;
	vm1 =	vle.f32 v49, v37  }
0x53: {  	v54 =	vsel vm4, $0x4E6E6B28, v17;
	v42 =	vsel vm1, v44, v42;
	v53 =	vld.idx.msk [tilespmem:v45+s8+$0x0], $0xffff;
	vm4 =	vle.f32 v51, v36  }
0x54: {  	v52 =	vsel vm12, v8, v52;
	v44 =	vor.u32 $0x8, v42;
	v57 =	vld.idx.msk [tilespmem:v43+s8+$0x0], $0xffff;
	v9 =	vsel vm4, v50, v9  }
0x55: {  	v56 =	vsel vm7, $0x4E6E6B28, v17;
	v2 =	vsel vm9, v54, v2;
	v54 =	vadd.s32 $0x2, v9  }
0x56: {  	v59 =	vsel vm8, $0x4E6E6B28, v17;
	v2 =	vsel vm12, v2, v8;
	v55 =	vnsel vm7, $0xCE6E6B28, v17  }
0x57: {  	v58 =	vnsel vm8, $0xCE6E6B28, v17;
	v23 =	vsel vm6, v5, v55;
	v5 =	vsel vm6, v56, v5  }
0x58: {  	v61 =	vsel vm10, v6, v58;
	v6 =	vsel vm10, v59, v6;
	v55 =	vld [tilespmem:$0x1FF30];
	vm6 =	vle.f32 v53, v39  }
0x59: {  	v5 =	vsel vm13, v5, v7;
	v60 =	vld.idx.msk [tilespmem:v44+s8+$0x0], $0xffff;
	vm7 =	vle.f32 v57, v38;
	v33 =	vsel vm6, v45, v33  }
0x5a: {  	v62 =	vsel vm13, v7, v23;
	v41 =	vsel vm7, v43, v41;
	v45 =	vadd.s32 $0x4, v33;
	v7 =	vld.idx.msk [tilespmem:v54+s8+$0x0], $0xffff  }
0x5b: {  	v2 =	vsel vm15, v2, v34;
	v6 =	vsel vm11, v6, v30;
	v8 =	vadd.s32 $0x4, v41  }
0x5c: {  	v5 =	vsel vm14, v5, v40;
	v63 =	vsel vm11, v30, v61;
	v30 =	vsel vm15, v34, v52  }
0x5d: {  	v30 =	vsel vm0, v47, v30;
	v2 =	vsel vm0, v2, v47;
	v5 =	vsel vm2, v5, v48  }
0x5e: {  	v52 =	vsel vm14, v40, v62;
	vm14 =	vnez.u8 v55;
	vm8 =	vle.f32 v60, v37  }
0x5f: {  	v56 =	vsel vm14, v35, v63;
	v34 =	vsel vm2, v48, v52;
	v50 =	vld.idx.msk [tilespmem:v45+s8+$0x0], $0xffff;
	vm0 =	vle.f32 v7, v36  }
0x60: {  	v42 =	vsel vm8, v44, v42;
	v61 =	vsel vm6, v2, v53;
	v52 =	vld.idx.msk [tilespmem:v8+s8+$0x0], $0xffff;
	v2 =	vsel vm0, v54, v9  }
0x61: {  	v44 =	vadd.s32 $0x4, v42;
	v63 =	vsel vm7, v5, v57;
	v5 =	vadd.s32 $0x1, v2;
	v2 =	vld [tilespmem:$0x1FF40];
	_ =	sdelay $0x2  }
0x62: {  	v58 =	vsel vm1, v49, v56  }
0x63: {  	v30 =	vsel vm6, v53, v30;
	v62 =	vsel vm7, v57, v34;
	v57 =	vsel vm8, v60, v58  }
0x64: {  	v59 =	vld.idx.msk [tilespmem:v44+s8+$0x0], $0xffff;
	vm6 =	vle.f32 v50, v39;
	vm2 =	vle.f32 v52, v38;
	vm7 =	vnez.u8 v2  }
0x65: {  	s31 =	simm.s32 $0x40;
	v22 =	vsel vm6, v50, v30;
	v58 =	vnsel vm7, $0xCE6E6B28, v17;
	v30 =	vsel vm7, $0x4E6E6B28, v17  }
0x66: {  	v34 =	vld [tilespmem:s31+$0x10];
	v43 =	vsel vm2, v8, v41;
	v8 =	vsel vm5, v0, v58;
	v0 =	vsel vm5, v30, v0  }
0x67: {  	v6 =	vsel vm14, v6, v35;
	v8 =	vsel vm3, v1, v8;
	v0 =	vsel vm3, v0, v1;
	v1 =	vld [tilespmem:$0x1FF50]  }
0x68: {  	v6 =	vsel vm1, v6, v49;
	v2 =	vld [tilespmem:$0x1FF60]  }
0x69: {  	v35 =	vld [tilespmem:s31+$0x20];
	v6 =	vsel vm8, v6, v60;
	vm1 =	vle.f32 v59, v37  }
0x6a: {  	v44 =	vsel vm1, v44, v42;
	v40 =	vsel vm1, v59, v57;
	v42 =	vsel vm1, v6, v59  }
0x6b: {  	v48 =	vadd.s32 $0x2, v44;
	v45 =	vsel vm6, v45, v33;
	v23 =	vsel vm6, v61, v50  }
0x6c: {  	[tilespmem:$0x1FF70] =	vst v20;
	v41 =	vsel vm2, v63, v52;
	vm7 =	vle.f32 v17, v34;
	vm3 =	vnez.u8 v1  }
0x6d: {  	v1 =	vsel vm3, v3, v8;
	v0 =	vsel vm3, v0, v3;
	vm3 =	vnez.u8 v2;
	v2 =	vld [tilespmem:$0x1FF70]  }
0x6e: {  	v9 =	vadd.s32 $0x2, v45;
	vm5 =	vle.f32 v17, v35;
	v49 =	vsel vm7, v32, v31  }
0x6f: {  	v33 =	vld [tilespmem:s31+$0x0];
	v47 =	vadd.s32 $0x2, v43;
	v50 =	vsel vm5, v32, v31;
	vm8 =	vle.f32 v49, v34  }
0x70: {  	vm6 =	vle.f32 v50, v35;
	v53 =	vsel vm8, v26, v18;
	v3 =	vsel vm5, $0x4E6E6B28, v17  }
0x71: {  	v5 =	vld.idx.msk [tilespmem:v5+s8+$0x0], $0xffff;
	v1 =	vsel vm3, v4, v1;
	v0 =	vsel vm3, v0, v4;
	v3 =	vsel vm6, v3, v50  }
0x72: {  	v30 =	vld [tilespmem:s31+$0x30];
	vm3 =	vnez.u8 v2;
	v2 =	vsel vm2, v52, v62;
	v52 =	vsel vm8, v29, v28  }
0x73: {  	v1 =	vsel vm3, v46, v1;
	v0 =	vsel vm3, v0, v46;
	v52 =	vsel vm7, v52, v53  }
0x74: {  	v1 =	vsel vm4, v51, v1;
	v0 =	vsel vm4, v0, v51;
	vm4 =	vle.f32 v17, v33  }
0x75: {  	v51 =	vsel vm6, v29, v28;
	vm10 =	vle.f32 v52, v34;
	v1 =	vsel vm0, v7, v1  }
0x76: {  	v0 =	vsel vm0, v0, v7;
	vm0 =	vle.f32 v5, v36;
	v46 =	vsel vm4, v32, v31  }
0x77: {  	v20 =	vsel vm0, v5, v1;
	v21 =	vsel vm0, v0, v5;
	vm0 =	vle.f32 v17, v30  }
0x78: {  	vm15 =	vle.f32 v46, v33;
	v0 =	vsel vm6, $0x80, v15;
	v8 =	vsel vm0, v32, v31  }
0x79: {  	v7 =	vsel vm15, v29, v28;
	v54 =	vsel vm15, v26, v18;
	v55 =	vsel vm0, $0x100, v15  }
0x7a: {  	v20 =	vsub.f32 v36, v20;
	v21 =	vsub.f32 v21, v36;
	vm1 =	vle.f32 v8, v30  }
0x7b: {  	v54 =	vsel vm4, v7, v54;
	v1 =	vsel vm1, v29, v28;
	v6 =	vsel vm1, v26, v18  }
0x7c: {  	v63 =	vsel vm1, $0x80, v15;
	vm11 =	vle.f32 v54, v33;
	v5 =	vsel vm0, v1, v6  }
0x7d: {  	v55 =	vor.u32 v55, v63;
	v7 =	vsel vm11, v19, v16;
	v56 =	vsel vm11, v27, v10  }
0x7e: {  	v57 =	vsel vm11, v14, v11;
	v58 =	vsel vm11, v13, v12;
	vm2 =	vle.f32 v5, v30  }
0x7f: {  	v56 =	vsel vm15, v7, v56;
	v57 =	vsel vm15, v57, v58;
	v58 =	vnsel vm4, $0xCE6E6B28, v17  }
0x80: {  	v6 =	vsel vm2, v19, v16;
	v59 =	vsel vm2, v27, v10;
	v60 =	vsel vm2, v14, v11  }
0x81: {  	v61 =	vsel vm2, v13, v12;
	v56 =	vsel vm4, v56, v57;
	v57 =	vsel vm4, $0x100, v15  }
0x82: {  	v58 =	vsel vm15, v46, v58;
	v6 =	vsel vm1, v6, v59;
	v62 =	vsel vm1, v60, v61  }
0x83: {  	v60 =	vsel vm2, $0x40, v15;
	v59 =	vsel vm10, v19, v16;
	v6 =	vsel vm0, v6, v62  }
0x84: {  	vm13 =	vle.f32 v56, v33;
	v62 =	vsel vm6, v26, v18;
	vm3 =	vle.f32 v6, v30  }
0x85: {  	[tilespmem:$0x1FFE0] =	vst v12;
	v51 =	vsel vm5, v51, v62;
	v62 =	vsel vm10, v13, v12;
	v61 =	vsel vm3, $0x20, v15  }
0x86: {  	[tilespmem:$0x1FFC0] =	vst v11;
	vm9 =	vle.f32 v51, v35;
	v63 =	vor.u32 v60, v61;
	v60 =	vsel vm10, v27, v10  }
0x87: {  	[tilespmem:$0x1FFB0] =	vst v10;
	v61 =	vsel vm10, v14, v11;
	v10 =	vsel vm9, v27, v10;
	v11 =	vsel vm9, v14, v11  }
0x88: {  	[tilespmem:$0x1FFF0] =	vst v13;
	v12 =	vsel vm9, v13, v12;
	v13 =	vsel vm8, $0x80, v15;
	v53 =	vor.u32 v55, v63  }
0x89: {  	v3 =	vsel vm9, v3, v51;
	v63 =	vsel vm9, v19, v16;
	v55 =	vor.u32 $0x10, v53  }
0x8a: {  	v60 =	vsel vm8, v59, v60;
	v61 =	vsel vm8, v61, v62;
	v11 =	vsel vm6, v11, v12  }
0x8b: {  	[tilespmem:$0x1FF90] =	vst v16;
	v59 =	vsel vm4, $0x4E6E6B28, v17;
	v62 =	vsel vm15, $0x80, v15;
	v16 =	vimm.f32 $0.0e+00  }
0x8c: {  	v10 =	vsel vm6, v63, v10;
	v12 =	vsel vm7, v60, v61;
	v60 =	vsel vm11, $0x40, v15  }
0x8d: {  	v59 =	vsel vm15, v59, v46;
	v63 =	vsel vm10, $0x40, v15;
	v57 =	vor.u32 v57, v62  }
0x8e: {  	v62 =	vsel vm5, $0x100, v15;
	v10 =	vsel vm5, v10, v11;
	v11 =	vsel vm13, $0x20, v15;
	v7 =	vld.idx.msk [tilespmem:v55+s8+$0x0], $0xffff  }
0x8f: {  	vm14 =	vle.f32 v12, v34;
	v62 =	vor.u32 v62, v0;
	vm12 =	vle.f32 v10, v35  }
0x90: {  	v61 =	vsel vm14, $0x20, v15;
	v11 =	vor.u32 v60, v11;
	v60 =	vsel vm7, $0x100, v15  }
0x91: {  	v1 =	vld.idx.msk [tilespmem:v9+s8+$0x0], $0xffff;
	v46 =	vsel vm12, $0x20, v15;
	v61 =	vor.u32 v63, v61;
	v13 =	vor.u32 v60, v13  }
0x92: {  	v11 =	vor.u32 v57, v11;
	v3 =	vsel vm12, v3, v10;
	v13 =	vor.u32 v13, v61  }
0x93: {  	v61 =	vnsel vm7, $0xCE6E6B28, v17;
	v0 =	vor.u32 $0x10, v13;
	vm4 =	vle.f32 v7, v30  }
0x94: {  	v57 =	vld.idx.msk [tilespmem:v47+s8+$0x0], $0xffff;
	v60 =	vor.u32 $0x10, v11;
	v61 =	vsel vm8, v49, v61;
	v53 =	vsel vm4, v55, v53  }
0x95: {  	[tilespmem:$0x1FFD0] =	vst v14;
	v63 =	vld.idx.msk [tilespmem:v48+s8+$0x0], $0xffff;
	v61 =	vsel vm10, v52, v61;
	v55 =	vsel vm9, $0x40, v15;
	v14 =	vor.u32 $0x8, v53  }
0x96: {  	v55 =	vor.u32 v55, v46;
	v46 =	vsel vm7, $0x4E6E6B28, v17;
	vm7 =	vle.f32 v1, v39  }
0x97: {  	v46 =	vsel vm8, v46, v49;
	v49 =	vor.u32 v62, v55;
	v62 =	vnsel vm5, $0xCE6E6B28, v17  }
0x98: {  	v9 =	vsel vm7, v9, v45;
	v45 =	vsel vm6, v50, v62;
	v50 =	vsel vm11, v54, v58;
	v58 =	vld.idx.msk [tilespmem:v0+s8+$0x0], $0xffff  }
0x99: {  	vm8 =	vle.f32 v57, v38;
	v22 =	vsel vm7, v1, v22;
	v1 =	vsel vm7, v23, v1  }
0x9a: {  	v55 =	vor.u32 $0x10, v49;
	v54 =	vsel vm11, v59, v54;
	vm6 =	vle.f32 v63, v37;
	v4 =	vld.idx.msk [tilespmem:v14+s8+$0x0], $0xffff  }
0x9b: {  	v43 =	vsel vm8, v47, v43;
	v9 =	vadd.s32 $0x1, v9;
	v46 =	vsel vm10, v46, v52  }
0x9c: {  	v62 =	vld.idx.msk [tilespmem:v60+s8+$0x0], $0xffff;
	v47 =	vsel vm14, v12, v61;
	v2 =	vsel vm8, v57, v2;
	v41 =	vsel vm8, v41, v57  }
0x9d: {  	v44 =	vsel vm6, v48, v44;
	v43 =	vadd.s32 $0x1, v43;
	vm15 =	vle.f32 v58, v34  }
0x9e: {  	v45 =	vsel vm9, v51, v45;
	v44 =	vadd.s32 $0x1, v44;
	v0 =	vsel vm15, v0, v13  }
0x9f: {  	v50 =	vsel vm13, v56, v50;
	v48 =	vld.idx.msk [tilespmem:v55+s8+$0x0], $0xffff;
	v61 =	vor.u32 $0x8, v0;
	vm5 =	vle.f32 v4, v30  }
0xa0: {  	v12 =	vsel vm14, v46, v12;
	v40 =	vsel vm6, v63, v40;
	v9 =	vld.idx.msk [tilespmem:v9+s8+$0x0], $0xffff;
	v14 =	vsel vm5, v14, v53  }
0xa1: {  	v42 =	vsel vm6, v42, v63;
	vm10 =	vle.f32 v62, v33;
	v59 =	vadd.s32 $0x4, v14  }
0xa2: {  	v46 =	vnsel vm0, $0xCE6E6B28, v17;
	v45 =	vsel vm12, v10, v45;
	v11 =	vsel vm10, v60, v11;
	v43 =	vld.idx.msk [tilespmem:v43+s8+$0x0], $0xffff  }
0xa3: {  	v60 =	vsel vm13, v54, v56;
	v50 =	vsel vm10, v62, v50;
	v47 =	vsel vm15, v58, v47;
	v44 =	vld.idx.msk [tilespmem:v44+s8+$0x0], $0xffff  }
0xa4: {  	v12 =	vsel vm15, v12, v58;
	v13 =	vor.u32 $0x8, v11;
	vm14 =	vle.f32 v48, v35;
	v57 =	vld.idx.msk [tilespmem:v61+s8+$0x0], $0xffff  }
0xa5: {  	v52 =	vsel vm10, v60, v62;
	vm6 =	vle.f32 v9, v39;
	v10 =	vsel vm14, v55, v49  }
0xa6: {  	v45 =	vsel vm14, v48, v45;
	v3 =	vsel vm14, v3, v48;
	v54 =	vsel vm6, v9, v22;
	v53 =	vld.idx.msk [tilespmem:v59+s8+$0x0], $0xffff  }
0xa7: {  	v1 =	vsel vm6, v1, v9;
	vm7 =	vle.f32 v43, v38;
	v49 =	vor.u32 $0x8, v10  }
0xa8: {  	vm8 =	vle.f32 v44, v37;
	v41 =	vsel vm7, v41, v43;
	v1 =	vsub.f32 v1, v39  }
0xa9: {  	v62 =	vld.idx.msk [tilespmem:v13+s8+$0x0], $0xffff;
	v40 =	vsel vm8, v44, v40;
	v42 =	vsel vm8, v42, v44;
	vm8 =	vle.f32 v57, v34  }
0xaa: {  	v40 =	vsub.f32 v37, v40;
	v0 =	vsel vm8, v61, v0;
	v61 =	vsub.f32 v39, v54  }
0xab: {  	v47 =	vsel vm8, v57, v47;
	v12 =	vsel vm8, v12, v57;
	vm6 =	vle.f32 v53, v30  }
0xac: {  	vm8 =	vge.f32 v38, $1.000000050e-03;
	v54 =	vsel vm0, $0x4E6E6B28, v17;
	v58 =	vsel vm6, v59, v14;
	v14 =	vld.idx.msk [tilespmem:v49+s8+$0x0], $0xffff  }
0xad: {  	v63 =	vsel vm8, $0x3F800000, v16;
	vm8 =	vmmov vm8;
	v55 =	vadd.s32 $0x4, v0  }
0xae: {  	v1 =	vmin.f32 v61, v1;
	v59 =	vsel vm7, v43, v2;
	vm7 =	vle.f32 v62, v33  }
0xaf: {  	v1 =	vmul.f32 v1, v1;
	v11 =	vsel vm7, v13, v11;
	v13 =	vsel vm7, v62, v50  }
0xb0: {  	v43 =	vsel vm7, v52, v62;
	v60 =	vadd.s32 $0x2, v58;
	v62 =	vsub.f32 v42, v37  }
0xb1: {  	v42 =	vimm.f32 $0.0e+00;
	v23 =	vadd.s32 $0x4, v11;
	vm7 =	vle.f32 v14, v35  }
0xb2: {  	v40 =	vmin.f32 v40, v62;
	v10 =	vsel vm7, v49, v10;
	v2 =	vsel vm7, v14, v45  }
0xb3: {  	v3 =	vsel vm7, v3, v14;
	vm7 =	vge.f32 v39, $1.000000050e-03;
	v14 =	vsub.f32 v38, v59  }
0xb4: {  	v38 =	vsub.f32 v41, v38;
	v39 =	vsel vm7, $0x3F800000, v16;
	vm7 =	vmmov vm7  }
0xb5: {  	v40 =	vmul.f32 v40, v40;
	v41 =	vimm.f32 $0.0e+00;
	v49 =	vnsel vm7, $0x0, v1  }
0xb6: {  	v1 =	vld.idx.msk [tilespmem:v60+s8+$0x0], $0xffff;
	vm7 =	vge.f32 v37, $1.000000050e-03;
	v14 =	vmin.f32 v14, v38;
	v38 =	vmin.f32 v20, v21  }
0xb7: {  	v22 =	vsel vm7, $0x3F800000, v16;
	v14 =	vmul.f32 v14, v14;
	vm15 =	vmmov vm7  }
0xb8: {  	v39 =	vadd.f32 v39, v16;
	v52 =	vnsel vm15, $0x0, v40;
	v37 =	vadd.f32 v22, v16  }
0xb9: {  	v51 =	vnsel vm8, $0x0, v14;
	vm8 =	vge.f32 v36, $1.000000050e-03;
	v36 =	vsel vm1, v8, v46  }
0xba: {  	v61 =	vld.idx.msk [tilespmem:v23+s8+$0x0], $0xffff;
	v14 =	vmul.f32 v38, v38;
	v8 =	vsel vm1, v54, v8;
	v36 =	vsel vm2, v5, v36  }
0xbb: {  	v5 =	vsel vm2, v8, v5;
	v8 =	vadd.s32 $0x4, v10;
	vm7 =	vle.f32 v1, v30  }
0xbc: {  	v40 =	vimm.f32 $0.0e+00;
	v38 =	vadd.f32 v63, v16;
	v9 =	vsel vm7, v60, v58  }
0xbd: {  	vm1 =	vge.f32 v33, $1.000000050e-03;
	v14 =	vnsel vm8, $0x0, v14;
	v9 =	vadd.s32 $0x1, v9  }
0xbe: {  	v48 =	vsel vm8, $0x3F800000, v16;
	v62 =	vsel vm3, v6, v36;
	v36 =	vadd.f32 v14, v16;
	v14 =	vld.idx.msk [tilespmem:v55+s8+$0x0], $0xffff  }
0xbf: {  	vm0 =	vle.f32 v61, v33;
	v56 =	vsel vm1, $0x3F800000, v16;
	v5 =	vsel vm3, v5, v6  }
0xc0: {  	v57 =	vsel vm0, v23, v11;
	v63 =	vsel vm4, v7, v62;
	v5 =	vsel vm4, v5, v7;
	v7 =	vld.idx.msk [tilespmem:v8+s8+$0x0], $0xffff  }
0xc1: {  	v44 =	vsel vm0, v61, v13;
	v45 =	vsel vm0, v43, v61;
	vm0 =	vge.f32 v34, $1.000000050e-03  }
0xc2: {  	v43 =	vimm.f32 $0.0e+00;
	v62 =	vadd.s32 $0x2, v57;
	v54 =	vsel vm0, $0x3F800000, v16;
	v6 =	vld.idx.msk [tilespmem:v9+s8+$0x0], $0xffff  }
0xc3: {  	vm3 =	vle.f32 v14, v34;
	v9 =	vsel vm5, v4, v63;
	v4 =	vsel vm5, v5, v4  }
0xc4: {  	v58 =	vsel vm3, v55, v0;
	v5 =	vsel vm6, v53, v9;
	v4 =	vsel vm6, v4, v53  }
0xc5: {  	v5 =	vsel vm7, v1, v5;
	v1 =	vsel vm7, v4, v1;
	vm7 =	vle.f32 v7, v35  }
0xc6: {  	v46 =	vsel vm3, v14, v47;
	v47 =	vsel vm3, v12, v14;
	v59 =	vsel vm7, v8, v10  }
0xc7: {  	v61 =	vadd.s32 $0x2, v58;
	v60 =	vadd.s32 $0x2, v59;
	vm2 =	vle.f32 v6, v30  }
0xc8: {  	s12 =	simm.s32 $0x80;
	[tilespmem:$0x1FF80] =	vst v18;
	v50 =	vld.idx.msk [tilespmem:v62+s8+$0x0], $0xffff;
	v4 =	vsel vm2, v6, v5;
	v1 =	vsel vm2, v1, v6;
	vm2 =	vge.f32 v35, $1.000000050e-03  }
0xc9: {  	s11 =	simm.s32 $0x300;
	[tilespmem:$0x1FFA0] =	vst v19;
	v55 =	vld [tilespmem:s12+$0x30];
	v53 =	vsel vm2, $0x3F800000, v16;
	v5 =	vsub.f32 v30, v4;
	v6 =	vsub.f32 v1, v30  }
.LBB2_2:
0xca: {  	v2 =	vsel vm7, v7, v2;
	v3 =	vsel vm7, v3, v7;
	v42 =	vadd.f32 v49, v42  }
0xcb: {  	vm3 =	vmmov vm1;
	v0 =	vimm.s32 $0x0;
	vm1 =	vmmov vm0  }
0xcc: {  	v63 =	vld [tilespmem:s12+$0x0];
	vm0 =	vmmov vm2;
	v43 =	vadd.f32 v51, v43;
	v41 =	vadd.f32 v52, v41  }
0xcd: {  	v4 =	vld [tilespmem:s12+$0x10];
	v39 =	vadd.f32 v56, v39;
	v38 =	vadd.f32 v54, v38;
	v0 =	vsel vm3, $0xFFFFFFFF, v0  }
0xce: {  	v49 =	vld [tilespmem:s12+$0x20];
	v37 =	vadd.f32 v53, v37;
	v1 =	vimm.s32 $0x0;
	[tilespmem:$0x1FEC0] =	vst v0;
	v0 =	vimm.s32 $0x0  }
0xcf: {  	v40 =	vadd.f32 v48, v40;
	v0 =	vsel vm1, $0xFFFFFFFF, v0;
	vm1 =	vge.f32 v30, $1.000000050e-03  }
0xd0: {  	v16 =	vld [tilespmem:$0x1FF80];
	v56 =	vimm.s32 $0x0;
	[tilespmem:$0x1FED0] =	vst v0;
	v0 =	vimm.s32 $0x0;
	v1 =	vsel vm1, $0xFFFFFFFF, v1  }
0xd1: {  	v19 =	vld [tilespmem:$0x1FF90];
	vm6 =	vle.f32 v50, v33;
	v0 =	vsel vm0, $0xFFFFFFFF, v0;
	vm0 =	vle.f32 v17, v55  }
0xd2: {  	v25 =	vld [tilespmem:$0x1FFA0];
	[tilespmem:$0x1FEF0] =	vst v1;
	v1 =	vimm.s32 $0x0;
	vm12 =	vle.f32 v17, v63;
	vm14 =	vle.f32 v17, v4  }
0xd3: {  	v20 =	vld [tilespmem:$0x1FFB0];
	vm13 =	vle.f32 v17, v49;
	[tilespmem:$0x1FEE0] =	vst v0;
	v0 =	vmin.f32 v5, v6;
	v1 =	vsel vm6, $0xFFFFFFFF, v1  }
0xd4: {  	v21 =	vld [tilespmem:$0x1FFC0];
	v5 =	vimm.s32 $0x0;
	v51 =	vsel vm12, v32, v31;
	v0 =	vmul.f32 v0, v0  }
0xd5: {  	v24 =	vld [tilespmem:$0x1FFD0];
	v52 =	vsel vm14, v32, v31;
	v7 =	vsel vm13, v32, v31;
	v5 =	vsel vm0, $0xFFFFFFFF, v5  }
0xd6: {  	v22 =	vld [tilespmem:$0x1FFE0];
	v30 =	vmovc v55;
	[tilespmem:$0x1FEB0] =	vst v1;
	vm15 =	vle.f32 v51, v63;
	v1 =	vnsel vm1, $0x0, v0;
	v0 =	vsel vm0, v32, v31  }
0xd7: {  	v23 =	vld [tilespmem:$0x1FFF0];
	vm3 =	vle.f32 v52, v4;
	vm4 =	vle.f32 v7, v49;
	vm11 =	vle.f32 v0, v30  }
0xd8: {  	[tilespmem:$0x1FF00] =	vst v5;
	v36 =	vadd.f32 v1, v36;
	v1 =	vsel vm11, v29, v28;
	v5 =	vsel vm11, v26, v16  }
0xd9: {  	v12 =	vsel vm15, v26, v16;
	v54 =	vsel vm4, v26, v16;
	v1 =	vsel vm0, v1, v5  }
0xda: {  	v13 =	vsel vm11, $0x80, v15;
	v5 =	vsel vm15, v29, v28;
	vm10 =	vle.f32 v1, v30  }
0xdb: {  	v12 =	vsel vm12, v5, v12;
	v8 =	vsel vm10, v25, v19;
	v9 =	vsel vm10, v27, v20  }
0xdc: {  	v10 =	vsel vm10, v24, v21;
	v11 =	vsel vm10, v23, v22;
	v14 =	vsel vm10, $0x40, v15  }
0xdd: {  	v8 =	vsel vm11, v8, v9;
	v55 =	vsel vm11, v10, v11;
	v10 =	vsel vm3, v29, v28  }
0xde: {  	v11 =	vsel vm3, v26, v16;
	v55 =	vsel vm0, v8, v55;
	v8 =	vsel vm4, v29, v28  }
0xdf: {  	v10 =	vsel vm14, v10, v11;
	vm1 =	vle.f32 v55, v30;
	v11 =	vsel vm13, v8, v54  }
0xe0: {  	v9 =	vsel vm1, $0xFFFFFFFF, v56;
	v53 =	vsel vm1, $0x20, v15;
	vm1 =	vle.f32 v12, v63  }
0xe1: {  	vm2 =	vle.f32 v11, v49;
	[tilespmem:$0x1FF10] =	vst v9;
	v9 =	vsel vm0, $0x100, v15;
	v5 =	vsel vm1, v25, v19  }
0xe2: {  	vm0 =	vle.f32 v10, v4;
	v9 =	vor.u32 v9, v13;
	v13 =	vor.u32 v14, v53  }
0xe3: {  	v14 =	vsel vm1, v24, v21;
	v53 =	vsel vm1, v23, v22;
	v54 =	vsel vm0, v25, v19  }
0xe4: {  	v56 =	vsel vm0, v27, v20;
	v16 =	vsel vm0, v24, v21;
	v9 =	vor.u32 v9, v13  }
0xe5: {  	v18 =	vsel vm0, v23, v22;
	v19 =	vsel vm2, v25, v19;
	v8 =	vor.u32 $0x10, v9  }
0xe6: {  	v21 =	vsel vm2, v24, v21;
	v22 =	vsel vm2, v23, v22;
	v25 =	vsel vm13, $0x100, v15  }
0xe7: {  	v13 =	vsel vm1, v27, v20;
	v20 =	vsel vm2, v27, v20;
	v14 =	vsel vm15, v14, v53  }
0xe8: {  	v23 =	vsel vm3, v54, v56;
	v16 =	vsel vm3, v16, v18;
	v18 =	vsel vm4, v21, v22  }
0xe9: {  	v22 =	vsel vm0, $0x40, v15;
	v53 =	vsel vm2, $0x40, v15;
	v56 =	vimm.s32 $0x0  }
0xea: {  	v54 =	vsel vm15, $0x80, v15;
	v13 =	vsel vm15, v5, v13;
	v16 =	vsel vm14, v23, v16;
	v5 =	vld.idx.msk [tilespmem:v8+s8+$0x0], $0xffff  }
0xeb: {  	v13 =	vsel vm12, v13, v14;
	v14 =	vsel vm4, v19, v20;
	vm8 =	vle.f32 v16, v4  }
0xec: {  	v6 =	vld.idx.msk [tilespmem:v61+s8+$0x0], $0xffff;
	v19 =	vsel vm1, $0x40, v15;
	vm7 =	vle.f32 v13, v63;
	v14 =	vsel vm13, v14, v18  }
0xed: {  	v20 =	vsel vm8, $0x20, v15;
	v18 =	vsel vm7, $0x20, v15;
	vm9 =	vle.f32 v14, v49  }
0xee: {  	v20 =	vor.u32 v22, v20;
	v21 =	vsel vm9, $0x20, v15;
	v18 =	vor.u32 v19, v18  }
0xef: {  	v19 =	vsel vm14, $0x100, v15;
	v21 =	vor.u32 v53, v21;
	vm5 =	vle.f32 v5, v30  }
0xf0: {  	v48 =	vld.idx.msk [tilespmem:v60+s8+$0x0], $0xffff;
	v23 =	vsel vm5, $0xFFFFFFFF, v56;
	v56 =	vsel vm3, $0x80, v15;
	v9 =	vsel vm5, v8, v9  }
0xf1: {  	v8 =	vsel vm12, $0x100, v15;
	vm5 =	vle.f32 v6, v34;
	[tilespmem:$0x1FF20] =	vst v23;
	v23 =	vsel vm4, $0x80, v15  }
0xf2: {  	v24 =	vor.u32 $0x8, v9;
	v8 =	vor.u32 v8, v54;
	v53 =	vsel vm5, v61, v58  }
0xf3: {  	v54 =	vnsel vm12, $0xCE6E6B28, v17;
	v58 =	vnsel vm14, $0xCE6E6B28, v17;
	v46 =	vsel vm5, v6, v46  }
0xf4: {  	v6 =	vsel vm5, v47, v6;
	v18 =	vor.u32 v8, v18;
	v8 =	vor.u32 v19, v56  }
0xf5: {  	v19 =	vor.u32 v25, v23;
	v25 =	vsel vm6, v62, v57;
	vm6 =	vle.f32 v48, v35  }
0xf6: {  	v56 =	vsel vm12, $0x4E6E6B28, v17;
	v62 =	vsel vm13, $0x4E6E6B28, v17;
	v22 =	vor.u32 $0x10, v18  }
0xf7: {  	v53 =	vadd.s32 $0x1, v53;
	v54 =	vsel vm15, v51, v54;
	v20 =	vor.u32 v8, v20;
	v8 =	vld.idx.msk [tilespmem:v24+s8+$0x0], $0xffff  }
0xf8: {  	v58 =	vsel vm3, v52, v58;
	v19 =	vor.u32 v19, v21;
	v21 =	vor.u32 $0x10, v20  }
0xf9: {  	v57 =	vsel vm6, v60, v59;
	v59 =	vsel vm14, $0x4E6E6B28, v17;
	v23 =	vor.u32 $0x10, v19  }
0xfa: {  	v60 =	vnsel vm13, $0xCE6E6B28, v17;
	v25 =	vadd.s32 $0x1, v25;
	v51 =	vsel vm15, v56, v51  }
0xfb: {  	v2 =	vsel vm6, v48, v2;
	v3 =	vsel vm6, v3, v48;
	v57 =	vadd.s32 $0x1, v57;
	v61 =	vld.idx.msk [tilespmem:v22+s8+$0x0], $0xffff  }
0xfc: {  	v52 =	vsel vm3, v59, v52;
	v60 =	vsel vm4, v7, v60;
	vm12 =	vle.f32 v8, v30  }
0xfd: {  	v7 =	vsel vm4, v62, v7;
	v62 =	vsel vm1, v12, v54;
	v56 =	vld.idx.msk [tilespmem:v21+s8+$0x0], $0xffff;
	v24 =	vsel vm12, v24, v9  }
0xfe: {  	v12 =	vsel vm1, v51, v12;
	v54 =	vsel vm0, v10, v58;
	v59 =	vld.idx.msk [tilespmem:v23+s8+$0x0], $0xffff;
	v51 =	vadd.s32 $0x4, v24  }
0xff: {  	v10 =	vsel vm0, v52, v10;
	v60 =	vsel vm2, v11, v60;
	v62 =	vsel vm7, v13, v62  }
0x100: {  	v7 =	vsel vm2, v7, v11;
	v12 =	vsel vm7, v12, v13;
	v11 =	vld.idx.msk [tilespmem:v53+s8+$0x0], $0xffff;
	vm0 =	vle.f32 v61, v63  }
0x101: {  	v10 =	vsel vm8, v10, v16;
	v52 =	vsel vm0, v61, v62;
	v12 =	vsel vm0, v12, v61;
	v61 =	vld [tilespmem:$0x1FEB0]  }
0x102: {  	v7 =	vsel vm9, v7, v14;
	v13 =	vsel vm0, v22, v18;
	vm1 =	vle.f32 v56, v4;
	v18 =	vld.idx.msk [tilespmem:v57+s8+$0x0], $0xffff  }
0x103: {  	vm2 =	vle.f32 v59, v49;
	v57 =	vsel vm8, v16, v54;
	v16 =	vsel vm9, v14, v60;
	v9 =	vld.idx.msk [tilespmem:v51+s8+$0x0], $0xffff  }
0x104: {  	v20 =	vsel vm1, v21, v20;
	v19 =	vsel vm2, v23, v19;
	v14 =	vsel vm1, v56, v57  }
0x105: {  	v10 =	vsel vm1, v10, v56;
	v16 =	vsel vm2, v59, v16;
	v23 =	vor.u32 $0x8, v19  }
0x106: {  	v7 =	vsel vm2, v7, v59;
	vm1 =	vle.f32 v11, v34;
	vm2 =	vnez.u8 v61  }
0x107: {  	v22 =	vor.u32 $0x8, v13;
	v48 =	vsel vm1, v11, v46;
	v44 =	vsel vm2, v50, v44  }
0x108: {  	v45 =	vsel vm2, v45, v50;
	vm2 =	vle.f32 v18, v35;
	vm3 =	vle.f32 v9, v30  }
0x109: {  	v25 =	vld.idx.msk [tilespmem:v25+s8+$0x0], $0xffff;
	v24 =	vsel vm3, v51, v24;
	v51 =	vsel vm2, v18, v2;
	v18 =	vsel vm2, v3, v18  }
0x10a: {  	v6 =	vsel vm1, v6, v11;
	v50 =	vld.idx.msk [tilespmem:v23+s8+$0x0], $0xffff;
	v11 =	vsub.f32 v35, v51;
	v18 =	vsub.f32 v18, v35  }
0x10b: {  	v62 =	vadd.s32 $0x2, v24  }
0x10c: {  	v11 =	vmin.f32 v11, v18;
	v18 =	vld [tilespmem:$0x1FEC0]  }
0x10d: {  	v53 =	vor.u32 $0x8, v20  }
0x10e: {  	vm0 =	vle.f32 v25, v33;
	v60 =	vld.idx.msk [tilespmem:v22+s8+$0x0], $0xffff  }
0x10f: {  	v44 =	vsel vm0, v25, v44;
	vm2 =	vle.f32 v50, v49  }
0x110: {  	v25 =	vsel vm0, v45, v25;
	v44 =	vsub.f32 v33, v44;
	v19 =	vsel vm2, v23, v19;
	v23 =	vld.idx.msk [tilespmem:v62+s8+$0x0], $0xffff  }
0x111: {  	v3 =	vsel vm2, v7, v50;
	v7 =	vsub.f32 v25, v33;
	vm5 =	vnez.u8 v18;
	v18 =	vld [tilespmem:$0x1FED0]  }
0x112: {  	v54 =	vld.idx.msk [tilespmem:v53+s8+$0x0], $0xffff  }
0x113: {  	vm0 =	vle.f32 v60, v63;
	v7 =	vmin.f32 v44, v7  }
0x114: {  	v6 =	vsub.f32 v6, v34;
	v13 =	vsel vm0, v22, v13;
	v44 =	vmul.f32 v7, v7  }
0x115: {  	v22 =	vsel vm0, v60, v52;
	v2 =	vsel vm2, v50, v16;
	v16 =	vsub.f32 v34, v48  }
0x116: {  	v35 =	vmovc v49;
	v49 =	vnsel vm5, $0x0, v44;
	vm4 =	vle.f32 v23, v30;
	vm5 =	vnez.u8 v18;
	v18 =	vld [tilespmem:$0x1FEE0]  }
0x117: {  	vm1 =	vle.f32 v54, v4;
	v6 =	vmin.f32 v16, v6;
	v16 =	vsel vm4, v62, v24;
	v62 =	vld [tilespmem:$0x1FEF0]  }
0x118: {  	v12 =	vsel vm0, v12, v60;
	v20 =	vsel vm1, v53, v20;
	v14 =	vsel vm1, v54, v14  }
0x119: {  	v10 =	vsel vm1, v10, v54;
	v33 =	vmovc v63;
	v34 =	vmovc v4;
	vm2 =	vge.f32 v35, $1.000000050e-03;
	v6 =	vmul.f32 v6, v6  }
0x11a: {  	vm1 =	vge.f32 v33, $1.000000050e-03;
	vm0 =	vge.f32 v34, $1.000000050e-03;
	v11 =	vmul.f32 v11, v11  }
0x11b: {  	v51 =	vnsel vm5, $0x0, v6;
	v6 =	vimm.f32 $0.0e+00;
	vm5 =	vnez.u8 v18  }
0x11c: {  	v56 =	vsel vm1, $0x3F800000, v6;
	v52 =	vnsel vm5, $0x0, v11;
	vm5 =	vnez.u8 v62  }
0x11d: {  	v54 =	vsel vm0, $0x3F800000, v6;
	v53 =	vsel vm2, $0x3F800000, v6;
	v48 =	vsel vm5, $0x3F800000, v6;
	v6 =	vld [tilespmem:$0x1FF00];
	_ =	sdelay $0x4  }
0x11e: {  	vm8 =	vnez.u8 v6  }
0x11f: {  	v46 =	vadd.s32 $0x4, v13;
	v6 =	vnsel vm8, $0xCE6E6B28, v17;
	v63 =	vsel vm8, $0x4E6E6B28, v17  }
0x120: {  	v61 =	vadd.s32 $0x4, v19;
	v6 =	vsel vm11, v0, v6;
	v0 =	vsel vm11, v63, v0  }
0x121: {  	v60 =	vadd.s32 $0x4, v20;
	v6 =	vsel vm10, v1, v6;
	v0 =	vsel vm10, v0, v1;
	v1 =	vld [tilespmem:$0x1FF10];
	_ =	sdelay $0x2  }
0x122: {  	v4 =	vld.idx.msk [tilespmem:v46+s8+$0x0], $0xffff  }
0x123: {  	v7 =	vld.idx.msk [tilespmem:v61+s8+$0x0], $0xffff  }
0x124: {  	v25 =	vld.idx.msk [tilespmem:v60+s8+$0x0], $0xffff;
	v16 =	vadd.s32 $0x1, v16;
	vm8 =	vnez.u8 v1  }
0x125: {  	v1 =	vsel vm8, v55, v6;
	v6 =	vld [tilespmem:$0x1FF20];
	_ =	sdelay $0x1  }
0x126: {  	vm6 =	vle.f32 v4, v33  }
0x127: {  	v57 =	vsel vm6, v46, v13;
	v44 =	vsel vm6, v4, v22;
	vm7 =	vle.f32 v7, v35  }
0x128: {  	v45 =	vsel vm6, v12, v4;
	v59 =	vsel vm7, v61, v19;
	v22 =	vld.idx.msk [tilespmem:v16+s8+$0x0], $0xffff;
	v62 =	vadd.s32 $0x2, v57  }
0x129: {  	vm5 =	vle.f32 v25, v34;
	v0 =	vsel vm8, v0, v55;
	vm8 =	vnez.u8 v6  }
0x12a: {  	p0 =	sne.s32 s11, $0x4A00;
	v58 =	vsel vm5, v60, v20;
	v1 =	vsel vm8, v5, v1;
	v0 =	vsel vm8, v0, v5  }
.Ltmp0:
0x12b: {  	v60 =	vadd.s32 $0x2, v59;
	v1 =	vsel vm12, v8, v1;
	v0 =	vsel vm12, v0, v8;
	(pc) =	sbr.rel @p0 .LBB2_2-.Ltmp0, $4  }
0x12c: {  	v46 =	vsel vm5, v25, v14;
	v1 =	vsel vm3, v9, v1;
	v0 =	vsel vm3, v0, v9  }
0x12d: {  	vm3 =	vle.f32 v22, v30;
	v1 =	vsel vm4, v23, v1;
	v0 =	vsel vm4, v0, v23  }
0x12e: {  	s12 =	sshra.s32 s11, $0x2;
	v47 =	vsel vm5, v10, v25;
	v50 =	vld.idx.msk [tilespmem:v62+s8+$0x0], $0xffff;
	v1 =	vsel vm3, v22, v1;
	v0 =	vsel vm3, v0, v22  }
0x12f: {  	s11 =	sadd.s32 $0x100, s11;
	v61 =	vadd.s32 $0x2, v58;
	v55 =	vld [tilespmem:s12+$0x30];
	v5 =	vsub.f32 v30, v1;
	v6 =	vsub.f32 v0, v30  }
0x130: {  	v9 =	vld [tilespmem:s12+$0x0]  }
0x131: {  	v63 =	vld [tilespmem:s12+$0x10]  }
0x132: {  	v11 =	vld [tilespmem:s12+$0x20];
	_ =	sdelay $0x1  }
0x133: {  	v22 =	vld [tilespmem:$0x1FF80]  }
0x134: {  	v0 =	vimm.s32 $0x0;
	v23 =	vld [tilespmem:$0x1FF90];
	vm3 =	vle.f32 v17, v55  }
0x135: {  	v24 =	vld [tilespmem:$0x1FFA0];
	v0 =	vsel vm3, $0xFFFFFFFF, v0;
	vm10 =	vle.f32 v17, v9  }
0x136: {  	v25 =	vld [tilespmem:$0x1FFB0];
	v1 =	vsel vm3, v32, v31;
	vm11 =	vle.f32 v17, v63;
	vm8 =	vle.f32 v17, v11  }
0x137: {  	[tilespmem:$0x1FE40] =	vst v0;
	v12 =	vsel vm10, v32, v31;
	v4 =	vsel vm11, v32, v31;
	v31 =	vsel vm8, v32, v31;
	v32 =	vld [tilespmem:$0x1FFD0]  }
0x138: {  	v19 =	vimm.s32 $0x0;
	[tilespmem:$0x1FE50] =	vst v1;
	vm4 =	vle.f32 v1, v55;
	v1 =	vld [tilespmem:$0x1FFF0]  }
0x139: {  	v0 =	vsel vm4, $0xFFFFFFFF, v19;
	[tilespmem:$0x1FE20] =	vst v4;
	vm12 =	vle.f32 v4, v63;
	v4 =	vld [tilespmem:$0x1FFC0]  }
0x13a: {  	v8 =	vsel vm4, v29, v28;
	v10 =	vsel vm4, v26, v22;
	[tilespmem:$0x1FE60] =	vst v0;
	v0 =	vld [tilespmem:$0x1FFE0]  }
0x13b: {  	v18 =	vimm.s32 $0x0;
	vm0 =	vmmov vm0;
	v20 =	vsel vm3, v8, v10  }
0x13c: {  	vm13 =	vle.f32 v12, v9;
	vm9 =	vle.f32 v31, v11;
	vm5 =	vle.f32 v20, v55  }
0x13d: {  	v19 =	vsel vm4, $0x80, v15;
	v8 =	vsel vm13, v29, v28;
	v21 =	vsel vm5, v24, v23  }
0x13e: {  	[tilespmem:$0x1FE70] =	vst v20;
	v13 =	vsel vm5, v27, v25;
	v18 =	vsel vm5, $0xFFFFFFFF, v18;
	v20 =	vsel vm5, $0x40, v15  }
0x13f: {  	[tilespmem:$0x1FE80] =	vst v18;
	v18 =	vsel vm13, v26, v22;
	v14 =	vsel vm5, v32, v4;
	v16 =	vsel vm5, v1, v0  }
0x140: {  	v10 =	vsel vm4, v21, v13;
	v18 =	vsel vm10, v8, v18;
	v13 =	vsel vm4, v14, v16  }
0x141: {  	v14 =	vsel vm12, v29, v28;
	v16 =	vsel vm12, v26, v22;
	v29 =	vsel vm9, v29, v28  }
0x142: {  	v22 =	vsel vm9, v26, v22;
	vm4 =	vle.f32 v18, v9;
	v13 =	vsel vm3, v10, v13  }
0x143: {  	v14 =	vsel vm11, v14, v16;
	v10 =	vsel vm8, v29, v22;
	v28 =	vsel vm4, v24, v23  }
0x144: {  	v29 =	vsel vm4, v27, v25;
	[tilespmem:$0x1FE90] =	vst v13;
	vm6 =	vle.f32 v13, v55;
	v13 =	vimm.s32 $0x0  }
0x145: {  	vm15 =	vle.f32 v10, v11;
	v8 =	vsel vm13, v28, v29;
	v13 =	vsel vm6, $0xFFFFFFFF, v13  }
0x146: {  	v21 =	vsel vm6, $0x20, v15;
	v28 =	vsel vm15, $0x40, v15;
	[tilespmem:$0x1FEA0] =	vst v13;
	v13 =	vsel vm3, $0x100, v15  }
0x147: {  	v26 =	vor.u32 v20, v21;
	vm3 =	vle.f32 v14, v63;
	v20 =	vsel vm4, v32, v4  }
0x148: {  	v21 =	vsel vm4, v1, v0;
	v13 =	vor.u32 v13, v19;
	v22 =	vsel vm3, v24, v23  }
0x149: {  	v23 =	vsel vm15, v24, v23;
	v24 =	vsel vm3, v27, v25;
	v25 =	vsel vm15, v27, v25  }
0x14a: {  	v19 =	vsel vm3, v1, v0;
	v20 =	vsel vm13, v20, v21;
	v13 =	vor.u32 v13, v26  }
0x14b: {  	v26 =	vsel vm3, v32, v4;
	v32 =	vsel vm15, v32, v4;
	v4 =	vsel vm15, v1, v0  }
0x14c: {  	v24 =	vsel vm12, v22, v24;
	v20 =	vsel vm10, v8, v20;
	v29 =	vsel vm9, v23, v25  }
0x14d: {  	v0 =	vsel vm4, $0x40, v15;
	v25 =	vsel vm3, $0x40, v15;
	v1 =	vsel vm13, $0x80, v15  }
0x14e: {  	v16 =	vor.u32 $0x10, v13;
	v19 =	vsel vm12, v26, v19;
	v32 =	vsel vm9, v32, v4  }
0x14f: {  	vm5 =	vle.f32 v20, v9;
	v4 =	vsel vm10, $0x100, v15;
	v19 =	vsel vm11, v24, v19  }
0x150: {  	v21 =	vsel vm8, v29, v32;
	v8 =	vsel vm5, $0x20, v15;
	v29 =	vsel vm7, v3, v7  }
0x151: {  	vm6 =	vle.f32 v19, v63;
	vm14 =	vle.f32 v21, v11;
	v8 =	vor.u32 v0, v8  }
0x152: {  	v0 =	vor.u32 v4, v1;
	v1 =	vsel vm12, $0x80, v15;
	v4 =	vsel vm11, $0x100, v15  }
0x153: {  	v23 =	vsel vm6, $0x20, v15;
	v24 =	vsel vm14, $0x20, v15;
	v22 =	vor.u32 v0, v8  }
0x154: {  	v0 =	vor.u32 v4, v1;
	v1 =	vsel vm9, $0x80, v15;
	v4 =	vsel vm8, $0x100, v15  }
0x155: {  	v23 =	vor.u32 v25, v23;
	v26 =	vor.u32 $0x10, v22;
	v24 =	vor.u32 v28, v24  }
0x156: {  	v32 =	vmovc v11;
	v11 =	vor.u32 v4, v1;
	v28 =	vsel vm7, v7, v2;
	v4 =	vnsel vm10, $0xCE6E6B28, v17;
	v8 =	vld.idx.msk [tilespmem:v16+s8+$0x0], $0xffff  }
0x157: {  	v23 =	vor.u32 v0, v23;
	v7 =	vor.u32 v11, v24;
	v24 =	vsel vm10, $0x4E6E6B28, v17  }
0x158: {  	v4 =	vsel vm13, v12, v4;
	v27 =	vor.u32 $0x10, v23;
	v12 =	vsel vm13, v24, v12;
	v24 =	vld [tilespmem:$0x1FE20]  }
0x159: {  	vm2 =	vmmov vm2;
	v49 =	vadd.f32 v49, v42;
	v5 =	vmin.f32 v5, v6  }
0x15a: {  	v5 =	vmul.f32 v5, v5;
	[tilespmem:$0x1FE30] =	vst v29;
	v29 =	vnsel vm11, $0xCE6E6B28, v17;
	v2 =	vld.idx.msk [tilespmem:v61+s8+$0x0], $0xffff;
	v25 =	vor.u32 $0x10, v7  }
0x15b: {  	v4 =	vsel vm4, v18, v4;
	v12 =	vsel vm4, v12, v18;
	v18 =	vld.idx.msk [tilespmem:v60+s8+$0x0], $0xffff;
	vm7 =	vle.f32 v8, v55  }
0x15c: {  	v11 =	vsel vm11, $0x4E6E6B28, v17;
	vm10 =	vle.f32 v50, v33;
	v1 =	vld.idx.msk [tilespmem:v26+s8+$0x0], $0xffff;
	v13 =	vsel vm7, v16, v13  }
0x15d: {  	v16 =	vsel vm12, v24, v29;
	v3 =	vsel vm12, v11, v24;
	v24 =	vld.idx.msk [tilespmem:v27+s8+$0x0], $0xffff;
	v11 =	vor.u32 $0x8, v13  }
0x15e: {  	v0 =	vsel vm8, $0x4E6E6B28, v17;
	v62 =	vsel vm10, v62, v57;
	v4 =	vsel vm5, v20, v4  }
0x15f: {  	v12 =	vsel vm5, v12, v20;
	vm4 =	vle.f32 v2, v34;
	v29 =	vnsel vm8, $0xCE6E6B28, v17;
	v57 =	vld.idx.msk [tilespmem:v25+s8+$0x0], $0xffff  }
0x160: {  	v58 =	vsel vm4, v61, v58;
	v29 =	vsel vm9, v31, v29;
	v31 =	vsel vm9, v0, v31  }
0x161: {  	v16 =	vsel vm3, v14, v16;
	v3 =	vsel vm3, v3, v14;
	vm9 =	vle.f32 v1, v9  }
0x162: {  	vm13 =	vle.f32 v18, v35;
	v14 =	vsel vm9, v26, v22;
	vm11 =	vle.f32 v24, v63;
	v0 =	vld.idx.msk [tilespmem:v11+s8+$0x0], $0xffff  }
0x163: {  	v22 =	vadd.s32 $0x1, v62;
	v23 =	vsel vm11, v27, v23;
	v27 =	vor.u32 $0x8, v14  }
0x164: {  	v62 =	vsel vm15, v10, v29;
	vm12 =	vle.f32 v57, v32;
	v29 =	vor.u32 $0x8, v23  }
0x165: {  	v61 =	vsel vm10, v45, v50;
	v59 =	vsel vm13, v60, v59;
	v7 =	vsel vm12, v25, v7  }
0x166: {  	v3 =	vsel vm6, v3, v19;
	v60 =	vsel vm10, v50, v44;
	v20 =	vor.u32 $0x8, v7  }
0x167: {  	v50 =	vld [tilespmem:$0x1FE30];
	v10 =	vsel vm15, v31, v10;
	v31 =	vadd.s32 $0x1, v58;
	vm8 =	vle.f32 v0, v55  }
0x168: {  	v28 =	vsel vm13, v18, v28;
	v11 =	vsel vm8, v11, v13;
	v13 =	vsel vm6, v19, v16;
	v16 =	vld.idx.msk [tilespmem:v27+s8+$0x0], $0xffff  }
0x169: {  	v4 =	vsel vm9, v1, v4;
	v1 =	vsel vm9, v12, v1;
	v58 =	vld.idx.msk [tilespmem:v29+s8+$0x0], $0xffff;
	v19 =	vadd.s32 $0x4, v11  }
0x16a: {  	vm9 =	vge.f32 v30, $1.000000050e-03;
	v12 =	vsel vm14, v21, v62;
	v25 =	vadd.s32 $0x1, v59;
	v22 =	vld.idx.msk [tilespmem:v22+s8+$0x0], $0xffff  }
0x16b: {  	v10 =	vsel vm14, v10, v21;
	v62 =	vsel vm4, v2, v46;
	v2 =	vsel vm4, v47, v2;
	v21 =	vld.idx.msk [tilespmem:v20+s8+$0x0], $0xffff  }
0x16c: {  	v5 =	vnsel vm9, $0x0, v5;
	v3 =	vsel vm11, v3, v24;
	v12 =	vsel vm12, v57, v12;
	v31 =	vld.idx.msk [tilespmem:v31+s8+$0x0], $0xffff  }
0x16d: {  	v10 =	vsel vm12, v10, v57;
	v5 =	vadd.f32 v5, v36;
	vm4 =	vle.f32 v16, v9  }
0x16e: {  	v18 =	vsel vm13, v50, v18;
	vm6 =	vle.f32 v58, v63;
	v14 =	vsel vm4, v27, v14;
	v27 =	vld.idx.msk [tilespmem:v19+s8+$0x0], $0xffff  }
0x16f: {  	v25 =	vld.idx.msk [tilespmem:v25+s8+$0x0], $0xffff;
	v13 =	vsel vm11, v24, v13;
	v23 =	vsel vm6, v29, v23;
	v29 =	vadd.s32 $0x4, v14  }
0x170: {  	vm15 =	vle.f32 v22, v33;
	vm12 =	vle.f32 v21, v32;
	v57 =	vadd.s32 $0x4, v23  }
0x171: {  	vm13 =	vle.f32 v31, v34;
	v24 =	vsel vm15, v22, v60;
	v7 =	vsel vm12, v20, v7  }
0x172: {  	v59 =	vsel vm15, v61, v22;
	v61 =	vsel vm13, v31, v62;
	v60 =	vadd.s32 $0x4, v7  }
0x173: {  	v2 =	vsel vm13, v2, v31;
	vm15 =	vmmov vm1;
	vm3 =	vle.f32 v27, v55  }
0x174: {  	vm14 =	vle.f32 v25, v35;
	v24 =	vsub.f32 v33, v24;
	v11 =	vsel vm3, v19, v11;
	v19 =	vld.idx.msk [tilespmem:v29+s8+$0x0], $0xffff  }
0x175: {  	v2 =	vsub.f32 v2, v34;
	v28 =	vsel vm14, v25, v28;
	v31 =	vld.idx.msk [tilespmem:v57+s8+$0x0], $0xffff;
	v62 =	vadd.s32 $0x2, v11  }
0x176: {  	v45 =	vmovc v32;
	v47 =	vld [tilespmem:$0x1FE40];
	v18 =	vsel vm14, v18, v25;
	v32 =	vimm.f32 $0.0e+00;
	v4 =	vsel vm4, v16, v4  }
0x177: {  	v1 =	vsel vm4, v1, v16;
	v13 =	vsel vm6, v58, v13;
	v3 =	vsel vm6, v3, v58;
	v20 =	vld.idx.msk [tilespmem:v60+s8+$0x0], $0xffff  }
0x178: {  	v12 =	vsel vm12, v21, v12;
	v16 =	vsub.f32 v59, v33;
	v10 =	vsel vm12, v10, v21  }
0x179: {  	v33 =	vsub.f32 v34, v61;
	v34 =	vsub.f32 v35, v28;
	vm4 =	vle.f32 v19, v9  }
0x17a: {  	v18 =	vsub.f32 v18, v35;
	vm1 =	vle.f32 v31, v63;
	v26 =	vld.idx.msk [tilespmem:v62+s8+$0x0], $0xffff;
	v14 =	vsel vm4, v29, v14  }
0x17b: {  	v50 =	vld [tilespmem:$0x1FE50];
	vm6 =	vnez.u8 v47;
	v23 =	vsel vm1, v57, v23;
	v28 =	vadd.s32 $0x2, v14  }
0x17c: {  	v59 =	vld [tilespmem:$0x1FE70];
	v2 =	vmin.f32 v33, v2;
	vm5 =	vle.f32 v20, v45;
	v44 =	vadd.s32 $0x2, v23  }
0x17d: {  	v61 =	vld [tilespmem:$0x1FE90];
	v16 =	vmin.f32 v24, v16;
	v2 =	vmul.f32 v2, v2;
	v7 =	vsel vm5, v60, v7  }
0x17e: {  	v18 =	vmin.f32 v34, v18;
	v16 =	vmul.f32 v16, v16;
	v57 =	vld [tilespmem:$0x1FE60];
	v22 =	vadd.s32 $0x2, v7  }
0x17f: {  	v18 =	vmul.f32 v18, v18;
	v2 =	vnsel vm0, $0x0, v2;
	v60 =	vld [tilespmem:$0x1FE80];
	vm0 =	vle.f32 v26, v55  }
0x180: {  	v30 =	vsel vm9, $0x3F800000, v32;
	v25 =	vnsel vm6, $0xCE6E6B28, v17;
	v46 =	vsel vm0, v62, v11;
	v11 =	vld.idx.msk [tilespmem:v28+s8+$0x0], $0xffff  }
0x181: {  	v17 =	vsel vm6, $0x4E6E6B28, v17;
	v16 =	vnsel vm15, $0x0, v16;
	v18 =	vnsel vm2, $0x0, v18;
	v24 =	vld.idx.msk [tilespmem:v44+s8+$0x0], $0xffff  }
0x182: {  	v4 =	vsel vm4, v19, v4;
	v1 =	vsel vm4, v1, v19;
	v13 =	vsel vm1, v31, v13;
	v62 =	vld [tilespmem:$0x1FEA0]  }
0x183: {  	v3 =	vsel vm1, v3, v31;
	v12 =	vsel vm5, v20, v12;
	vm10 =	vnez.u8 v57;
	v58 =	vld.idx.msk [tilespmem:v22+s8+$0x0], $0xffff  }
0x184: {  	v10 =	vsel vm5, v10, v20;
	vm11 =	vnez.u8 v60;
	v25 =	vsel vm10, v50, v25  }
0x185: {  	v17 =	vsel vm10, v17, v50;
	v50 =	vadd.f32 v52, v41;
	v52 =	vadd.f32 v54, v38  }
0x186: {  	v54 =	vadd.f32 v48, v40;
	v6 =	vadd.s32 $0x1, v46;
	v25 =	vsel vm11, v59, v25  }
0x187: {  	v17 =	vsel vm11, v17, v59;
	vm12 =	vnez.u8 v62;
	vm13 =	vle.f32 v11, v9  }
0x188: {  	vm14 =	vle.f32 v24, v63;
	vm15 =	vle.f32 v58, v45;
	v25 =	vsel vm12, v61, v25  }
0x189: {  	v17 =	vsel vm12, v17, v61;
	v14 =	vsel vm13, v28, v14;
	v7 =	vsel vm15, v22, v7  }
0x18a: {  	v4 =	vsel vm13, v11, v4;
	v1 =	vsel vm13, v1, v11;
	v13 =	vsel vm14, v24, v13  }
0x18b: {  	v3 =	vsel vm14, v3, v24;
	v25 =	vsel vm7, v8, v25;
	v14 =	vadd.s32 $0x1, v14  }
0x18c: {  	v6 =	vld.idx.msk [tilespmem:v6+s8+$0x0], $0xffff;
	v8 =	vsel vm7, v17, v8;
	v17 =	vsel vm14, v44, v23;
	v7 =	vadd.s32 $0x1, v7  }
0x18d: {  	v12 =	vsel vm15, v58, v12;
	v10 =	vsel vm15, v10, v58;
	v17 =	vadd.s32 $0x1, v17  }
0x18e: {  	vm12 =	vge.f32 v9, $1.000000050e-03;
	vm13 =	vge.f32 v63, $1.000000050e-03;
	v11 =	vadd.f32 v16, v49  }
0x18f: {  	vm15 =	vge.f32 v55, $1.000000050e-03;
	v44 =	vsel vm8, v0, v25;
	v0 =	vsel vm8, v8, v0  }
0x190: {  	v61 =	vadd.f32 v30, v54;
	v46 =	vsel vm3, v27, v44;
	v0 =	vsel vm3, v0, v27;
	v47 =	vld.idx.msk [tilespmem:v14+s8+$0x0], $0xffff  }
0x191: {  	v8 =	vsel vm0, v26, v46;
	v0 =	vsel vm0, v0, v26;
	vm8 =	vle.f32 v6, v55;
	v7 =	vld.idx.msk [tilespmem:v7+s8+$0x0], $0xffff  }
0x192: {  	v57 =	vsel vm12, $0x3F800000, v32;
	v8 =	vsel vm8, v6, v8;
	v0 =	vsel vm8, v0, v6;
	v14 =	vld.idx.msk [tilespmem:v17+s8+$0x0], $0xffff  }
0x193: {  	vm14 =	vge.f32 v45, $1.000000050e-03;
	v8 =	vsub.f32 v55, v8;
	v0 =	vsub.f32 v0, v55  }
0x194: {  	v58 =	vsel vm13, $0x3F800000, v32;
	v59 =	vsel vm14, $0x3F800000, v32;
	v17 =	vadd.f32 v51, v43  }
0x195: {  	vm0 =	vmmov vm12;
	v6 =	vadd.f32 v58, v52;
	v0 =	vmin.f32 v8, v0  }
0x196: {  	v51 =	vadd.f32 v56, v39;
	v2 =	vadd.f32 v2, v17;
	v0 =	vmul.f32 v0, v0  }
0x197: {  	vm9 =	vle.f32 v47, v9;
	vm11 =	vle.f32 v7, v45;
	vm10 =	vle.f32 v14, v63  }
0x198: {  	v4 =	vsel vm9, v47, v4;
	v1 =	vsel vm9, v1, v47;
	v13 =	vsel vm10, v14, v13  }
0x199: {  	v3 =	vsel vm10, v3, v14;
	v4 =	vsub.f32 v9, v4;
	v1 =	vsub.f32 v1, v9  }
0x19a: {  	v12 =	vsel vm11, v7, v12;
	v13 =	vsub.f32 v63, v13;
	v3 =	vsub.f32 v3, v63  }
0x19b: {  	v56 =	vsel vm11, v10, v7;
	v12 =	vsub.f32 v45, v12;
	v1 =	vmin.f32 v4, v1  }
0x19c: {  	v4 =	vsub.f32 v56, v45;
	v1 =	vmul.f32 v1, v1;
	v3 =	vmin.f32 v13, v3  }
0x19d: {  	v7 =	vadd.f32 v57, v51;
	v14 =	vadd.f32 v53, v37;
	v3 =	vmul.f32 v3, v3  }
0x19e: {  	v4 =	vmin.f32 v12, v4;
	v1 =	vnsel vm0, $0x0, v1;
	vm0 =	vmmov vm13  }
0x19f: {  	v13 =	vadd.f32 v18, v50;
	v4 =	vmul.f32 v4, v4;
	v3 =	vnsel vm0, $0x0, v3  }
0x1a0: {  	vm0 =	vmmov vm14;
	v1 =	vadd.f32 v1, v11;
	v2 =	vadd.f32 v3, v2  }
0x1a1: {  	v6 =	vadd.f32 v6, v7;
	v60 =	vadd.f32 v59, v14;
	v4 =	vnsel vm0, $0x0, v4  }
0x1a2: {  	v62 =	vsel vm15, $0x3F800000, v32;
	v4 =	vadd.f32 v4, v13;
	v1 =	vadd.f32 v2, v1  }
0x1a3: {  	v0 =	vnsel vm15, $0x0, v0;
	v3 =	vadd.f32 v60, v6;
	v2 =	vadd.f32 v62, v61  }
0x1a4: {  	v0 =	vadd.f32 v0, v5;
	v1 =	vadd.f32 v4, v1  }
0x1a5: {  	v63 =	vadd.f32 v2, v3  }
0x1a6: {  	s10 =	sadd.s32 $0x1, s10;
	v0 =	vadd.f32 v0, v1  }
0x1a7: {  	p0 =	sne.s32 s10, s6;
	[tilespmem:$0x1510] =	vst v63  }
.Ltmp1:
0x1a8: {  	[tilespmem:$0x1500] =	vst v0;
	(pc) =	sbr.rel @p0 .LBB2_1-.Ltmp1, $4  }
0x1a9: {  	[hbm4b:s5+s2] =	stream.linear.scatter [tilespmem:s9], [sflag:$0x1], $0x20, $0x38;
	[tilespmem:$0x1580] =	vst v63  }
0x1aa: {  	_ =	swait.ge [sflag:s7], $0x20  }
0x1ab: {  	[sflag:s7] =	ssyncset.done $0x0  }
0x1ac: {  	[sflag:s7] =	ssyncadd.s32 $0xFFFFFFE0  }
0x1ad: {  	_ =	sfence.sel $0x180000  }
0x1ae: {  	[bflag:$0x0] =	sbarrier.arrive $0xFFFF  }
0x1af: {  	p0 =	sne.s32 s1, $0x0;
	_ =	strace $0x90000047  }
0x1b0: {  	s0 =	sadd.s32 @!p0 $0x100000, s0;
	[bflag:$0x2] =	sbarrier.arrive $0xFFFF  }
0x1b1: {  	[sflag:s0] =	ssyncadd.tile.s32 @!p0 $0x1;
	_ =	shalt  }
.Lfunc_end2:
_tile_overlayer_lowered:
.L_overlay_start_2:
0x1b2: {  	(tag) =	ssettag $0x2  }
0x1b3: {  	s0 =	rddreg [dreg:$0x0];
	s2 =	stileid.u32  }
0x1b4: {  	s1 =	rddreg [dreg:$0x1];
	p0 =	sne.s32 s2, $0x0  }
0x1b5: {  	s3 =	rddreg [dreg:$0x2];
	[bflag:$0x3] =	sbarrier.arrive $0xFFFF;
	s2 =	simm.s32 @!p0 $0x1C01  }
0x1b6: {  	[timem:s3], [sflag:s2] =	dma.local @!p0 [hbm:s0], s1  }
0x1b7: {  	s0 =	simm.s32 @!p0 $0x1  }
0x1b8: {  	_ =	swait.ge @!p0 [sflag:s0], s1  }
0x1b9: {  	s1 =	ssub.s32 @!p0 $0x0, s1;
	[sflag:s0] =	ssyncset.done @!p0 $0x0  }
0x1ba: {  	[sflag:s0] =	ssyncadd.s32 @!p0 s1  }
0x1bb: {  	[bflag:$0x3] =	sbarrier.arrive $0xFFFF  }
0x1bc: {  	_ =	shalt  }

</sc_bundles>
